<compile_context>
chip_gen: v7x
topology: tpu7x:2x2x1
jax: 0.10.2.dev20260603
libtpu: 0.0.44.dev20260713+nightly
codegen_flags: <defaults>
</compile_context>

<pallas_src>
import functools

import jax
import jax.numpy as jnp
from jax import lax
from jax.experimental import pallas as pl
from jax.experimental.pallas import tpu as pltpu
from jax.experimental.pallas import tpu_sc as plsc

N = 10000
E = 160000
D_IN = 256
D_H = 512

NC = 2
NS = 16
CHUNK = 125
EPT = E // NS
NCHUNK = EPT // CHUNK
PIPE = 8
NPAD = 10240
NPT = NPAD // NS
CW = 128
B1 = D_IN // CW
B2 = D_H // CW

_MESH = plsc.VectorSubcoreMesh(core_axis_name="c", subcore_axis_name="s",
                               num_cores=NC, num_subcores=NS)


def _deg_body(edge_hbm, ones_hbm, zeros_hbm, out_hbm, idx_v, ones_v,
              stage_v, acc):
    c = lax.axis_index("c")
    s = lax.axis_index("s")
    pltpu.sync_copy(ones_hbm, ones_v)
    pltpu.sync_copy(edge_hbm.at[c * NS + s], idx_v)
    pltpu.sync_copy(zeros_hbm, stage_v)
    pltpu.sync_copy(stage_v, acc.at[pl.ds(s * NPT, NPT)])
    plsc.subcore_barrier()

    def _accum(j, _):
        pltpu.sync_copy(ones_v, acc.at[idx_v.at[j]], add=True)
        return 0

    lax.fori_loop(0, NCHUNK, _accum, 0)
    plsc.subcore_barrier()
    pltpu.sync_copy(acc.at[pl.ds(s * NPT, NPT)], stage_v)
    pltpu.sync_copy(stage_v, out_hbm.at[pl.ds(c * NPAD + s * NPT, NPT)])


def _make_deg_kernel():
    return pl.kernel(
        _deg_body,
        out_type=jax.ShapeDtypeStruct((2 * NPAD, 8), jnp.float32),
        mesh=_MESH,
        compiler_params=pltpu.CompilerParams(use_tc_tiling_on_sc=False),
        scratch_types=[
            pltpu.VMEM((NCHUNK, CHUNK), jnp.int32),
            pltpu.VMEM((CHUNK, 8), jnp.float32),
            pltpu.VMEM((NPT, 8), jnp.float32),
            pltpu.VMEM_SHARED((NPAD, 8), jnp.float32),
        ],
    )


def _make_agg_kernel(num_blocks, dtype=jnp.float32):
    passes = num_blocks // NC

    def body(table_hbm, src_hbm, dst_hbm, zeros_hbm, out_hbm,
             srcv, dstv, rows_v, acc, *sems):
        gsems = sems[:PIPE]
        ssems = sems[PIPE:]
        c = lax.axis_index("c")
        s = lax.axis_index("s")
        pltpu.sync_copy(dst_hbm.at[s], dstv)
        pltpu.sync_copy(src_hbm.at[s], srcv)

        def _scatter(j, b):
            return pltpu.async_copy(
                rows_v.at[b], acc.at[dstv.at[j]], ssems[b], add=True)

        for p in range(passes):
            blk = p * NC + c
            tbl = table_hbm.at[blk]

            def _gather(j, b):
                return pltpu.async_copy(
                    tbl.at[srcv.at[j]], rows_v.at[b], gsems[b])

            pltpu.sync_copy(zeros_hbm, acc.at[pl.ds(s * NPT, NPT)])
            plsc.subcore_barrier()

            for b in range(PIPE - 1):
                _gather(b, b)

            def _group(g, _):
                for b in range(PIPE):
                    j = g * PIPE + b
                    pltpu.make_async_copy(
                        tbl.at[srcv.at[j]], rows_v.at[b],
                        gsems[b]).wait()
                    _scatter(j, b)
                    jn = j + PIPE - 1
                    pb = (b + PIPE - 1) % PIPE

                    @pl.when(jnp.logical_and(j > 0, jn < NCHUNK))
                    def _():
                        pltpu.make_async_copy(
                            rows_v.at[pb], acc.at[dstv.at[j - 1]],
                            ssems[pb]).wait()

                    @pl.when(jn < NCHUNK)
                    def _():
                        _gather(jn, pb)
                return 0

            lax.fori_loop(0, NCHUNK // PIPE, _group, 0)
            for b in range(PIPE):
                j = NCHUNK - PIPE + b
                pltpu.make_async_copy(
                    rows_v.at[b], acc.at[dstv.at[j]], ssems[b]).wait()
            plsc.subcore_barrier()
            pltpu.sync_copy(acc.at[pl.ds(s * NPT, NPT)],
                            out_hbm.at[blk].at[pl.ds(s * NPT, NPT)])

    return pl.kernel(
        body,
        out_type=jax.ShapeDtypeStruct((num_blocks, NPAD, CW), dtype),
        mesh=_MESH,
        compiler_params=pltpu.CompilerParams(use_tc_tiling_on_sc=False),
        scratch_types=[
            pltpu.VMEM((NCHUNK, CHUNK), jnp.int32),
            pltpu.VMEM((NCHUNK, CHUNK), jnp.int32),
            pltpu.VMEM((PIPE, CHUNK, CW), dtype),
            pltpu.VMEM_SHARED((NPAD, CW), dtype),
        ] + [pltpu.SemaphoreType.DMA] * (2 * PIPE) + [
        ],
    )


_BN = 2000


def _scale_body(x_ref, degs_ref, out_ref):
    ns = lax.rsqrt(jnp.maximum(degs_ref[:, :1], 1.0))
    h = (x_ref[...] * ns).astype(jnp.bfloat16)
    for k in range(B1):
        out_ref[k] = h[:, k * CW:(k + 1) * CW]


def _scale0(node_feats, deg_src):
    return pl.pallas_call(
        _scale_body,
        grid=(N // _BN,),
        in_specs=[
            pl.BlockSpec((_BN, D_IN), lambda i: (i, 0)),
            pl.BlockSpec((_BN, 8), lambda i: (i, 0)),
        ],
        out_specs=pl.BlockSpec((B1, _BN, CW), lambda i: (0, i, 0)),
        out_shape=jax.ShapeDtypeStruct((B1, NPAD, CW), jnp.bfloat16),
    )(node_feats, deg_src)


def _mm_body(nblk, scale_out, agg_ref, w_ref, b_ref, degd_ref, degs_ref,
             out_ref):
    acc = jnp.dot(agg_ref[0], w_ref[0], preferred_element_type=jnp.float32)
    for k in range(1, nblk):
        acc += jnp.dot(agg_ref[k], w_ref[k],
                       preferred_element_type=jnp.float32)
    nd = lax.rsqrt(jnp.maximum(degd_ref[:, :1], 1.0))
    y = jnp.maximum(acc * nd + b_ref[0][None, :], 0.0)
    if scale_out:
        ns = lax.rsqrt(jnp.maximum(degs_ref[:, :1], 1.0))
        y = (y * ns).astype(jnp.bfloat16)
        for k in range(B2):
            out_ref[k] = y[:, k * CW:(k + 1) * CW]
    else:
        out_ref[...] = y


def _mm(agg, w, b, deg_dst, deg_src, nblk, scale_out):
    if scale_out:
        out_shape = jax.ShapeDtypeStruct((B2, NPAD, CW), jnp.bfloat16)
        out_specs = pl.BlockSpec((B2, _BN, CW), lambda i: (0, i, 0))
    else:
        out_shape = jax.ShapeDtypeStruct((N, D_H), jnp.float32)
        out_specs = pl.BlockSpec((_BN, D_H), lambda i: (i, 0))
    return pl.pallas_call(
        functools.partial(_mm_body, nblk, scale_out),
        grid=(N // _BN,),
        in_specs=[
            pl.BlockSpec((nblk, _BN, CW), lambda i: (0, i, 0)),
            pl.BlockSpec((nblk, CW, D_H), lambda i: (0, 0, 0)),
            pl.BlockSpec((1, D_H), lambda i: (0, 0)),
            pl.BlockSpec((_BN, 8), lambda i: (i, 0)),
            pl.BlockSpec((_BN, 8), lambda i: (i, 0)),
        ],
        out_specs=out_specs,
        out_shape=out_shape,
    )(agg, w, b, deg_dst, deg_src)


def kernel(node_feats, edge_index, W1, b1, W2, b2):
    src = edge_index[0]
    dst = edge_index[1]

    edge3d = edge_index.reshape(2 * NS, NCHUNK, CHUNK)
    dst3d = dst.reshape(NS, NCHUNK, CHUNK)
    src3d = src.reshape(NS, NCHUNK, CHUNK)

    ones16 = jnp.ones((CHUNK, 8), jnp.float32)
    zeros16 = jnp.zeros((NPT, 8), jnp.float32)
    zerosw16 = jnp.zeros((NPT, CW), jnp.bfloat16)

    degs = _make_deg_kernel()(edge3d, ones16, zeros16)
    deg_src = degs[:N]
    deg_dst = degs[NPAD:NPAD + N]

    h1t = _scale0(node_feats, deg_src)
    agg1 = _make_agg_kernel(B1, jnp.bfloat16)(h1t, src3d, dst3d, zerosw16)

    w1r = W1.reshape(B1, CW, D_H)
    h2t = _mm(agg1, w1r, b1.reshape(1, D_H), deg_dst, deg_src, B1, True)

    agg2 = _make_agg_kernel(B2, jnp.bfloat16)(h2t, src3d, dst3d, zerosw16)
    w2r = W2.reshape(B2, CW, D_H)
    return _mm(agg2, w2r, b2.reshape(1, D_H), deg_dst, deg_src, B2, False)

# --- scband reference (transcript-rebuilt; emitter-appended) ---
"""Pipeline reference for scband-gcnencoder-15899968930316 (READ-ONLY COPY).

The authoritative reference and input builder live on the scoring server;
editing this copy changes nothing except your own understanding.
"""

import jax, jax.numpy as jnp
import numpy as np

N = 10000
E = 160000
D_IN = 256
D_H = 512


def setup_inputs(seed: int = 0) -> dict:
    key = jax.random.key(seed)
    k1, k2, k3, k4 = jax.random.split(key, 4)
    node_feats = jax.random.normal(k1, (N, D_IN), dtype=jnp.float32)
    edge_index = jax.random.randint(k2, (2, E), 0, N, dtype=jnp.int32)
    # GraphConv layer 0: in_feats=256 -> hidden=512 (glorot-like init)
    W1 = jax.random.normal(k3, (D_IN, D_H), dtype=jnp.float32) * (1.0 / np.sqrt(D_IN))
    b1 = jnp.zeros((D_H,), dtype=jnp.float32)
    # GraphConv layer 1: hidden=512 -> hidden=512
    W2 = jax.random.normal(k4, (D_H, D_H), dtype=jnp.float32) * (1.0 / np.sqrt(D_H))
    b2 = jnp.zeros((D_H,), dtype=jnp.float32)
    return {"node_feats": node_feats, "edge_index": edge_index,
            "W1": W1, "b1": b1, "W2": W2, "b2": b2}


def _gcn_layer(h, src, dst, norm_src, norm_dst, W, b):
    # dgl GraphConv with norm='both':
    # h' = D_in^{-1/2} * A^T_scatter( D_out^{-1/2} * h ) @ W + b
    h = h * norm_src[:, None]
    msgs = jnp.take(h, src, axis=0)                    # gather over edges
    agg = jax.ops.segment_sum(msgs, dst, num_segments=N)  # scatter-add to dst
    agg = agg * norm_dst[:, None]
    return jnp.maximum(agg @ W + b, 0.0)               # torch.relu in encoder


def reference(node_feats, edge_index, W1, b1, W2, b2):
    src = edge_index[0]
    dst = edge_index[1]
    deg_out = jnp.maximum(jnp.bincount(src, length=N).astype(jnp.float32), 1.0)
    deg_in = jnp.maximum(jnp.bincount(dst, length=N).astype(jnp.float32), 1.0)
    norm_src = deg_out ** -0.5
    norm_dst = deg_in ** -0.5
    h = _gcn_layer(node_feats, src, dst, norm_src, norm_dst, W1, b1)
    h = _gcn_layer(h, src, dst, norm_src, norm_dst, W2, b2)
    return h

if __name__ == "__main__":
    import jax
    _d = setup_inputs()
    print(jax.jit(kernel)(*tuple(_d.values())))

</pallas_src>

<mosaic_0001>
#map = affine_map<(d0, d1) -> (0, 0, 0)>
#map1 = affine_map<(d0, d1) -> (0, 0)>
module attributes {stable_mosaic.version = 14 : i64} {
  func.func @body(%arg0: i32, %arg1: i32, %arg2: memref<4x10240x128xbf16, #tpu.memory_space<hbm>>, %arg3: memref<16x80x125xi32, #tpu.memory_space<hbm>>, %arg4: memref<16x80x125xi32, #tpu.memory_space<hbm>>, %arg5: memref<640x128xbf16, #tpu.memory_space<hbm>>, %arg6: memref<4x10240x128xbf16, #tpu.memory_space<hbm>>, %arg7: memref<80x125xi32, #tpu.memory_space<vmem>>, %arg8: memref<80x125xi32, #tpu.memory_space<vmem>>, %arg9: memref<8x125x128xbf16, #tpu.memory_space<vmem>>, %arg10: memref<10240x128xbf16, #tpu.memory_space<vmem_shared>>, %arg11: memref<!tpu.dma_semaphore, #tpu.memory_space<semaphore_mem>>, %arg12: memref<!tpu.dma_semaphore, #tpu.memory_space<semaphore_mem>>, %arg13: memref<!tpu.dma_semaphore, #tpu.memory_space<semaphore_mem>>, %arg14: memref<!tpu.dma_semaphore, #tpu.memory_space<semaphore_mem>>, %arg15: memref<!tpu.dma_semaphore, #tpu.memory_space<semaphore_mem>>, %arg16: memref<!tpu.dma_semaphore, #tpu.memory_space<semaphore_mem>>, %arg17: memref<!tpu.dma_semaphore, #tpu.memory_space<semaphore_mem>>, %arg18: memref<!tpu.dma_semaphore, #tpu.memory_space<semaphore_mem>>, %arg19: memref<!tpu.dma_semaphore, #tpu.memory_space<semaphore_mem>>, %arg20: memref<!tpu.dma_semaphore, #tpu.memory_space<semaphore_mem>>, %arg21: memref<!tpu.dma_semaphore, #tpu.memory_space<semaphore_mem>>, %arg22: memref<!tpu.dma_semaphore, #tpu.memory_space<semaphore_mem>>, %arg23: memref<!tpu.dma_semaphore, #tpu.memory_space<semaphore_mem>>, %arg24: memref<!tpu.dma_semaphore, #tpu.memory_space<semaphore_mem>>, %arg25: memref<!tpu.dma_semaphore, #tpu.memory_space<semaphore_mem>>, %arg26: memref<!tpu.dma_semaphore, #tpu.memory_space<semaphore_mem>>) attributes {dimension_semantics = [#tpu.dimension_semantics<core_parallel>, #tpu.dimension_semantics<subcore_parallel>], iteration_bounds = array<i64: 2, 16>, scalar_prefetch = 0 : i64, scratch_operands = 20 : i64, tpu.core_type = #tpu.core_type<sc_vector_subcore>, window_params = [{transform_indices = #map}, {transform_indices = #map}, {transform_indices = #map}, {transform_indices = #map1}, {transform_indices = #map}]} {
    "tpu.region"() ({
      %run_scoped3A = tpu.sem_alloc : memref<!tpu.dma_semaphore, #tpu.memory_space<semaphore_mem>>
      %dma_start3A_444 = arith.constant 0 : i32
      %dma_start3A_445 = arith.constant 0 : i32
      %dma_start3A_446 = tpu.memref_slice %arg4[%arg1, %dma_start3A_444, %dma_start3A_445] : memref<16x80x125xi32, #tpu.memory_space<hbm>> -> memref<1x80x125xi32, #tpu.memory_space<hbm>>
      %dma_start3A_447 = tpu.memref_squeeze %dma_start3A_446 : memref<1x80x125xi32, #tpu.memory_space<hbm>> -> memref<80x125xi32, #tpu.memory_space<hbm>>
      %dma_start3A_448 = arith.constant 0 : i32
      %dma_start3A_449 = arith.constant 0 : i32
      %dma_start3A_450 = tpu.memref_slice %arg4[%arg1, %dma_start3A_448, %dma_start3A_449] : memref<16x80x125xi32, #tpu.memory_space<hbm>> -> memref<1x80x125xi32, #tpu.memory_space<hbm>>
      %dma_start3A_451 = tpu.memref_squeeze %dma_start3A_450 : memref<1x80x125xi32, #tpu.memory_space<hbm>> -> memref<80x125xi32, #tpu.memory_space<hbm>>
      tpu.enqueue_dma source(%dma_start3A_451 : memref<80x125xi32, #tpu.memory_space<hbm>>) target(%arg8 : memref<80x125xi32, #tpu.memory_space<vmem>>) target_semaphore(%run_scoped3A : memref<!tpu.dma_semaphore, #tpu.memory_space<semaphore_mem>>)
      %dma_wait3A_452 = arith.constant 0 : i32
      %dma_wait3A_453 = arith.constant 0 : i32
      %dma_wait3A_454 = tpu.memref_slice %arg4[%arg1, %dma_wait3A_452, %dma_wait3A_453] : memref<16x80x125xi32, #tpu.memory_space<hbm>> -> memref<1x80x125xi32, #tpu.memory_space<hbm>>
      %dma_wait3A_455 = tpu.memref_squeeze %dma_wait3A_454 : memref<1x80x125xi32, #tpu.memory_space<hbm>> -> memref<80x125xi32, #tpu.memory_space<hbm>>
      %dma_wait3A_456 = arith.constant 0 : i32
      %dma_wait3A_457 = arith.constant 0 : i32
      %dma_wait3A_458 = tpu.memref_slice %arg4[%arg1, %dma_wait3A_456, %dma_wait3A_457] : memref<16x80x125xi32, #tpu.memory_space<hbm>> -> memref<1x80x125xi32, #tpu.memory_space<hbm>>
      %dma_wait3A_459 = tpu.memref_squeeze %dma_wait3A_458 : memref<1x80x125xi32, #tpu.memory_space<hbm>> -> memref<80x125xi32, #tpu.memory_space<hbm>>
      tpu.wait_dma2 semaphore(%run_scoped3A : memref<!tpu.dma_semaphore, #tpu.memory_space<semaphore_mem>>) src(%dma_wait3A_459 : memref<80x125xi32, #tpu.memory_space<hbm>>) dst(%arg8 : memref<80x125xi32, #tpu.memory_space<vmem>>)
      tpu.yield
    }) : () -> ()
    "tpu.region"() ({
      %run_scoped3A = tpu.sem_alloc : memref<!tpu.dma_semaphore, #tpu.memory_space<semaphore_mem>>
      %dma_start3A_444 = arith.constant 0 : i32
      %dma_start3A_445 = arith.constant 0 : i32
      %dma_start3A_446 = tpu.memref_slice %arg3[%arg1, %dma_start3A_444, %dma_start3A_445] : memref<16x80x125xi32, #tpu.memory_space<hbm>> -> memref<1x80x125xi32, #tpu.memory_space<hbm>>
      %dma_start3A_447 = tpu.memref_squeeze %dma_start3A_446 : memref<1x80x125xi32, #tpu.memory_space<hbm>> -> memref<80x125xi32, #tpu.memory_space<hbm>>
      %dma_start3A_448 = arith.constant 0 : i32
      %dma_start3A_449 = arith.constant 0 : i32
      %dma_start3A_450 = tpu.memref_slice %arg3[%arg1, %dma_start3A_448, %dma_start3A_449] : memref<16x80x125xi32, #tpu.memory_space<hbm>> -> memref<1x80x125xi32, #tpu.memory_space<hbm>>
      %dma_start3A_451 = tpu.memref_squeeze %dma_start3A_450 : memref<1x80x125xi32, #tpu.memory_space<hbm>> -> memref<80x125xi32, #tpu.memory_space<hbm>>
      tpu.enqueue_dma source(%dma_start3A_451 : memref<80x125xi32, #tpu.memory_space<hbm>>) target(%arg7 : memref<80x125xi32, #tpu.memory_space<vmem>>) target_semaphore(%run_scoped3A : memref<!tpu.dma_semaphore, #tpu.memory_space<semaphore_mem>>)
      %dma_wait3A_452 = arith.constant 0 : i32
      %dma_wait3A_453 = arith.constant 0 : i32
      %dma_wait3A_454 = tpu.memref_slice %arg3[%arg1, %dma_wait3A_452, %dma_wait3A_453] : memref<16x80x125xi32, #tpu.memory_space<hbm>> -> memref<1x80x125xi32, #tpu.memory_space<hbm>>
      %dma_wait3A_455 = tpu.memref_squeeze %dma_wait3A_454 : memref<1x80x125xi32, #tpu.memory_space<hbm>> -> memref<80x125xi32, #tpu.memory_space<hbm>>
      %dma_wait3A_456 = arith.constant 0 : i32
      %dma_wait3A_457 = arith.constant 0 : i32
      %dma_wait3A_458 = tpu.memref_slice %arg3[%arg1, %dma_wait3A_456, %dma_wait3A_457] : memref<16x80x125xi32, #tpu.memory_space<hbm>> -> memref<1x80x125xi32, #tpu.memory_space<hbm>>
      %dma_wait3A_459 = tpu.memref_squeeze %dma_wait3A_458 : memref<1x80x125xi32, #tpu.memory_space<hbm>> -> memref<80x125xi32, #tpu.memory_space<hbm>>
      tpu.wait_dma2 semaphore(%run_scoped3A : memref<!tpu.dma_semaphore, #tpu.memory_space<semaphore_mem>>) src(%dma_wait3A_459 : memref<80x125xi32, #tpu.memory_space<hbm>>) dst(%arg7 : memref<80x125xi32, #tpu.memory_space<vmem>>)
      tpu.yield
    }) : () -> ()
    %add3A = arith.constant 0 : i32
    %add3A_0 = arith.addi %add3A, %arg0 : i32
    %mul3A = arith.constant 640 : i32
    %mul3A_1 = arith.muli %arg1, %mul3A : i32
    "tpu.region"() ({
      %run_scoped3A = tpu.sem_alloc : memref<!tpu.dma_semaphore, #tpu.memory_space<semaphore_mem>>
      %dma_start3A_444 = arith.constant 0 : i32
      %dma_start3A_445 = tpu.memref_slice %arg10[%mul3A_1, %dma_start3A_444] : memref<10240x128xbf16, #tpu.memory_space<vmem_shared>> -> memref<640x128xbf16, #tpu.memory_space<vmem_shared>>
      tpu.enqueue_dma source(%arg5 : memref<640x128xbf16, #tpu.memory_space<hbm>>) target(%dma_start3A_445 : memref<640x128xbf16, #tpu.memory_space<vmem_shared>>) target_semaphore(%run_scoped3A : memref<!tpu.dma_semaphore, #tpu.memory_space<semaphore_mem>>)
      %dma_wait3A_446 = arith.constant 0 : i32
      %dma_wait3A_447 = tpu.memref_slice %arg10[%mul3A_1, %dma_wait3A_446] : memref<10240x128xbf16, #tpu.memory_space<vmem_shared>> -> memref<640x128xbf16, #tpu.memory_space<vmem_shared>>
      tpu.wait_dma2 semaphore(%run_scoped3A : memref<!tpu.dma_semaphore, #tpu.memory_space<semaphore_mem>>) src(%arg5 : memref<640x128xbf16, #tpu.memory_space<hbm>>) dst(%dma_wait3A_447 : memref<640x128xbf16, #tpu.memory_space<vmem_shared>>)
      tpu.yield
    }) : () -> ()
    %barrier3A = arith.constant 0 : index
    tpu.barrier barrier_id(%barrier3A)
    %dma_start3A = arith.constant 0 : i32
    %dma_start3A_2 = arith.constant 0 : i32
    %dma_start3A_3 = arith.constant 0 : i32
    %dma_start3A_4 = arith.constant 0 : i32
    %dma_start3A_5 = tpu.memref_slice %arg9[%dma_start3A_2, %dma_start3A_3, %dma_start3A_4] : memref<8x125x128xbf16, #tpu.memory_space<vmem>> -> memref<1x125x128xbf16, #tpu.memory_space<vmem>>
    %dma_start3A_6 = tpu.memref_squeeze %dma_start3A_5 : memref<1x125x128xbf16, #tpu.memory_space<vmem>> -> memref<125x128xbf16, #tpu.memory_space<vmem>>
    %dma_start3A_7 = arith.constant 0 : i32
    %dma_start3A_8 = tpu.memref_slice %arg7[%dma_start3A, %dma_start3A_7] : memref<80x125xi32, #tpu.memory_space<vmem>> -> memref<1x125xi32, #tpu.memory_space<vmem>>
    %dma_start3A_9 = tpu.memref_squeeze %dma_start3A_8 : memref<1x125xi32, #tpu.memory_space<vmem>> -> memref<125xi32, #tpu.memory_space<vmem>>
    %dma_start3A_10 = arith.constant 0 : i32
    %dma_start3A_11 = arith.constant 0 : i32
    %dma_start3A_12 = tpu.memref_slice %arg2[%add3A_0, %dma_start3A_10, %dma_start3A_11] : memref<4x10240x128xbf16, #tpu.memory_space<hbm>> -> memref<1x10240x128xbf16, #tpu.memory_space<hbm>>
    %dma_start3A_13 = tpu.memref_squeeze %dma_start3A_12 : memref<1x10240x128xbf16, #tpu.memory_space<hbm>> -> memref<10240x128xbf16, #tpu.memory_space<hbm>>
    %dma_start3A_14 = arith.constant 0 : i32
    %dma_start3A_15 = arith.constant 0 : i32
    %dma_start3A_16 = tpu.memref_slice %dma_start3A_13[%dma_start3A_14, %dma_start3A_15] : memref<10240x128xbf16, #tpu.memory_space<hbm>> -> memref<10240x128xbf16, #tpu.memory_space<hbm>>
    tpu.enqueue_indirect_dma source(%dma_start3A_16 : memref<10240x128xbf16, #tpu.memory_space<hbm>>) target(%dma_start3A_6 : memref<125x128xbf16, #tpu.memory_space<vmem>>) offsets(%dma_start3A_9 : memref<125xi32, #tpu.memory_space<vmem>>) semaphore(%arg11 : memref<!tpu.dma_semaphore, #tpu.memory_space<semaphore_mem>>)
    %dma_start3A_17 = arith.constant 1 : i32
    %dma_start3A_18 = arith.constant 1 : i32
    %dma_start3A_19 = arith.constant 0 : i32
    %dma_start3A_20 = arith.constant 0 : i32
    %dma_start3A_21 = tpu.memref_slice %arg9[%dma_start3A_18, %dma_start3A_19, %dma_start3A_20] : memref<8x125x128xbf16, #tpu.memory_space<vmem>> -> memref<1x125x128xbf16, #tpu.memory_space<vmem>>
    %dma_start3A_22 = tpu.memref_squeeze %dma_start3A_21 : memref<1x125x128xbf16, #tpu.memory_space<vmem>> -> memref<125x128xbf16, #tpu.memory_space<vmem>>
    %dma_start3A_23 = arith.constant 0 : i32
    %dma_start3A_24 = tpu.memref_slice %arg7[%dma_start3A_17, %dma_start3A_23] : memref<80x125xi32, #tpu.memory_space<vmem>> -> memref<1x125xi32, #tpu.memory_space<vmem>>
    %dma_start3A_25 = tpu.memref_squeeze %dma_start3A_24 : memref<1x125xi32, #tpu.memory_space<vmem>> -> memref<125xi32, #tpu.memory_space<vmem>>
    %dma_start3A_26 = arith.constant 0 : i32
    %dma_start3A_27 = arith.constant 0 : i32
    %dma_start3A_28 = tpu.memref_slice %arg2[%add3A_0, %dma_start3A_26, %dma_start3A_27] : memref<4x10240x128xbf16, #tpu.memory_space<hbm>> -> memref<1x10240x128xbf16, #tpu.memory_space<hbm>>
    %dma_start3A_29 = tpu.memref_squeeze %dma_start3A_28 : memref<1x10240x128xbf16, #tpu.memory_space<hbm>> -> memref<10240x128xbf16, #tpu.memory_space<hbm>>
    %dma_start3A_30 = arith.constant 0 : i32
    %dma_start3A_31 = arith.constant 0 : i32
    %dma_start3A_32 = tpu.memref_slice %dma_start3A_29[%dma_start3A_30, %dma_start3A_31] : memref<10240x128xbf16, #tpu.memory_space<hbm>> -> memref<10240x128xbf16, #tpu.memory_space<hbm>>
    tpu.enqueue_indirect_dma source(%dma_start3A_32 : memref<10240x128xbf16, #tpu.memory_space<hbm>>) target(%dma_start3A_22 : memref<125x128xbf16, #tpu.memory_space<vmem>>) offsets(%dma_start3A_25 : memref<125xi32, #tpu.memory_space<vmem>>) semaphore(%arg12 : memref<!tpu.dma_semaphore, #tpu.memory_space<semaphore_mem>>)
    %dma_start3A_33 = arith.constant 2 : i32
    %dma_start3A_34 = arith.constant 2 : i32
    %dma_start3A_35 = arith.constant 0 : i32
    %dma_start3A_36 = arith.constant 0 : i32
    %dma_start3A_37 = tpu.memref_slice %arg9[%dma_start3A_34, %dma_start3A_35, %dma_start3A_36] : memref<8x125x128xbf16, #tpu.memory_space<vmem>> -> memref<1x125x128xbf16, #tpu.memory_space<vmem>>
    %dma_start3A_38 = tpu.memref_squeeze %dma_start3A_37 : memref<1x125x128xbf16, #tpu.memory_space<vmem>> -> memref<125x128xbf16, #tpu.memory_space<vmem>>
    %dma_start3A_39 = arith.constant 0 : i32
    %dma_start3A_40 = tpu.memref_slice %arg7[%dma_start3A_33, %dma_start3A_39] : memref<80x125xi32, #tpu.memory_space<vmem>> -> memref<1x125xi32, #tpu.memory_space<vmem>>
    %dma_start3A_41 = tpu.memref_squeeze %dma_start3A_40 : memref<1x125xi32, #tpu.memory_space<vmem>> -> memref<125xi32, #tpu.memory_space<vmem>>
    %dma_start3A_42 = arith.constant 0 : i32
    %dma_start3A_43 = arith.constant 0 : i32
    %dma_start3A_44 = tpu.memref_slice %arg2[%add3A_0, %dma_start3A_42, %dma_start3A_43] : memref<4x10240x128xbf16, #tpu.memory_space<hbm>> -> memref<1x10240x128xbf16, #tpu.memory_space<hbm>>
    %dma_start3A_45 = tpu.memref_squeeze %dma_start3A_44 : memref<1x10240x128xbf16, #tpu.memory_space<hbm>> -> memref<10240x128xbf16, #tpu.memory_space<hbm>>
    %dma_start3A_46 = arith.constant 0 : i32
    %dma_start3A_47 = arith.constant 0 : i32
    %dma_start3A_48 = tpu.memref_slice %dma_start3A_45[%dma_start3A_46, %dma_start3A_47] : memref<10240x128xbf16, #tpu.memory_space<hbm>> -> memref<10240x128xbf16, #tpu.memory_space<hbm>>
    tpu.enqueue_indirect_dma source(%dma_start3A_48 : memref<10240x128xbf16, #tpu.memory_space<hbm>>) target(%dma_start3A_38 : memref<125x128xbf16, #tpu.memory_space<vmem>>) offsets(%dma_start3A_41 : memref<125xi32, #tpu.memory_space<vmem>>) semaphore(%arg13 : memref<!tpu.dma_semaphore, #tpu.memory_space<semaphore_mem>>)
    %dma_start3A_49 = arith.constant 3 : i32
    %dma_start3A_50 = arith.constant 3 : i32
    %dma_start3A_51 = arith.constant 0 : i32
    %dma_start3A_52 = arith.constant 0 : i32
    %dma_start3A_53 = tpu.memref_slice %arg9[%dma_start3A_50, %dma_start3A_51, %dma_start3A_52] : memref<8x125x128xbf16, #tpu.memory_space<vmem>> -> memref<1x125x128xbf16, #tpu.memory_space<vmem>>
    %dma_start3A_54 = tpu.memref_squeeze %dma_start3A_53 : memref<1x125x128xbf16, #tpu.memory_space<vmem>> -> memref<125x128xbf16, #tpu.memory_space<vmem>>
    %dma_start3A_55 = arith.constant 0 : i32
    %dma_start3A_56 = tpu.memref_slice %arg7[%dma_start3A_49, %dma_start3A_55] : memref<80x125xi32, #tpu.memory_space<vmem>> -> memref<1x125xi32, #tpu.memory_space<vmem>>
    %dma_start3A_57 = tpu.memref_squeeze %dma_start3A_56 : memref<1x125xi32, #tpu.memory_space<vmem>> -> memref<125xi32, #tpu.memory_space<vmem>>
    %dma_start3A_58 = arith.constant 0 : i32
    %dma_start3A_59 = arith.constant 0 : i32
    %dma_start3A_60 = tpu.memref_slice %arg2[%add3A_0, %dma_start3A_58, %dma_start3A_59] : memref<4x10240x128xbf16, #tpu.memory_space<hbm>> -> memref<1x10240x128xbf16, #tpu.memory_space<hbm>>
    %dma_start3A_61 = tpu.memref_squeeze %dma_start3A_60 : memref<1x10240x128xbf16, #tpu.memory_space<hbm>> -> memref<10240x128xbf16, #tpu.memory_space<hbm>>
    %dma_start3A_62 = arith.constant 0 : i32
    %dma_start3A_63 = arith.constant 0 : i32
    %dma_start3A_64 = tpu.memref_slice %dma_start3A_61[%dma_start3A_62, %dma_start3A_63] : memref<10240x128xbf16, #tpu.memory_space<hbm>> -> memref<10240x128xbf16, #tpu.memory_space<hbm>>
    tpu.enqueue_indirect_dma source(%dma_start3A_64 : memref<10240x128xbf16, #tpu.memory_space<hbm>>) target(%dma_start3A_54 : memref<125x128xbf16, #tpu.memory_space<vmem>>) offsets(%dma_start3A_57 : memref<125xi32, #tpu.memory_space<vmem>>) semaphore(%arg14 : memref<!tpu.dma_semaphore, #tpu.memory_space<semaphore_mem>>)
    %dma_start3A_65 = arith.constant 4 : i32
    %dma_start3A_66 = arith.constant 4 : i32
    %dma_start3A_67 = arith.constant 0 : i32
    %dma_start3A_68 = arith.constant 0 : i32
    %dma_start3A_69 = tpu.memref_slice %arg9[%dma_start3A_66, %dma_start3A_67, %dma_start3A_68] : memref<8x125x128xbf16, #tpu.memory_space<vmem>> -> memref<1x125x128xbf16, #tpu.memory_space<vmem>>
    %dma_start3A_70 = tpu.memref_squeeze %dma_start3A_69 : memref<1x125x128xbf16, #tpu.memory_space<vmem>> -> memref<125x128xbf16, #tpu.memory_space<vmem>>
    %dma_start3A_71 = arith.constant 0 : i32
    %dma_start3A_72 = tpu.memref_slice %arg7[%dma_start3A_65, %dma_start3A_71] : memref<80x125xi32, #tpu.memory_space<vmem>> -> memref<1x125xi32, #tpu.memory_space<vmem>>
    %dma_start3A_73 = tpu.memref_squeeze %dma_start3A_72 : memref<1x125xi32, #tpu.memory_space<vmem>> -> memref<125xi32, #tpu.memory_space<vmem>>
    %dma_start3A_74 = arith.constant 0 : i32
    %dma_start3A_75 = arith.constant 0 : i32
    %dma_start3A_76 = tpu.memref_slice %arg2[%add3A_0, %dma_start3A_74, %dma_start3A_75] : memref<4x10240x128xbf16, #tpu.memory_space<hbm>> -> memref<1x10240x128xbf16, #tpu.memory_space<hbm>>
    %dma_start3A_77 = tpu.memref_squeeze %dma_start3A_76 : memref<1x10240x128xbf16, #tpu.memory_space<hbm>> -> memref<10240x128xbf16, #tpu.memory_space<hbm>>
    %dma_start3A_78 = arith.constant 0 : i32
    %dma_start3A_79 = arith.constant 0 : i32
    %dma_start3A_80 = tpu.memref_slice %dma_start3A_77[%dma_start3A_78, %dma_start3A_79] : memref<10240x128xbf16, #tpu.memory_space<hbm>> -> memref<10240x128xbf16, #tpu.memory_space<hbm>>
    tpu.enqueue_indirect_dma source(%dma_start3A_80 : memref<10240x128xbf16, #tpu.memory_space<hbm>>) target(%dma_start3A_70 : memref<125x128xbf16, #tpu.memory_space<vmem>>) offsets(%dma_start3A_73 : memref<125xi32, #tpu.memory_space<vmem>>) semaphore(%arg15 : memref<!tpu.dma_semaphore, #tpu.memory_space<semaphore_mem>>)
    %dma_start3A_81 = arith.constant 5 : i32
    %dma_start3A_82 = arith.constant 5 : i32
    %dma_start3A_83 = arith.constant 0 : i32
    %dma_start3A_84 = arith.constant 0 : i32
    %dma_start3A_85 = tpu.memref_slice %arg9[%dma_start3A_82, %dma_start3A_83, %dma_start3A_84] : memref<8x125x128xbf16, #tpu.memory_space<vmem>> -> memref<1x125x128xbf16, #tpu.memory_space<vmem>>
    %dma_start3A_86 = tpu.memref_squeeze %dma_start3A_85 : memref<1x125x128xbf16, #tpu.memory_space<vmem>> -> memref<125x128xbf16, #tpu.memory_space<vmem>>
    %dma_start3A_87 = arith.constant 0 : i32
    %dma_start3A_88 = tpu.memref_slice %arg7[%dma_start3A_81, %dma_start3A_87] : memref<80x125xi32, #tpu.memory_space<vmem>> -> memref<1x125xi32, #tpu.memory_space<vmem>>
    %dma_start3A_89 = tpu.memref_squeeze %dma_start3A_88 : memref<1x125xi32, #tpu.memory_space<vmem>> -> memref<125xi32, #tpu.memory_space<vmem>>
    %dma_start3A_90 = arith.constant 0 : i32
    %dma_start3A_91 = arith.constant 0 : i32
    %dma_start3A_92 = tpu.memref_slice %arg2[%add3A_0, %dma_start3A_90, %dma_start3A_91] : memref<4x10240x128xbf16, #tpu.memory_space<hbm>> -> memref<1x10240x128xbf16, #tpu.memory_space<hbm>>
    %dma_start3A_93 = tpu.memref_squeeze %dma_start3A_92 : memref<1x10240x128xbf16, #tpu.memory_space<hbm>> -> memref<10240x128xbf16, #tpu.memory_space<hbm>>
    %dma_start3A_94 = arith.constant 0 : i32
    %dma_start3A_95 = arith.constant 0 : i32
    %dma_start3A_96 = tpu.memref_slice %dma_start3A_93[%dma_start3A_94, %dma_start3A_95] : memref<10240x128xbf16, #tpu.memory_space<hbm>> -> memref<10240x128xbf16, #tpu.memory_space<hbm>>
    tpu.enqueue_indirect_dma source(%dma_start3A_96 : memref<10240x128xbf16, #tpu.memory_space<hbm>>) target(%dma_start3A_86 : memref<125x128xbf16, #tpu.memory_space<vmem>>) offsets(%dma_start3A_89 : memref<125xi32, #tpu.memory_space<vmem>>) semaphore(%arg16 : memref<!tpu.dma_semaphore, #tpu.memory_space<semaphore_mem>>)
    %dma_start3A_97 = arith.constant 6 : i32
    %dma_start3A_98 = arith.constant 6 : i32
    %dma_start3A_99 = arith.constant 0 : i32
    %dma_start3A_100 = arith.constant 0 : i32
    %dma_start3A_101 = tpu.memref_slice %arg9[%dma_start3A_98, %dma_start3A_99, %dma_start3A_100] : memref<8x125x128xbf16, #tpu.memory_space<vmem>> -> memref<1x125x128xbf16, #tpu.memory_space<vmem>>
    %dma_start3A_102 = tpu.memref_squeeze %dma_start3A_101 : memref<1x125x128xbf16, #tpu.memory_space<vmem>> -> memref<125x128xbf16, #tpu.memory_space<vmem>>
    %dma_start3A_103 = arith.constant 0 : i32
    %dma_start3A_104 = tpu.memref_slice %arg7[%dma_start3A_97, %dma_start3A_103] : memref<80x125xi32, #tpu.memory_space<vmem>> -> memref<1x125xi32, #tpu.memory_space<vmem>>
    %dma_start3A_105 = tpu.memref_squeeze %dma_start3A_104 : memref<1x125xi32, #tpu.memory_space<vmem>> -> memref<125xi32, #tpu.memory_space<vmem>>
    %dma_start3A_106 = arith.constant 0 : i32
    %dma_start3A_107 = arith.constant 0 : i32
    %dma_start3A_108 = tpu.memref_slice %arg2[%add3A_0, %dma_start3A_106, %dma_start3A_107] : memref<4x10240x128xbf16, #tpu.memory_space<hbm>> -> memref<1x10240x128xbf16, #tpu.memory_space<hbm>>
    %dma_start3A_109 = tpu.memref_squeeze %dma_start3A_108 : memref<1x10240x128xbf16, #tpu.memory_space<hbm>> -> memref<10240x128xbf16, #tpu.memory_space<hbm>>
    %dma_start3A_110 = arith.constant 0 : i32
    %dma_start3A_111 = arith.constant 0 : i32
    %dma_start3A_112 = tpu.memref_slice %dma_start3A_109[%dma_start3A_110, %dma_start3A_111] : memref<10240x128xbf16, #tpu.memory_space<hbm>> -> memref<10240x128xbf16, #tpu.memory_space<hbm>>
    tpu.enqueue_indirect_dma source(%dma_start3A_112 : memref<10240x128xbf16, #tpu.memory_space<hbm>>) target(%dma_start3A_102 : memref<125x128xbf16, #tpu.memory_space<vmem>>) offsets(%dma_start3A_105 : memref<125xi32, #tpu.memory_space<vmem>>) semaphore(%arg17 : memref<!tpu.dma_semaphore, #tpu.memory_space<semaphore_mem>>)
    %scan3A = arith.constant 0 : i32
    %scan3A_113 = arith.constant 0 : i32
    %scan3A_114 = arith.constant 10 : i32
    %scan3A_115 = arith.addi %scan3A_113, %scan3A_114 : i32
    %scan3A_116 = arith.constant 1 : i32
    %scan3A_117 = scf.for %scan3A_444 = %scan3A_113 to %scan3A_115 step %scan3A_116 iter_args(%scan3A_445 = %scan3A) -> (i32)  : i32 {
      %mul3A_446 = arith.constant 8 : i32
      %mul3A_447 = arith.muli %scan3A_444, %mul3A_446 : i32
      %add3A_448 = arith.constant 0 : i32
      %add3A_449 = arith.addi %mul3A_447, %add3A_448 : i32
      %dma_wait3A_450 = arith.constant 0 : i32
      %dma_wait3A_451 = arith.constant 0 : i32
      %dma_wait3A_452 = arith.constant 0 : i32
      %dma_wait3A_453 = tpu.memref_slice %arg9[%dma_wait3A_450, %dma_wait3A_451, %dma_wait3A_452] : memref<8x125x128xbf16, #tpu.memory_space<vmem>> -> memref<1x125x128xbf16, #tpu.memory_space<vmem>>
      %dma_wait3A_454 = tpu.memref_squeeze %dma_wait3A_453 : memref<1x125x128xbf16, #tpu.memory_space<vmem>> -> memref<125x128xbf16, #tpu.memory_space<vmem>>
      %dma_wait3A_455 = arith.constant 0 : i32
      %dma_wait3A_456 = tpu.memref_slice %arg7[%add3A_449, %dma_wait3A_455] : memref<80x125xi32, #tpu.memory_space<vmem>> -> memref<1x125xi32, #tpu.memory_space<vmem>>
      %dma_wait3A_457 = tpu.memref_squeeze %dma_wait3A_456 : memref<1x125xi32, #tpu.memory_space<vmem>> -> memref<125xi32, #tpu.memory_space<vmem>>
      %dma_wait3A_458 = arith.constant 0 : i32
      %dma_wait3A_459 = arith.constant 0 : i32
      %dma_wait3A_460 = tpu.memref_slice %arg2[%add3A_0, %dma_wait3A_458, %dma_wait3A_459] : memref<4x10240x128xbf16, #tpu.memory_space<hbm>> -> memref<1x10240x128xbf16, #tpu.memory_space<hbm>>
      %dma_wait3A_461 = tpu.memref_squeeze %dma_wait3A_460 : memref<1x10240x128xbf16, #tpu.memory_space<hbm>> -> memref<10240x128xbf16, #tpu.memory_space<hbm>>
      %dma_wait3A_462 = arith.constant 0 : i32
      %dma_wait3A_463 = arith.constant 0 : i32
      %dma_wait3A_464 = tpu.memref_slice %dma_wait3A_461[%dma_wait3A_462, %dma_wait3A_463] : memref<10240x128xbf16, #tpu.memory_space<hbm>> -> memref<10240x128xbf16, #tpu.memory_space<hbm>>
      tpu.wait_indirect_dma semaphore(%arg11 : memref<!tpu.dma_semaphore, #tpu.memory_space<semaphore_mem>>) src(%dma_wait3A_464 : memref<10240x128xbf16, #tpu.memory_space<hbm>>) dst(%dma_wait3A_454 : memref<125x128xbf16, #tpu.memory_space<vmem>>)
      %dma_start3A_465 = arith.constant 0 : i32
      %dma_start3A_466 = arith.constant 0 : i32
      %dma_start3A_467 = arith.constant 0 : i32
      %dma_start3A_468 = tpu.memref_slice %arg9[%dma_start3A_465, %dma_start3A_466, %dma_start3A_467] : memref<8x125x128xbf16, #tpu.memory_space<vmem>> -> memref<1x125x128xbf16, #tpu.memory_space<vmem>>
      %dma_start3A_469 = tpu.memref_squeeze %dma_start3A_468 : memref<1x125x128xbf16, #tpu.memory_space<vmem>> -> memref<125x128xbf16, #tpu.memory_space<vmem>>
      %dma_start3A_470 = arith.constant 0 : i32
      %dma_start3A_471 = tpu.memref_slice %arg8[%add3A_449, %dma_start3A_470] : memref<80x125xi32, #tpu.memory_space<vmem>> -> memref<1x125xi32, #tpu.memory_space<vmem>>
      %dma_start3A_472 = tpu.memref_squeeze %dma_start3A_471 : memref<1x125xi32, #tpu.memory_space<vmem>> -> memref<125xi32, #tpu.memory_space<vmem>>
      %dma_start3A_473 = arith.constant 0 : i32
      %dma_start3A_474 = arith.constant 0 : i32
      %dma_start3A_475 = tpu.memref_slice %arg10[%dma_start3A_473, %dma_start3A_474] : memref<10240x128xbf16, #tpu.memory_space<vmem_shared>> -> memref<10240x128xbf16, #tpu.memory_space<vmem_shared>>
      tpu.enqueue_indirect_dma source(%dma_start3A_469 : memref<125x128xbf16, #tpu.memory_space<vmem>>) target(%dma_start3A_475 : memref<10240x128xbf16, #tpu.memory_space<vmem_shared>>) offsets(%dma_start3A_472 : memref<125xi32, #tpu.memory_space<vmem>>) semaphore(%arg19 : memref<!tpu.dma_semaphore, #tpu.memory_space<semaphore_mem>>) {add = true}
      %add3A_476 = arith.constant 8 : i32
      %add3A_477 = arith.addi %add3A_449, %add3A_476 : i32
      %sub3A = arith.constant 1 : i32
      %sub3A_478 = arith.subi %add3A_477, %sub3A : i32
      %gt3A = arith.constant 0 : i32
      %gt3A_479 = arith.cmpi sgt, %add3A_449, %gt3A : i32
      %lt3A = arith.constant 80 : i32
      %lt3A_480 = arith.cmpi slt, %sub3A_478, %lt3A : i32
      %and3A = arith.andi %gt3A_479, %lt3A_480 : i1
      %convert_element_type3A = arith.extui %and3A : i1 to i32
      %cond3A = arith.constant 0 : i32
      %cond3A_481 = arith.cmpi ne, %convert_element_type3A, %cond3A : i32
      scf.if %cond3A_481 {
        %sub3A_817 = arith.constant 1 : i32
        %sub3A_818 = arith.subi %add3A_449, %sub3A_817 : i32
        %dma_wait3A_819 = arith.constant 7 : i32
        %dma_wait3A_820 = arith.constant 0 : i32
        %dma_wait3A_821 = arith.constant 0 : i32
        %dma_wait3A_822 = tpu.memref_slice %arg9[%dma_wait3A_819, %dma_wait3A_820, %dma_wait3A_821] : memref<8x125x128xbf16, #tpu.memory_space<vmem>> -> memref<1x125x128xbf16, #tpu.memory_space<vmem>>
        %dma_wait3A_823 = tpu.memref_squeeze %dma_wait3A_822 : memref<1x125x128xbf16, #tpu.memory_space<vmem>> -> memref<125x128xbf16, #tpu.memory_space<vmem>>
        %dma_wait3A_824 = arith.constant 0 : i32
        %dma_wait3A_825 = tpu.memref_slice %arg8[%sub3A_818, %dma_wait3A_824] : memref<80x125xi32, #tpu.memory_space<vmem>> -> memref<1x125xi32, #tpu.memory_space<vmem>>
        %dma_wait3A_826 = tpu.memref_squeeze %dma_wait3A_825 : memref<1x125xi32, #tpu.memory_space<vmem>> -> memref<125xi32, #tpu.memory_space<vmem>>
        %dma_wait3A_827 = arith.constant 0 : i32
        %dma_wait3A_828 = arith.constant 0 : i32
        %dma_wait3A_829 = tpu.memref_slice %arg10[%dma_wait3A_827, %dma_wait3A_828] : memref<10240x128xbf16, #tpu.memory_space<vmem_shared>> -> memref<10240x128xbf16, #tpu.memory_space<vmem_shared>>
        tpu.wait_indirect_dma semaphore(%arg26 : memref<!tpu.dma_semaphore, #tpu.memory_space<semaphore_mem>>) src(%dma_wait3A_823 : memref<125x128xbf16, #tpu.memory_space<vmem>>) dst(%dma_wait3A_829 : memref<10240x128xbf16, #tpu.memory_space<vmem_shared>>)
      } else {
      }
      %lt3A_482 = arith.constant 80 : i32
      %lt3A_483 = arith.cmpi slt, %sub3A_478, %lt3A_482 : i32
      %convert_element_type3A_484 = arith.extui %lt3A_483 : i1 to i32
      %cond3A_485 = arith.constant 0 : i32
      %cond3A_486 = arith.cmpi ne, %convert_element_type3A_484, %cond3A_485 : i32
      scf.if %cond3A_486 {
        %dma_start3A_817 = arith.constant 7 : i32
        %dma_start3A_818 = arith.constant 0 : i32
        %dma_start3A_819 = arith.constant 0 : i32
        %dma_start3A_820 = tpu.memref_slice %arg9[%dma_start3A_817, %dma_start3A_818, %dma_start3A_819] : memref<8x125x128xbf16, #tpu.memory_space<vmem>> -> memref<1x125x128xbf16, #tpu.memory_space<vmem>>
        %dma_start3A_821 = tpu.memref_squeeze %dma_start3A_820 : memref<1x125x128xbf16, #tpu.memory_space<vmem>> -> memref<125x128xbf16, #tpu.memory_space<vmem>>
        %dma_start3A_822 = arith.constant 0 : i32
        %dma_start3A_823 = tpu.memref_slice %arg7[%sub3A_478, %dma_start3A_822] : memref<80x125xi32, #tpu.memory_space<vmem>> -> memref<1x125xi32, #tpu.memory_space<vmem>>
        %dma_start3A_824 = tpu.memref_squeeze %dma_start3A_823 : memref<1x125xi32, #tpu.memory_space<vmem>> -> memref<125xi32, #tpu.memory_space<vmem>>
        %dma_start3A_825 = arith.constant 0 : i32
        %dma_start3A_826 = arith.constant 0 : i32
        %dma_start3A_827 = tpu.memref_slice %arg2[%add3A_0, %dma_start3A_825, %dma_start3A_826] : memref<4x10240x128xbf16, #tpu.memory_space<hbm>> -> memref<1x10240x128xbf16, #tpu.memory_space<hbm>>
        %dma_start3A_828 = tpu.memref_squeeze %dma_start3A_827 : memref<1x10240x128xbf16, #tpu.memory_space<hbm>> -> memref<10240x128xbf16, #tpu.memory_space<hbm>>
        %dma_start3A_829 = arith.constant 0 : i32
        %dma_start3A_830 = arith.constant 0 : i32
        %dma_start3A_831 = tpu.memref_slice %dma_start3A_828[%dma_start3A_829, %dma_start3A_830] : memref<10240x128xbf16, #tpu.memory_space<hbm>> -> memref<10240x128xbf16, #tpu.memory_space<hbm>>
        tpu.enqueue_indirect_dma source(%dma_start3A_831 : memref<10240x128xbf16, #tpu.memory_space<hbm>>) target(%dma_start3A_821 : memref<125x128xbf16, #tpu.memory_space<vmem>>) offsets(%dma_start3A_824 : memref<125xi32, #tpu.memory_space<vmem>>) semaphore(%arg18 : memref<!tpu.dma_semaphore, #tpu.memory_space<semaphore_mem>>)
      } else {
      }
      %mul3A_487 = arith.constant 8 : i32
      %mul3A_488 = arith.muli %scan3A_444, %mul3A_487 : i32
      %add3A_489 = arith.constant 1 : i32
      %add3A_490 = arith.addi %mul3A_488, %add3A_489 : i32
      %dma_wait3A_491 = arith.constant 1 : i32
      %dma_wait3A_492 = arith.constant 0 : i32
      %dma_wait3A_493 = arith.constant 0 : i32
      %dma_wait3A_494 = tpu.memref_slice %arg9[%dma_wait3A_491, %dma_wait3A_492, %dma_wait3A_493] : memref<8x125x128xbf16, #tpu.memory_space<vmem>> -> memref<1x125x128xbf16, #tpu.memory_space<vmem>>
      %dma_wait3A_495 = tpu.memref_squeeze %dma_wait3A_494 : memref<1x125x128xbf16, #tpu.memory_space<vmem>> -> memref<125x128xbf16, #tpu.memory_space<vmem>>
      %dma_wait3A_496 = arith.constant 0 : i32
      %dma_wait3A_497 = tpu.memref_slice %arg7[%add3A_490, %dma_wait3A_496] : memref<80x125xi32, #tpu.memory_space<vmem>> -> memref<1x125xi32, #tpu.memory_space<vmem>>
      %dma_wait3A_498 = tpu.memref_squeeze %dma_wait3A_497 : memref<1x125xi32, #tpu.memory_space<vmem>> -> memref<125xi32, #tpu.memory_space<vmem>>
      %dma_wait3A_499 = arith.constant 0 : i32
      %dma_wait3A_500 = arith.constant 0 : i32
      %dma_wait3A_501 = tpu.memref_slice %arg2[%add3A_0, %dma_wait3A_499, %dma_wait3A_500] : memref<4x10240x128xbf16, #tpu.memory_space<hbm>> -> memref<1x10240x128xbf16, #tpu.memory_space<hbm>>
      %dma_wait3A_502 = tpu.memref_squeeze %dma_wait3A_501 : memref<1x10240x128xbf16, #tpu.memory_space<hbm>> -> memref<10240x128xbf16, #tpu.memory_space<hbm>>
      %dma_wait3A_503 = arith.constant 0 : i32
      %dma_wait3A_504 = arith.constant 0 : i32
      %dma_wait3A_505 = tpu.memref_slice %dma_wait3A_502[%dma_wait3A_503, %dma_wait3A_504] : memref<10240x128xbf16, #tpu.memory_space<hbm>> -> memref<10240x128xbf16, #tpu.memory_space<hbm>>
      tpu.wait_indirect_dma semaphore(%arg12 : memref<!tpu.dma_semaphore, #tpu.memory_space<semaphore_mem>>) src(%dma_wait3A_505 : memref<10240x128xbf16, #tpu.memory_space<hbm>>) dst(%dma_wait3A_495 : memref<125x128xbf16, #tpu.memory_space<vmem>>)
      %dma_start3A_506 = arith.constant 1 : i32
      %dma_start3A_507 = arith.constant 0 : i32
      %dma_start3A_508 = arith.constant 0 : i32
      %dma_start3A_509 = tpu.memref_slice %arg9[%dma_start3A_506, %dma_start3A_507, %dma_start3A_508] : memref<8x125x128xbf16, #tpu.memory_space<vmem>> -> memref<1x125x128xbf16, #tpu.memory_space<vmem>>
      %dma_start3A_510 = tpu.memref_squeeze %dma_start3A_509 : memref<1x125x128xbf16, #tpu.memory_space<vmem>> -> memref<125x128xbf16, #tpu.memory_space<vmem>>
      %dma_start3A_511 = arith.constant 0 : i32
      %dma_start3A_512 = tpu.memref_slice %arg8[%add3A_490, %dma_start3A_511] : memref<80x125xi32, #tpu.memory_space<vmem>> -> memref<1x125xi32, #tpu.memory_space<vmem>>
      %dma_start3A_513 = tpu.memref_squeeze %dma_start3A_512 : memref<1x125xi32, #tpu.memory_space<vmem>> -> memref<125xi32, #tpu.memory_space<vmem>>
      %dma_start3A_514 = arith.constant 0 : i32
      %dma_start3A_515 = arith.constant 0 : i32
      %dma_start3A_516 = tpu.memref_slice %arg10[%dma_start3A_514, %dma_start3A_515] : memref<10240x128xbf16, #tpu.memory_space<vmem_shared>> -> memref<10240x128xbf16, #tpu.memory_space<vmem_shared>>
      tpu.enqueue_indirect_dma source(%dma_start3A_510 : memref<125x128xbf16, #tpu.memory_space<vmem>>) target(%dma_start3A_516 : memref<10240x128xbf16, #tpu.memory_space<vmem_shared>>) offsets(%dma_start3A_513 : memref<125xi32, #tpu.memory_space<vmem>>) semaphore(%arg20 : memref<!tpu.dma_semaphore, #tpu.memory_space<semaphore_mem>>) {add = true}
      %add3A_517 = arith.constant 8 : i32
      %add3A_518 = arith.addi %add3A_490, %add3A_517 : i32
      %sub3A_519 = arith.constant 1 : i32
      %sub3A_520 = arith.subi %add3A_518, %sub3A_519 : i32
      %gt3A_521 = arith.constant 0 : i32
      %gt3A_522 = arith.cmpi sgt, %add3A_490, %gt3A_521 : i32
      %lt3A_523 = arith.constant 80 : i32
      %lt3A_524 = arith.cmpi slt, %sub3A_520, %lt3A_523 : i32
      %and3A_525 = arith.andi %gt3A_522, %lt3A_524 : i1
      %convert_element_type3A_526 = arith.extui %and3A_525 : i1 to i32
      %cond3A_527 = arith.constant 0 : i32
      %cond3A_528 = arith.cmpi ne, %convert_element_type3A_526, %cond3A_527 : i32
      scf.if %cond3A_528 {
        %sub3A_817 = arith.constant 1 : i32
        %sub3A_818 = arith.subi %add3A_490, %sub3A_817 : i32
        %dma_wait3A_819 = arith.constant 0 : i32
        %dma_wait3A_820 = arith.constant 0 : i32
        %dma_wait3A_821 = arith.constant 0 : i32
        %dma_wait3A_822 = tpu.memref_slice %arg9[%dma_wait3A_819, %dma_wait3A_820, %dma_wait3A_821] : memref<8x125x128xbf16, #tpu.memory_space<vmem>> -> memref<1x125x128xbf16, #tpu.memory_space<vmem>>
        %dma_wait3A_823 = tpu.memref_squeeze %dma_wait3A_822 : memref<1x125x128xbf16, #tpu.memory_space<vmem>> -> memref<125x128xbf16, #tpu.memory_space<vmem>>
        %dma_wait3A_824 = arith.constant 0 : i32
        %dma_wait3A_825 = tpu.memref_slice %arg8[%sub3A_818, %dma_wait3A_824] : memref<80x125xi32, #tpu.memory_space<vmem>> -> memref<1x125xi32, #tpu.memory_space<vmem>>
        %dma_wait3A_826 = tpu.memref_squeeze %dma_wait3A_825 : memref<1x125xi32, #tpu.memory_space<vmem>> -> memref<125xi32, #tpu.memory_space<vmem>>
        %dma_wait3A_827 = arith.constant 0 : i32
        %dma_wait3A_828 = arith.constant 0 : i32
        %dma_wait3A_829 = tpu.memref_slice %arg10[%dma_wait3A_827, %dma_wait3A_828] : memref<10240x128xbf16, #tpu.memory_space<vmem_shared>> -> memref<10240x128xbf16, #tpu.memory_space<vmem_shared>>
        tpu.wait_indirect_dma semaphore(%arg19 : memref<!tpu.dma_semaphore, #tpu.memory_space<semaphore_mem>>) src(%dma_wait3A_823 : memref<125x128xbf16, #tpu.memory_space<vmem>>) dst(%dma_wait3A_829 : memref<10240x128xbf16, #tpu.memory_space<vmem_shared>>)
      } else {
      }
      %lt3A_529 = arith.constant 80 : i32
      %lt3A_530 = arith.cmpi slt, %sub3A_520, %lt3A_529 : i32
      %convert_element_type3A_531 = arith.extui %lt3A_530 : i1 to i32
      %cond3A_532 = arith.constant 0 : i32
      %cond3A_533 = arith.cmpi ne, %convert_element_type3A_531, %cond3A_532 : i32
      scf.if %cond3A_533 {
        %dma_start3A_817 = arith.constant 0 : i32
        %dma_start3A_818 = arith.constant 0 : i32
        %dma_start3A_819 = arith.constant 0 : i32
        %dma_start3A_820 = tpu.memref_slice %arg9[%dma_start3A_817, %dma_start3A_818, %dma_start3A_819] : memref<8x125x128xbf16, #tpu.memory_space<vmem>> -> memref<1x125x128xbf16, #tpu.memory_space<vmem>>
        %dma_start3A_821 = tpu.memref_squeeze %dma_start3A_820 : memref<1x125x128xbf16, #tpu.memory_space<vmem>> -> memref<125x128xbf16, #tpu.memory_space<vmem>>
        %dma_start3A_822 = arith.constant 0 : i32
        %dma_start3A_823 = tpu.memref_slice %arg7[%sub3A_520, %dma_start3A_822] : memref<80x125xi32, #tpu.memory_space<vmem>> -> memref<1x125xi32, #tpu.memory_space<vmem>>
        %dma_start3A_824 = tpu.memref_squeeze %dma_start3A_823 : memref<1x125xi32, #tpu.memory_space<vmem>> -> memref<125xi32, #tpu.memory_space<vmem>>
        %dma_start3A_825 = arith.constant 0 : i32
        %dma_start3A_826 = arith.constant 0 : i32
        %dma_start3A_827 = tpu.memref_slice %arg2[%add3A_0, %dma_start3A_825, %dma_start3A_826] : memref<4x10240x128xbf16, #tpu.memory_space<hbm>> -> memref<1x10240x128xbf16, #tpu.memory_space<hbm>>
        %dma_start3A_828 = tpu.memref_squeeze %dma_start3A_827 : memref<1x10240x128xbf16, #tpu.memory_space<hbm>> -> memref<10240x128xbf16, #tpu.memory_space<hbm>>
        %dma_start3A_829 = arith.constant 0 : i32
        %dma_start3A_830 = arith.constant 0 : i32
        %dma_start3A_831 = tpu.memref_slice %dma_start3A_828[%dma_start3A_829, %dma_start3A_830] : memref<10240x128xbf16, #tpu.memory_space<hbm>> -> memref<10240x128xbf16, #tpu.memory_space<hbm>>
        tpu.enqueue_indirect_dma source(%dma_start3A_831 : memref<10240x128xbf16, #tpu.memory_space<hbm>>) target(%dma_start3A_821 : memref<125x128xbf16, #tpu.memory_space<vmem>>) offsets(%dma_start3A_824 : memref<125xi32, #tpu.memory_space<vmem>>) semaphore(%arg11 : memref<!tpu.dma_semaphore, #tpu.memory_space<semaphore_mem>>)
      } else {
      }
      %mul3A_534 = arith.constant 8 : i32
      %mul3A_535 = arith.muli %scan3A_444, %mul3A_534 : i32
      %add3A_536 = arith.constant 2 : i32
      %add3A_537 = arith.addi %mul3A_535, %add3A_536 : i32
      %dma_wait3A_538 = arith.constant 2 : i32
      %dma_wait3A_539 = arith.constant 0 : i32
      %dma_wait3A_540 = arith.constant 0 : i32
      %dma_wait3A_541 = tpu.memref_slice %arg9[%dma_wait3A_538, %dma_wait3A_539, %dma_wait3A_540] : memref<8x125x128xbf16, #tpu.memory_space<vmem>> -> memref<1x125x128xbf16, #tpu.memory_space<vmem>>
      %dma_wait3A_542 = tpu.memref_squeeze %dma_wait3A_541 : memref<1x125x128xbf16, #tpu.memory_space<vmem>> -> memref<125x128xbf16, #tpu.memory_space<vmem>>
      %dma_wait3A_543 = arith.constant 0 : i32
      %dma_wait3A_544 = tpu.memref_slice %arg7[%add3A_537, %dma_wait3A_543] : memref<80x125xi32, #tpu.memory_space<vmem>> -> memref<1x125xi32, #tpu.memory_space<vmem>>
      %dma_wait3A_545 = tpu.memref_squeeze %dma_wait3A_544 : memref<1x125xi32, #tpu.memory_space<vmem>> -> memref<125xi32, #tpu.memory_space<vmem>>
      %dma_wait3A_546 = arith.constant 0 : i32
      %dma_wait3A_547 = arith.constant 0 : i32
      %dma_wait3A_548 = tpu.memref_slice %arg2[%add3A_0, %dma_wait3A_546, %dma_wait3A_547] : memref<4x10240x128xbf16, #tpu.memory_space<hbm>> -> memref<1x10240x128xbf16, #tpu.memory_space<hbm>>
      %dma_wait3A_549 = tpu.memref_squeeze %dma_wait3A_548 : memref<1x10240x128xbf16, #tpu.memory_space<hbm>> -> memref<10240x128xbf16, #tpu.memory_space<hbm>>
      %dma_wait3A_550 = arith.constant 0 : i32
      %dma_wait3A_551 = arith.constant 0 : i32
      %dma_wait3A_552 = tpu.memref_slice %dma_wait3A_549[%dma_wait3A_550, %dma_wait3A_551] : memref<10240x128xbf16, #tpu.memory_space<hbm>> -> memref<10240x128xbf16, #tpu.memory_space<hbm>>
      tpu.wait_indirect_dma semaphore(%arg13 : memref<!tpu.dma_semaphore, #tpu.memory_space<semaphore_mem>>) src(%dma_wait3A_552 : memref<10240x128xbf16, #tpu.memory_space<hbm>>) dst(%dma_wait3A_542 : memref<125x128xbf16, #tpu.memory_space<vmem>>)
      %dma_start3A_553 = arith.constant 2 : i32
      %dma_start3A_554 = arith.constant 0 : i32
      %dma_start3A_555 = arith.constant 0 : i32
      %dma_start3A_556 = tpu.memref_slice %arg9[%dma_start3A_553, %dma_start3A_554, %dma_start3A_555] : memref<8x125x128xbf16, #tpu.memory_space<vmem>> -> memref<1x125x128xbf16, #tpu.memory_space<vmem>>
      %dma_start3A_557 = tpu.memref_squeeze %dma_start3A_556 : memref<1x125x128xbf16, #tpu.memory_space<vmem>> -> memref<125x128xbf16, #tpu.memory_space<vmem>>
      %dma_start3A_558 = arith.constant 0 : i32
      %dma_start3A_559 = tpu.memref_slice %arg8[%add3A_537, %dma_start3A_558] : memref<80x125xi32, #tpu.memory_space<vmem>> -> memref<1x125xi32, #tpu.memory_space<vmem>>
      %dma_start3A_560 = tpu.memref_squeeze %dma_start3A_559 : memref<1x125xi32, #tpu.memory_space<vmem>> -> memref<125xi32, #tpu.memory_space<vmem>>
      %dma_start3A_561 = arith.constant 0 : i32
      %dma_start3A_562 = arith.constant 0 : i32
      %dma_start3A_563 = tpu.memref_slice %arg10[%dma_start3A_561, %dma_start3A_562] : memref<10240x128xbf16, #tpu.memory_space<vmem_shared>> -> memref<10240x128xbf16, #tpu.memory_space<vmem_shared>>
      tpu.enqueue_indirect_dma source(%dma_start3A_557 : memref<125x128xbf16, #tpu.memory_space<vmem>>) target(%dma_start3A_563 : memref<10240x128xbf16, #tpu.memory_space<vmem_shared>>) offsets(%dma_start3A_560 : memref<125xi32, #tpu.memory_space<vmem>>) semaphore(%arg21 : memref<!tpu.dma_semaphore, #tpu.memory_space<semaphore_mem>>) {add = true}
      %add3A_564 = arith.constant 8 : i32
      %add3A_565 = arith.addi %add3A_537, %add3A_564 : i32
      %sub3A_566 = arith.constant 1 : i32
      %sub3A_567 = arith.subi %add3A_565, %sub3A_566 : i32
      %gt3A_568 = arith.constant 0 : i32
      %gt3A_569 = arith.cmpi sgt, %add3A_537, %gt3A_568 : i32
      %lt3A_570 = arith.constant 80 : i32
      %lt3A_571 = arith.cmpi slt, %sub3A_567, %lt3A_570 : i32
      %and3A_572 = arith.andi %gt3A_569, %lt3A_571 : i1
      %convert_element_type3A_573 = arith.extui %and3A_572 : i1 to i32
      %cond3A_574 = arith.constant 0 : i32
      %cond3A_575 = arith.cmpi ne, %convert_element_type3A_573, %cond3A_574 : i32
      scf.if %cond3A_575 {
        %sub3A_817 = arith.constant 1 : i32
        %sub3A_818 = arith.subi %add3A_537, %sub3A_817 : i32
        %dma_wait3A_819 = arith.constant 1 : i32
        %dma_wait3A_820 = arith.constant 0 : i32
        %dma_wait3A_821 = arith.constant 0 : i32
        %dma_wait3A_822 = tpu.memref_slice %arg9[%dma_wait3A_819, %dma_wait3A_820, %dma_wait3A_821] : memref<8x125x128xbf16, #tpu.memory_space<vmem>> -> memref<1x125x128xbf16, #tpu.memory_space<vmem>>
        %dma_wait3A_823 = tpu.memref_squeeze %dma_wait3A_822 : memref<1x125x128xbf16, #tpu.memory_space<vmem>> -> memref<125x128xbf16, #tpu.memory_space<vmem>>
        %dma_wait3A_824 = arith.constant 0 : i32
        %dma_wait3A_825 = tpu.memref_slice %arg8[%sub3A_818, %dma_wait3A_824] : memref<80x125xi32, #tpu.memory_space<vmem>> -> memref<1x125xi32, #tpu.memory_space<vmem>>
        %dma_wait3A_826 = tpu.memref_squeeze %dma_wait3A_825 : memref<1x125xi32, #tpu.memory_space<vmem>> -> memref<125xi32, #tpu.memory_space<vmem>>
        %dma_wait3A_827 = arith.constant 0 : i32
        %dma_wait3A_828 = arith.constant 0 : i32
        %dma_wait3A_829 = tpu.memref_slice %arg10[%dma_wait3A_827, %dma_wait3A_828] : memref<10240x128xbf16, #tpu.memory_space<vmem_shared>> -> memref<10240x128xbf16, #tpu.memory_space<vmem_shared>>
        tpu.wait_indirect_dma semaphore(%arg20 : memref<!tpu.dma_semaphore, #tpu.memory_space<semaphore_mem>>) src(%dma_wait3A_823 : memref<125x128xbf16, #tpu.memory_space<vmem>>) dst(%dma_wait3A_829 : memref<10240x128xbf16, #tpu.memory_space<vmem_shared>>)
      } else {
      }
      %lt3A_576 = arith.constant 80 : i32
      %lt3A_577 = arith.cmpi slt, %sub3A_567, %lt3A_576 : i32
      %convert_element_type3A_578 = arith.extui %lt3A_577 : i1 to i32
      %cond3A_579 = arith.constant 0 : i32
      %cond3A_580 = arith.cmpi ne, %convert_element_type3A_578, %cond3A_579 : i32
      scf.if %cond3A_580 {
        %dma_start3A_817 = arith.constant 1 : i32
        %dma_start3A_818 = arith.constant 0 : i32
        %dma_start3A_819 = arith.constant 0 : i32
        %dma_start3A_820 = tpu.memref_slice %arg9[%dma_start3A_817, %dma_start3A_818, %dma_start3A_819] : memref<8x125x128xbf16, #tpu.memory_space<vmem>> -> memref<1x125x128xbf16, #tpu.memory_space<vmem>>
        %dma_start3A_821 = tpu.memref_squeeze %dma_start3A_820 : memref<1x125x128xbf16, #tpu.memory_space<vmem>> -> memref<125x128xbf16, #tpu.memory_space<vmem>>
        %dma_start3A_822 = arith.constant 0 : i32
        %dma_start3A_823 = tpu.memref_slice %arg7[%sub3A_567, %dma_start3A_822] : memref<80x125xi32, #tpu.memory_space<vmem>> -> memref<1x125xi32, #tpu.memory_space<vmem>>
        %dma_start3A_824 = tpu.memref_squeeze %dma_start3A_823 : memref<1x125xi32, #tpu.memory_space<vmem>> -> memref<125xi32, #tpu.memory_space<vmem>>
        %dma_start3A_825 = arith.constant 0 : i32
        %dma_start3A_826 = arith.constant 0 : i32
        %dma_start3A_827 = tpu.memref_slice %arg2[%add3A_0, %dma_start3A_825, %dma_start3A_826] : memref<4x10240x128xbf16, #tpu.memory_space<hbm>> -> memref<1x10240x128xbf16, #tpu.memory_space<hbm>>
        %dma_start3A_828 = tpu.memref_squeeze %dma_start3A_827 : memref<1x10240x128xbf16, #tpu.memory_space<hbm>> -> memref<10240x128xbf16, #tpu.memory_space<hbm>>
        %dma_start3A_829 = arith.constant 0 : i32
        %dma_start3A_830 = arith.constant 0 : i32
        %dma_start3A_831 = tpu.memref_slice %dma_start3A_828[%dma_start3A_829, %dma_start3A_830] : memref<10240x128xbf16, #tpu.memory_space<hbm>> -> memref<10240x128xbf16, #tpu.memory_space<hbm>>
        tpu.enqueue_indirect_dma source(%dma_start3A_831 : memref<10240x128xbf16, #tpu.memory_space<hbm>>) target(%dma_start3A_821 : memref<125x128xbf16, #tpu.memory_space<vmem>>) offsets(%dma_start3A_824 : memref<125xi32, #tpu.memory_space<vmem>>) semaphore(%arg12 : memref<!tpu.dma_semaphore, #tpu.memory_space<semaphore_mem>>)
      } else {
      }
      %mul3A_581 = arith.constant 8 : i32
      %mul3A_582 = arith.muli %scan3A_444, %mul3A_581 : i32
      %add3A_583 = arith.constant 3 : i32
      %add3A_584 = arith.addi %mul3A_582, %add3A_583 : i32
      %dma_wait3A_585 = arith.constant 3 : i32
      %dma_wait3A_586 = arith.constant 0 : i32
      %dma_wait3A_587 = arith.constant 0 : i32
      %dma_wait3A_588 = tpu.memref_slice %arg9[%dma_wait3A_585, %dma_wait3A_586, %dma_wait3A_587] : memref<8x125x128xbf16, #tpu.memory_space<vmem>> -> memref<1x125x128xbf16, #tpu.memory_space<vmem>>
      %dma_wait3A_589 = tpu.memref_squeeze %dma_wait3A_588 : memref<1x125x128xbf16, #tpu.memory_space<vmem>> -> memref<125x128xbf16, #tpu.memory_space<vmem>>
      %dma_wait3A_590 = arith.constant 0 : i32
      %dma_wait3A_591 = tpu.memref_slice %arg7[%add3A_584, %dma_wait3A_590] : memref<80x125xi32, #tpu.memory_space<vmem>> -> memref<1x125xi32, #tpu.memory_space<vmem>>
      %dma_wait3A_592 = tpu.memref_squeeze %dma_wait3A_591 : memref<1x125xi32, #tpu.memory_space<vmem>> -> memref<125xi32, #tpu.memory_space<vmem>>
      %dma_wait3A_593 = arith.constant 0 : i32
      %dma_wait3A_594 = arith.constant 0 : i32
      %dma_wait3A_595 = tpu.memref_slice %arg2[%add3A_0, %dma_wait3A_593, %dma_wait3A_594] : memref<4x10240x128xbf16, #tpu.memory_space<hbm>> -> memref<1x10240x128xbf16, #tpu.memory_space<hbm>>
      %dma_wait3A_596 = tpu.memref_squeeze %dma_wait3A_595 : memref<1x10240x128xbf16, #tpu.memory_space<hbm>> -> memref<10240x128xbf16, #tpu.memory_space<hbm>>
      %dma_wait3A_597 = arith.constant 0 : i32
      %dma_wait3A_598 = arith.constant 0 : i32
      %dma_wait3A_599 = tpu.memref_slice %dma_wait3A_596[%dma_wait3A_597, %dma_wait3A_598] : memref<10240x128xbf16, #tpu.memory_space<hbm>> -> memref<10240x128xbf16, #tpu.memory_space<hbm>>
      tpu.wait_indirect_dma semaphore(%arg14 : memref<!tpu.dma_semaphore, #tpu.memory_space<semaphore_mem>>) src(%dma_wait3A_599 : memref<10240x128xbf16, #tpu.memory_space<hbm>>) dst(%dma_wait3A_589 : memref<125x128xbf16, #tpu.memory_space<vmem>>)
      %dma_start3A_600 = arith.constant 3 : i32
      %dma_start3A_601 = arith.constant 0 : i32
      %dma_start3A_602 = arith.constant 0 : i32
      %dma_start3A_603 = tpu.memref_slice %arg9[%dma_start3A_600, %dma_start3A_601, %dma_start3A_602] : memref<8x125x128xbf16, #tpu.memory_space<vmem>> -> memref<1x125x128xbf16, #tpu.memory_space<vmem>>
      %dma_start3A_604 = tpu.memref_squeeze %dma_start3A_603 : memref<1x125x128xbf16, #tpu.memory_space<vmem>> -> memref<125x128xbf16, #tpu.memory_space<vmem>>
      %dma_start3A_605 = arith.constant 0 : i32
      %dma_start3A_606 = tpu.memref_slice %arg8[%add3A_584, %dma_start3A_605] : memref<80x125xi32, #tpu.memory_space<vmem>> -> memref<1x125xi32, #tpu.memory_space<vmem>>
      %dma_start3A_607 = tpu.memref_squeeze %dma_start3A_606 : memref<1x125xi32, #tpu.memory_space<vmem>> -> memref<125xi32, #tpu.memory_space<vmem>>
      %dma_start3A_608 = arith.constant 0 : i32
      %dma_start3A_609 = arith.constant 0 : i32
      %dma_start3A_610 = tpu.memref_slice %arg10[%dma_start3A_608, %dma_start3A_609] : memref<10240x128xbf16, #tpu.memory_space<vmem_shared>> -> memref<10240x128xbf16, #tpu.memory_space<vmem_shared>>
      tpu.enqueue_indirect_dma source(%dma_start3A_604 : memref<125x128xbf16, #tpu.memory_space<vmem>>) target(%dma_start3A_610 : memref<10240x128xbf16, #tpu.memory_space<vmem_shared>>) offsets(%dma_start3A_607 : memref<125xi32, #tpu.memory_space<vmem>>) semaphore(%arg22 : memref<!tpu.dma_semaphore, #tpu.memory_space<semaphore_mem>>) {add = true}
      %add3A_611 = arith.constant 8 : i32
      %add3A_612 = arith.addi %add3A_584, %add3A_611 : i32
      %sub3A_613 = arith.constant 1 : i32
      %sub3A_614 = arith.subi %add3A_612, %sub3A_613 : i32
      %gt3A_615 = arith.constant 0 : i32
      %gt3A_616 = arith.cmpi sgt, %add3A_584, %gt3A_615 : i32
      %lt3A_617 = arith.constant 80 : i32
      %lt3A_618 = arith.cmpi slt, %sub3A_614, %lt3A_617 : i32
      %and3A_619 = arith.andi %gt3A_616, %lt3A_618 : i1
      %convert_element_type3A_620 = arith.extui %and3A_619 : i1 to i32
      %cond3A_621 = arith.constant 0 : i32
      %cond3A_622 = arith.cmpi ne, %convert_element_type3A_620, %cond3A_621 : i32
      scf.if %cond3A_622 {
        %sub3A_817 = arith.constant 1 : i32
        %sub3A_818 = arith.subi %add3A_584, %sub3A_817 : i32
        %dma_wait3A_819 = arith.constant 2 : i32
        %dma_wait3A_820 = arith.constant 0 : i32
        %dma_wait3A_821 = arith.constant 0 : i32
        %dma_wait3A_822 = tpu.memref_slice %arg9[%dma_wait3A_819, %dma_wait3A_820, %dma_wait3A_821] : memref<8x125x128xbf16, #tpu.memory_space<vmem>> -> memref<1x125x128xbf16, #tpu.memory_space<vmem>>
        %dma_wait3A_823 = tpu.memref_squeeze %dma_wait3A_822 : memref<1x125x128xbf16, #tpu.memory_space<vmem>> -> memref<125x128xbf16, #tpu.memory_space<vmem>>
        %dma_wait3A_824 = arith.constant 0 : i32
        %dma_wait3A_825 = tpu.memref_slice %arg8[%sub3A_818, %dma_wait3A_824] : memref<80x125xi32, #tpu.memory_space<vmem>> -> memref<1x125xi32, #tpu.memory_space<vmem>>
        %dma_wait3A_826 = tpu.memref_squeeze %dma_wait3A_825 : memref<1x125xi32, #tpu.memory_space<vmem>> -> memref<125xi32, #tpu.memory_space<vmem>>
        %dma_wait3A_827 = arith.constant 0 : i32
        %dma_wait3A_828 = arith.constant 0 : i32
        %dma_wait3A_829 = tpu.memref_slice %arg10[%dma_wait3A_827, %dma_wait3A_828] : memref<10240x128xbf16, #tpu.memory_space<vmem_shared>> -> memref<10240x128xbf16, #tpu.memory_space<vmem_shared>>
        tpu.wait_indirect_dma semaphore(%arg21 : memref<!tpu.dma_semaphore, #tpu.memory_space<semaphore_mem>>) src(%dma_wait3A_823 : memref<125x128xbf16, #tpu.memory_space<vmem>>) dst(%dma_wait3A_829 : memref<10240x128xbf16, #tpu.memory_space<vmem_shared>>)
      } else {
      }
      %lt3A_623 = arith.constant 80 : i32
      %lt3A_624 = arith.cmpi slt, %sub3A_614, %lt3A_623 : i32
      %convert_element_type3A_625 = arith.extui %lt3A_624 : i1 to i32
      %cond3A_626 = arith.constant 0 : i32
      %cond3A_627 = arith.cmpi ne, %convert_element_type3A_625, %cond3A_626 : i32
      scf.if %cond3A_627 {
        %dma_start3A_817 = arith.constant 2 : i32
        %dma_start3A_818 = arith.constant 0 : i32
        %dma_start3A_819 = arith.constant 0 : i32
        %dma_start3A_820 = tpu.memref_slice %arg9[%dma_start3A_817, %dma_start3A_818, %dma_start3A_819] : memref<8x125x128xbf16, #tpu.memory_space<vmem>> -> memref<1x125x128xbf16, #tpu.memory_space<vmem>>
        %dma_start3A_821 = tpu.memref_squeeze %dma_start3A_820 : memref<1x125x128xbf16, #tpu.memory_space<vmem>> -> memref<125x128xbf16, #tpu.memory_space<vmem>>
        %dma_start3A_822 = arith.constant 0 : i32
        %dma_start3A_823 = tpu.memref_slice %arg7[%sub3A_614, %dma_start3A_822] : memref<80x125xi32, #tpu.memory_space<vmem>> -> memref<1x125xi32, #tpu.memory_space<vmem>>
        %dma_start3A_824 = tpu.memref_squeeze %dma_start3A_823 : memref<1x125xi32, #tpu.memory_space<vmem>> -> memref<125xi32, #tpu.memory_space<vmem>>
        %dma_start3A_825 = arith.constant 0 : i32
        %dma_start3A_826 = arith.constant 0 : i32
        %dma_start3A_827 = tpu.memref_slice %arg2[%add3A_0, %dma_start3A_825, %dma_start3A_826] : memref<4x10240x128xbf16, #tpu.memory_space<hbm>> -> memref<1x10240x128xbf16, #tpu.memory_space<hbm>>
        %dma_start3A_828 = tpu.memref_squeeze %dma_start3A_827 : memref<1x10240x128xbf16, #tpu.memory_space<hbm>> -> memref<10240x128xbf16, #tpu.memory_space<hbm>>
        %dma_start3A_829 = arith.constant 0 : i32
        %dma_start3A_830 = arith.constant 0 : i32
        %dma_start3A_831 = tpu.memref_slice %dma_start3A_828[%dma_start3A_829, %dma_start3A_830] : memref<10240x128xbf16, #tpu.memory_space<hbm>> -> memref<10240x128xbf16, #tpu.memory_space<hbm>>
        tpu.enqueue_indirect_dma source(%dma_start3A_831 : memref<10240x128xbf16, #tpu.memory_space<hbm>>) target(%dma_start3A_821 : memref<125x128xbf16, #tpu.memory_space<vmem>>) offsets(%dma_start3A_824 : memref<125xi32, #tpu.memory_space<vmem>>) semaphore(%arg13 : memref<!tpu.dma_semaphore, #tpu.memory_space<semaphore_mem>>)
      } else {
      }
      %mul3A_628 = arith.constant 8 : i32
      %mul3A_629 = arith.muli %scan3A_444, %mul3A_628 : i32
      %add3A_630 = arith.constant 4 : i32
      %add3A_631 = arith.addi %mul3A_629, %add3A_630 : i32
      %dma_wait3A_632 = arith.constant 4 : i32
      %dma_wait3A_633 = arith.constant 0 : i32
      %dma_wait3A_634 = arith.constant 0 : i32
      %dma_wait3A_635 = tpu.memref_slice %arg9[%dma_wait3A_632, %dma_wait3A_633, %dma_wait3A_634] : memref<8x125x128xbf16, #tpu.memory_space<vmem>> -> memref<1x125x128xbf16, #tpu.memory_space<vmem>>
      %dma_wait3A_636 = tpu.memref_squeeze %dma_wait3A_635 : memref<1x125x128xbf16, #tpu.memory_space<vmem>> -> memref<125x128xbf16, #tpu.memory_space<vmem>>
      %dma_wait3A_637 = arith.constant 0 : i32
      %dma_wait3A_638 = tpu.memref_slice %arg7[%add3A_631, %dma_wait3A_637] : memref<80x125xi32, #tpu.memory_space<vmem>> -> memref<1x125xi32, #tpu.memory_space<vmem>>
      %dma_wait3A_639 = tpu.memref_squeeze %dma_wait3A_638 : memref<1x125xi32, #tpu.memory_space<vmem>> -> memref<125xi32, #tpu.memory_space<vmem>>
      %dma_wait3A_640 = arith.constant 0 : i32
      %dma_wait3A_641 = arith.constant 0 : i32
      %dma_wait3A_642 = tpu.memref_slice %arg2[%add3A_0, %dma_wait3A_640, %dma_wait3A_641] : memref<4x10240x128xbf16, #tpu.memory_space<hbm>> -> memref<1x10240x128xbf16, #tpu.memory_space<hbm>>
      %dma_wait3A_643 = tpu.memref_squeeze %dma_wait3A_642 : memref<1x10240x128xbf16, #tpu.memory_space<hbm>> -> memref<10240x128xbf16, #tpu.memory_space<hbm>>
      %dma_wait3A_644 = arith.constant 0 : i32
      %dma_wait3A_645 = arith.constant 0 : i32
      %dma_wait3A_646 = tpu.memref_slice %dma_wait3A_643[%dma_wait3A_644, %dma_wait3A_645] : memref<10240x128xbf16, #tpu.memory_space<hbm>> -> memref<10240x128xbf16, #tpu.memory_space<hbm>>
      tpu.wait_indirect_dma semaphore(%arg15 : memref<!tpu.dma_semaphore, #tpu.memory_space<semaphore_mem>>) src(%dma_wait3A_646 : memref<10240x128xbf16, #tpu.memory_space<hbm>>) dst(%dma_wait3A_636 : memref<125x128xbf16, #tpu.memory_space<vmem>>)
      %dma_start3A_647 = arith.constant 4 : i32
      %dma_start3A_648 = arith.constant 0 : i32
      %dma_start3A_649 = arith.constant 0 : i32
      %dma_start3A_650 = tpu.memref_slice %arg9[%dma_start3A_647, %dma_start3A_648, %dma_start3A_649] : memref<8x125x128xbf16, #tpu.memory_space<vmem>> -> memref<1x125x128xbf16, #tpu.memory_space<vmem>>
      %dma_start3A_651 = tpu.memref_squeeze %dma_start3A_650 : memref<1x125x128xbf16, #tpu.memory_space<vmem>> -> memref<125x128xbf16, #tpu.memory_space<vmem>>
      %dma_start3A_652 = arith.constant 0 : i32
      %dma_start3A_653 = tpu.memref_slice %arg8[%add3A_631, %dma_start3A_652] : memref<80x125xi32, #tpu.memory_space<vmem>> -> memref<1x125xi32, #tpu.memory_space<vmem>>
      %dma_start3A_654 = tpu.memref_squeeze %dma_start3A_653 : memref<1x125xi32, #tpu.memory_space<vmem>> -> memref<125xi32, #tpu.memory_space<vmem>>
      %dma_start3A_655 = arith.constant 0 : i32
      %dma_start3A_656 = arith.constant 0 : i32
      %dma_start3A_657 = tpu.memref_slice %arg10[%dma_start3A_655, %dma_start3A_656] : memref<10240x128xbf16, #tpu.memory_space<vmem_shared>> -> memref<10240x128xbf16, #tpu.memory_space<vmem_shared>>
      tpu.enqueue_indirect_dma source(%dma_start3A_651 : memref<125x128xbf16, #tpu.memory_space<vmem>>) target(%dma_start3A_657 : memref<10240x128xbf16, #tpu.memory_space<vmem_shared>>) offsets(%dma_start3A_654 : memref<125xi32, #tpu.memory_space<vmem>>) semaphore(%arg23 : memref<!tpu.dma_semaphore, #tpu.memory_space<semaphore_mem>>) {add = true}
      %add3A_658 = arith.constant 8 : i32
      %add3A_659 = arith.addi %add3A_631, %add3A_658 : i32
      %sub3A_660 = arith.constant 1 : i32
      %sub3A_661 = arith.subi %add3A_659, %sub3A_660 : i32
      %gt3A_662 = arith.constant 0 : i32
      %gt3A_663 = arith.cmpi sgt, %add3A_631, %gt3A_662 : i32
      %lt3A_664 = arith.constant 80 : i32
      %lt3A_665 = arith.cmpi slt, %sub3A_661, %lt3A_664 : i32
      %and3A_666 = arith.andi %gt3A_663, %lt3A_665 : i1
      %convert_element_type3A_667 = arith.extui %and3A_666 : i1 to i32
      %cond3A_668 = arith.constant 0 : i32
      %cond3A_669 = arith.cmpi ne, %convert_element_type3A_667, %cond3A_668 : i32
      scf.if %cond3A_669 {
        %sub3A_817 = arith.constant 1 : i32
        %sub3A_818 = arith.subi %add3A_631, %sub3A_817 : i32
        %dma_wait3A_819 = arith.constant 3 : i32
        %dma_wait3A_820 = arith.constant 0 : i32
        %dma_wait3A_821 = arith.constant 0 : i32
        %dma_wait3A_822 = tpu.memref_slice %arg9[%dma_wait3A_819, %dma_wait3A_820, %dma_wait3A_821] : memref<8x125x128xbf16, #tpu.memory_space<vmem>> -> memref<1x125x128xbf16, #tpu.memory_space<vmem>>
        %dma_wait3A_823 = tpu.memref_squeeze %dma_wait3A_822 : memref<1x125x128xbf16, #tpu.memory_space<vmem>> -> memref<125x128xbf16, #tpu.memory_space<vmem>>
        %dma_wait3A_824 = arith.constant 0 : i32
        %dma_wait3A_825 = tpu.memref_slice %arg8[%sub3A_818, %dma_wait3A_824] : memref<80x125xi32, #tpu.memory_space<vmem>> -> memref<1x125xi32, #tpu.memory_space<vmem>>
        %dma_wait3A_826 = tpu.memref_squeeze %dma_wait3A_825 : memref<1x125xi32, #tpu.memory_space<vmem>> -> memref<125xi32, #tpu.memory_space<vmem>>
        %dma_wait3A_827 = arith.constant 0 : i32
        %dma_wait3A_828 = arith.constant 0 : i32
        %dma_wait3A_829 = tpu.memref_slice %arg10[%dma_wait3A_827, %dma_wait3A_828] : memref<10240x128xbf16, #tpu.memory_space<vmem_shared>> -> memref<10240x128xbf16, #tpu.memory_space<vmem_shared>>
        tpu.wait_indirect_dma semaphore(%arg22 : memref<!tpu.dma_semaphore, #tpu.memory_space<semaphore_mem>>) src(%dma_wait3A_823 : memref<125x128xbf16, #tpu.memory_space<vmem>>) dst(%dma_wait3A_829 : memref<10240x128xbf16, #tpu.memory_space<vmem_shared>>)
      } else {
      }
      %lt3A_670 = arith.constant 80 : i32
      %lt3A_671 = arith.cmpi slt, %sub3A_661, %lt3A_670 : i32
      %convert_element_type3A_672 = arith.extui %lt3A_671 : i1 to i32
      %cond3A_673 = arith.constant 0 : i32
      %cond3A_674 = arith.cmpi ne, %convert_element_type3A_672, %cond3A_673 : i32
      scf.if %cond3A_674 {
        %dma_start3A_817 = arith.constant 3 : i32
        %dma_start3A_818 = arith.constant 0 : i32
        %dma_start3A_819 = arith.constant 0 : i32
        %dma_start3A_820 = tpu.memref_slice %arg9[%dma_start3A_817, %dma_start3A_818, %dma_start3A_819] : memref<8x125x128xbf16, #tpu.memory_space<vmem>> -> memref<1x125x128xbf16, #tpu.memory_space<vmem>>
        %dma_start3A_821 = tpu.memref_squeeze %dma_start3A_820 : memref<1x125x128xbf16, #tpu.memory_space<vmem>> -> memref<125x128xbf16, #tpu.memory_space<vmem>>
        %dma_start3A_822 = arith.constant 0 : i32
        %dma_start3A_823 = tpu.memref_slice %arg7[%sub3A_661, %dma_start3A_822] : memref<80x125xi32, #tpu.memory_space<vmem>> -> memref<1x125xi32, #tpu.memory_space<vmem>>
        %dma_start3A_824 = tpu.memref_squeeze %dma_start3A_823 : memref<1x125xi32, #tpu.memory_space<vmem>> -> memref<125xi32, #tpu.memory_space<vmem>>
        %dma_start3A_825 = arith.constant 0 : i32
        %dma_start3A_826 = arith.constant 0 : i32
        %dma_start3A_827 = tpu.memref_slice %arg2[%add3A_0, %dma_start3A_825, %dma_start3A_826] : memref<4x10240x128xbf16, #tpu.memory_space<hbm>> -> memref<1x10240x128xbf16, #tpu.memory_space<hbm>>
        %dma_start3A_828 = tpu.memref_squeeze %dma_start3A_827 : memref<1x10240x128xbf16, #tpu.memory_space<hbm>> -> memref<10240x128xbf16, #tpu.memory_space<hbm>>
        %dma_start3A_829 = arith.constant 0 : i32
        %dma_start3A_830 = arith.constant 0 : i32
        %dma_start3A_831 = tpu.memref_slice %dma_start3A_828[%dma_start3A_829, %dma_start3A_830] : memref<10240x128xbf16, #tpu.memory_space<hbm>> -> memref<10240x128xbf16, #tpu.memory_space<hbm>>
        tpu.enqueue_indirect_dma source(%dma_start3A_831 : memref<10240x128xbf16, #tpu.memory_space<hbm>>) target(%dma_start3A_821 : memref<125x128xbf16, #tpu.memory_space<vmem>>) offsets(%dma_start3A_824 : memref<125xi32, #tpu.memory_space<vmem>>) semaphore(%arg14 : memref<!tpu.dma_semaphore, #tpu.memory_space<semaphore_mem>>)
      } else {
      }
      %mul3A_675 = arith.constant 8 : i32
      %mul3A_676 = arith.muli %scan3A_444, %mul3A_675 : i32
      %add3A_677 = arith.constant 5 : i32
      %add3A_678 = arith.addi %mul3A_676, %add3A_677 : i32
      %dma_wait3A_679 = arith.constant 5 : i32
      %dma_wait3A_680 = arith.constant 0 : i32
      %dma_wait3A_681 = arith.constant 0 : i32
      %dma_wait3A_682 = tpu.memref_slice %arg9[%dma_wait3A_679, %dma_wait3A_680, %dma_wait3A_681] : memref<8x125x128xbf16, #tpu.memory_space<vmem>> -> memref<1x125x128xbf16, #tpu.memory_space<vmem>>
      %dma_wait3A_683 = tpu.memref_squeeze %dma_wait3A_682 : memref<1x125x128xbf16, #tpu.memory_space<vmem>> -> memref<125x128xbf16, #tpu.memory_space<vmem>>
      %dma_wait3A_684 = arith.constant 0 : i32
      %dma_wait3A_685 = tpu.memref_slice %arg7[%add3A_678, %dma_wait3A_684] : memref<80x125xi32, #tpu.memory_space<vmem>> -> memref<1x125xi32, #tpu.memory_space<vmem>>
      %dma_wait3A_686 = tpu.memref_squeeze %dma_wait3A_685 : memref<1x125xi32, #tpu.memory_space<vmem>> -> memref<125xi32, #tpu.memory_space<vmem>>
      %dma_wait3A_687 = arith.constant 0 : i32
      %dma_wait3A_688 = arith.constant 0 : i32
      %dma_wait3A_689 = tpu.memref_slice %arg2[%add3A_0, %dma_wait3A_687, %dma_wait3A_688] : memref<4x10240x128xbf16, #tpu.memory_space<hbm>> -> memref<1x10240x128xbf16, #tpu.memory_space<hbm>>
      %dma_wait3A_690 = tpu.memref_squeeze %dma_wait3A_689 : memref<1x10240x128xbf16, #tpu.memory_space<hbm>> -> memref<10240x128xbf16, #tpu.memory_space<hbm>>
      %dma_wait3A_691 = arith.constant 0 : i32
      %dma_wait3A_692 = arith.constant 0 : i32
      %dma_wait3A_693 = tpu.memref_slice %dma_wait3A_690[%dma_wait3A_691, %dma_wait3A_692] : memref<10240x128xbf16, #tpu.memory_space<hbm>> -> memref<10240x128xbf16, #tpu.memory_space<hbm>>
      tpu.wait_indirect_dma semaphore(%arg16 : memref<!tpu.dma_semaphore, #tpu.memory_space<semaphore_mem>>) src(%dma_wait3A_693 : memref<10240x128xbf16, #tpu.memory_space<hbm>>) dst(%dma_wait3A_683 : memref<125x128xbf16, #tpu.memory_space<vmem>>)
      %dma_start3A_694 = arith.constant 5 : i32
      %dma_start3A_695 = arith.constant 0 : i32
      %dma_start3A_696 = arith.constant 0 : i32
      %dma_start3A_697 = tpu.memref_slice %arg9[%dma_start3A_694, %dma_start3A_695, %dma_start3A_696] : memref<8x125x128xbf16, #tpu.memory_space<vmem>> -> memref<1x125x128xbf16, #tpu.memory_space<vmem>>
      %dma_start3A_698 = tpu.memref_squeeze %dma_start3A_697 : memref<1x125x128xbf16, #tpu.memory_space<vmem>> -> memref<125x128xbf16, #tpu.memory_space<vmem>>
      %dma_start3A_699 = arith.constant 0 : i32
      %dma_start3A_700 = tpu.memref_slice %arg8[%add3A_678, %dma_start3A_699] : memref<80x125xi32, #tpu.memory_space<vmem>> -> memref<1x125xi32, #tpu.memory_space<vmem>>
      %dma_start3A_701 = tpu.memref_squeeze %dma_start3A_700 : memref<1x125xi32, #tpu.memory_space<vmem>> -> memref<125xi32, #tpu.memory_space<vmem>>
      %dma_start3A_702 = arith.constant 0 : i32
      %dma_start3A_703 = arith.constant 0 : i32
      %dma_start3A_704 = tpu.memref_slice %arg10[%dma_start3A_702, %dma_start3A_703] : memref<10240x128xbf16, #tpu.memory_space<vmem_shared>> -> memref<10240x128xbf16, #tpu.memory_space<vmem_shared>>
      tpu.enqueue_indirect_dma source(%dma_start3A_698 : memref<125x128xbf16, #tpu.memory_space<vmem>>) target(%dma_start3A_704 : memref<10240x128xbf16, #tpu.memory_space<vmem_shared>>) offsets(%dma_start3A_701 : memref<125xi32, #tpu.memory_space<vmem>>) semaphore(%arg24 : memref<!tpu.dma_semaphore, #tpu.memory_space<semaphore_mem>>) {add = true}
      %add3A_705 = arith.constant 8 : i32
      %add3A_706 = arith.addi %add3A_678, %add3A_705 : i32
      %sub3A_707 = arith.constant 1 : i32
      %sub3A_708 = arith.subi %add3A_706, %sub3A_707 : i32
      %gt3A_709 = arith.constant 0 : i32
      %gt3A_710 = arith.cmpi sgt, %add3A_678, %gt3A_709 : i32
      %lt3A_711 = arith.constant 80 : i32
      %lt3A_712 = arith.cmpi slt, %sub3A_708, %lt3A_711 : i32
      %and3A_713 = arith.andi %gt3A_710, %lt3A_712 : i1
      %convert_element_type3A_714 = arith.extui %and3A_713 : i1 to i32
      %cond3A_715 = arith.constant 0 : i32
      %cond3A_716 = arith.cmpi ne, %convert_element_type3A_714, %cond3A_715 : i32
      scf.if %cond3A_716 {
        %sub3A_817 = arith.constant 1 : i32
        %sub3A_818 = arith.subi %add3A_678, %sub3A_817 : i32
        %dma_wait3A_819 = arith.constant 4 : i32
        %dma_wait3A_820 = arith.constant 0 : i32
        %dma_wait3A_821 = arith.constant 0 : i32
        %dma_wait3A_822 = tpu.memref_slice %arg9[%dma_wait3A_819, %dma_wait3A_820, %dma_wait3A_821] : memref<8x125x128xbf16, #tpu.memory_space<vmem>> -> memref<1x125x128xbf16, #tpu.memory_space<vmem>>
        %dma_wait3A_823 = tpu.memref_squeeze %dma_wait3A_822 : memref<1x125x128xbf16, #tpu.memory_space<vmem>> -> memref<125x128xbf16, #tpu.memory_space<vmem>>
        %dma_wait3A_824 = arith.constant 0 : i32
        %dma_wait3A_825 = tpu.memref_slice %arg8[%sub3A_818, %dma_wait3A_824] : memref<80x125xi32, #tpu.memory_space<vmem>> -> memref<1x125xi32, #tpu.memory_space<vmem>>
        %dma_wait3A_826 = tpu.memref_squeeze %dma_wait3A_825 : memref<1x125xi32, #tpu.memory_space<vmem>> -> memref<125xi32, #tpu.memory_space<vmem>>
        %dma_wait3A_827 = arith.constant 0 : i32
        %dma_wait3A_828 = arith.constant 0 : i32
        %dma_wait3A_829 = tpu.memref_slice %arg10[%dma_wait3A_827, %dma_wait3A_828] : memref<10240x128xbf16, #tpu.memory_space<vmem_shared>> -> memref<10240x128xbf16, #tpu.memory_space<vmem_shared>>
        tpu.wait_indirect_dma semaphore(%arg23 : memref<!tpu.dma_semaphore, #tpu.memory_space<semaphore_mem>>) src(%dma_wait3A_823 : memref<125x128xbf16, #tpu.memory_space<vmem>>) dst(%dma_wait3A_829 : memref<10240x128xbf16, #tpu.memory_space<vmem_shared>>)
      } else {
      }
      %lt3A_717 = arith.constant 80 : i32
      %lt3A_718 = arith.cmpi slt, %sub3A_708, %lt3A_717 : i32
      %convert_element_type3A_719 = arith.extui %lt3A_718 : i1 to i32
      %cond3A_720 = arith.constant 0 : i32
      %cond3A_721 = arith.cmpi ne, %convert_element_type3A_719, %cond3A_720 : i32
      scf.if %cond3A_721 {
        %dma_start3A_817 = arith.constant 4 : i32
        %dma_start3A_818 = arith.constant 0 : i32
        %dma_start3A_819 = arith.constant 0 : i32
        %dma_start3A_820 = tpu.memref_slice %arg9[%dma_start3A_817, %dma_start3A_818, %dma_start3A_819] : memref<8x125x128xbf16, #tpu.memory_space<vmem>> -> memref<1x125x128xbf16, #tpu.memory_space<vmem>>
        %dma_start3A_821 = tpu.memref_squeeze %dma_start3A_820 : memref<1x125x128xbf16, #tpu.memory_space<vmem>> -> memref<125x128xbf16, #tpu.memory_space<vmem>>
        %dma_start3A_822 = arith.constant 0 : i32
        %dma_start3A_823 = tpu.memref_slice %arg7[%sub3A_708, %dma_start3A_822] : memref<80x125xi32, #tpu.memory_space<vmem>> -> memref<1x125xi32, #tpu.memory_space<vmem>>
        %dma_start3A_824 = tpu.memref_squeeze %dma_start3A_823 : memref<1x125xi32, #tpu.memory_space<vmem>> -> memref<125xi32, #tpu.memory_space<vmem>>
        %dma_start3A_825 = arith.constant 0 : i32
        %dma_start3A_826 = arith.constant 0 : i32
        %dma_start3A_827 = tpu.memref_slice %arg2[%add3A_0, %dma_start3A_825, %dma_start3A_826] : memref<4x10240x128xbf16, #tpu.memory_space<hbm>> -> memref<1x10240x128xbf16, #tpu.memory_space<hbm>>
        %dma_start3A_828 = tpu.memref_squeeze %dma_start3A_827 : memref<1x10240x128xbf16, #tpu.memory_space<hbm>> -> memref<10240x128xbf16, #tpu.memory_space<hbm>>
        %dma_start3A_829 = arith.constant 0 : i32
        %dma_start3A_830 = arith.constant 0 : i32
        %dma_start3A_831 = tpu.memref_slice %dma_start3A_828[%dma_start3A_829, %dma_start3A_830] : memref<10240x128xbf16, #tpu.memory_space<hbm>> -> memref<10240x128xbf16, #tpu.memory_space<hbm>>
        tpu.enqueue_indirect_dma source(%dma_start3A_831 : memref<10240x128xbf16, #tpu.memory_space<hbm>>) target(%dma_start3A_821 : memref<125x128xbf16, #tpu.memory_space<vmem>>) offsets(%dma_start3A_824 : memref<125xi32, #tpu.memory_space<vmem>>) semaphore(%arg15 : memref<!tpu.dma_semaphore, #tpu.memory_space<semaphore_mem>>)
      } else {
      }
      %mul3A_722 = arith.constant 8 : i32
      %mul3A_723 = arith.muli %scan3A_444, %mul3A_722 : i32
      %add3A_724 = arith.constant 6 : i32
      %add3A_725 = arith.addi %mul3A_723, %add3A_724 : i32
      %dma_wait3A_726 = arith.constant 6 : i32
      %dma_wait3A_727 = arith.constant 0 : i32
      %dma_wait3A_728 = arith.constant 0 : i32
      %dma_wait3A_729 = tpu.memref_slice %arg9[%dma_wait3A_726, %dma_wait3A_727, %dma_wait3A_728] : memref<8x125x128xbf16, #tpu.memory_space<vmem>> -> memref<1x125x128xbf16, #tpu.memory_space<vmem>>
      %dma_wait3A_730 = tpu.memref_squeeze %dma_wait3A_729 : memref<1x125x128xbf16, #tpu.memory_space<vmem>> -> memref<125x128xbf16, #tpu.memory_space<vmem>>
      %dma_wait3A_731 = arith.constant 0 : i32
      %dma_wait3A_732 = tpu.memref_slice %arg7[%add3A_725, %dma_wait3A_731] : memref<80x125xi32, #tpu.memory_space<vmem>> -> memref<1x125xi32, #tpu.memory_space<vmem>>
      %dma_wait3A_733 = tpu.memref_squeeze %dma_wait3A_732 : memref<1x125xi32, #tpu.memory_space<vmem>> -> memref<125xi32, #tpu.memory_space<vmem>>
      %dma_wait3A_734 = arith.constant 0 : i32
      %dma_wait3A_735 = arith.constant 0 : i32
      %dma_wait3A_736 = tpu.memref_slice %arg2[%add3A_0, %dma_wait3A_734, %dma_wait3A_735] : memref<4x10240x128xbf16, #tpu.memory_space<hbm>> -> memref<1x10240x128xbf16, #tpu.memory_space<hbm>>
      %dma_wait3A_737 = tpu.memref_squeeze %dma_wait3A_736 : memref<1x10240x128xbf16, #tpu.memory_space<hbm>> -> memref<10240x128xbf16, #tpu.memory_space<hbm>>
      %dma_wait3A_738 = arith.constant 0 : i32
      %dma_wait3A_739 = arith.constant 0 : i32
      %dma_wait3A_740 = tpu.memref_slice %dma_wait3A_737[%dma_wait3A_738, %dma_wait3A_739] : memref<10240x128xbf16, #tpu.memory_space<hbm>> -> memref<10240x128xbf16, #tpu.memory_space<hbm>>
      tpu.wait_indirect_dma semaphore(%arg17 : memref<!tpu.dma_semaphore, #tpu.memory_space<semaphore_mem>>) src(%dma_wait3A_740 : memref<10240x128xbf16, #tpu.memory_space<hbm>>) dst(%dma_wait3A_730 : memref<125x128xbf16, #tpu.memory_space<vmem>>)
      %dma_start3A_741 = arith.constant 6 : i32
      %dma_start3A_742 = arith.constant 0 : i32
      %dma_start3A_743 = arith.constant 0 : i32
      %dma_start3A_744 = tpu.memref_slice %arg9[%dma_start3A_741, %dma_start3A_742, %dma_start3A_743] : memref<8x125x128xbf16, #tpu.memory_space<vmem>> -> memref<1x125x128xbf16, #tpu.memory_space<vmem>>
      %dma_start3A_745 = tpu.memref_squeeze %dma_start3A_744 : memref<1x125x128xbf16, #tpu.memory_space<vmem>> -> memref<125x128xbf16, #tpu.memory_space<vmem>>
      %dma_start3A_746 = arith.constant 0 : i32
      %dma_start3A_747 = tpu.memref_slice %arg8[%add3A_725, %dma_start3A_746] : memref<80x125xi32, #tpu.memory_space<vmem>> -> memref<1x125xi32, #tpu.memory_space<vmem>>
      %dma_start3A_748 = tpu.memref_squeeze %dma_start3A_747 : memref<1x125xi32, #tpu.memory_space<vmem>> -> memref<125xi32, #tpu.memory_space<vmem>>
      %dma_start3A_749 = arith.constant 0 : i32
      %dma_start3A_750 = arith.constant 0 : i32
      %dma_start3A_751 = tpu.memref_slice %arg10[%dma_start3A_749, %dma_start3A_750] : memref<10240x128xbf16, #tpu.memory_space<vmem_shared>> -> memref<10240x128xbf16, #tpu.memory_space<vmem_shared>>
      tpu.enqueue_indirect_dma source(%dma_start3A_745 : memref<125x128xbf16, #tpu.memory_space<vmem>>) target(%dma_start3A_751 : memref<10240x128xbf16, #tpu.memory_space<vmem_shared>>) offsets(%dma_start3A_748 : memref<125xi32, #tpu.memory_space<vmem>>) semaphore(%arg25 : memref<!tpu.dma_semaphore, #tpu.memory_space<semaphore_mem>>) {add = true}
      %add3A_752 = arith.constant 8 : i32
      %add3A_753 = arith.addi %add3A_725, %add3A_752 : i32
      %sub3A_754 = arith.constant 1 : i32
      %sub3A_755 = arith.subi %add3A_753, %sub3A_754 : i32
      %gt3A_756 = arith.constant 0 : i32
      %gt3A_757 = arith.cmpi sgt, %add3A_725, %gt3A_756 : i32
      %lt3A_758 = arith.constant 80 : i32
      %lt3A_759 = arith.cmpi slt, %sub3A_755, %lt3A_758 : i32
      %and3A_760 = arith.andi %gt3A_757, %lt3A_759 : i1
      %convert_element_type3A_761 = arith.extui %and3A_760 : i1 to i32
      %cond3A_762 = arith.constant 0 : i32
      %cond3A_763 = arith.cmpi ne, %convert_element_type3A_761, %cond3A_762 : i32
      scf.if %cond3A_763 {
        %sub3A_817 = arith.constant 1 : i32
        %sub3A_818 = arith.subi %add3A_725, %sub3A_817 : i32
        %dma_wait3A_819 = arith.constant 5 : i32
        %dma_wait3A_820 = arith.constant 0 : i32
        %dma_wait3A_821 = arith.constant 0 : i32
        %dma_wait3A_822 = tpu.memref_slice %arg9[%dma_wait3A_819, %dma_wait3A_820, %dma_wait3A_821] : memref<8x125x128xbf16, #tpu.memory_space<vmem>> -> memref<1x125x128xbf16, #tpu.memory_space<vmem>>
        %dma_wait3A_823 = tpu.memref_squeeze %dma_wait3A_822 : memref<1x125x128xbf16, #tpu.memory_space<vmem>> -> memref<125x128xbf16, #tpu.memory_space<vmem>>
        %dma_wait3A_824 = arith.constant 0 : i32
        %dma_wait3A_825 = tpu.memref_slice %arg8[%sub3A_818, %dma_wait3A_824] : memref<80x125xi32, #tpu.memory_space<vmem>> -> memref<1x125xi32, #tpu.memory_space<vmem>>
        %dma_wait3A_826 = tpu.memref_squeeze %dma_wait3A_825 : memref<1x125xi32, #tpu.memory_space<vmem>> -> memref<125xi32, #tpu.memory_space<vmem>>
        %dma_wait3A_827 = arith.constant 0 : i32
        %dma_wait3A_828 = arith.constant 0 : i32
        %dma_wait3A_829 = tpu.memref_slice %arg10[%dma_wait3A_827, %dma_wait3A_828] : memref<10240x128xbf16, #tpu.memory_space<vmem_shared>> -> memref<10240x128xbf16, #tpu.memory_space<vmem_shared>>
        tpu.wait_indirect_dma semaphore(%arg24 : memref<!tpu.dma_semaphore, #tpu.memory_space<semaphore_mem>>) src(%dma_wait3A_823 : memref<125x128xbf16, #tpu.memory_space<vmem>>) dst(%dma_wait3A_829 : memref<10240x128xbf16, #tpu.memory_space<vmem_shared>>)
      } else {
      }
      %lt3A_764 = arith.constant 80 : i32
      %lt3A_765 = arith.cmpi slt, %sub3A_755, %lt3A_764 : i32
      %convert_element_type3A_766 = arith.extui %lt3A_765 : i1 to i32
      %cond3A_767 = arith.constant 0 : i32
      %cond3A_768 = arith.cmpi ne, %convert_element_type3A_766, %cond3A_767 : i32
      scf.if %cond3A_768 {
        %dma_start3A_817 = arith.constant 5 : i32
        %dma_start3A_818 = arith.constant 0 : i32
        %dma_start3A_819 = arith.constant 0 : i32
        %dma_start3A_820 = tpu.memref_slice %arg9[%dma_start3A_817, %dma_start3A_818, %dma_start3A_819] : memref<8x125x128xbf16, #tpu.memory_space<vmem>> -> memref<1x125x128xbf16, #tpu.memory_space<vmem>>
        %dma_start3A_821 = tpu.memref_squeeze %dma_start3A_820 : memref<1x125x128xbf16, #tpu.memory_space<vmem>> -> memref<125x128xbf16, #tpu.memory_space<vmem>>
        %dma_start3A_822 = arith.constant 0 : i32
        %dma_start3A_823 = tpu.memref_slice %arg7[%sub3A_755, %dma_start3A_822] : memref<80x125xi32, #tpu.memory_space<vmem>> -> memref<1x125xi32, #tpu.memory_space<vmem>>
        %dma_start3A_824 = tpu.memref_squeeze %dma_start3A_823 : memref<1x125xi32, #tpu.memory_space<vmem>> -> memref<125xi32, #tpu.memory_space<vmem>>
        %dma_start3A_825 = arith.constant 0 : i32
        %dma_start3A_826 = arith.constant 0 : i32
        %dma_start3A_827 = tpu.memref_slice %arg2[%add3A_0, %dma_start3A_825, %dma_start3A_826] : memref<4x10240x128xbf16, #tpu.memory_space<hbm>> -> memref<1x10240x128xbf16, #tpu.memory_space<hbm>>
        %dma_start3A_828 = tpu.memref_squeeze %dma_start3A_827 : memref<1x10240x128xbf16, #tpu.memory_space<hbm>> -> memref<10240x128xbf16, #tpu.memory_space<hbm>>
        %dma_start3A_829 = arith.constant 0 : i32
        %dma_start3A_830 = arith.constant 0 : i32
        %dma_start3A_831 = tpu.memref_slice %dma_start3A_828[%dma_start3A_829, %dma_start3A_830] : memref<10240x128xbf16, #tpu.memory_space<hbm>> -> memref<10240x128xbf16, #tpu.memory_space<hbm>>
        tpu.enqueue_indirect_dma source(%dma_start3A_831 : memref<10240x128xbf16, #tpu.memory_space<hbm>>) target(%dma_start3A_821 : memref<125x128xbf16, #tpu.memory_space<vmem>>) offsets(%dma_start3A_824 : memref<125xi32, #tpu.memory_space<vmem>>) semaphore(%arg16 : memref<!tpu.dma_semaphore, #tpu.memory_space<semaphore_mem>>)
      } else {
      }
      %mul3A_769 = arith.constant 8 : i32
      %mul3A_770 = arith.muli %scan3A_444, %mul3A_769 : i32
      %add3A_771 = arith.constant 7 : i32
      %add3A_772 = arith.addi %mul3A_770, %add3A_771 : i32
      %dma_wait3A_773 = arith.constant 7 : i32
      %dma_wait3A_774 = arith.constant 0 : i32
      %dma_wait3A_775 = arith.constant 0 : i32
      %dma_wait3A_776 = tpu.memref_slice %arg9[%dma_wait3A_773, %dma_wait3A_774, %dma_wait3A_775] : memref<8x125x128xbf16, #tpu.memory_space<vmem>> -> memref<1x125x128xbf16, #tpu.memory_space<vmem>>
      %dma_wait3A_777 = tpu.memref_squeeze %dma_wait3A_776 : memref<1x125x128xbf16, #tpu.memory_space<vmem>> -> memref<125x128xbf16, #tpu.memory_space<vmem>>
      %dma_wait3A_778 = arith.constant 0 : i32
      %dma_wait3A_779 = tpu.memref_slice %arg7[%add3A_772, %dma_wait3A_778] : memref<80x125xi32, #tpu.memory_space<vmem>> -> memref<1x125xi32, #tpu.memory_space<vmem>>
      %dma_wait3A_780 = tpu.memref_squeeze %dma_wait3A_779 : memref<1x125xi32, #tpu.memory_space<vmem>> -> memref<125xi32, #tpu.memory_space<vmem>>
      %dma_wait3A_781 = arith.constant 0 : i32
      %dma_wait3A_782 = arith.constant 0 : i32
      %dma_wait3A_783 = tpu.memref_slice %arg2[%add3A_0, %dma_wait3A_781, %dma_wait3A_782] : memref<4x10240x128xbf16, #tpu.memory_space<hbm>> -> memref<1x10240x128xbf16, #tpu.memory_space<hbm>>
      %dma_wait3A_784 = tpu.memref_squeeze %dma_wait3A_783 : memref<1x10240x128xbf16, #tpu.memory_space<hbm>> -> memref<10240x128xbf16, #tpu.memory_space<hbm>>
      %dma_wait3A_785 = arith.constant 0 : i32
      %dma_wait3A_786 = arith.constant 0 : i32
      %dma_wait3A_787 = tpu.memref_slice %dma_wait3A_784[%dma_wait3A_785, %dma_wait3A_786] : memref<10240x128xbf16, #tpu.memory_space<hbm>> -> memref<10240x128xbf16, #tpu.memory_space<hbm>>
      tpu.wait_indirect_dma semaphore(%arg18 : memref<!tpu.dma_semaphore, #tpu.memory_space<semaphore_mem>>) src(%dma_wait3A_787 : memref<10240x128xbf16, #tpu.memory_space<hbm>>) dst(%dma_wait3A_777 : memref<125x128xbf16, #tpu.memory_space<vmem>>)
      %dma_start3A_788 = arith.constant 7 : i32
      %dma_start3A_789 = arith.constant 0 : i32
      %dma_start3A_790 = arith.constant 0 : i32
      %dma_start3A_791 = tpu.memref_slice %arg9[%dma_start3A_788, %dma_start3A_789, %dma_start3A_790] : memref<8x125x128xbf16, #tpu.memory_space<vmem>> -> memref<1x125x128xbf16, #tpu.memory_space<vmem>>
      %dma_start3A_792 = tpu.memref_squeeze %dma_start3A_791 : memref<1x125x128xbf16, #tpu.memory_space<vmem>> -> memref<125x128xbf16, #tpu.memory_space<vmem>>
      %dma_start3A_793 = arith.constant 0 : i32
      %dma_start3A_794 = tpu.memref_slice %arg8[%add3A_772, %dma_start3A_793] : memref<80x125xi32, #tpu.memory_space<vmem>> -> memref<1x125xi32, #tpu.memory_space<vmem>>
      %dma_start3A_795 = tpu.memref_squeeze %dma_start3A_794 : memref<1x125xi32, #tpu.memory_space<vmem>> -> memref<125xi32, #tpu.memory_space<vmem>>
      %dma_start3A_796 = arith.constant 0 : i32
      %dma_start3A_797 = arith.constant 0 : i32
      %dma_start3A_798 = tpu.memref_slice %arg10[%dma_start3A_796, %dma_start3A_797] : memref<10240x128xbf16, #tpu.memory_space<vmem_shared>> -> memref<10240x128xbf16, #tpu.memory_space<vmem_shared>>
      tpu.enqueue_indirect_dma source(%dma_start3A_792 : memref<125x128xbf16, #tpu.memory_space<vmem>>) target(%dma_start3A_798 : memref<10240x128xbf16, #tpu.memory_space<vmem_shared>>) offsets(%dma_start3A_795 : memref<125xi32, #tpu.memory_space<vmem>>) semaphore(%arg26 : memref<!tpu.dma_semaphore, #tpu.memory_space<semaphore_mem>>) {add = true}
      %add3A_799 = arith.constant 8 : i32
      %add3A_800 = arith.addi %add3A_772, %add3A_799 : i32
      %sub3A_801 = arith.constant 1 : i32
      %sub3A_802 = arith.subi %add3A_800, %sub3A_801 : i32
      %gt3A_803 = arith.constant 0 : i32
      %gt3A_804 = arith.cmpi sgt, %add3A_772, %gt3A_803 : i32
      %lt3A_805 = arith.constant 80 : i32
      %lt3A_806 = arith.cmpi slt, %sub3A_802, %lt3A_805 : i32
      %and3A_807 = arith.andi %gt3A_804, %lt3A_806 : i1
      %convert_element_type3A_808 = arith.extui %and3A_807 : i1 to i32
      %cond3A_809 = arith.constant 0 : i32
      %cond3A_810 = arith.cmpi ne, %convert_element_type3A_808, %cond3A_809 : i32
      scf.if %cond3A_810 {
        %sub3A_817 = arith.constant 1 : i32
        %sub3A_818 = arith.subi %add3A_772, %sub3A_817 : i32
        %dma_wait3A_819 = arith.constant 6 : i32
        %dma_wait3A_820 = arith.constant 0 : i32
        %dma_wait3A_821 = arith.constant 0 : i32
        %dma_wait3A_822 = tpu.memref_slice %arg9[%dma_wait3A_819, %dma_wait3A_820, %dma_wait3A_821] : memref<8x125x128xbf16, #tpu.memory_space<vmem>> -> memref<1x125x128xbf16, #tpu.memory_space<vmem>>
        %dma_wait3A_823 = tpu.memref_squeeze %dma_wait3A_822 : memref<1x125x128xbf16, #tpu.memory_space<vmem>> -> memref<125x128xbf16, #tpu.memory_space<vmem>>
        %dma_wait3A_824 = arith.constant 0 : i32
        %dma_wait3A_825 = tpu.memref_slice %arg8[%sub3A_818, %dma_wait3A_824] : memref<80x125xi32, #tpu.memory_space<vmem>> -> memref<1x125xi32, #tpu.memory_space<vmem>>
        %dma_wait3A_826 = tpu.memref_squeeze %dma_wait3A_825 : memref<1x125xi32, #tpu.memory_space<vmem>> -> memref<125xi32, #tpu.memory_space<vmem>>
        %dma_wait3A_827 = arith.constant 0 : i32
        %dma_wait3A_828 = arith.constant 0 : i32
        %dma_wait3A_829 = tpu.memref_slice %arg10[%dma_wait3A_827, %dma_wait3A_828] : memref<10240x128xbf16, #tpu.memory_space<vmem_shared>> -> memref<10240x128xbf16, #tpu.memory_space<vmem_shared>>
        tpu.wait_indirect_dma semaphore(%arg25 : memref<!tpu.dma_semaphore, #tpu.memory_space<semaphore_mem>>) src(%dma_wait3A_823 : memref<125x128xbf16, #tpu.memory_space<vmem>>) dst(%dma_wait3A_829 : memref<10240x128xbf16, #tpu.memory_space<vmem_shared>>)
      } else {
      }
      %lt3A_811 = arith.constant 80 : i32
      %lt3A_812 = arith.cmpi slt, %sub3A_802, %lt3A_811 : i32
      %convert_element_type3A_813 = arith.extui %lt3A_812 : i1 to i32
      %cond3A_814 = arith.constant 0 : i32
      %cond3A_815 = arith.cmpi ne, %convert_element_type3A_813, %cond3A_814 : i32
      scf.if %cond3A_815 {
        %dma_start3A_817 = arith.constant 6 : i32
        %dma_start3A_818 = arith.constant 0 : i32
        %dma_start3A_819 = arith.constant 0 : i32
        %dma_start3A_820 = tpu.memref_slice %arg9[%dma_start3A_817, %dma_start3A_818, %dma_start3A_819] : memref<8x125x128xbf16, #tpu.memory_space<vmem>> -> memref<1x125x128xbf16, #tpu.memory_space<vmem>>
        %dma_start3A_821 = tpu.memref_squeeze %dma_start3A_820 : memref<1x125x128xbf16, #tpu.memory_space<vmem>> -> memref<125x128xbf16, #tpu.memory_space<vmem>>
        %dma_start3A_822 = arith.constant 0 : i32
        %dma_start3A_823 = tpu.memref_slice %arg7[%sub3A_802, %dma_start3A_822] : memref<80x125xi32, #tpu.memory_space<vmem>> -> memref<1x125xi32, #tpu.memory_space<vmem>>
        %dma_start3A_824 = tpu.memref_squeeze %dma_start3A_823 : memref<1x125xi32, #tpu.memory_space<vmem>> -> memref<125xi32, #tpu.memory_space<vmem>>
        %dma_start3A_825 = arith.constant 0 : i32
        %dma_start3A_826 = arith.constant 0 : i32
        %dma_start3A_827 = tpu.memref_slice %arg2[%add3A_0, %dma_start3A_825, %dma_start3A_826] : memref<4x10240x128xbf16, #tpu.memory_space<hbm>> -> memref<1x10240x128xbf16, #tpu.memory_space<hbm>>
        %dma_start3A_828 = tpu.memref_squeeze %dma_start3A_827 : memref<1x10240x128xbf16, #tpu.memory_space<hbm>> -> memref<10240x128xbf16, #tpu.memory_space<hbm>>
        %dma_start3A_829 = arith.constant 0 : i32
        %dma_start3A_830 = arith.constant 0 : i32
        %dma_start3A_831 = tpu.memref_slice %dma_start3A_828[%dma_start3A_829, %dma_start3A_830] : memref<10240x128xbf16, #tpu.memory_space<hbm>> -> memref<10240x128xbf16, #tpu.memory_space<hbm>>
        tpu.enqueue_indirect_dma source(%dma_start3A_831 : memref<10240x128xbf16, #tpu.memory_space<hbm>>) target(%dma_start3A_821 : memref<125x128xbf16, #tpu.memory_space<vmem>>) offsets(%dma_start3A_824 : memref<125xi32, #tpu.memory_space<vmem>>) semaphore(%arg17 : memref<!tpu.dma_semaphore, #tpu.memory_space<semaphore_mem>>)
      } else {
      }
      %scan3A_816 = arith.constant 0 : i32
      scf.yield %scan3A_816 : i32
    }
    %scan3A_118 = arith.constant 10 : i32
    %dma_wait3A = arith.constant 0 : i32
    %dma_wait3A_119 = arith.constant 72 : i32
    %dma_wait3A_120 = arith.constant 0 : i32
    %dma_wait3A_121 = arith.constant 0 : i32
    %dma_wait3A_122 = tpu.memref_slice %arg9[%dma_wait3A, %dma_wait3A_120, %dma_wait3A_121] : memref<8x125x128xbf16, #tpu.memory_space<vmem>> -> memref<1x125x128xbf16, #tpu.memory_space<vmem>>
    %dma_wait3A_123 = tpu.memref_squeeze %dma_wait3A_122 : memref<1x125x128xbf16, #tpu.memory_space<vmem>> -> memref<125x128xbf16, #tpu.memory_space<vmem>>
    %dma_wait3A_124 = arith.constant 0 : i32
    %dma_wait3A_125 = tpu.memref_slice %arg8[%dma_wait3A_119, %dma_wait3A_124] : memref<80x125xi32, #tpu.memory_space<vmem>> -> memref<1x125xi32, #tpu.memory_space<vmem>>
    %dma_wait3A_126 = tpu.memref_squeeze %dma_wait3A_125 : memref<1x125xi32, #tpu.memory_space<vmem>> -> memref<125xi32, #tpu.memory_space<vmem>>
    %dma_wait3A_127 = arith.constant 0 : i32
    %dma_wait3A_128 = arith.constant 0 : i32
    %dma_wait3A_129 = tpu.memref_slice %arg10[%dma_wait3A_127, %dma_wait3A_128] : memref<10240x128xbf16, #tpu.memory_space<vmem_shared>> -> memref<10240x128xbf16, #tpu.memory_space<vmem_shared>>
    tpu.wait_indirect_dma semaphore(%arg19 : memref<!tpu.dma_semaphore, #tpu.memory_space<semaphore_mem>>) src(%dma_wait3A_123 : memref<125x128xbf16, #tpu.memory_space<vmem>>) dst(%dma_wait3A_129 : memref<10240x128xbf16, #tpu.memory_space<vmem_shared>>)
    %dma_wait3A_130 = arith.constant 1 : i32
    %dma_wait3A_131 = arith.constant 73 : i32
    %dma_wait3A_132 = arith.constant 0 : i32
    %dma_wait3A_133 = arith.constant 0 : i32
    %dma_wait3A_134 = tpu.memref_slice %arg9[%dma_wait3A_130, %dma_wait3A_132, %dma_wait3A_133] : memref<8x125x128xbf16, #tpu.memory_space<vmem>> -> memref<1x125x128xbf16, #tpu.memory_space<vmem>>
    %dma_wait3A_135 = tpu.memref_squeeze %dma_wait3A_134 : memref<1x125x128xbf16, #tpu.memory_space<vmem>> -> memref<125x128xbf16, #tpu.memory_space<vmem>>
    %dma_wait3A_136 = arith.constant 0 : i32
    %dma_wait3A_137 = tpu.memref_slice %arg8[%dma_wait3A_131, %dma_wait3A_136] : memref<80x125xi32, #tpu.memory_space<vmem>> -> memref<1x125xi32, #tpu.memory_space<vmem>>
    %dma_wait3A_138 = tpu.memref_squeeze %dma_wait3A_137 : memref<1x125xi32, #tpu.memory_space<vmem>> -> memref<125xi32, #tpu.memory_space<vmem>>
    %dma_wait3A_139 = arith.constant 0 : i32
    %dma_wait3A_140 = arith.constant 0 : i32
    %dma_wait3A_141 = tpu.memref_slice %arg10[%dma_wait3A_139, %dma_wait3A_140] : memref<10240x128xbf16, #tpu.memory_space<vmem_shared>> -> memref<10240x128xbf16, #tpu.memory_space<vmem_shared>>
    tpu.wait_indirect_dma semaphore(%arg20 : memref<!tpu.dma_semaphore, #tpu.memory_space<semaphore_mem>>) src(%dma_wait3A_135 : memref<125x128xbf16, #tpu.memory_space<vmem>>) dst(%dma_wait3A_141 : memref<10240x128xbf16, #tpu.memory_space<vmem_shared>>)
    %dma_wait3A_142 = arith.constant 2 : i32
    %dma_wait3A_143 = arith.constant 74 : i32
    %dma_wait3A_144 = arith.constant 0 : i32
    %dma_wait3A_145 = arith.constant 0 : i32
    %dma_wait3A_146 = tpu.memref_slice %arg9[%dma_wait3A_142, %dma_wait3A_144, %dma_wait3A_145] : memref<8x125x128xbf16, #tpu.memory_space<vmem>> -> memref<1x125x128xbf16, #tpu.memory_space<vmem>>
    %dma_wait3A_147 = tpu.memref_squeeze %dma_wait3A_146 : memref<1x125x128xbf16, #tpu.memory_space<vmem>> -> memref<125x128xbf16, #tpu.memory_space<vmem>>
    %dma_wait3A_148 = arith.constant 0 : i32
    %dma_wait3A_149 = tpu.memref_slice %arg8[%dma_wait3A_143, %dma_wait3A_148] : memref<80x125xi32, #tpu.memory_space<vmem>> -> memref<1x125xi32, #tpu.memory_space<vmem>>
    %dma_wait3A_150 = tpu.memref_squeeze %dma_wait3A_149 : memref<1x125xi32, #tpu.memory_space<vmem>> -> memref<125xi32, #tpu.memory_space<vmem>>
    %dma_wait3A_151 = arith.constant 0 : i32
    %dma_wait3A_152 = arith.constant 0 : i32
    %dma_wait3A_153 = tpu.memref_slice %arg10[%dma_wait3A_151, %dma_wait3A_152] : memref<10240x128xbf16, #tpu.memory_space<vmem_shared>> -> memref<10240x128xbf16, #tpu.memory_space<vmem_shared>>
    tpu.wait_indirect_dma semaphore(%arg21 : memref<!tpu.dma_semaphore, #tpu.memory_space<semaphore_mem>>) src(%dma_wait3A_147 : memref<125x128xbf16, #tpu.memory_space<vmem>>) dst(%dma_wait3A_153 : memref<10240x128xbf16, #tpu.memory_space<vmem_shared>>)
    %dma_wait3A_154 = arith.constant 3 : i32
    %dma_wait3A_155 = arith.constant 75 : i32
    %dma_wait3A_156 = arith.constant 0 : i32
    %dma_wait3A_157 = arith.constant 0 : i32
    %dma_wait3A_158 = tpu.memref_slice %arg9[%dma_wait3A_154, %dma_wait3A_156, %dma_wait3A_157] : memref<8x125x128xbf16, #tpu.memory_space<vmem>> -> memref<1x125x128xbf16, #tpu.memory_space<vmem>>
    %dma_wait3A_159 = tpu.memref_squeeze %dma_wait3A_158 : memref<1x125x128xbf16, #tpu.memory_space<vmem>> -> memref<125x128xbf16, #tpu.memory_space<vmem>>
    %dma_wait3A_160 = arith.constant 0 : i32
    %dma_wait3A_161 = tpu.memref_slice %arg8[%dma_wait3A_155, %dma_wait3A_160] : memref<80x125xi32, #tpu.memory_space<vmem>> -> memref<1x125xi32, #tpu.memory_space<vmem>>
    %dma_wait3A_162 = tpu.memref_squeeze %dma_wait3A_161 : memref<1x125xi32, #tpu.memory_space<vmem>> -> memref<125xi32, #tpu.memory_space<vmem>>
    %dma_wait3A_163 = arith.constant 0 : i32
    %dma_wait3A_164 = arith.constant 0 : i32
    %dma_wait3A_165 = tpu.memref_slice %arg10[%dma_wait3A_163, %dma_wait3A_164] : memref<10240x128xbf16, #tpu.memory_space<vmem_shared>> -> memref<10240x128xbf16, #tpu.memory_space<vmem_shared>>
    tpu.wait_indirect_dma semaphore(%arg22 : memref<!tpu.dma_semaphore, #tpu.memory_space<semaphore_mem>>) src(%dma_wait3A_159 : memref<125x128xbf16, #tpu.memory_space<vmem>>) dst(%dma_wait3A_165 : memref<10240x128xbf16, #tpu.memory_space<vmem_shared>>)
    %dma_wait3A_166 = arith.constant 4 : i32
    %dma_wait3A_167 = arith.constant 76 : i32
    %dma_wait3A_168 = arith.constant 0 : i32
    %dma_wait3A_169 = arith.constant 0 : i32
    %dma_wait3A_170 = tpu.memref_slice %arg9[%dma_wait3A_166, %dma_wait3A_168, %dma_wait3A_169] : memref<8x125x128xbf16, #tpu.memory_space<vmem>> -> memref<1x125x128xbf16, #tpu.memory_space<vmem>>
    %dma_wait3A_171 = tpu.memref_squeeze %dma_wait3A_170 : memref<1x125x128xbf16, #tpu.memory_space<vmem>> -> memref<125x128xbf16, #tpu.memory_space<vmem>>
    %dma_wait3A_172 = arith.constant 0 : i32
    %dma_wait3A_173 = tpu.memref_slice %arg8[%dma_wait3A_167, %dma_wait3A_172] : memref<80x125xi32, #tpu.memory_space<vmem>> -> memref<1x125xi32, #tpu.memory_space<vmem>>
    %dma_wait3A_174 = tpu.memref_squeeze %dma_wait3A_173 : memref<1x125xi32, #tpu.memory_space<vmem>> -> memref<125xi32, #tpu.memory_space<vmem>>
    %dma_wait3A_175 = arith.constant 0 : i32
    %dma_wait3A_176 = arith.constant 0 : i32
    %dma_wait3A_177 = tpu.memref_slice %arg10[%dma_wait3A_175, %dma_wait3A_176] : memref<10240x128xbf16, #tpu.memory_space<vmem_shared>> -> memref<10240x128xbf16, #tpu.memory_space<vmem_shared>>
    tpu.wait_indirect_dma semaphore(%arg23 : memref<!tpu.dma_semaphore, #tpu.memory_space<semaphore_mem>>) src(%dma_wait3A_171 : memref<125x128xbf16, #tpu.memory_space<vmem>>) dst(%dma_wait3A_177 : memref<10240x128xbf16, #tpu.memory_space<vmem_shared>>)
    %dma_wait3A_178 = arith.constant 5 : i32
    %dma_wait3A_179 = arith.constant 77 : i32
    %dma_wait3A_180 = arith.constant 0 : i32
    %dma_wait3A_181 = arith.constant 0 : i32
    %dma_wait3A_182 = tpu.memref_slice %arg9[%dma_wait3A_178, %dma_wait3A_180, %dma_wait3A_181] : memref<8x125x128xbf16, #tpu.memory_space<vmem>> -> memref<1x125x128xbf16, #tpu.memory_space<vmem>>
    %dma_wait3A_183 = tpu.memref_squeeze %dma_wait3A_182 : memref<1x125x128xbf16, #tpu.memory_space<vmem>> -> memref<125x128xbf16, #tpu.memory_space<vmem>>
    %dma_wait3A_184 = arith.constant 0 : i32
    %dma_wait3A_185 = tpu.memref_slice %arg8[%dma_wait3A_179, %dma_wait3A_184] : memref<80x125xi32, #tpu.memory_space<vmem>> -> memref<1x125xi32, #tpu.memory_space<vmem>>
    %dma_wait3A_186 = tpu.memref_squeeze %dma_wait3A_185 : memref<1x125xi32, #tpu.memory_space<vmem>> -> memref<125xi32, #tpu.memory_space<vmem>>
    %dma_wait3A_187 = arith.constant 0 : i32
    %dma_wait3A_188 = arith.constant 0 : i32
    %dma_wait3A_189 = tpu.memref_slice %arg10[%dma_wait3A_187, %dma_wait3A_188] : memref<10240x128xbf16, #tpu.memory_space<vmem_shared>> -> memref<10240x128xbf16, #tpu.memory_space<vmem_shared>>
    tpu.wait_indirect_dma semaphore(%arg24 : memref<!tpu.dma_semaphore, #tpu.memory_space<semaphore_mem>>) src(%dma_wait3A_183 : memref<125x128xbf16, #tpu.memory_space<vmem>>) dst(%dma_wait3A_189 : memref<10240x128xbf16, #tpu.memory_space<vmem_shared>>)
    %dma_wait3A_190 = arith.constant 6 : i32
    %dma_wait3A_191 = arith.constant 78 : i32
    %dma_wait3A_192 = arith.constant 0 : i32
    %dma_wait3A_193 = arith.constant 0 : i32
    %dma_wait3A_194 = tpu.memref_slice %arg9[%dma_wait3A_190, %dma_wait3A_192, %dma_wait3A_193] : memref<8x125x128xbf16, #tpu.memory_space<vmem>> -> memref<1x125x128xbf16, #tpu.memory_space<vmem>>
    %dma_wait3A_195 = tpu.memref_squeeze %dma_wait3A_194 : memref<1x125x128xbf16, #tpu.memory_space<vmem>> -> memref<125x128xbf16, #tpu.memory_space<vmem>>
    %dma_wait3A_196 = arith.constant 0 : i32
    %dma_wait3A_197 = tpu.memref_slice %arg8[%dma_wait3A_191, %dma_wait3A_196] : memref<80x125xi32, #tpu.memory_space<vmem>> -> memref<1x125xi32, #tpu.memory_space<vmem>>
    %dma_wait3A_198 = tpu.memref_squeeze %dma_wait3A_197 : memref<1x125xi32, #tpu.memory_space<vmem>> -> memref<125xi32, #tpu.memory_space<vmem>>
    %dma_wait3A_199 = arith.constant 0 : i32
    %dma_wait3A_200 = arith.constant 0 : i32
    %dma_wait3A_201 = tpu.memref_slice %arg10[%dma_wait3A_199, %dma_wait3A_200] : memref<10240x128xbf16, #tpu.memory_space<vmem_shared>> -> memref<10240x128xbf16, #tpu.memory_space<vmem_shared>>
    tpu.wait_indirect_dma semaphore(%arg25 : memref<!tpu.dma_semaphore, #tpu.memory_space<semaphore_mem>>) src(%dma_wait3A_195 : memref<125x128xbf16, #tpu.memory_space<vmem>>) dst(%dma_wait3A_201 : memref<10240x128xbf16, #tpu.memory_space<vmem_shared>>)
    %dma_wait3A_202 = arith.constant 7 : i32
    %dma_wait3A_203 = arith.constant 79 : i32
    %dma_wait3A_204 = arith.constant 0 : i32
    %dma_wait3A_205 = arith.constant 0 : i32
    %dma_wait3A_206 = tpu.memref_slice %arg9[%dma_wait3A_202, %dma_wait3A_204, %dma_wait3A_205] : memref<8x125x128xbf16, #tpu.memory_space<vmem>> -> memref<1x125x128xbf16, #tpu.memory_space<vmem>>
    %dma_wait3A_207 = tpu.memref_squeeze %dma_wait3A_206 : memref<1x125x128xbf16, #tpu.memory_space<vmem>> -> memref<125x128xbf16, #tpu.memory_space<vmem>>
    %dma_wait3A_208 = arith.constant 0 : i32
    %dma_wait3A_209 = tpu.memref_slice %arg8[%dma_wait3A_203, %dma_wait3A_208] : memref<80x125xi32, #tpu.memory_space<vmem>> -> memref<1x125xi32, #tpu.memory_space<vmem>>
    %dma_wait3A_210 = tpu.memref_squeeze %dma_wait3A_209 : memref<1x125xi32, #tpu.memory_space<vmem>> -> memref<125xi32, #tpu.memory_space<vmem>>
    %dma_wait3A_211 = arith.constant 0 : i32
    %dma_wait3A_212 = arith.constant 0 : i32
    %dma_wait3A_213 = tpu.memref_slice %arg10[%dma_wait3A_211, %dma_wait3A_212] : memref<10240x128xbf16, #tpu.memory_space<vmem_shared>> -> memref<10240x128xbf16, #tpu.memory_space<vmem_shared>>
    tpu.wait_indirect_dma semaphore(%arg26 : memref<!tpu.dma_semaphore, #tpu.memory_space<semaphore_mem>>) src(%dma_wait3A_207 : memref<125x128xbf16, #tpu.memory_space<vmem>>) dst(%dma_wait3A_213 : memref<10240x128xbf16, #tpu.memory_space<vmem_shared>>)
    %barrier3A_214 = arith.constant 0 : index
    tpu.barrier barrier_id(%barrier3A_214)
    %mul3A_215 = arith.constant 640 : i32
    %mul3A_216 = arith.muli %arg1, %mul3A_215 : i32
    %mul3A_217 = arith.constant 640 : i32
    %mul3A_218 = arith.muli %arg1, %mul3A_217 : i32
    "tpu.region"() ({
      %run_scoped3A = tpu.sem_alloc : memref<!tpu.dma_semaphore, #tpu.memory_space<semaphore_mem>>
      %dma_start3A_444 = arith.constant 0 : i32
      %dma_start3A_445 = arith.constant 0 : i32
      %dma_start3A_446 = tpu.memref_slice %arg6[%add3A_0, %dma_start3A_444, %dma_start3A_445] : memref<4x10240x128xbf16, #tpu.memory_space<hbm>> -> memref<1x10240x128xbf16, #tpu.memory_space<hbm>>
      %dma_start3A_447 = tpu.memref_squeeze %dma_start3A_446 : memref<1x10240x128xbf16, #tpu.memory_space<hbm>> -> memref<10240x128xbf16, #tpu.memory_space<hbm>>
      %dma_start3A_448 = arith.constant 0 : i32
      %dma_start3A_449 = tpu.memref_slice %dma_start3A_447[%mul3A_218, %dma_start3A_448] : memref<10240x128xbf16, #tpu.memory_space<hbm>> -> memref<640x128xbf16, #tpu.memory_space<hbm>>
      %dma_start3A_450 = arith.constant 0 : i32
      %dma_start3A_451 = tpu.memref_slice %arg10[%mul3A_216, %dma_start3A_450] : memref<10240x128xbf16, #tpu.memory_space<vmem_shared>> -> memref<640x128xbf16, #tpu.memory_space<vmem_shared>>
      tpu.enqueue_dma source(%dma_start3A_451 : memref<640x128xbf16, #tpu.memory_space<vmem_shared>>) target(%dma_start3A_449 : memref<640x128xbf16, #tpu.memory_space<hbm>>) target_semaphore(%run_scoped3A : memref<!tpu.dma_semaphore, #tpu.memory_space<semaphore_mem>>)
      %dma_wait3A_452 = arith.constant 0 : i32
      %dma_wait3A_453 = arith.constant 0 : i32
      %dma_wait3A_454 = tpu.memref_slice %arg6[%add3A_0, %dma_wait3A_452, %dma_wait3A_453] : memref<4x10240x128xbf16, #tpu.memory_space<hbm>> -> memref<1x10240x128xbf16, #tpu.memory_space<hbm>>
      %dma_wait3A_455 = tpu.memref_squeeze %dma_wait3A_454 : memref<1x10240x128xbf16, #tpu.memory_space<hbm>> -> memref<10240x128xbf16, #tpu.memory_space<hbm>>
      %dma_wait3A_456 = arith.constant 0 : i32
      %dma_wait3A_457 = tpu.memref_slice %dma_wait3A_455[%mul3A_218, %dma_wait3A_456] : memref<10240x128xbf16, #tpu.memory_space<hbm>> -> memref<640x128xbf16, #tpu.memory_space<hbm>>
      %dma_wait3A_458 = arith.constant 0 : i32
      %dma_wait3A_459 = tpu.memref_slice %arg10[%mul3A_216, %dma_wait3A_458] : memref<10240x128xbf16, #tpu.memory_space<vmem_shared>> -> memref<640x128xbf16, #tpu.memory_space<vmem_shared>>
      tpu.wait_dma2 semaphore(%run_scoped3A : memref<!tpu.dma_semaphore, #tpu.memory_space<semaphore_mem>>) src(%dma_wait3A_459 : memref<640x128xbf16, #tpu.memory_space<vmem_shared>>) dst(%dma_wait3A_457 : memref<640x128xbf16, #tpu.memory_space<hbm>>)
      tpu.yield
    }) : () -> ()
    %add3A_219 = arith.constant 2 : i32
    %add3A_220 = arith.addi %add3A_219, %arg0 : i32
    %mul3A_221 = arith.constant 640 : i32
    %mul3A_222 = arith.muli %arg1, %mul3A_221 : i32
    "tpu.region"() ({
      %run_scoped3A = tpu.sem_alloc : memref<!tpu.dma_semaphore, #tpu.memory_space<semaphore_mem>>
      %dma_start3A_444 = arith.constant 0 : i32
      %dma_start3A_445 = tpu.memref_slice %arg10[%mul3A_222, %dma_start3A_444] : memref<10240x128xbf16, #tpu.memory_space<vmem_shared>> -> memref<640x128xbf16, #tpu.memory_space<vmem_shared>>
      tpu.enqueue_dma source(%arg5 : memref<640x128xbf16, #tpu.memory_space<hbm>>) target(%dma_start3A_445 : memref<640x128xbf16, #tpu.memory_space<vmem_shared>>) target_semaphore(%run_scoped3A : memref<!tpu.dma_semaphore, #tpu.memory_space<semaphore_mem>>)
      %dma_wait3A_446 = arith.constant 0 : i32
      %dma_wait3A_447 = tpu.memref_slice %arg10[%mul3A_222, %dma_wait3A_446] : memref<10240x128xbf16, #tpu.memory_space<vmem_shared>> -> memref<640x128xbf16, #tpu.memory_space<vmem_shared>>
      tpu.wait_dma2 semaphore(%run_scoped3A : memref<!tpu.dma_semaphore, #tpu.memory_space<semaphore_mem>>) src(%arg5 : memref<640x128xbf16, #tpu.memory_space<hbm>>) dst(%dma_wait3A_447 : memref<640x128xbf16, #tpu.memory_space<vmem_shared>>)
      tpu.yield
    }) : () -> ()
    %barrier3A_223 = arith.constant 0 : index
    tpu.barrier barrier_id(%barrier3A_223)
    %dma_start3A_224 = arith.constant 0 : i32
    %dma_start3A_225 = arith.constant 0 : i32
    %dma_start3A_226 = arith.constant 0 : i32
    %dma_start3A_227 = arith.constant 0 : i32
    %dma_start3A_228 = tpu.memref_slice %arg9[%dma_start3A_225, %dma_start3A_226, %dma_start3A_227] : memref<8x125x128xbf16, #tpu.memory_space<vmem>> -> memref<1x125x128xbf16, #tpu.memory_space<vmem>>
    %dma_start3A_229 = tpu.memref_squeeze %dma_start3A_228 : memref<1x125x128xbf16, #tpu.memory_space<vmem>> -> memref<125x128xbf16, #tpu.memory_space<vmem>>
    %dma_start3A_230 = arith.constant 0 : i32
    %dma_start3A_231 = tpu.memref_slice %arg7[%dma_start3A_224, %dma_start3A_230] : memref<80x125xi32, #tpu.memory_space<vmem>> -> memref<1x125xi32, #tpu.memory_space<vmem>>
    %dma_start3A_232 = tpu.memref_squeeze %dma_start3A_231 : memref<1x125xi32, #tpu.memory_space<vmem>> -> memref<125xi32, #tpu.memory_space<vmem>>
    %dma_start3A_233 = arith.constant 0 : i32
    %dma_start3A_234 = arith.constant 0 : i32
    %dma_start3A_235 = tpu.memref_slice %arg2[%add3A_220, %dma_start3A_233, %dma_start3A_234] : memref<4x10240x128xbf16, #tpu.memory_space<hbm>> -> memref<1x10240x128xbf16, #tpu.memory_space<hbm>>
    %dma_start3A_236 = tpu.memref_squeeze %dma_start3A_235 : memref<1x10240x128xbf16, #tpu.memory_space<hbm>> -> memref<10240x128xbf16, #tpu.memory_space<hbm>>
    %dma_start3A_237 = arith.constant 0 : i32
    %dma_start3A_238 = arith.constant 0 : i32
    %dma_start3A_239 = tpu.memref_slice %dma_start3A_236[%dma_start3A_237, %dma_start3A_238] : memref<10240x128xbf16, #tpu.memory_space<hbm>> -> memref<10240x128xbf16, #tpu.memory_space<hbm>>
    tpu.enqueue_indirect_dma source(%dma_start3A_239 : memref<10240x128xbf16, #tpu.memory_space<hbm>>) target(%dma_start3A_229 : memref<125x128xbf16, #tpu.memory_space<vmem>>) offsets(%dma_start3A_232 : memref<125xi32, #tpu.memory_space<vmem>>) semaphore(%arg11 : memref<!tpu.dma_semaphore, #tpu.memory_space<semaphore_mem>>)
    %dma_start3A_240 = arith.constant 1 : i32
    %dma_start3A_241 = arith.constant 1 : i32
    %dma_start3A_242 = arith.constant 0 : i32
    %dma_start3A_243 = arith.constant 0 : i32
    %dma_start3A_244 = tpu.memref_slice %arg9[%dma_start3A_241, %dma_start3A_242, %dma_start3A_243] : memref<8x125x128xbf16, #tpu.memory_space<vmem>> -> memref<1x125x128xbf16, #tpu.memory_space<vmem>>
    %dma_start3A_245 = tpu.memref_squeeze %dma_start3A_244 : memref<1x125x128xbf16, #tpu.memory_space<vmem>> -> memref<125x128xbf16, #tpu.memory_space<vmem>>
    %dma_start3A_246 = arith.constant 0 : i32
    %dma_start3A_247 = tpu.memref_slice %arg7[%dma_start3A_240, %dma_start3A_246] : memref<80x125xi32, #tpu.memory_space<vmem>> -> memref<1x125xi32, #tpu.memory_space<vmem>>
    %dma_start3A_248 = tpu.memref_squeeze %dma_start3A_247 : memref<1x125xi32, #tpu.memory_space<vmem>> -> memref<125xi32, #tpu.memory_space<vmem>>
    %dma_start3A_249 = arith.constant 0 : i32
    %dma_start3A_250 = arith.constant 0 : i32
    %dma_start3A_251 = tpu.memref_slice %arg2[%add3A_220, %dma_start3A_249, %dma_start3A_250] : memref<4x10240x128xbf16, #tpu.memory_space<hbm>> -> memref<1x10240x128xbf16, #tpu.memory_space<hbm>>
    %dma_start3A_252 = tpu.memref_squeeze %dma_start3A_251 : memref<1x10240x128xbf16, #tpu.memory_space<hbm>> -> memref<10240x128xbf16, #tpu.memory_space<hbm>>
    %dma_start3A_253 = arith.constant 0 : i32
    %dma_start3A_254 = arith.constant 0 : i32
    %dma_start3A_255 = tpu.memref_slice %dma_start3A_252[%dma_start3A_253, %dma_start3A_254] : memref<10240x128xbf16, #tpu.memory_space<hbm>> -> memref<10240x128xbf16, #tpu.memory_space<hbm>>
    tpu.enqueue_indirect_dma source(%dma_start3A_255 : memref<10240x128xbf16, #tpu.memory_space<hbm>>) target(%dma_start3A_245 : memref<125x128xbf16, #tpu.memory_space<vmem>>) offsets(%dma_start3A_248 : memref<125xi32, #tpu.memory_space<vmem>>) semaphore(%arg12 : memref<!tpu.dma_semaphore, #tpu.memory_space<semaphore_mem>>)
    %dma_start3A_256 = arith.constant 2 : i32
    %dma_start3A_257 = arith.constant 2 : i32
    %dma_start3A_258 = arith.constant 0 : i32
    %dma_start3A_259 = arith.constant 0 : i32
    %dma_start3A_260 = tpu.memref_slice %arg9[%dma_start3A_257, %dma_start3A_258, %dma_start3A_259] : memref<8x125x128xbf16, #tpu.memory_space<vmem>> -> memref<1x125x128xbf16, #tpu.memory_space<vmem>>
    %dma_start3A_261 = tpu.memref_squeeze %dma_start3A_260 : memref<1x125x128xbf16, #tpu.memory_space<vmem>> -> memref<125x128xbf16, #tpu.memory_space<vmem>>
    %dma_start3A_262 = arith.constant 0 : i32
    %dma_start3A_263 = tpu.memref_slice %arg7[%dma_start3A_256, %dma_start3A_262] : memref<80x125xi32, #tpu.memory_space<vmem>> -> memref<1x125xi32, #tpu.memory_space<vmem>>
    %dma_start3A_264 = tpu.memref_squeeze %dma_start3A_263 : memref<1x125xi32, #tpu.memory_space<vmem>> -> memref<125xi32, #tpu.memory_space<vmem>>
    %dma_start3A_265 = arith.constant 0 : i32
    %dma_start3A_266 = arith.constant 0 : i32
    %dma_start3A_267 = tpu.memref_slice %arg2[%add3A_220, %dma_start3A_265, %dma_start3A_266] : memref<4x10240x128xbf16, #tpu.memory_space<hbm>> -> memref<1x10240x128xbf16, #tpu.memory_space<hbm>>
    %dma_start3A_268 = tpu.memref_squeeze %dma_start3A_267 : memref<1x10240x128xbf16, #tpu.memory_space<hbm>> -> memref<10240x128xbf16, #tpu.memory_space<hbm>>
    %dma_start3A_269 = arith.constant 0 : i32
    %dma_start3A_270 = arith.constant 0 : i32
    %dma_start3A_271 = tpu.memref_slice %dma_start3A_268[%dma_start3A_269, %dma_start3A_270] : memref<10240x128xbf16, #tpu.memory_space<hbm>> -> memref<10240x128xbf16, #tpu.memory_space<hbm>>
    tpu.enqueue_indirect_dma source(%dma_start3A_271 : memref<10240x128xbf16, #tpu.memory_space<hbm>>) target(%dma_start3A_261 : memref<125x128xbf16, #tpu.memory_space<vmem>>) offsets(%dma_start3A_264 : memref<125xi32, #tpu.memory_space<vmem>>) semaphore(%arg13 : memref<!tpu.dma_semaphore, #tpu.memory_space<semaphore_mem>>)
    %dma_start3A_272 = arith.constant 3 : i32
    %dma_start3A_273 = arith.constant 3 : i32
    %dma_start3A_274 = arith.constant 0 : i32
    %dma_start3A_275 = arith.constant 0 : i32
    %dma_start3A_276 = tpu.memref_slice %arg9[%dma_start3A_273, %dma_start3A_274, %dma_start3A_275] : memref<8x125x128xbf16, #tpu.memory_space<vmem>> -> memref<1x125x128xbf16, #tpu.memory_space<vmem>>
    %dma_start3A_277 = tpu.memref_squeeze %dma_start3A_276 : memref<1x125x128xbf16, #tpu.memory_space<vmem>> -> memref<125x128xbf16, #tpu.memory_space<vmem>>
    %dma_start3A_278 = arith.constant 0 : i32
    %dma_start3A_279 = tpu.memref_slice %arg7[%dma_start3A_272, %dma_start3A_278] : memref<80x125xi32, #tpu.memory_space<vmem>> -> memref<1x125xi32, #tpu.memory_space<vmem>>
    %dma_start3A_280 = tpu.memref_squeeze %dma_start3A_279 : memref<1x125xi32, #tpu.memory_space<vmem>> -> memref<125xi32, #tpu.memory_space<vmem>>
    %dma_start3A_281 = arith.constant 0 : i32
    %dma_start3A_282 = arith.constant 0 : i32
    %dma_start3A_283 = tpu.memref_slice %arg2[%add3A_220, %dma_start3A_281, %dma_start3A_282] : memref<4x10240x128xbf16, #tpu.memory_space<hbm>> -> memref<1x10240x128xbf16, #tpu.memory_space<hbm>>
    %dma_start3A_284 = tpu.memref_squeeze %dma_start3A_283 : memref<1x10240x128xbf16, #tpu.memory_space<hbm>> -> memref<10240x128xbf16, #tpu.memory_space<hbm>>
    %dma_start3A_285 = arith.constant 0 : i32
    %dma_start3A_286 = arith.constant 0 : i32
    %dma_start3A_287 = tpu.memref_slice %dma_start3A_284[%dma_start3A_285, %dma_start3A_286] : memref<10240x128xbf16, #tpu.memory_space<hbm>> -> memref<10240x128xbf16, #tpu.memory_space<hbm>>
    tpu.enqueue_indirect_dma source(%dma_start3A_287 : memref<10240x128xbf16, #tpu.memory_space<hbm>>) target(%dma_start3A_277 : memref<125x128xbf16, #tpu.memory_space<vmem>>) offsets(%dma_start3A_280 : memref<125xi32, #tpu.memory_space<vmem>>) semaphore(%arg14 : memref<!tpu.dma_semaphore, #tpu.memory_space<semaphore_mem>>)
    %dma_start3A_288 = arith.constant 4 : i32
    %dma_start3A_289 = arith.constant 4 : i32
    %dma_start3A_290 = arith.constant 0 : i32
    %dma_start3A_291 = arith.constant 0 : i32
    %dma_start3A_292 = tpu.memref_slice %arg9[%dma_start3A_289, %dma_start3A_290, %dma_start3A_291] : memref<8x125x128xbf16, #tpu.memory_space<vmem>> -> memref<1x125x128xbf16, #tpu.memory_space<vmem>>
    %dma_start3A_293 = tpu.memref_squeeze %dma_start3A_292 : memref<1x125x128xbf16, #tpu.memory_space<vmem>> -> memref<125x128xbf16, #tpu.memory_space<vmem>>
    %dma_start3A_294 = arith.constant 0 : i32
    %dma_start3A_295 = tpu.memref_slice %arg7[%dma_start3A_288, %dma_start3A_294] : memref<80x125xi32, #tpu.memory_space<vmem>> -> memref<1x125xi32, #tpu.memory_space<vmem>>
    %dma_start3A_296 = tpu.memref_squeeze %dma_start3A_295 : memref<1x125xi32, #tpu.memory_space<vmem>> -> memref<125xi32, #tpu.memory_space<vmem>>
    %dma_start3A_297 = arith.constant 0 : i32
    %dma_start3A_298 = arith.constant 0 : i32
    %dma_start3A_299 = tpu.memref_slice %arg2[%add3A_220, %dma_start3A_297, %dma_start3A_298] : memref<4x10240x128xbf16, #tpu.memory_space<hbm>> -> memref<1x10240x128xbf16, #tpu.memory_space<hbm>>
    %dma_start3A_300 = tpu.memref_squeeze %dma_start3A_299 : memref<1x10240x128xbf16, #tpu.memory_space<hbm>> -> memref<10240x128xbf16, #tpu.memory_space<hbm>>
    %dma_start3A_301 = arith.constant 0 : i32
    %dma_start3A_302 = arith.constant 0 : i32
    %dma_start3A_303 = tpu.memref_slice %dma_start3A_300[%dma_start3A_301, %dma_start3A_302] : memref<10240x128xbf16, #tpu.memory_space<hbm>> -> memref<10240x128xbf16, #tpu.memory_space<hbm>>
    tpu.enqueue_indirect_dma source(%dma_start3A_303 : memref<10240x128xbf16, #tpu.memory_space<hbm>>) target(%dma_start3A_293 : memref<125x128xbf16, #tpu.memory_space<vmem>>) offsets(%dma_start3A_296 : memref<125xi32, #tpu.memory_space<vmem>>) semaphore(%arg15 : memref<!tpu.dma_semaphore, #tpu.memory_space<semaphore_mem>>)
    %dma_start3A_304 = arith.constant 5 : i32
    %dma_start3A_305 = arith.constant 5 : i32
    %dma_start3A_306 = arith.constant 0 : i32
    %dma_start3A_307 = arith.constant 0 : i32
    %dma_start3A_308 = tpu.memref_slice %arg9[%dma_start3A_305, %dma_start3A_306, %dma_start3A_307] : memref<8x125x128xbf16, #tpu.memory_space<vmem>> -> memref<1x125x128xbf16, #tpu.memory_space<vmem>>
    %dma_start3A_309 = tpu.memref_squeeze %dma_start3A_308 : memref<1x125x128xbf16, #tpu.memory_space<vmem>> -> memref<125x128xbf16, #tpu.memory_space<vmem>>
    %dma_start3A_310 = arith.constant 0 : i32
    %dma_start3A_311 = tpu.memref_slice %arg7[%dma_start3A_304, %dma_start3A_310] : memref<80x125xi32, #tpu.memory_space<vmem>> -> memref<1x125xi32, #tpu.memory_space<vmem>>
    %dma_start3A_312 = tpu.memref_squeeze %dma_start3A_311 : memref<1x125xi32, #tpu.memory_space<vmem>> -> memref<125xi32, #tpu.memory_space<vmem>>
    %dma_start3A_313 = arith.constant 0 : i32
    %dma_start3A_314 = arith.constant 0 : i32
    %dma_start3A_315 = tpu.memref_slice %arg2[%add3A_220, %dma_start3A_313, %dma_start3A_314] : memref<4x10240x128xbf16, #tpu.memory_space<hbm>> -> memref<1x10240x128xbf16, #tpu.memory_space<hbm>>
    %dma_start3A_316 = tpu.memref_squeeze %dma_start3A_315 : memref<1x10240x128xbf16, #tpu.memory_space<hbm>> -> memref<10240x128xbf16, #tpu.memory_space<hbm>>
    %dma_start3A_317 = arith.constant 0 : i32
    %dma_start3A_318 = arith.constant 0 : i32
    %dma_start3A_319 = tpu.memref_slice %dma_start3A_316[%dma_start3A_317, %dma_start3A_318] : memref<10240x128xbf16, #tpu.memory_space<hbm>> -> memref<10240x128xbf16, #tpu.memory_space<hbm>>
    tpu.enqueue_indirect_dma source(%dma_start3A_319 : memref<10240x128xbf16, #tpu.memory_space<hbm>>) target(%dma_start3A_309 : memref<125x128xbf16, #tpu.memory_space<vmem>>) offsets(%dma_start3A_312 : memref<125xi32, #tpu.memory_space<vmem>>) semaphore(%arg16 : memref<!tpu.dma_semaphore, #tpu.memory_space<semaphore_mem>>)
    %dma_start3A_320 = arith.constant 6 : i32
    %dma_start3A_321 = arith.constant 6 : i32
    %dma_start3A_322 = arith.constant 0 : i32
    %dma_start3A_323 = arith.constant 0 : i32
    %dma_start3A_324 = tpu.memref_slice %arg9[%dma_start3A_321, %dma_start3A_322, %dma_start3A_323] : memref<8x125x128xbf16, #tpu.memory_space<vmem>> -> memref<1x125x128xbf16, #tpu.memory_space<vmem>>
    %dma_start3A_325 = tpu.memref_squeeze %dma_start3A_324 : memref<1x125x128xbf16, #tpu.memory_space<vmem>> -> memref<125x128xbf16, #tpu.memory_space<vmem>>
    %dma_start3A_326 = arith.constant 0 : i32
    %dma_start3A_327 = tpu.memref_slice %arg7[%dma_start3A_320, %dma_start3A_326] : memref<80x125xi32, #tpu.memory_space<vmem>> -> memref<1x125xi32, #tpu.memory_space<vmem>>
    %dma_start3A_328 = tpu.memref_squeeze %dma_start3A_327 : memref<1x125xi32, #tpu.memory_space<vmem>> -> memref<125xi32, #tpu.memory_space<vmem>>
    %dma_start3A_329 = arith.constant 0 : i32
    %dma_start3A_330 = arith.constant 0 : i32
    %dma_start3A_331 = tpu.memref_slice %arg2[%add3A_220, %dma_start3A_329, %dma_start3A_330] : memref<4x10240x128xbf16, #tpu.memory_space<hbm>> -> memref<1x10240x128xbf16, #tpu.memory_space<hbm>>
    %dma_start3A_332 = tpu.memref_squeeze %dma_start3A_331 : memref<1x10240x128xbf16, #tpu.memory_space<hbm>> -> memref<10240x128xbf16, #tpu.memory_space<hbm>>
    %dma_start3A_333 = arith.constant 0 : i32
    %dma_start3A_334 = arith.constant 0 : i32
    %dma_start3A_335 = tpu.memref_slice %dma_start3A_332[%dma_start3A_333, %dma_start3A_334] : memref<10240x128xbf16, #tpu.memory_space<hbm>> -> memref<10240x128xbf16, #tpu.memory_space<hbm>>
    tpu.enqueue_indirect_dma source(%dma_start3A_335 : memref<10240x128xbf16, #tpu.memory_space<hbm>>) target(%dma_start3A_325 : memref<125x128xbf16, #tpu.memory_space<vmem>>) offsets(%dma_start3A_328 : memref<125xi32, #tpu.memory_space<vmem>>) semaphore(%arg17 : memref<!tpu.dma_semaphore, #tpu.memory_space<semaphore_mem>>)
    %scan3A_336 = arith.constant 0 : i32
    %scan3A_337 = arith.constant 0 : i32
    %scan3A_338 = arith.constant 10 : i32
    %scan3A_339 = arith.addi %scan3A_337, %scan3A_338 : i32
    %scan3A_340 = arith.constant 1 : i32
    %scan3A_341 = scf.for %scan3A_444 = %scan3A_337 to %scan3A_339 step %scan3A_340 iter_args(%scan3A_445 = %scan3A_336) -> (i32)  : i32 {
      %mul3A_446 = arith.constant 8 : i32
      %mul3A_447 = arith.muli %scan3A_444, %mul3A_446 : i32
      %add3A_448 = arith.constant 0 : i32
      %add3A_449 = arith.addi %mul3A_447, %add3A_448 : i32
      %dma_wait3A_450 = arith.constant 0 : i32
      %dma_wait3A_451 = arith.constant 0 : i32
      %dma_wait3A_452 = arith.constant 0 : i32
      %dma_wait3A_453 = tpu.memref_slice %arg9[%dma_wait3A_450, %dma_wait3A_451, %dma_wait3A_452] : memref<8x125x128xbf16, #tpu.memory_space<vmem>> -> memref<1x125x128xbf16, #tpu.memory_space<vmem>>
      %dma_wait3A_454 = tpu.memref_squeeze %dma_wait3A_453 : memref<1x125x128xbf16, #tpu.memory_space<vmem>> -> memref<125x128xbf16, #tpu.memory_space<vmem>>
      %dma_wait3A_455 = arith.constant 0 : i32
      %dma_wait3A_456 = tpu.memref_slice %arg7[%add3A_449, %dma_wait3A_455] : memref<80x125xi32, #tpu.memory_space<vmem>> -> memref<1x125xi32, #tpu.memory_space<vmem>>
      %dma_wait3A_457 = tpu.memref_squeeze %dma_wait3A_456 : memref<1x125xi32, #tpu.memory_space<vmem>> -> memref<125xi32, #tpu.memory_space<vmem>>
      %dma_wait3A_458 = arith.constant 0 : i32
      %dma_wait3A_459 = arith.constant 0 : i32
      %dma_wait3A_460 = tpu.memref_slice %arg2[%add3A_220, %dma_wait3A_458, %dma_wait3A_459] : memref<4x10240x128xbf16, #tpu.memory_space<hbm>> -> memref<1x10240x128xbf16, #tpu.memory_space<hbm>>
      %dma_wait3A_461 = tpu.memref_squeeze %dma_wait3A_460 : memref<1x10240x128xbf16, #tpu.memory_space<hbm>> -> memref<10240x128xbf16, #tpu.memory_space<hbm>>
      %dma_wait3A_462 = arith.constant 0 : i32
      %dma_wait3A_463 = arith.constant 0 : i32
      %dma_wait3A_464 = tpu.memref_slice %dma_wait3A_461[%dma_wait3A_462, %dma_wait3A_463] : memref<10240x128xbf16, #tpu.memory_space<hbm>> -> memref<10240x128xbf16, #tpu.memory_space<hbm>>
      tpu.wait_indirect_dma semaphore(%arg11 : memref<!tpu.dma_semaphore, #tpu.memory_space<semaphore_mem>>) src(%dma_wait3A_464 : memref<10240x128xbf16, #tpu.memory_space<hbm>>) dst(%dma_wait3A_454 : memref<125x128xbf16, #tpu.memory_space<vmem>>)
      %dma_start3A_465 = arith.constant 0 : i32
      %dma_start3A_466 = arith.constant 0 : i32
      %dma_start3A_467 = arith.constant 0 : i32
      %dma_start3A_468 = tpu.memref_slice %arg9[%dma_start3A_465, %dma_start3A_466, %dma_start3A_467] : memref<8x125x128xbf16, #tpu.memory_space<vmem>> -> memref<1x125x128xbf16, #tpu.memory_space<vmem>>
      %dma_start3A_469 = tpu.memref_squeeze %dma_start3A_468 : memref<1x125x128xbf16, #tpu.memory_space<vmem>> -> memref<125x128xbf16, #tpu.memory_space<vmem>>
      %dma_start3A_470 = arith.constant 0 : i32
      %dma_start3A_471 = tpu.memref_slice %arg8[%add3A_449, %dma_start3A_470] : memref<80x125xi32, #tpu.memory_space<vmem>> -> memref<1x125xi32, #tpu.memory_space<vmem>>
      %dma_start3A_472 = tpu.memref_squeeze %dma_start3A_471 : memref<1x125xi32, #tpu.memory_space<vmem>> -> memref<125xi32, #tpu.memory_space<vmem>>
      %dma_start3A_473 = arith.constant 0 : i32
      %dma_start3A_474 = arith.constant 0 : i32
      %dma_start3A_475 = tpu.memref_slice %arg10[%dma_start3A_473, %dma_start3A_474] : memref<10240x128xbf16, #tpu.memory_space<vmem_shared>> -> memref<10240x128xbf16, #tpu.memory_space<vmem_shared>>
      tpu.enqueue_indirect_dma source(%dma_start3A_469 : memref<125x128xbf16, #tpu.memory_space<vmem>>) target(%dma_start3A_475 : memref<10240x128xbf16, #tpu.memory_space<vmem_shared>>) offsets(%dma_start3A_472 : memref<125xi32, #tpu.memory_space<vmem>>) semaphore(%arg19 : memref<!tpu.dma_semaphore, #tpu.memory_space<semaphore_mem>>) {add = true}
      %add3A_476 = arith.constant 8 : i32
      %add3A_477 = arith.addi %add3A_449, %add3A_476 : i32
      %sub3A = arith.constant 1 : i32
      %sub3A_478 = arith.subi %add3A_477, %sub3A : i32
      %gt3A = arith.constant 0 : i32
      %gt3A_479 = arith.cmpi sgt, %add3A_449, %gt3A : i32
      %lt3A = arith.constant 80 : i32
      %lt3A_480 = arith.cmpi slt, %sub3A_478, %lt3A : i32
      %and3A = arith.andi %gt3A_479, %lt3A_480 : i1
      %convert_element_type3A = arith.extui %and3A : i1 to i32
      %cond3A = arith.constant 0 : i32
      %cond3A_481 = arith.cmpi ne, %convert_element_type3A, %cond3A : i32
      scf.if %cond3A_481 {
        %sub3A_817 = arith.constant 1 : i32
        %sub3A_818 = arith.subi %add3A_449, %sub3A_817 : i32
        %dma_wait3A_819 = arith.constant 7 : i32
        %dma_wait3A_820 = arith.constant 0 : i32
        %dma_wait3A_821 = arith.constant 0 : i32
        %dma_wait3A_822 = tpu.memref_slice %arg9[%dma_wait3A_819, %dma_wait3A_820, %dma_wait3A_821] : memref<8x125x128xbf16, #tpu.memory_space<vmem>> -> memref<1x125x128xbf16, #tpu.memory_space<vmem>>
        %dma_wait3A_823 = tpu.memref_squeeze %dma_wait3A_822 : memref<1x125x128xbf16, #tpu.memory_space<vmem>> -> memref<125x128xbf16, #tpu.memory_space<vmem>>
        %dma_wait3A_824 = arith.constant 0 : i32
        %dma_wait3A_825 = tpu.memref_slice %arg8[%sub3A_818, %dma_wait3A_824] : memref<80x125xi32, #tpu.memory_space<vmem>> -> memref<1x125xi32, #tpu.memory_space<vmem>>
        %dma_wait3A_826 = tpu.memref_squeeze %dma_wait3A_825 : memref<1x125xi32, #tpu.memory_space<vmem>> -> memref<125xi32, #tpu.memory_space<vmem>>
        %dma_wait3A_827 = arith.constant 0 : i32
        %dma_wait3A_828 = arith.constant 0 : i32
        %dma_wait3A_829 = tpu.memref_slice %arg10[%dma_wait3A_827, %dma_wait3A_828] : memref<10240x128xbf16, #tpu.memory_space<vmem_shared>> -> memref<10240x128xbf16, #tpu.memory_space<vmem_shared>>
        tpu.wait_indirect_dma semaphore(%arg26 : memref<!tpu.dma_semaphore, #tpu.memory_space<semaphore_mem>>) src(%dma_wait3A_823 : memref<125x128xbf16, #tpu.memory_space<vmem>>) dst(%dma_wait3A_829 : memref<10240x128xbf16, #tpu.memory_space<vmem_shared>>)
      } else {
      }
      %lt3A_482 = arith.constant 80 : i32
      %lt3A_483 = arith.cmpi slt, %sub3A_478, %lt3A_482 : i32
      %convert_element_type3A_484 = arith.extui %lt3A_483 : i1 to i32
      %cond3A_485 = arith.constant 0 : i32
      %cond3A_486 = arith.cmpi ne, %convert_element_type3A_484, %cond3A_485 : i32
      scf.if %cond3A_486 {
        %dma_start3A_817 = arith.constant 7 : i32
        %dma_start3A_818 = arith.constant 0 : i32
        %dma_start3A_819 = arith.constant 0 : i32
        %dma_start3A_820 = tpu.memref_slice %arg9[%dma_start3A_817, %dma_start3A_818, %dma_start3A_819] : memref<8x125x128xbf16, #tpu.memory_space<vmem>> -> memref<1x125x128xbf16, #tpu.memory_space<vmem>>
        %dma_start3A_821 = tpu.memref_squeeze %dma_start3A_820 : memref<1x125x128xbf16, #tpu.memory_space<vmem>> -> memref<125x128xbf16, #tpu.memory_space<vmem>>
        %dma_start3A_822 = arith.constant 0 : i32
        %dma_start3A_823 = tpu.memref_slice %arg7[%sub3A_478, %dma_start3A_822] : memref<80x125xi32, #tpu.memory_space<vmem>> -> memref<1x125xi32, #tpu.memory_space<vmem>>
        %dma_start3A_824 = tpu.memref_squeeze %dma_start3A_823 : memref<1x125xi32, #tpu.memory_space<vmem>> -> memref<125xi32, #tpu.memory_space<vmem>>
        %dma_start3A_825 = arith.constant 0 : i32
        %dma_start3A_826 = arith.constant 0 : i32
        %dma_start3A_827 = tpu.memref_slice %arg2[%add3A_220, %dma_start3A_825, %dma_start3A_826] : memref<4x10240x128xbf16, #tpu.memory_space<hbm>> -> memref<1x10240x128xbf16, #tpu.memory_space<hbm>>
        %dma_start3A_828 = tpu.memref_squeeze %dma_start3A_827 : memref<1x10240x128xbf16, #tpu.memory_space<hbm>> -> memref<10240x128xbf16, #tpu.memory_space<hbm>>
        %dma_start3A_829 = arith.constant 0 : i32
        %dma_start3A_830 = arith.constant 0 : i32
        %dma_start3A_831 = tpu.memref_slice %dma_start3A_828[%dma_start3A_829, %dma_start3A_830] : memref<10240x128xbf16, #tpu.memory_space<hbm>> -> memref<10240x128xbf16, #tpu.memory_space<hbm>>
        tpu.enqueue_indirect_dma source(%dma_start3A_831 : memref<10240x128xbf16, #tpu.memory_space<hbm>>) target(%dma_start3A_821 : memref<125x128xbf16, #tpu.memory_space<vmem>>) offsets(%dma_start3A_824 : memref<125xi32, #tpu.memory_space<vmem>>) semaphore(%arg18 : memref<!tpu.dma_semaphore, #tpu.memory_space<semaphore_mem>>)
      } else {
      }
      %mul3A_487 = arith.constant 8 : i32
      %mul3A_488 = arith.muli %scan3A_444, %mul3A_487 : i32
      %add3A_489 = arith.constant 1 : i32
      %add3A_490 = arith.addi %mul3A_488, %add3A_489 : i32
      %dma_wait3A_491 = arith.constant 1 : i32
      %dma_wait3A_492 = arith.constant 0 : i32
      %dma_wait3A_493 = arith.constant 0 : i32
      %dma_wait3A_494 = tpu.memref_slice %arg9[%dma_wait3A_491, %dma_wait3A_492, %dma_wait3A_493] : memref<8x125x128xbf16, #tpu.memory_space<vmem>> -> memref<1x125x128xbf16, #tpu.memory_space<vmem>>
      %dma_wait3A_495 = tpu.memref_squeeze %dma_wait3A_494 : memref<1x125x128xbf16, #tpu.memory_space<vmem>> -> memref<125x128xbf16, #tpu.memory_space<vmem>>
      %dma_wait3A_496 = arith.constant 0 : i32
      %dma_wait3A_497 = tpu.memref_slice %arg7[%add3A_490, %dma_wait3A_496] : memref<80x125xi32, #tpu.memory_space<vmem>> -> memref<1x125xi32, #tpu.memory_space<vmem>>
      %dma_wait3A_498 = tpu.memref_squeeze %dma_wait3A_497 : memref<1x125xi32, #tpu.memory_space<vmem>> -> memref<125xi32, #tpu.memory_space<vmem>>
      %dma_wait3A_499 = arith.constant 0 : i32
      %dma_wait3A_500 = arith.constant 0 : i32
      %dma_wait3A_501 = tpu.memref_slice %arg2[%add3A_220, %dma_wait3A_499, %dma_wait3A_500] : memref<4x10240x128xbf16, #tpu.memory_space<hbm>> -> memref<1x10240x128xbf16, #tpu.memory_space<hbm>>
      %dma_wait3A_502 = tpu.memref_squeeze %dma_wait3A_501 : memref<1x10240x128xbf16, #tpu.memory_space<hbm>> -> memref<10240x128xbf16, #tpu.memory_space<hbm>>
      %dma_wait3A_503 = arith.constant 0 : i32
      %dma_wait3A_504 = arith.constant 0 : i32
      %dma_wait3A_505 = tpu.memref_slice %dma_wait3A_502[%dma_wait3A_503, %dma_wait3A_504] : memref<10240x128xbf16, #tpu.memory_space<hbm>> -> memref<10240x128xbf16, #tpu.memory_space<hbm>>
      tpu.wait_indirect_dma semaphore(%arg12 : memref<!tpu.dma_semaphore, #tpu.memory_space<semaphore_mem>>) src(%dma_wait3A_505 : memref<10240x128xbf16, #tpu.memory_space<hbm>>) dst(%dma_wait3A_495 : memref<125x128xbf16, #tpu.memory_space<vmem>>)
      %dma_start3A_506 = arith.constant 1 : i32
      %dma_start3A_507 = arith.constant 0 : i32
      %dma_start3A_508 = arith.constant 0 : i32
      %dma_start3A_509 = tpu.memref_slice %arg9[%dma_start3A_506, %dma_start3A_507, %dma_start3A_508] : memref<8x125x128xbf16, #tpu.memory_space<vmem>> -> memref<1x125x128xbf16, #tpu.memory_space<vmem>>
      %dma_start3A_510 = tpu.memref_squeeze %dma_start3A_509 : memref<1x125x128xbf16, #tpu.memory_space<vmem>> -> memref<125x128xbf16, #tpu.memory_space<vmem>>
      %dma_start3A_511 = arith.constant 0 : i32
      %dma_start3A_512 = tpu.memref_slice %arg8[%add3A_490, %dma_start3A_511] : memref<80x125xi32, #tpu.memory_space<vmem>> -> memref<1x125xi32, #tpu.memory_space<vmem>>
      %dma_start3A_513 = tpu.memref_squeeze %dma_start3A_512 : memref<1x125xi32, #tpu.memory_space<vmem>> -> memref<125xi32, #tpu.memory_space<vmem>>
      %dma_start3A_514 = arith.constant 0 : i32
      %dma_start3A_515 = arith.constant 0 : i32
      %dma_start3A_516 = tpu.memref_slice %arg10[%dma_start3A_514, %dma_start3A_515] : memref<10240x128xbf16, #tpu.memory_space<vmem_shared>> -> memref<10240x128xbf16, #tpu.memory_space<vmem_shared>>
      tpu.enqueue_indirect_dma source(%dma_start3A_510 : memref<125x128xbf16, #tpu.memory_space<vmem>>) target(%dma_start3A_516 : memref<10240x128xbf16, #tpu.memory_space<vmem_shared>>) offsets(%dma_start3A_513 : memref<125xi32, #tpu.memory_space<vmem>>) semaphore(%arg20 : memref<!tpu.dma_semaphore, #tpu.memory_space<semaphore_mem>>) {add = true}
      %add3A_517 = arith.constant 8 : i32
      %add3A_518 = arith.addi %add3A_490, %add3A_517 : i32
      %sub3A_519 = arith.constant 1 : i32
      %sub3A_520 = arith.subi %add3A_518, %sub3A_519 : i32
      %gt3A_521 = arith.constant 0 : i32
      %gt3A_522 = arith.cmpi sgt, %add3A_490, %gt3A_521 : i32
      %lt3A_523 = arith.constant 80 : i32
      %lt3A_524 = arith.cmpi slt, %sub3A_520, %lt3A_523 : i32
      %and3A_525 = arith.andi %gt3A_522, %lt3A_524 : i1
      %convert_element_type3A_526 = arith.extui %and3A_525 : i1 to i32
      %cond3A_527 = arith.constant 0 : i32
      %cond3A_528 = arith.cmpi ne, %convert_element_type3A_526, %cond3A_527 : i32
      scf.if %cond3A_528 {
        %sub3A_817 = arith.constant 1 : i32
        %sub3A_818 = arith.subi %add3A_490, %sub3A_817 : i32
        %dma_wait3A_819 = arith.constant 0 : i32
        %dma_wait3A_820 = arith.constant 0 : i32
        %dma_wait3A_821 = arith.constant 0 : i32
        %dma_wait3A_822 = tpu.memref_slice %arg9[%dma_wait3A_819, %dma_wait3A_820, %dma_wait3A_821] : memref<8x125x128xbf16, #tpu.memory_space<vmem>> -> memref<1x125x128xbf16, #tpu.memory_space<vmem>>
        %dma_wait3A_823 = tpu.memref_squeeze %dma_wait3A_822 : memref<1x125x128xbf16, #tpu.memory_space<vmem>> -> memref<125x128xbf16, #tpu.memory_space<vmem>>
        %dma_wait3A_824 = arith.constant 0 : i32
        %dma_wait3A_825 = tpu.memref_slice %arg8[%sub3A_818, %dma_wait3A_824] : memref<80x125xi32, #tpu.memory_space<vmem>> -> memref<1x125xi32, #tpu.memory_space<vmem>>
        %dma_wait3A_826 = tpu.memref_squeeze %dma_wait3A_825 : memref<1x125xi32, #tpu.memory_space<vmem>> -> memref<125xi32, #tpu.memory_space<vmem>>
        %dma_wait3A_827 = arith.constant 0 : i32
        %dma_wait3A_828 = arith.constant 0 : i32
        %dma_wait3A_829 = tpu.memref_slice %arg10[%dma_wait3A_827, %dma_wait3A_828] : memref<10240x128xbf16, #tpu.memory_space<vmem_shared>> -> memref<10240x128xbf16, #tpu.memory_space<vmem_shared>>
        tpu.wait_indirect_dma semaphore(%arg19 : memref<!tpu.dma_semaphore, #tpu.memory_space<semaphore_mem>>) src(%dma_wait3A_823 : memref<125x128xbf16, #tpu.memory_space<vmem>>) dst(%dma_wait3A_829 : memref<10240x128xbf16, #tpu.memory_space<vmem_shared>>)
      } else {
      }
      %lt3A_529 = arith.constant 80 : i32
      %lt3A_530 = arith.cmpi slt, %sub3A_520, %lt3A_529 : i32
      %convert_element_type3A_531 = arith.extui %lt3A_530 : i1 to i32
      %cond3A_532 = arith.constant 0 : i32
      %cond3A_533 = arith.cmpi ne, %convert_element_type3A_531, %cond3A_532 : i32
      scf.if %cond3A_533 {
        %dma_start3A_817 = arith.constant 0 : i32
        %dma_start3A_818 = arith.constant 0 : i32
        %dma_start3A_819 = arith.constant 0 : i32
        %dma_start3A_820 = tpu.memref_slice %arg9[%dma_start3A_817, %dma_start3A_818, %dma_start3A_819] : memref<8x125x128xbf16, #tpu.memory_space<vmem>> -> memref<1x125x128xbf16, #tpu.memory_space<vmem>>
        %dma_start3A_821 = tpu.memref_squeeze %dma_start3A_820 : memref<1x125x128xbf16, #tpu.memory_space<vmem>> -> memref<125x128xbf16, #tpu.memory_space<vmem>>
        %dma_start3A_822 = arith.constant 0 : i32
        %dma_start3A_823 = tpu.memref_slice %arg7[%sub3A_520, %dma_start3A_822] : memref<80x125xi32, #tpu.memory_space<vmem>> -> memref<1x125xi32, #tpu.memory_space<vmem>>
        %dma_start3A_824 = tpu.memref_squeeze %dma_start3A_823 : memref<1x125xi32, #tpu.memory_space<vmem>> -> memref<125xi32, #tpu.memory_space<vmem>>
        %dma_start3A_825 = arith.constant 0 : i32
        %dma_start3A_826 = arith.constant 0 : i32
        %dma_start3A_827 = tpu.memref_slice %arg2[%add3A_220, %dma_start3A_825, %dma_start3A_826] : memref<4x10240x128xbf16, #tpu.memory_space<hbm>> -> memref<1x10240x128xbf16, #tpu.memory_space<hbm>>
        %dma_start3A_828 = tpu.memref_squeeze %dma_start3A_827 : memref<1x10240x128xbf16, #tpu.memory_space<hbm>> -> memref<10240x128xbf16, #tpu.memory_space<hbm>>
        %dma_start3A_829 = arith.constant 0 : i32
        %dma_start3A_830 = arith.constant 0 : i32
        %dma_start3A_831 = tpu.memref_slice %dma_start3A_828[%dma_start3A_829, %dma_start3A_830] : memref<10240x128xbf16, #tpu.memory_space<hbm>> -> memref<10240x128xbf16, #tpu.memory_space<hbm>>
        tpu.enqueue_indirect_dma source(%dma_start3A_831 : memref<10240x128xbf16, #tpu.memory_space<hbm>>) target(%dma_start3A_821 : memref<125x128xbf16, #tpu.memory_space<vmem>>) offsets(%dma_start3A_824 : memref<125xi32, #tpu.memory_space<vmem>>) semaphore(%arg11 : memref<!tpu.dma_semaphore, #tpu.memory_space<semaphore_mem>>)
      } else {
      }
      %mul3A_534 = arith.constant 8 : i32
      %mul3A_535 = arith.muli %scan3A_444, %mul3A_534 : i32
      %add3A_536 = arith.constant 2 : i32
      %add3A_537 = arith.addi %mul3A_535, %add3A_536 : i32
      %dma_wait3A_538 = arith.constant 2 : i32
      %dma_wait3A_539 = arith.constant 0 : i32
      %dma_wait3A_540 = arith.constant 0 : i32
      %dma_wait3A_541 = tpu.memref_slice %arg9[%dma_wait3A_538, %dma_wait3A_539, %dma_wait3A_540] : memref<8x125x128xbf16, #tpu.memory_space<vmem>> -> memref<1x125x128xbf16, #tpu.memory_space<vmem>>
      %dma_wait3A_542 = tpu.memref_squeeze %dma_wait3A_541 : memref<1x125x128xbf16, #tpu.memory_space<vmem>> -> memref<125x128xbf16, #tpu.memory_space<vmem>>
      %dma_wait3A_543 = arith.constant 0 : i32
      %dma_wait3A_544 = tpu.memref_slice %arg7[%add3A_537, %dma_wait3A_543] : memref<80x125xi32, #tpu.memory_space<vmem>> -> memref<1x125xi32, #tpu.memory_space<vmem>>
      %dma_wait3A_545 = tpu.memref_squeeze %dma_wait3A_544 : memref<1x125xi32, #tpu.memory_space<vmem>> -> memref<125xi32, #tpu.memory_space<vmem>>
      %dma_wait3A_546 = arith.constant 0 : i32
      %dma_wait3A_547 = arith.constant 0 : i32
      %dma_wait3A_548 = tpu.memref_slice %arg2[%add3A_220, %dma_wait3A_546, %dma_wait3A_547] : memref<4x10240x128xbf16, #tpu.memory_space<hbm>> -> memref<1x10240x128xbf16, #tpu.memory_space<hbm>>
      %dma_wait3A_549 = tpu.memref_squeeze %dma_wait3A_548 : memref<1x10240x128xbf16, #tpu.memory_space<hbm>> -> memref<10240x128xbf16, #tpu.memory_space<hbm>>
      %dma_wait3A_550 = arith.constant 0 : i32
      %dma_wait3A_551 = arith.constant 0 : i32
      %dma_wait3A_552 = tpu.memref_slice %dma_wait3A_549[%dma_wait3A_550, %dma_wait3A_551] : memref<10240x128xbf16, #tpu.memory_space<hbm>> -> memref<10240x128xbf16, #tpu.memory_space<hbm>>
      tpu.wait_indirect_dma semaphore(%arg13 : memref<!tpu.dma_semaphore, #tpu.memory_space<semaphore_mem>>) src(%dma_wait3A_552 : memref<10240x128xbf16, #tpu.memory_space<hbm>>) dst(%dma_wait3A_542 : memref<125x128xbf16, #tpu.memory_space<vmem>>)
      %dma_start3A_553 = arith.constant 2 : i32
      %dma_start3A_554 = arith.constant 0 : i32
      %dma_start3A_555 = arith.constant 0 : i32
      %dma_start3A_556 = tpu.memref_slice %arg9[%dma_start3A_553, %dma_start3A_554, %dma_start3A_555] : memref<8x125x128xbf16, #tpu.memory_space<vmem>> -> memref<1x125x128xbf16, #tpu.memory_space<vmem>>
      %dma_start3A_557 = tpu.memref_squeeze %dma_start3A_556 : memref<1x125x128xbf16, #tpu.memory_space<vmem>> -> memref<125x128xbf16, #tpu.memory_space<vmem>>
      %dma_start3A_558 = arith.constant 0 : i32
      %dma_start3A_559 = tpu.memref_slice %arg8[%add3A_537, %dma_start3A_558] : memref<80x125xi32, #tpu.memory_space<vmem>> -> memref<1x125xi32, #tpu.memory_space<vmem>>
      %dma_start3A_560 = tpu.memref_squeeze %dma_start3A_559 : memref<1x125xi32, #tpu.memory_space<vmem>> -> memref<125xi32, #tpu.memory_space<vmem>>
      %dma_start3A_561 = arith.constant 0 : i32
      %dma_start3A_562 = arith.constant 0 : i32
      %dma_start3A_563 = tpu.memref_slice %arg10[%dma_start3A_561, %dma_start3A_562] : memref<10240x128xbf16, #tpu.memory_space<vmem_shared>> -> memref<10240x128xbf16, #tpu.memory_space<vmem_shared>>
      tpu.enqueue_indirect_dma source(%dma_start3A_557 : memref<125x128xbf16, #tpu.memory_space<vmem>>) target(%dma_start3A_563 : memref<10240x128xbf16, #tpu.memory_space<vmem_shared>>) offsets(%dma_start3A_560 : memref<125xi32, #tpu.memory_space<vmem>>) semaphore(%arg21 : memref<!tpu.dma_semaphore, #tpu.memory_space<semaphore_mem>>) {add = true}
      %add3A_564 = arith.constant 8 : i32
      %add3A_565 = arith.addi %add3A_537, %add3A_564 : i32
      %sub3A_566 = arith.constant 1 : i32
      %sub3A_567 = arith.subi %add3A_565, %sub3A_566 : i32
      %gt3A_568 = arith.constant 0 : i32
      %gt3A_569 = arith.cmpi sgt, %add3A_537, %gt3A_568 : i32
      %lt3A_570 = arith.constant 80 : i32
      %lt3A_571 = arith.cmpi slt, %sub3A_567, %lt3A_570 : i32
      %and3A_572 = arith.andi %gt3A_569, %lt3A_571 : i1
      %convert_element_type3A_573 = arith.extui %and3A_572 : i1 to i32
      %cond3A_574 = arith.constant 0 : i32
      %cond3A_575 = arith.cmpi ne, %convert_element_type3A_573, %cond3A_574 : i32
      scf.if %cond3A_575 {
        %sub3A_817 = arith.constant 1 : i32
        %sub3A_818 = arith.subi %add3A_537, %sub3A_817 : i32
        %dma_wait3A_819 = arith.constant 1 : i32
        %dma_wait3A_820 = arith.constant 0 : i32
        %dma_wait3A_821 = arith.constant 0 : i32
        %dma_wait3A_822 = tpu.memref_slice %arg9[%dma_wait3A_819, %dma_wait3A_820, %dma_wait3A_821] : memref<8x125x128xbf16, #tpu.memory_space<vmem>> -> memref<1x125x128xbf16, #tpu.memory_space<vmem>>
        %dma_wait3A_823 = tpu.memref_squeeze %dma_wait3A_822 : memref<1x125x128xbf16, #tpu.memory_space<vmem>> -> memref<125x128xbf16, #tpu.memory_space<vmem>>
        %dma_wait3A_824 = arith.constant 0 : i32
        %dma_wait3A_825 = tpu.memref_slice %arg8[%sub3A_818, %dma_wait3A_824] : memref<80x125xi32, #tpu.memory_space<vmem>> -> memref<1x125xi32, #tpu.memory_space<vmem>>
        %dma_wait3A_826 = tpu.memref_squeeze %dma_wait3A_825 : memref<1x125xi32, #tpu.memory_space<vmem>> -> memref<125xi32, #tpu.memory_space<vmem>>
        %dma_wait3A_827 = arith.constant 0 : i32
        %dma_wait3A_828 = arith.constant 0 : i32
        %dma_wait3A_829 = tpu.memref_slice %arg10[%dma_wait3A_827, %dma_wait3A_828] : memref<10240x128xbf16, #tpu.memory_space<vmem_shared>> -> memref<10240x128xbf16, #tpu.memory_space<vmem_shared>>
        tpu.wait_indirect_dma semaphore(%arg20 : memref<!tpu.dma_semaphore, #tpu.memory_space<semaphore_mem>>) src(%dma_wait3A_823 : memref<125x128xbf16, #tpu.memory_space<vmem>>) dst(%dma_wait3A_829 : memref<10240x128xbf16, #tpu.memory_space<vmem_shared>>)
      } else {
      }
      %lt3A_576 = arith.constant 80 : i32
      %lt3A_577 = arith.cmpi slt, %sub3A_567, %lt3A_576 : i32
      %convert_element_type3A_578 = arith.extui %lt3A_577 : i1 to i32
      %cond3A_579 = arith.constant 0 : i32
      %cond3A_580 = arith.cmpi ne, %convert_element_type3A_578, %cond3A_579 : i32
      scf.if %cond3A_580 {
        %dma_start3A_817 = arith.constant 1 : i32
        %dma_start3A_818 = arith.constant 0 : i32
        %dma_start3A_819 = arith.constant 0 : i32
        %dma_start3A_820 = tpu.memref_slice %arg9[%dma_start3A_817, %dma_start3A_818, %dma_start3A_819] : memref<8x125x128xbf16, #tpu.memory_space<vmem>> -> memref<1x125x128xbf16, #tpu.memory_space<vmem>>
        %dma_start3A_821 = tpu.memref_squeeze %dma_start3A_820 : memref<1x125x128xbf16, #tpu.memory_space<vmem>> -> memref<125x128xbf16, #tpu.memory_space<vmem>>
        %dma_start3A_822 = arith.constant 0 : i32
        %dma_start3A_823 = tpu.memref_slice %arg7[%sub3A_567, %dma_start3A_822] : memref<80x125xi32, #tpu.memory_space<vmem>> -> memref<1x125xi32, #tpu.memory_space<vmem>>
        %dma_start3A_824 = tpu.memref_squeeze %dma_start3A_823 : memref<1x125xi32, #tpu.memory_space<vmem>> -> memref<125xi32, #tpu.memory_space<vmem>>
        %dma_start3A_825 = arith.constant 0 : i32
        %dma_start3A_826 = arith.constant 0 : i32
        %dma_start3A_827 = tpu.memref_slice %arg2[%add3A_220, %dma_start3A_825, %dma_start3A_826] : memref<4x10240x128xbf16, #tpu.memory_space<hbm>> -> memref<1x10240x128xbf16, #tpu.memory_space<hbm>>
        %dma_start3A_828 = tpu.memref_squeeze %dma_start3A_827 : memref<1x10240x128xbf16, #tpu.memory_space<hbm>> -> memref<10240x128xbf16, #tpu.memory_space<hbm>>
        %dma_start3A_829 = arith.constant 0 : i32
        %dma_start3A_830 = arith.constant 0 : i32
        %dma_start3A_831 = tpu.memref_slice %dma_start3A_828[%dma_start3A_829, %dma_start3A_830] : memref<10240x128xbf16, #tpu.memory_space<hbm>> -> memref<10240x128xbf16, #tpu.memory_space<hbm>>
        tpu.enqueue_indirect_dma source(%dma_start3A_831 : memref<10240x128xbf16, #tpu.memory_space<hbm>>) target(%dma_start3A_821 : memref<125x128xbf16, #tpu.memory_space<vmem>>) offsets(%dma_start3A_824 : memref<125xi32, #tpu.memory_space<vmem>>) semaphore(%arg12 : memref<!tpu.dma_semaphore, #tpu.memory_space<semaphore_mem>>)
      } else {
      }
      %mul3A_581 = arith.constant 8 : i32
      %mul3A_582 = arith.muli %scan3A_444, %mul3A_581 : i32
      %add3A_583 = arith.constant 3 : i32
      %add3A_584 = arith.addi %mul3A_582, %add3A_583 : i32
      %dma_wait3A_585 = arith.constant 3 : i32
      %dma_wait3A_586 = arith.constant 0 : i32
      %dma_wait3A_587 = arith.constant 0 : i32
      %dma_wait3A_588 = tpu.memref_slice %arg9[%dma_wait3A_585, %dma_wait3A_586, %dma_wait3A_587] : memref<8x125x128xbf16, #tpu.memory_space<vmem>> -> memref<1x125x128xbf16, #tpu.memory_space<vmem>>
      %dma_wait3A_589 = tpu.memref_squeeze %dma_wait3A_588 : memref<1x125x128xbf16, #tpu.memory_space<vmem>> -> memref<125x128xbf16, #tpu.memory_space<vmem>>
      %dma_wait3A_590 = arith.constant 0 : i32
      %dma_wait3A_591 = tpu.memref_slice %arg7[%add3A_584, %dma_wait3A_590] : memref<80x125xi32, #tpu.memory_space<vmem>> -> memref<1x125xi32, #tpu.memory_space<vmem>>
      %dma_wait3A_592 = tpu.memref_squeeze %dma_wait3A_591 : memref<1x125xi32, #tpu.memory_space<vmem>> -> memref<125xi32, #tpu.memory_space<vmem>>
      %dma_wait3A_593 = arith.constant 0 : i32
      %dma_wait3A_594 = arith.constant 0 : i32
      %dma_wait3A_595 = tpu.memref_slice %arg2[%add3A_220, %dma_wait3A_593, %dma_wait3A_594] : memref<4x10240x128xbf16, #tpu.memory_space<hbm>> -> memref<1x10240x128xbf16, #tpu.memory_space<hbm>>
      %dma_wait3A_596 = tpu.memref_squeeze %dma_wait3A_595 : memref<1x10240x128xbf16, #tpu.memory_space<hbm>> -> memref<10240x128xbf16, #tpu.memory_space<hbm>>
      %dma_wait3A_597 = arith.constant 0 : i32
      %dma_wait3A_598 = arith.constant 0 : i32
      %dma_wait3A_599 = tpu.memref_slice %dma_wait3A_596[%dma_wait3A_597, %dma_wait3A_598] : memref<10240x128xbf16, #tpu.memory_space<hbm>> -> memref<10240x128xbf16, #tpu.memory_space<hbm>>
      tpu.wait_indirect_dma semaphore(%arg14 : memref<!tpu.dma_semaphore, #tpu.memory_space<semaphore_mem>>) src(%dma_wait3A_599 : memref<10240x128xbf16, #tpu.memory_space<hbm>>) dst(%dma_wait3A_589 : memref<125x128xbf16, #tpu.memory_space<vmem>>)
      %dma_start3A_600 = arith.constant 3 : i32
      %dma_start3A_601 = arith.constant 0 : i32
      %dma_start3A_602 = arith.constant 0 : i32
      %dma_start3A_603 = tpu.memref_slice %arg9[%dma_start3A_600, %dma_start3A_601, %dma_start3A_602] : memref<8x125x128xbf16, #tpu.memory_space<vmem>> -> memref<1x125x128xbf16, #tpu.memory_space<vmem>>
      %dma_start3A_604 = tpu.memref_squeeze %dma_start3A_603 : memref<1x125x128xbf16, #tpu.memory_space<vmem>> -> memref<125x128xbf16, #tpu.memory_space<vmem>>
      %dma_start3A_605 = arith.constant 0 : i32
      %dma_start3A_606 = tpu.memref_slice %arg8[%add3A_584, %dma_start3A_605] : memref<80x125xi32, #tpu.memory_space<vmem>> -> memref<1x125xi32, #tpu.memory_space<vmem>>
      %dma_start3A_607 = tpu.memref_squeeze %dma_start3A_606 : memref<1x125xi32, #tpu.memory_space<vmem>> -> memref<125xi32, #tpu.memory_space<vmem>>
      %dma_start3A_608 = arith.constant 0 : i32
      %dma_start3A_609 = arith.constant 0 : i32
      %dma_start3A_610 = tpu.memref_slice %arg10[%dma_start3A_608, %dma_start3A_609] : memref<10240x128xbf16, #tpu.memory_space<vmem_shared>> -> memref<10240x128xbf16, #tpu.memory_space<vmem_shared>>
      tpu.enqueue_indirect_dma source(%dma_start3A_604 : memref<125x128xbf16, #tpu.memory_space<vmem>>) target(%dma_start3A_610 : memref<10240x128xbf16, #tpu.memory_space<vmem_shared>>) offsets(%dma_start3A_607 : memref<125xi32, #tpu.memory_space<vmem>>) semaphore(%arg22 : memref<!tpu.dma_semaphore, #tpu.memory_space<semaphore_mem>>) {add = true}
      %add3A_611 = arith.constant 8 : i32
      %add3A_612 = arith.addi %add3A_584, %add3A_611 : i32
      %sub3A_613 = arith.constant 1 : i32
      %sub3A_614 = arith.subi %add3A_612, %sub3A_613 : i32
      %gt3A_615 = arith.constant 0 : i32
      %gt3A_616 = arith.cmpi sgt, %add3A_584, %gt3A_615 : i32
      %lt3A_617 = arith.constant 80 : i32
      %lt3A_618 = arith.cmpi slt, %sub3A_614, %lt3A_617 : i32
      %and3A_619 = arith.andi %gt3A_616, %lt3A_618 : i1
      %convert_element_type3A_620 = arith.extui %and3A_619 : i1 to i32
      %cond3A_621 = arith.constant 0 : i32
      %cond3A_622 = arith.cmpi ne, %convert_element_type3A_620, %cond3A_621 : i32
      scf.if %cond3A_622 {
        %sub3A_817 = arith.constant 1 : i32
        %sub3A_818 = arith.subi %add3A_584, %sub3A_817 : i32
        %dma_wait3A_819 = arith.constant 2 : i32
        %dma_wait3A_820 = arith.constant 0 : i32
        %dma_wait3A_821 = arith.constant 0 : i32
        %dma_wait3A_822 = tpu.memref_slice %arg9[%dma_wait3A_819, %dma_wait3A_820, %dma_wait3A_821] : memref<8x125x128xbf16, #tpu.memory_space<vmem>> -> memref<1x125x128xbf16, #tpu.memory_space<vmem>>
        %dma_wait3A_823 = tpu.memref_squeeze %dma_wait3A_822 : memref<1x125x128xbf16, #tpu.memory_space<vmem>> -> memref<125x128xbf16, #tpu.memory_space<vmem>>
        %dma_wait3A_824 = arith.constant 0 : i32
        %dma_wait3A_825 = tpu.memref_slice %arg8[%sub3A_818, %dma_wait3A_824] : memref<80x125xi32, #tpu.memory_space<vmem>> -> memref<1x125xi32, #tpu.memory_space<vmem>>
        %dma_wait3A_826 = tpu.memref_squeeze %dma_wait3A_825 : memref<1x125xi32, #tpu.memory_space<vmem>> -> memref<125xi32, #tpu.memory_space<vmem>>
        %dma_wait3A_827 = arith.constant 0 : i32
        %dma_wait3A_828 = arith.constant 0 : i32
        %dma_wait3A_829 = tpu.memref_slice %arg10[%dma_wait3A_827, %dma_wait3A_828] : memref<10240x128xbf16, #tpu.memory_space<vmem_shared>> -> memref<10240x128xbf16, #tpu.memory_space<vmem_shared>>
        tpu.wait_indirect_dma semaphore(%arg21 : memref<!tpu.dma_semaphore, #tpu.memory_space<semaphore_mem>>) src(%dma_wait3A_823 : memref<125x128xbf16, #tpu.memory_space<vmem>>) dst(%dma_wait3A_829 : memref<10240x128xbf16, #tpu.memory_space<vmem_shared>>)
      } else {
      }
      %lt3A_623 = arith.constant 80 : i32
      %lt3A_624 = arith.cmpi slt, %sub3A_614, %lt3A_623 : i32
      %convert_element_type3A_625 = arith.extui %lt3A_624 : i1 to i32
      %cond3A_626 = arith.constant 0 : i32
      %cond3A_627 = arith.cmpi ne, %convert_element_type3A_625, %cond3A_626 : i32
      scf.if %cond3A_627 {
        %dma_start3A_817 = arith.constant 2 : i32
        %dma_start3A_818 = arith.constant 0 : i32
        %dma_start3A_819 = arith.constant 0 : i32
        %dma_start3A_820 = tpu.memref_slice %arg9[%dma_start3A_817, %dma_start3A_818, %dma_start3A_819] : memref<8x125x128xbf16, #tpu.memory_space<vmem>> -> memref<1x125x128xbf16, #tpu.memory_space<vmem>>
        %dma_start3A_821 = tpu.memref_squeeze %dma_start3A_820 : memref<1x125x128xbf16, #tpu.memory_space<vmem>> -> memref<125x128xbf16, #tpu.memory_space<vmem>>
        %dma_start3A_822 = arith.constant 0 : i32
        %dma_start3A_823 = tpu.memref_slice %arg7[%sub3A_614, %dma_start3A_822] : memref<80x125xi32, #tpu.memory_space<vmem>> -> memref<1x125xi32, #tpu.memory_space<vmem>>
        %dma_start3A_824 = tpu.memref_squeeze %dma_start3A_823 : memref<1x125xi32, #tpu.memory_space<vmem>> -> memref<125xi32, #tpu.memory_space<vmem>>
        %dma_start3A_825 = arith.constant 0 : i32
        %dma_start3A_826 = arith.constant 0 : i32
        %dma_start3A_827 = tpu.memref_slice %arg2[%add3A_220, %dma_start3A_825, %dma_start3A_826] : memref<4x10240x128xbf16, #tpu.memory_space<hbm>> -> memref<1x10240x128xbf16, #tpu.memory_space<hbm>>
        %dma_start3A_828 = tpu.memref_squeeze %dma_start3A_827 : memref<1x10240x128xbf16, #tpu.memory_space<hbm>> -> memref<10240x128xbf16, #tpu.memory_space<hbm>>
        %dma_start3A_829 = arith.constant 0 : i32
        %dma_start3A_830 = arith.constant 0 : i32
        %dma_start3A_831 = tpu.memref_slice %dma_start3A_828[%dma_start3A_829, %dma_start3A_830] : memref<10240x128xbf16, #tpu.memory_space<hbm>> -> memref<10240x128xbf16, #tpu.memory_space<hbm>>
        tpu.enqueue_indirect_dma source(%dma_start3A_831 : memref<10240x128xbf16, #tpu.memory_space<hbm>>) target(%dma_start3A_821 : memref<125x128xbf16, #tpu.memory_space<vmem>>) offsets(%dma_start3A_824 : memref<125xi32, #tpu.memory_space<vmem>>) semaphore(%arg13 : memref<!tpu.dma_semaphore, #tpu.memory_space<semaphore_mem>>)
      } else {
      }
      %mul3A_628 = arith.constant 8 : i32
      %mul3A_629 = arith.muli %scan3A_444, %mul3A_628 : i32
      %add3A_630 = arith.constant 4 : i32
      %add3A_631 = arith.addi %mul3A_629, %add3A_630 : i32
      %dma_wait3A_632 = arith.constant 4 : i32
      %dma_wait3A_633 = arith.constant 0 : i32
      %dma_wait3A_634 = arith.constant 0 : i32
      %dma_wait3A_635 = tpu.memref_slice %arg9[%dma_wait3A_632, %dma_wait3A_633, %dma_wait3A_634] : memref<8x125x128xbf16, #tpu.memory_space<vmem>> -> memref<1x125x128xbf16, #tpu.memory_space<vmem>>
      %dma_wait3A_636 = tpu.memref_squeeze %dma_wait3A_635 : memref<1x125x128xbf16, #tpu.memory_space<vmem>> -> memref<125x128xbf16, #tpu.memory_space<vmem>>
      %dma_wait3A_637 = arith.constant 0 : i32
      %dma_wait3A_638 = tpu.memref_slice %arg7[%add3A_631, %dma_wait3A_637] : memref<80x125xi32, #tpu.memory_space<vmem>> -> memref<1x125xi32, #tpu.memory_space<vmem>>
      %dma_wait3A_639 = tpu.memref_squeeze %dma_wait3A_638 : memref<1x125xi32, #tpu.memory_space<vmem>> -> memref<125xi32, #tpu.memory_space<vmem>>
      %dma_wait3A_640 = arith.constant 0 : i32
      %dma_wait3A_641 = arith.constant 0 : i32
      %dma_wait3A_642 = tpu.memref_slice %arg2[%add3A_220, %dma_wait3A_640, %dma_wait3A_641] : memref<4x10240x128xbf16, #tpu.memory_space<hbm>> -> memref<1x10240x128xbf16, #tpu.memory_space<hbm>>
      %dma_wait3A_643 = tpu.memref_squeeze %dma_wait3A_642 : memref<1x10240x128xbf16, #tpu.memory_space<hbm>> -> memref<10240x128xbf16, #tpu.memory_space<hbm>>
      %dma_wait3A_644 = arith.constant 0 : i32
      %dma_wait3A_645 = arith.constant 0 : i32
      %dma_wait3A_646 = tpu.memref_slice %dma_wait3A_643[%dma_wait3A_644, %dma_wait3A_645] : memref<10240x128xbf16, #tpu.memory_space<hbm>> -> memref<10240x128xbf16, #tpu.memory_space<hbm>>
      tpu.wait_indirect_dma semaphore(%arg15 : memref<!tpu.dma_semaphore, #tpu.memory_space<semaphore_mem>>) src(%dma_wait3A_646 : memref<10240x128xbf16, #tpu.memory_space<hbm>>) dst(%dma_wait3A_636 : memref<125x128xbf16, #tpu.memory_space<vmem>>)
      %dma_start3A_647 = arith.constant 4 : i32
      %dma_start3A_648 = arith.constant 0 : i32
      %dma_start3A_649 = arith.constant 0 : i32
      %dma_start3A_650 = tpu.memref_slice %arg9[%dma_start3A_647, %dma_start3A_648, %dma_start3A_649] : memref<8x125x128xbf16, #tpu.memory_space<vmem>> -> memref<1x125x128xbf16, #tpu.memory_space<vmem>>
      %dma_start3A_651 = tpu.memref_squeeze %dma_start3A_650 : memref<1x125x128xbf16, #tpu.memory_space<vmem>> -> memref<125x128xbf16, #tpu.memory_space<vmem>>
      %dma_start3A_652 = arith.constant 0 : i32
      %dma_start3A_653 = tpu.memref_slice %arg8[%add3A_631, %dma_start3A_652] : memref<80x125xi32, #tpu.memory_space<vmem>> -> memref<1x125xi32, #tpu.memory_space<vmem>>
      %dma_start3A_654 = tpu.memref_squeeze %dma_start3A_653 : memref<1x125xi32, #tpu.memory_space<vmem>> -> memref<125xi32, #tpu.memory_space<vmem>>
      %dma_start3A_655 = arith.constant 0 : i32
      %dma_start3A_656 = arith.constant 0 : i32
      %dma_start3A_657 = tpu.memref_slice %arg10[%dma_start3A_655, %dma_start3A_656] : memref<10240x128xbf16, #tpu.memory_space<vmem_shared>> -> memref<10240x128xbf16, #tpu.memory_space<vmem_shared>>
      tpu.enqueue_indirect_dma source(%dma_start3A_651 : memref<125x128xbf16, #tpu.memory_space<vmem>>) target(%dma_start3A_657 : memref<10240x128xbf16, #tpu.memory_space<vmem_shared>>) offsets(%dma_start3A_654 : memref<125xi32, #tpu.memory_space<vmem>>) semaphore(%arg23 : memref<!tpu.dma_semaphore, #tpu.memory_space<semaphore_mem>>) {add = true}
      %add3A_658 = arith.constant 8 : i32
      %add3A_659 = arith.addi %add3A_631, %add3A_658 : i32
      %sub3A_660 = arith.constant 1 : i32
      %sub3A_661 = arith.subi %add3A_659, %sub3A_660 : i32
      %gt3A_662 = arith.constant 0 : i32
      %gt3A_663 = arith.cmpi sgt, %add3A_631, %gt3A_662 : i32
      %lt3A_664 = arith.constant 80 : i32
      %lt3A_665 = arith.cmpi slt, %sub3A_661, %lt3A_664 : i32
      %and3A_666 = arith.andi %gt3A_663, %lt3A_665 : i1
      %convert_element_type3A_667 = arith.extui %and3A_666 : i1 to i32
      %cond3A_668 = arith.constant 0 : i32
      %cond3A_669 = arith.cmpi ne, %convert_element_type3A_667, %cond3A_668 : i32
      scf.if %cond3A_669 {
        %sub3A_817 = arith.constant 1 : i32
        %sub3A_818 = arith.subi %add3A_631, %sub3A_817 : i32
        %dma_wait3A_819 = arith.constant 3 : i32
        %dma_wait3A_820 = arith.constant 0 : i32
        %dma_wait3A_821 = arith.constant 0 : i32
        %dma_wait3A_822 = tpu.memref_slice %arg9[%dma_wait3A_819, %dma_wait3A_820, %dma_wait3A_821] : memref<8x125x128xbf16, #tpu.memory_space<vmem>> -> memref<1x125x128xbf16, #tpu.memory_space<vmem>>
        %dma_wait3A_823 = tpu.memref_squeeze %dma_wait3A_822 : memref<1x125x128xbf16, #tpu.memory_space<vmem>> -> memref<125x128xbf16, #tpu.memory_space<vmem>>
        %dma_wait3A_824 = arith.constant 0 : i32
        %dma_wait3A_825 = tpu.memref_slice %arg8[%sub3A_818, %dma_wait3A_824] : memref<80x125xi32, #tpu.memory_space<vmem>> -> memref<1x125xi32, #tpu.memory_space<vmem>>
        %dma_wait3A_826 = tpu.memref_squeeze %dma_wait3A_825 : memref<1x125xi32, #tpu.memory_space<vmem>> -> memref<125xi32, #tpu.memory_space<vmem>>
        %dma_wait3A_827 = arith.constant 0 : i32
        %dma_wait3A_828 = arith.constant 0 : i32
        %dma_wait3A_829 = tpu.memref_slice %arg10[%dma_wait3A_827, %dma_wait3A_828] : memref<10240x128xbf16, #tpu.memory_space<vmem_shared>> -> memref<10240x128xbf16, #tpu.memory_space<vmem_shared>>
        tpu.wait_indirect_dma semaphore(%arg22 : memref<!tpu.dma_semaphore, #tpu.memory_space<semaphore_mem>>) src(%dma_wait3A_823 : memref<125x128xbf16, #tpu.memory_space<vmem>>) dst(%dma_wait3A_829 : memref<10240x128xbf16, #tpu.memory_space<vmem_shared>>)
      } else {
      }
      %lt3A_670 = arith.constant 80 : i32
      %lt3A_671 = arith.cmpi slt, %sub3A_661, %lt3A_670 : i32
      %convert_element_type3A_672 = arith.extui %lt3A_671 : i1 to i32
      %cond3A_673 = arith.constant 0 : i32
      %cond3A_674 = arith.cmpi ne, %convert_element_type3A_672, %cond3A_673 : i32
      scf.if %cond3A_674 {
        %dma_start3A_817 = arith.constant 3 : i32
        %dma_start3A_818 = arith.constant 0 : i32
        %dma_start3A_819 = arith.constant 0 : i32
        %dma_start3A_820 = tpu.memref_slice %arg9[%dma_start3A_817, %dma_start3A_818, %dma_start3A_819] : memref<8x125x128xbf16, #tpu.memory_space<vmem>> -> memref<1x125x128xbf16, #tpu.memory_space<vmem>>
        %dma_start3A_821 = tpu.memref_squeeze %dma_start3A_820 : memref<1x125x128xbf16, #tpu.memory_space<vmem>> -> memref<125x128xbf16, #tpu.memory_space<vmem>>
        %dma_start3A_822 = arith.constant 0 : i32
        %dma_start3A_823 = tpu.memref_slice %arg7[%sub3A_661, %dma_start3A_822] : memref<80x125xi32, #tpu.memory_space<vmem>> -> memref<1x125xi32, #tpu.memory_space<vmem>>
        %dma_start3A_824 = tpu.memref_squeeze %dma_start3A_823 : memref<1x125xi32, #tpu.memory_space<vmem>> -> memref<125xi32, #tpu.memory_space<vmem>>
        %dma_start3A_825 = arith.constant 0 : i32
        %dma_start3A_826 = arith.constant 0 : i32
        %dma_start3A_827 = tpu.memref_slice %arg2[%add3A_220, %dma_start3A_825, %dma_start3A_826] : memref<4x10240x128xbf16, #tpu.memory_space<hbm>> -> memref<1x10240x128xbf16, #tpu.memory_space<hbm>>
        %dma_start3A_828 = tpu.memref_squeeze %dma_start3A_827 : memref<1x10240x128xbf16, #tpu.memory_space<hbm>> -> memref<10240x128xbf16, #tpu.memory_space<hbm>>
        %dma_start3A_829 = arith.constant 0 : i32
        %dma_start3A_830 = arith.constant 0 : i32
        %dma_start3A_831 = tpu.memref_slice %dma_start3A_828[%dma_start3A_829, %dma_start3A_830] : memref<10240x128xbf16, #tpu.memory_space<hbm>> -> memref<10240x128xbf16, #tpu.memory_space<hbm>>
        tpu.enqueue_indirect_dma source(%dma_start3A_831 : memref<10240x128xbf16, #tpu.memory_space<hbm>>) target(%dma_start3A_821 : memref<125x128xbf16, #tpu.memory_space<vmem>>) offsets(%dma_start3A_824 : memref<125xi32, #tpu.memory_space<vmem>>) semaphore(%arg14 : memref<!tpu.dma_semaphore, #tpu.memory_space<semaphore_mem>>)
      } else {
      }
      %mul3A_675 = arith.constant 8 : i32
      %mul3A_676 = arith.muli %scan3A_444, %mul3A_675 : i32
      %add3A_677 = arith.constant 5 : i32
      %add3A_678 = arith.addi %mul3A_676, %add3A_677 : i32
      %dma_wait3A_679 = arith.constant 5 : i32
      %dma_wait3A_680 = arith.constant 0 : i32
      %dma_wait3A_681 = arith.constant 0 : i32
      %dma_wait3A_682 = tpu.memref_slice %arg9[%dma_wait3A_679, %dma_wait3A_680, %dma_wait3A_681] : memref<8x125x128xbf16, #tpu.memory_space<vmem>> -> memref<1x125x128xbf16, #tpu.memory_space<vmem>>
      %dma_wait3A_683 = tpu.memref_squeeze %dma_wait3A_682 : memref<1x125x128xbf16, #tpu.memory_space<vmem>> -> memref<125x128xbf16, #tpu.memory_space<vmem>>
      %dma_wait3A_684 = arith.constant 0 : i32
      %dma_wait3A_685 = tpu.memref_slice %arg7[%add3A_678, %dma_wait3A_684] : memref<80x125xi32, #tpu.memory_space<vmem>> -> memref<1x125xi32, #tpu.memory_space<vmem>>
      %dma_wait3A_686 = tpu.memref_squeeze %dma_wait3A_685 : memref<1x125xi32, #tpu.memory_space<vmem>> -> memref<125xi32, #tpu.memory_space<vmem>>
      %dma_wait3A_687 = arith.constant 0 : i32
      %dma_wait3A_688 = arith.constant 0 : i32
      %dma_wait3A_689 = tpu.memref_slice %arg2[%add3A_220, %dma_wait3A_687, %dma_wait3A_688] : memref<4x10240x128xbf16, #tpu.memory_space<hbm>> -> memref<1x10240x128xbf16, #tpu.memory_space<hbm>>
      %dma_wait3A_690 = tpu.memref_squeeze %dma_wait3A_689 : memref<1x10240x128xbf16, #tpu.memory_space<hbm>> -> memref<10240x128xbf16, #tpu.memory_space<hbm>>
      %dma_wait3A_691 = arith.constant 0 : i32
      %dma_wait3A_692 = arith.constant 0 : i32
      %dma_wait3A_693 = tpu.memref_slice %dma_wait3A_690[%dma_wait3A_691, %dma_wait3A_692] : memref<10240x128xbf16, #tpu.memory_space<hbm>> -> memref<10240x128xbf16, #tpu.memory_space<hbm>>
      tpu.wait_indirect_dma semaphore(%arg16 : memref<!tpu.dma_semaphore, #tpu.memory_space<semaphore_mem>>) src(%dma_wait3A_693 : memref<10240x128xbf16, #tpu.memory_space<hbm>>) dst(%dma_wait3A_683 : memref<125x128xbf16, #tpu.memory_space<vmem>>)
      %dma_start3A_694 = arith.constant 5 : i32
      %dma_start3A_695 = arith.constant 0 : i32
      %dma_start3A_696 = arith.constant 0 : i32
      %dma_start3A_697 = tpu.memref_slice %arg9[%dma_start3A_694, %dma_start3A_695, %dma_start3A_696] : memref<8x125x128xbf16, #tpu.memory_space<vmem>> -> memref<1x125x128xbf16, #tpu.memory_space<vmem>>
      %dma_start3A_698 = tpu.memref_squeeze %dma_start3A_697 : memref<1x125x128xbf16, #tpu.memory_space<vmem>> -> memref<125x128xbf16, #tpu.memory_space<vmem>>
      %dma_start3A_699 = arith.constant 0 : i32
      %dma_start3A_700 = tpu.memref_slice %arg8[%add3A_678, %dma_start3A_699] : memref<80x125xi32, #tpu.memory_space<vmem>> -> memref<1x125xi32, #tpu.memory_space<vmem>>
      %dma_start3A_701 = tpu.memref_squeeze %dma_start3A_700 : memref<1x125xi32, #tpu.memory_space<vmem>> -> memref<125xi32, #tpu.memory_space<vmem>>
      %dma_start3A_702 = arith.constant 0 : i32
      %dma_start3A_703 = arith.constant 0 : i32
      %dma_start3A_704 = tpu.memref_slice %arg10[%dma_start3A_702, %dma_start3A_703] : memref<10240x128xbf16, #tpu.memory_space<vmem_shared>> -> memref<10240x128xbf16, #tpu.memory_space<vmem_shared>>
      tpu.enqueue_indirect_dma source(%dma_start3A_698 : memref<125x128xbf16, #tpu.memory_space<vmem>>) target(%dma_start3A_704 : memref<10240x128xbf16, #tpu.memory_space<vmem_shared>>) offsets(%dma_start3A_701 : memref<125xi32, #tpu.memory_space<vmem>>) semaphore(%arg24 : memref<!tpu.dma_semaphore, #tpu.memory_space<semaphore_mem>>) {add = true}
      %add3A_705 = arith.constant 8 : i32
      %add3A_706 = arith.addi %add3A_678, %add3A_705 : i32
      %sub3A_707 = arith.constant 1 : i32
      %sub3A_708 = arith.subi %add3A_706, %sub3A_707 : i32
      %gt3A_709 = arith.constant 0 : i32
      %gt3A_710 = arith.cmpi sgt, %add3A_678, %gt3A_709 : i32
      %lt3A_711 = arith.constant 80 : i32
      %lt3A_712 = arith.cmpi slt, %sub3A_708, %lt3A_711 : i32
      %and3A_713 = arith.andi %gt3A_710, %lt3A_712 : i1
      %convert_element_type3A_714 = arith.extui %and3A_713 : i1 to i32
      %cond3A_715 = arith.constant 0 : i32
      %cond3A_716 = arith.cmpi ne, %convert_element_type3A_714, %cond3A_715 : i32
      scf.if %cond3A_716 {
        %sub3A_817 = arith.constant 1 : i32
        %sub3A_818 = arith.subi %add3A_678, %sub3A_817 : i32
        %dma_wait3A_819 = arith.constant 4 : i32
        %dma_wait3A_820 = arith.constant 0 : i32
        %dma_wait3A_821 = arith.constant 0 : i32
        %dma_wait3A_822 = tpu.memref_slice %arg9[%dma_wait3A_819, %dma_wait3A_820, %dma_wait3A_821] : memref<8x125x128xbf16, #tpu.memory_space<vmem>> -> memref<1x125x128xbf16, #tpu.memory_space<vmem>>
        %dma_wait3A_823 = tpu.memref_squeeze %dma_wait3A_822 : memref<1x125x128xbf16, #tpu.memory_space<vmem>> -> memref<125x128xbf16, #tpu.memory_space<vmem>>
        %dma_wait3A_824 = arith.constant 0 : i32
        %dma_wait3A_825 = tpu.memref_slice %arg8[%sub3A_818, %dma_wait3A_824] : memref<80x125xi32, #tpu.memory_space<vmem>> -> memref<1x125xi32, #tpu.memory_space<vmem>>
        %dma_wait3A_826 = tpu.memref_squeeze %dma_wait3A_825 : memref<1x125xi32, #tpu.memory_space<vmem>> -> memref<125xi32, #tpu.memory_space<vmem>>
        %dma_wait3A_827 = arith.constant 0 : i32
        %dma_wait3A_828 = arith.constant 0 : i32
        %dma_wait3A_829 = tpu.memref_slice %arg10[%dma_wait3A_827, %dma_wait3A_828] : memref<10240x128xbf16, #tpu.memory_space<vmem_shared>> -> memref<10240x128xbf16, #tpu.memory_space<vmem_shared>>
        tpu.wait_indirect_dma semaphore(%arg23 : memref<!tpu.dma_semaphore, #tpu.memory_space<semaphore_mem>>) src(%dma_wait3A_823 : memref<125x128xbf16, #tpu.memory_space<vmem>>) dst(%dma_wait3A_829 : memref<10240x128xbf16, #tpu.memory_space<vmem_shared>>)
      } else {
      }
      %lt3A_717 = arith.constant 80 : i32
      %lt3A_718 = arith.cmpi slt, %sub3A_708, %lt3A_717 : i32
      %convert_element_type3A_719 = arith.extui %lt3A_718 : i1 to i32
      %cond3A_720 = arith.constant 0 : i32
      %cond3A_721 = arith.cmpi ne, %convert_element_type3A_719, %cond3A_720 : i32
      scf.if %cond3A_721 {
        %dma_start3A_817 = arith.constant 4 : i32
        %dma_start3A_818 = arith.constant 0 : i32
        %dma_start3A_819 = arith.constant 0 : i32
        %dma_start3A_820 = tpu.memref_slice %arg9[%dma_start3A_817, %dma_start3A_818, %dma_start3A_819] : memref<8x125x128xbf16, #tpu.memory_space<vmem>> -> memref<1x125x128xbf16, #tpu.memory_space<vmem>>
        %dma_start3A_821 = tpu.memref_squeeze %dma_start3A_820 : memref<1x125x128xbf16, #tpu.memory_space<vmem>> -> memref<125x128xbf16, #tpu.memory_space<vmem>>
        %dma_start3A_822 = arith.constant 0 : i32
        %dma_start3A_823 = tpu.memref_slice %arg7[%sub3A_708, %dma_start3A_822] : memref<80x125xi32, #tpu.memory_space<vmem>> -> memref<1x125xi32, #tpu.memory_space<vmem>>
        %dma_start3A_824 = tpu.memref_squeeze %dma_start3A_823 : memref<1x125xi32, #tpu.memory_space<vmem>> -> memref<125xi32, #tpu.memory_space<vmem>>
        %dma_start3A_825 = arith.constant 0 : i32
        %dma_start3A_826 = arith.constant 0 : i32
        %dma_start3A_827 = tpu.memref_slice %arg2[%add3A_220, %dma_start3A_825, %dma_start3A_826] : memref<4x10240x128xbf16, #tpu.memory_space<hbm>> -> memref<1x10240x128xbf16, #tpu.memory_space<hbm>>
        %dma_start3A_828 = tpu.memref_squeeze %dma_start3A_827 : memref<1x10240x128xbf16, #tpu.memory_space<hbm>> -> memref<10240x128xbf16, #tpu.memory_space<hbm>>
        %dma_start3A_829 = arith.constant 0 : i32
        %dma_start3A_830 = arith.constant 0 : i32
        %dma_start3A_831 = tpu.memref_slice %dma_start3A_828[%dma_start3A_829, %dma_start3A_830] : memref<10240x128xbf16, #tpu.memory_space<hbm>> -> memref<10240x128xbf16, #tpu.memory_space<hbm>>
        tpu.enqueue_indirect_dma source(%dma_start3A_831 : memref<10240x128xbf16, #tpu.memory_space<hbm>>) target(%dma_start3A_821 : memref<125x128xbf16, #tpu.memory_space<vmem>>) offsets(%dma_start3A_824 : memref<125xi32, #tpu.memory_space<vmem>>) semaphore(%arg15 : memref<!tpu.dma_semaphore, #tpu.memory_space<semaphore_mem>>)
      } else {
      }
      %mul3A_722 = arith.constant 8 : i32
      %mul3A_723 = arith.muli %scan3A_444, %mul3A_722 : i32
      %add3A_724 = arith.constant 6 : i32
      %add3A_725 = arith.addi %mul3A_723, %add3A_724 : i32
      %dma_wait3A_726 = arith.constant 6 : i32
      %dma_wait3A_727 = arith.constant 0 : i32
      %dma_wait3A_728 = arith.constant 0 : i32
      %dma_wait3A_729 = tpu.memref_slice %arg9[%dma_wait3A_726, %dma_wait3A_727, %dma_wait3A_728] : memref<8x125x128xbf16, #tpu.memory_space<vmem>> -> memref<1x125x128xbf16, #tpu.memory_space<vmem>>
      %dma_wait3A_730 = tpu.memref_squeeze %dma_wait3A_729 : memref<1x125x128xbf16, #tpu.memory_space<vmem>> -> memref<125x128xbf16, #tpu.memory_space<vmem>>
      %dma_wait3A_731 = arith.constant 0 : i32
      %dma_wait3A_732 = tpu.memref_slice %arg7[%add3A_725, %dma_wait3A_731] : memref<80x125xi32, #tpu.memory_space<vmem>> -> memref<1x125xi32, #tpu.memory_space<vmem>>
      %dma_wait3A_733 = tpu.memref_squeeze %dma_wait3A_732 : memref<1x125xi32, #tpu.memory_space<vmem>> -> memref<125xi32, #tpu.memory_space<vmem>>
      %dma_wait3A_734 = arith.constant 0 : i32
      %dma_wait3A_735 = arith.constant 0 : i32
      %dma_wait3A_736 = tpu.memref_slice %arg2[%add3A_220, %dma_wait3A_734, %dma_wait3A_735] : memref<4x10240x128xbf16, #tpu.memory_space<hbm>> -> memref<1x10240x128xbf16, #tpu.memory_space<hbm>>
      %dma_wait3A_737 = tpu.memref_squeeze %dma_wait3A_736 : memref<1x10240x128xbf16, #tpu.memory_space<hbm>> -> memref<10240x128xbf16, #tpu.memory_space<hbm>>
      %dma_wait3A_738 = arith.constant 0 : i32
      %dma_wait3A_739 = arith.constant 0 : i32
      %dma_wait3A_740 = tpu.memref_slice %dma_wait3A_737[%dma_wait3A_738, %dma_wait3A_739] : memref<10240x128xbf16, #tpu.memory_space<hbm>> -> memref<10240x128xbf16, #tpu.memory_space<hbm>>
      tpu.wait_indirect_dma semaphore(%arg17 : memref<!tpu.dma_semaphore, #tpu.memory_space<semaphore_mem>>) src(%dma_wait3A_740 : memref<10240x128xbf16, #tpu.memory_space<hbm>>) dst(%dma_wait3A_730 : memref<125x128xbf16, #tpu.memory_space<vmem>>)
      %dma_start3A_741 = arith.constant 6 : i32
      %dma_start3A_742 = arith.constant 0 : i32
      %dma_start3A_743 = arith.constant 0 : i32
      %dma_start3A_744 = tpu.memref_slice %arg9[%dma_start3A_741, %dma_start3A_742, %dma_start3A_743] : memref<8x125x128xbf16, #tpu.memory_space<vmem>> -> memref<1x125x128xbf16, #tpu.memory_space<vmem>>
      %dma_start3A_745 = tpu.memref_squeeze %dma_start3A_744 : memref<1x125x128xbf16, #tpu.memory_space<vmem>> -> memref<125x128xbf16, #tpu.memory_space<vmem>>
      %dma_start3A_746 = arith.constant 0 : i32
      %dma_start3A_747 = tpu.memref_slice %arg8[%add3A_725, %dma_start3A_746] : memref<80x125xi32, #tpu.memory_space<vmem>> -> memref<1x125xi32, #tpu.memory_space<vmem>>
      %dma_start3A_748 = tpu.memref_squeeze %dma_start3A_747 : memref<1x125xi32, #tpu.memory_space<vmem>> -> memref<125xi32, #tpu.memory_space<vmem>>
      %dma_start3A_749 = arith.constant 0 : i32
      %dma_start3A_750 = arith.constant 0 : i32
      %dma_start3A_751 = tpu.memref_slice %arg10[%dma_start3A_749, %dma_start3A_750] : memref<10240x128xbf16, #tpu.memory_space<vmem_shared>> -> memref<10240x128xbf16, #tpu.memory_space<vmem_shared>>
      tpu.enqueue_indirect_dma source(%dma_start3A_745 : memref<125x128xbf16, #tpu.memory_space<vmem>>) target(%dma_start3A_751 : memref<10240x128xbf16, #tpu.memory_space<vmem_shared>>) offsets(%dma_start3A_748 : memref<125xi32, #tpu.memory_space<vmem>>) semaphore(%arg25 : memref<!tpu.dma_semaphore, #tpu.memory_space<semaphore_mem>>) {add = true}
      %add3A_752 = arith.constant 8 : i32
      %add3A_753 = arith.addi %add3A_725, %add3A_752 : i32
      %sub3A_754 = arith.constant 1 : i32
      %sub3A_755 = arith.subi %add3A_753, %sub3A_754 : i32
      %gt3A_756 = arith.constant 0 : i32
      %gt3A_757 = arith.cmpi sgt, %add3A_725, %gt3A_756 : i32
      %lt3A_758 = arith.constant 80 : i32
      %lt3A_759 = arith.cmpi slt, %sub3A_755, %lt3A_758 : i32
      %and3A_760 = arith.andi %gt3A_757, %lt3A_759 : i1
      %convert_element_type3A_761 = arith.extui %and3A_760 : i1 to i32
      %cond3A_762 = arith.constant 0 : i32
      %cond3A_763 = arith.cmpi ne, %convert_element_type3A_761, %cond3A_762 : i32
      scf.if %cond3A_763 {
        %sub3A_817 = arith.constant 1 : i32
        %sub3A_818 = arith.subi %add3A_725, %sub3A_817 : i32
        %dma_wait3A_819 = arith.constant 5 : i32
        %dma_wait3A_820 = arith.constant 0 : i32
        %dma_wait3A_821 = arith.constant 0 : i32
        %dma_wait3A_822 = tpu.memref_slice %arg9[%dma_wait3A_819, %dma_wait3A_820, %dma_wait3A_821] : memref<8x125x128xbf16, #tpu.memory_space<vmem>> -> memref<1x125x128xbf16, #tpu.memory_space<vmem>>
        %dma_wait3A_823 = tpu.memref_squeeze %dma_wait3A_822 : memref<1x125x128xbf16, #tpu.memory_space<vmem>> -> memref<125x128xbf16, #tpu.memory_space<vmem>>
        %dma_wait3A_824 = arith.constant 0 : i32
        %dma_wait3A_825 = tpu.memref_slice %arg8[%sub3A_818, %dma_wait3A_824] : memref<80x125xi32, #tpu.memory_space<vmem>> -> memref<1x125xi32, #tpu.memory_space<vmem>>
        %dma_wait3A_826 = tpu.memref_squeeze %dma_wait3A_825 : memref<1x125xi32, #tpu.memory_space<vmem>> -> memref<125xi32, #tpu.memory_space<vmem>>
        %dma_wait3A_827 = arith.constant 0 : i32
        %dma_wait3A_828 = arith.constant 0 : i32
        %dma_wait3A_829 = tpu.memref_slice %arg10[%dma_wait3A_827, %dma_wait3A_828] : memref<10240x128xbf16, #tpu.memory_space<vmem_shared>> -> memref<10240x128xbf16, #tpu.memory_space<vmem_shared>>
        tpu.wait_indirect_dma semaphore(%arg24 : memref<!tpu.dma_semaphore, #tpu.memory_space<semaphore_mem>>) src(%dma_wait3A_823 : memref<125x128xbf16, #tpu.memory_space<vmem>>) dst(%dma_wait3A_829 : memref<10240x128xbf16, #tpu.memory_space<vmem_shared>>)
      } else {
      }
      %lt3A_764 = arith.constant 80 : i32
      %lt3A_765 = arith.cmpi slt, %sub3A_755, %lt3A_764 : i32
      %convert_element_type3A_766 = arith.extui %lt3A_765 : i1 to i32
      %cond3A_767 = arith.constant 0 : i32
      %cond3A_768 = arith.cmpi ne, %convert_element_type3A_766, %cond3A_767 : i32
      scf.if %cond3A_768 {
        %dma_start3A_817 = arith.constant 5 : i32
        %dma_start3A_818 = arith.constant 0 : i32
        %dma_start3A_819 = arith.constant 0 : i32
        %dma_start3A_820 = tpu.memref_slice %arg9[%dma_start3A_817, %dma_start3A_818, %dma_start3A_819] : memref<8x125x128xbf16, #tpu.memory_space<vmem>> -> memref<1x125x128xbf16, #tpu.memory_space<vmem>>
        %dma_start3A_821 = tpu.memref_squeeze %dma_start3A_820 : memref<1x125x128xbf16, #tpu.memory_space<vmem>> -> memref<125x128xbf16, #tpu.memory_space<vmem>>
        %dma_start3A_822 = arith.constant 0 : i32
        %dma_start3A_823 = tpu.memref_slice %arg7[%sub3A_755, %dma_start3A_822] : memref<80x125xi32, #tpu.memory_space<vmem>> -> memref<1x125xi32, #tpu.memory_space<vmem>>
        %dma_start3A_824 = tpu.memref_squeeze %dma_start3A_823 : memref<1x125xi32, #tpu.memory_space<vmem>> -> memref<125xi32, #tpu.memory_space<vmem>>
        %dma_start3A_825 = arith.constant 0 : i32
        %dma_start3A_826 = arith.constant 0 : i32
        %dma_start3A_827 = tpu.memref_slice %arg2[%add3A_220, %dma_start3A_825, %dma_start3A_826] : memref<4x10240x128xbf16, #tpu.memory_space<hbm>> -> memref<1x10240x128xbf16, #tpu.memory_space<hbm>>
        %dma_start3A_828 = tpu.memref_squeeze %dma_start3A_827 : memref<1x10240x128xbf16, #tpu.memory_space<hbm>> -> memref<10240x128xbf16, #tpu.memory_space<hbm>>
        %dma_start3A_829 = arith.constant 0 : i32
        %dma_start3A_830 = arith.constant 0 : i32
        %dma_start3A_831 = tpu.memref_slice %dma_start3A_828[%dma_start3A_829, %dma_start3A_830] : memref<10240x128xbf16, #tpu.memory_space<hbm>> -> memref<10240x128xbf16, #tpu.memory_space<hbm>>
        tpu.enqueue_indirect_dma source(%dma_start3A_831 : memref<10240x128xbf16, #tpu.memory_space<hbm>>) target(%dma_start3A_821 : memref<125x128xbf16, #tpu.memory_space<vmem>>) offsets(%dma_start3A_824 : memref<125xi32, #tpu.memory_space<vmem>>) semaphore(%arg16 : memref<!tpu.dma_semaphore, #tpu.memory_space<semaphore_mem>>)
      } else {
      }
      %mul3A_769 = arith.constant 8 : i32
      %mul3A_770 = arith.muli %scan3A_444, %mul3A_769 : i32
      %add3A_771 = arith.constant 7 : i32
      %add3A_772 = arith.addi %mul3A_770, %add3A_771 : i32
      %dma_wait3A_773 = arith.constant 7 : i32
      %dma_wait3A_774 = arith.constant 0 : i32
      %dma_wait3A_775 = arith.constant 0 : i32
      %dma_wait3A_776 = tpu.memref_slice %arg9[%dma_wait3A_773, %dma_wait3A_774, %dma_wait3A_775] : memref<8x125x128xbf16, #tpu.memory_space<vmem>> -> memref<1x125x128xbf16, #tpu.memory_space<vmem>>
      %dma_wait3A_777 = tpu.memref_squeeze %dma_wait3A_776 : memref<1x125x128xbf16, #tpu.memory_space<vmem>> -> memref<125x128xbf16, #tpu.memory_space<vmem>>
      %dma_wait3A_778 = arith.constant 0 : i32
      %dma_wait3A_779 = tpu.memref_slice %arg7[%add3A_772, %dma_wait3A_778] : memref<80x125xi32, #tpu.memory_space<vmem>> -> memref<1x125xi32, #tpu.memory_space<vmem>>
      %dma_wait3A_780 = tpu.memref_squeeze %dma_wait3A_779 : memref<1x125xi32, #tpu.memory_space<vmem>> -> memref<125xi32, #tpu.memory_space<vmem>>
      %dma_wait3A_781 = arith.constant 0 : i32
      %dma_wait3A_782 = arith.constant 0 : i32
      %dma_wait3A_783 = tpu.memref_slice %arg2[%add3A_220, %dma_wait3A_781, %dma_wait3A_782] : memref<4x10240x128xbf16, #tpu.memory_space<hbm>> -> memref<1x10240x128xbf16, #tpu.memory_space<hbm>>
      %dma_wait3A_784 = tpu.memref_squeeze %dma_wait3A_783 : memref<1x10240x128xbf16, #tpu.memory_space<hbm>> -> memref<10240x128xbf16, #tpu.memory_space<hbm>>
      %dma_wait3A_785 = arith.constant 0 : i32
      %dma_wait3A_786 = arith.constant 0 : i32
      %dma_wait3A_787 = tpu.memref_slice %dma_wait3A_784[%dma_wait3A_785, %dma_wait3A_786] : memref<10240x128xbf16, #tpu.memory_space<hbm>> -> memref<10240x128xbf16, #tpu.memory_space<hbm>>
      tpu.wait_indirect_dma semaphore(%arg18 : memref<!tpu.dma_semaphore, #tpu.memory_space<semaphore_mem>>) src(%dma_wait3A_787 : memref<10240x128xbf16, #tpu.memory_space<hbm>>) dst(%dma_wait3A_777 : memref<125x128xbf16, #tpu.memory_space<vmem>>)
      %dma_start3A_788 = arith.constant 7 : i32
      %dma_start3A_789 = arith.constant 0 : i32
      %dma_start3A_790 = arith.constant 0 : i32
      %dma_start3A_791 = tpu.memref_slice %arg9[%dma_start3A_788, %dma_start3A_789, %dma_start3A_790] : memref<8x125x128xbf16, #tpu.memory_space<vmem>> -> memref<1x125x128xbf16, #tpu.memory_space<vmem>>
      %dma_start3A_792 = tpu.memref_squeeze %dma_start3A_791 : memref<1x125x128xbf16, #tpu.memory_space<vmem>> -> memref<125x128xbf16, #tpu.memory_space<vmem>>
      %dma_start3A_793 = arith.constant 0 : i32
      %dma_start3A_794 = tpu.memref_slice %arg8[%add3A_772, %dma_start3A_793] : memref<80x125xi32, #tpu.memory_space<vmem>> -> memref<1x125xi32, #tpu.memory_space<vmem>>
      %dma_start3A_795 = tpu.memref_squeeze %dma_start3A_794 : memref<1x125xi32, #tpu.memory_space<vmem>> -> memref<125xi32, #tpu.memory_space<vmem>>
      %dma_start3A_796 = arith.constant 0 : i32
      %dma_start3A_797 = arith.constant 0 : i32
      %dma_start3A_798 = tpu.memref_slice %arg10[%dma_start3A_796, %dma_start3A_797] : memref<10240x128xbf16, #tpu.memory_space<vmem_shared>> -> memref<10240x128xbf16, #tpu.memory_space<vmem_shared>>
      tpu.enqueue_indirect_dma source(%dma_start3A_792 : memref<125x128xbf16, #tpu.memory_space<vmem>>) target(%dma_start3A_798 : memref<10240x128xbf16, #tpu.memory_space<vmem_shared>>) offsets(%dma_start3A_795 : memref<125xi32, #tpu.memory_space<vmem>>) semaphore(%arg26 : memref<!tpu.dma_semaphore, #tpu.memory_space<semaphore_mem>>) {add = true}
      %add3A_799 = arith.constant 8 : i32
      %add3A_800 = arith.addi %add3A_772, %add3A_799 : i32
      %sub3A_801 = arith.constant 1 : i32
      %sub3A_802 = arith.subi %add3A_800, %sub3A_801 : i32
      %gt3A_803 = arith.constant 0 : i32
      %gt3A_804 = arith.cmpi sgt, %add3A_772, %gt3A_803 : i32
      %lt3A_805 = arith.constant 80 : i32
      %lt3A_806 = arith.cmpi slt, %sub3A_802, %lt3A_805 : i32
      %and3A_807 = arith.andi %gt3A_804, %lt3A_806 : i1
      %convert_element_type3A_808 = arith.extui %and3A_807 : i1 to i32
      %cond3A_809 = arith.constant 0 : i32
      %cond3A_810 = arith.cmpi ne, %convert_element_type3A_808, %cond3A_809 : i32
      scf.if %cond3A_810 {
        %sub3A_817 = arith.constant 1 : i32
        %sub3A_818 = arith.subi %add3A_772, %sub3A_817 : i32
        %dma_wait3A_819 = arith.constant 6 : i32
        %dma_wait3A_820 = arith.constant 0 : i32
        %dma_wait3A_821 = arith.constant 0 : i32
        %dma_wait3A_822 = tpu.memref_slice %arg9[%dma_wait3A_819, %dma_wait3A_820, %dma_wait3A_821] : memref<8x125x128xbf16, #tpu.memory_space<vmem>> -> memref<1x125x128xbf16, #tpu.memory_space<vmem>>
        %dma_wait3A_823 = tpu.memref_squeeze %dma_wait3A_822 : memref<1x125x128xbf16, #tpu.memory_space<vmem>> -> memref<125x128xbf16, #tpu.memory_space<vmem>>
        %dma_wait3A_824 = arith.constant 0 : i32
        %dma_wait3A_825 = tpu.memref_slice %arg8[%sub3A_818, %dma_wait3A_824] : memref<80x125xi32, #tpu.memory_space<vmem>> -> memref<1x125xi32, #tpu.memory_space<vmem>>
        %dma_wait3A_826 = tpu.memref_squeeze %dma_wait3A_825 : memref<1x125xi32, #tpu.memory_space<vmem>> -> memref<125xi32, #tpu.memory_space<vmem>>
        %dma_wait3A_827 = arith.constant 0 : i32
        %dma_wait3A_828 = arith.constant 0 : i32
        %dma_wait3A_829 = tpu.memref_slice %arg10[%dma_wait3A_827, %dma_wait3A_828] : memref<10240x128xbf16, #tpu.memory_space<vmem_shared>> -> memref<10240x128xbf16, #tpu.memory_space<vmem_shared>>
        tpu.wait_indirect_dma semaphore(%arg25 : memref<!tpu.dma_semaphore, #tpu.memory_space<semaphore_mem>>) src(%dma_wait3A_823 : memref<125x128xbf16, #tpu.memory_space<vmem>>) dst(%dma_wait3A_829 : memref<10240x128xbf16, #tpu.memory_space<vmem_shared>>)
      } else {
      }
      %lt3A_811 = arith.constant 80 : i32
      %lt3A_812 = arith.cmpi slt, %sub3A_802, %lt3A_811 : i32
      %convert_element_type3A_813 = arith.extui %lt3A_812 : i1 to i32
      %cond3A_814 = arith.constant 0 : i32
      %cond3A_815 = arith.cmpi ne, %convert_element_type3A_813, %cond3A_814 : i32
      scf.if %cond3A_815 {
        %dma_start3A_817 = arith.constant 6 : i32
        %dma_start3A_818 = arith.constant 0 : i32
        %dma_start3A_819 = arith.constant 0 : i32
        %dma_start3A_820 = tpu.memref_slice %arg9[%dma_start3A_817, %dma_start3A_818, %dma_start3A_819] : memref<8x125x128xbf16, #tpu.memory_space<vmem>> -> memref<1x125x128xbf16, #tpu.memory_space<vmem>>
        %dma_start3A_821 = tpu.memref_squeeze %dma_start3A_820 : memref<1x125x128xbf16, #tpu.memory_space<vmem>> -> memref<125x128xbf16, #tpu.memory_space<vmem>>
        %dma_start3A_822 = arith.constant 0 : i32
        %dma_start3A_823 = tpu.memref_slice %arg7[%sub3A_802, %dma_start3A_822] : memref<80x125xi32, #tpu.memory_space<vmem>> -> memref<1x125xi32, #tpu.memory_space<vmem>>
        %dma_start3A_824 = tpu.memref_squeeze %dma_start3A_823 : memref<1x125xi32, #tpu.memory_space<vmem>> -> memref<125xi32, #tpu.memory_space<vmem>>
        %dma_start3A_825 = arith.constant 0 : i32
        %dma_start3A_826 = arith.constant 0 : i32
        %dma_start3A_827 = tpu.memref_slice %arg2[%add3A_220, %dma_start3A_825, %dma_start3A_826] : memref<4x10240x128xbf16, #tpu.memory_space<hbm>> -> memref<1x10240x128xbf16, #tpu.memory_space<hbm>>
        %dma_start3A_828 = tpu.memref_squeeze %dma_start3A_827 : memref<1x10240x128xbf16, #tpu.memory_space<hbm>> -> memref<10240x128xbf16, #tpu.memory_space<hbm>>
        %dma_start3A_829 = arith.constant 0 : i32
        %dma_start3A_830 = arith.constant 0 : i32
        %dma_start3A_831 = tpu.memref_slice %dma_start3A_828[%dma_start3A_829, %dma_start3A_830] : memref<10240x128xbf16, #tpu.memory_space<hbm>> -> memref<10240x128xbf16, #tpu.memory_space<hbm>>
        tpu.enqueue_indirect_dma source(%dma_start3A_831 : memref<10240x128xbf16, #tpu.memory_space<hbm>>) target(%dma_start3A_821 : memref<125x128xbf16, #tpu.memory_space<vmem>>) offsets(%dma_start3A_824 : memref<125xi32, #tpu.memory_space<vmem>>) semaphore(%arg17 : memref<!tpu.dma_semaphore, #tpu.memory_space<semaphore_mem>>)
      } else {
      }
      %scan3A_816 = arith.constant 0 : i32
      scf.yield %scan3A_816 : i32
    }
    %scan3A_342 = arith.constant 10 : i32
    %dma_wait3A_343 = arith.constant 0 : i32
    %dma_wait3A_344 = arith.constant 72 : i32
    %dma_wait3A_345 = arith.constant 0 : i32
    %dma_wait3A_346 = arith.constant 0 : i32
    %dma_wait3A_347 = tpu.memref_slice %arg9[%dma_wait3A_343, %dma_wait3A_345, %dma_wait3A_346] : memref<8x125x128xbf16, #tpu.memory_space<vmem>> -> memref<1x125x128xbf16, #tpu.memory_space<vmem>>
    %dma_wait3A_348 = tpu.memref_squeeze %dma_wait3A_347 : memref<1x125x128xbf16, #tpu.memory_space<vmem>> -> memref<125x128xbf16, #tpu.memory_space<vmem>>
    %dma_wait3A_349 = arith.constant 0 : i32
    %dma_wait3A_350 = tpu.memref_slice %arg8[%dma_wait3A_344, %dma_wait3A_349] : memref<80x125xi32, #tpu.memory_space<vmem>> -> memref<1x125xi32, #tpu.memory_space<vmem>>
    %dma_wait3A_351 = tpu.memref_squeeze %dma_wait3A_350 : memref<1x125xi32, #tpu.memory_space<vmem>> -> memref<125xi32, #tpu.memory_space<vmem>>
    %dma_wait3A_352 = arith.constant 0 : i32
    %dma_wait3A_353 = arith.constant 0 : i32
    %dma_wait3A_354 = tpu.memref_slice %arg10[%dma_wait3A_352, %dma_wait3A_353] : memref<10240x128xbf16, #tpu.memory_space<vmem_shared>> -> memref<10240x128xbf16, #tpu.memory_space<vmem_shared>>
    tpu.wait_indirect_dma semaphore(%arg19 : memref<!tpu.dma_semaphore, #tpu.memory_space<semaphore_mem>>) src(%dma_wait3A_348 : memref<125x128xbf16, #tpu.memory_space<vmem>>) dst(%dma_wait3A_354 : memref<10240x128xbf16, #tpu.memory_space<vmem_shared>>)
    %dma_wait3A_355 = arith.constant 1 : i32
    %dma_wait3A_356 = arith.constant 73 : i32
    %dma_wait3A_357 = arith.constant 0 : i32
    %dma_wait3A_358 = arith.constant 0 : i32
    %dma_wait3A_359 = tpu.memref_slice %arg9[%dma_wait3A_355, %dma_wait3A_357, %dma_wait3A_358] : memref<8x125x128xbf16, #tpu.memory_space<vmem>> -> memref<1x125x128xbf16, #tpu.memory_space<vmem>>
    %dma_wait3A_360 = tpu.memref_squeeze %dma_wait3A_359 : memref<1x125x128xbf16, #tpu.memory_space<vmem>> -> memref<125x128xbf16, #tpu.memory_space<vmem>>
    %dma_wait3A_361 = arith.constant 0 : i32
    %dma_wait3A_362 = tpu.memref_slice %arg8[%dma_wait3A_356, %dma_wait3A_361] : memref<80x125xi32, #tpu.memory_space<vmem>> -> memref<1x125xi32, #tpu.memory_space<vmem>>
    %dma_wait3A_363 = tpu.memref_squeeze %dma_wait3A_362 : memref<1x125xi32, #tpu.memory_space<vmem>> -> memref<125xi32, #tpu.memory_space<vmem>>
    %dma_wait3A_364 = arith.constant 0 : i32
    %dma_wait3A_365 = arith.constant 0 : i32
    %dma_wait3A_366 = tpu.memref_slice %arg10[%dma_wait3A_364, %dma_wait3A_365] : memref<10240x128xbf16, #tpu.memory_space<vmem_shared>> -> memref<10240x128xbf16, #tpu.memory_space<vmem_shared>>
    tpu.wait_indirect_dma semaphore(%arg20 : memref<!tpu.dma_semaphore, #tpu.memory_space<semaphore_mem>>) src(%dma_wait3A_360 : memref<125x128xbf16, #tpu.memory_space<vmem>>) dst(%dma_wait3A_366 : memref<10240x128xbf16, #tpu.memory_space<vmem_shared>>)
    %dma_wait3A_367 = arith.constant 2 : i32
    %dma_wait3A_368 = arith.constant 74 : i32
    %dma_wait3A_369 = arith.constant 0 : i32
    %dma_wait3A_370 = arith.constant 0 : i32
    %dma_wait3A_371 = tpu.memref_slice %arg9[%dma_wait3A_367, %dma_wait3A_369, %dma_wait3A_370] : memref<8x125x128xbf16, #tpu.memory_space<vmem>> -> memref<1x125x128xbf16, #tpu.memory_space<vmem>>
    %dma_wait3A_372 = tpu.memref_squeeze %dma_wait3A_371 : memref<1x125x128xbf16, #tpu.memory_space<vmem>> -> memref<125x128xbf16, #tpu.memory_space<vmem>>
    %dma_wait3A_373 = arith.constant 0 : i32
    %dma_wait3A_374 = tpu.memref_slice %arg8[%dma_wait3A_368, %dma_wait3A_373] : memref<80x125xi32, #tpu.memory_space<vmem>> -> memref<1x125xi32, #tpu.memory_space<vmem>>
    %dma_wait3A_375 = tpu.memref_squeeze %dma_wait3A_374 : memref<1x125xi32, #tpu.memory_space<vmem>> -> memref<125xi32, #tpu.memory_space<vmem>>
    %dma_wait3A_376 = arith.constant 0 : i32
    %dma_wait3A_377 = arith.constant 0 : i32
    %dma_wait3A_378 = tpu.memref_slice %arg10[%dma_wait3A_376, %dma_wait3A_377] : memref<10240x128xbf16, #tpu.memory_space<vmem_shared>> -> memref<10240x128xbf16, #tpu.memory_space<vmem_shared>>
    tpu.wait_indirect_dma semaphore(%arg21 : memref<!tpu.dma_semaphore, #tpu.memory_space<semaphore_mem>>) src(%dma_wait3A_372 : memref<125x128xbf16, #tpu.memory_space<vmem>>) dst(%dma_wait3A_378 : memref<10240x128xbf16, #tpu.memory_space<vmem_shared>>)
    %dma_wait3A_379 = arith.constant 3 : i32
    %dma_wait3A_380 = arith.constant 75 : i32
    %dma_wait3A_381 = arith.constant 0 : i32
    %dma_wait3A_382 = arith.constant 0 : i32
    %dma_wait3A_383 = tpu.memref_slice %arg9[%dma_wait3A_379, %dma_wait3A_381, %dma_wait3A_382] : memref<8x125x128xbf16, #tpu.memory_space<vmem>> -> memref<1x125x128xbf16, #tpu.memory_space<vmem>>
    %dma_wait3A_384 = tpu.memref_squeeze %dma_wait3A_383 : memref<1x125x128xbf16, #tpu.memory_space<vmem>> -> memref<125x128xbf16, #tpu.memory_space<vmem>>
    %dma_wait3A_385 = arith.constant 0 : i32
    %dma_wait3A_386 = tpu.memref_slice %arg8[%dma_wait3A_380, %dma_wait3A_385] : memref<80x125xi32, #tpu.memory_space<vmem>> -> memref<1x125xi32, #tpu.memory_space<vmem>>
    %dma_wait3A_387 = tpu.memref_squeeze %dma_wait3A_386 : memref<1x125xi32, #tpu.memory_space<vmem>> -> memref<125xi32, #tpu.memory_space<vmem>>
    %dma_wait3A_388 = arith.constant 0 : i32
    %dma_wait3A_389 = arith.constant 0 : i32
    %dma_wait3A_390 = tpu.memref_slice %arg10[%dma_wait3A_388, %dma_wait3A_389] : memref<10240x128xbf16, #tpu.memory_space<vmem_shared>> -> memref<10240x128xbf16, #tpu.memory_space<vmem_shared>>
    tpu.wait_indirect_dma semaphore(%arg22 : memref<!tpu.dma_semaphore, #tpu.memory_space<semaphore_mem>>) src(%dma_wait3A_384 : memref<125x128xbf16, #tpu.memory_space<vmem>>) dst(%dma_wait3A_390 : memref<10240x128xbf16, #tpu.memory_space<vmem_shared>>)
    %dma_wait3A_391 = arith.constant 4 : i32
    %dma_wait3A_392 = arith.constant 76 : i32
    %dma_wait3A_393 = arith.constant 0 : i32
    %dma_wait3A_394 = arith.constant 0 : i32
    %dma_wait3A_395 = tpu.memref_slice %arg9[%dma_wait3A_391, %dma_wait3A_393, %dma_wait3A_394] : memref<8x125x128xbf16, #tpu.memory_space<vmem>> -> memref<1x125x128xbf16, #tpu.memory_space<vmem>>
    %dma_wait3A_396 = tpu.memref_squeeze %dma_wait3A_395 : memref<1x125x128xbf16, #tpu.memory_space<vmem>> -> memref<125x128xbf16, #tpu.memory_space<vmem>>
    %dma_wait3A_397 = arith.constant 0 : i32
    %dma_wait3A_398 = tpu.memref_slice %arg8[%dma_wait3A_392, %dma_wait3A_397] : memref<80x125xi32, #tpu.memory_space<vmem>> -> memref<1x125xi32, #tpu.memory_space<vmem>>
    %dma_wait3A_399 = tpu.memref_squeeze %dma_wait3A_398 : memref<1x125xi32, #tpu.memory_space<vmem>> -> memref<125xi32, #tpu.memory_space<vmem>>
    %dma_wait3A_400 = arith.constant 0 : i32
    %dma_wait3A_401 = arith.constant 0 : i32
    %dma_wait3A_402 = tpu.memref_slice %arg10[%dma_wait3A_400, %dma_wait3A_401] : memref<10240x128xbf16, #tpu.memory_space<vmem_shared>> -> memref<10240x128xbf16, #tpu.memory_space<vmem_shared>>
    tpu.wait_indirect_dma semaphore(%arg23 : memref<!tpu.dma_semaphore, #tpu.memory_space<semaphore_mem>>) src(%dma_wait3A_396 : memref<125x128xbf16, #tpu.memory_space<vmem>>) dst(%dma_wait3A_402 : memref<10240x128xbf16, #tpu.memory_space<vmem_shared>>)
    %dma_wait3A_403 = arith.constant 5 : i32
    %dma_wait3A_404 = arith.constant 77 : i32
    %dma_wait3A_405 = arith.constant 0 : i32
    %dma_wait3A_406 = arith.constant 0 : i32
    %dma_wait3A_407 = tpu.memref_slice %arg9[%dma_wait3A_403, %dma_wait3A_405, %dma_wait3A_406] : memref<8x125x128xbf16, #tpu.memory_space<vmem>> -> memref<1x125x128xbf16, #tpu.memory_space<vmem>>
    %dma_wait3A_408 = tpu.memref_squeeze %dma_wait3A_407 : memref<1x125x128xbf16, #tpu.memory_space<vmem>> -> memref<125x128xbf16, #tpu.memory_space<vmem>>
    %dma_wait3A_409 = arith.constant 0 : i32
    %dma_wait3A_410 = tpu.memref_slice %arg8[%dma_wait3A_404, %dma_wait3A_409] : memref<80x125xi32, #tpu.memory_space<vmem>> -> memref<1x125xi32, #tpu.memory_space<vmem>>
    %dma_wait3A_411 = tpu.memref_squeeze %dma_wait3A_410 : memref<1x125xi32, #tpu.memory_space<vmem>> -> memref<125xi32, #tpu.memory_space<vmem>>
    %dma_wait3A_412 = arith.constant 0 : i32
    %dma_wait3A_413 = arith.constant 0 : i32
    %dma_wait3A_414 = tpu.memref_slice %arg10[%dma_wait3A_412, %dma_wait3A_413] : memref<10240x128xbf16, #tpu.memory_space<vmem_shared>> -> memref<10240x128xbf16, #tpu.memory_space<vmem_shared>>
    tpu.wait_indirect_dma semaphore(%arg24 : memref<!tpu.dma_semaphore, #tpu.memory_space<semaphore_mem>>) src(%dma_wait3A_408 : memref<125x128xbf16, #tpu.memory_space<vmem>>) dst(%dma_wait3A_414 : memref<10240x128xbf16, #tpu.memory_space<vmem_shared>>)
    %dma_wait3A_415 = arith.constant 6 : i32
    %dma_wait3A_416 = arith.constant 78 : i32
    %dma_wait3A_417 = arith.constant 0 : i32
    %dma_wait3A_418 = arith.constant 0 : i32
    %dma_wait3A_419 = tpu.memref_slice %arg9[%dma_wait3A_415, %dma_wait3A_417, %dma_wait3A_418] : memref<8x125x128xbf16, #tpu.memory_space<vmem>> -> memref<1x125x128xbf16, #tpu.memory_space<vmem>>
    %dma_wait3A_420 = tpu.memref_squeeze %dma_wait3A_419 : memref<1x125x128xbf16, #tpu.memory_space<vmem>> -> memref<125x128xbf16, #tpu.memory_space<vmem>>
    %dma_wait3A_421 = arith.constant 0 : i32
    %dma_wait3A_422 = tpu.memref_slice %arg8[%dma_wait3A_416, %dma_wait3A_421] : memref<80x125xi32, #tpu.memory_space<vmem>> -> memref<1x125xi32, #tpu.memory_space<vmem>>
    %dma_wait3A_423 = tpu.memref_squeeze %dma_wait3A_422 : memref<1x125xi32, #tpu.memory_space<vmem>> -> memref<125xi32, #tpu.memory_space<vmem>>
    %dma_wait3A_424 = arith.constant 0 : i32
    %dma_wait3A_425 = arith.constant 0 : i32
    %dma_wait3A_426 = tpu.memref_slice %arg10[%dma_wait3A_424, %dma_wait3A_425] : memref<10240x128xbf16, #tpu.memory_space<vmem_shared>> -> memref<10240x128xbf16, #tpu.memory_space<vmem_shared>>
    tpu.wait_indirect_dma semaphore(%arg25 : memref<!tpu.dma_semaphore, #tpu.memory_space<semaphore_mem>>) src(%dma_wait3A_420 : memref<125x128xbf16, #tpu.memory_space<vmem>>) dst(%dma_wait3A_426 : memref<10240x128xbf16, #tpu.memory_space<vmem_shared>>)
    %dma_wait3A_427 = arith.constant 7 : i32
    %dma_wait3A_428 = arith.constant 79 : i32
    %dma_wait3A_429 = arith.constant 0 : i32
    %dma_wait3A_430 = arith.constant 0 : i32
    %dma_wait3A_431 = tpu.memref_slice %arg9[%dma_wait3A_427, %dma_wait3A_429, %dma_wait3A_430] : memref<8x125x128xbf16, #tpu.memory_space<vmem>> -> memref<1x125x128xbf16, #tpu.memory_space<vmem>>
    %dma_wait3A_432 = tpu.memref_squeeze %dma_wait3A_431 : memref<1x125x128xbf16, #tpu.memory_space<vmem>> -> memref<125x128xbf16, #tpu.memory_space<vmem>>
    %dma_wait3A_433 = arith.constant 0 : i32
    %dma_wait3A_434 = tpu.memref_slice %arg8[%dma_wait3A_428, %dma_wait3A_433] : memref<80x125xi32, #tpu.memory_space<vmem>> -> memref<1x125xi32, #tpu.memory_space<vmem>>
    %dma_wait3A_435 = tpu.memref_squeeze %dma_wait3A_434 : memref<1x125xi32, #tpu.memory_space<vmem>> -> memref<125xi32, #tpu.memory_space<vmem>>
    %dma_wait3A_436 = arith.constant 0 : i32
    %dma_wait3A_437 = arith.constant 0 : i32
    %dma_wait3A_438 = tpu.memref_slice %arg10[%dma_wait3A_436, %dma_wait3A_437] : memref<10240x128xbf16, #tpu.memory_space<vmem_shared>> -> memref<10240x128xbf16, #tpu.memory_space<vmem_shared>>
    tpu.wait_indirect_dma semaphore(%arg26 : memref<!tpu.dma_semaphore, #tpu.memory_space<semaphore_mem>>) src(%dma_wait3A_432 : memref<125x128xbf16, #tpu.memory_space<vmem>>) dst(%dma_wait3A_438 : memref<10240x128xbf16, #tpu.memory_space<vmem_shared>>)
    %barrier3A_439 = arith.constant 0 : index
    tpu.barrier barrier_id(%barrier3A_439)
    %mul3A_440 = arith.constant 640 : i32
    %mul3A_441 = arith.muli %arg1, %mul3A_440 : i32
    %mul3A_442 = arith.constant 640 : i32
    %mul3A_443 = arith.muli %arg1, %mul3A_442 : i32
    "tpu.region"() ({
      %run_scoped3A = tpu.sem_alloc : memref<!tpu.dma_semaphore, #tpu.memory_space<semaphore_mem>>
      %dma_start3A_444 = arith.constant 0 : i32
      %dma_start3A_445 = arith.constant 0 : i32
      %dma_start3A_446 = tpu.memref_slice %arg6[%add3A_220, %dma_start3A_444, %dma_start3A_445] : memref<4x10240x128xbf16, #tpu.memory_space<hbm>> -> memref<1x10240x128xbf16, #tpu.memory_space<hbm>>
      %dma_start3A_447 = tpu.memref_squeeze %dma_start3A_446 : memref<1x10240x128xbf16, #tpu.memory_space<hbm>> -> memref<10240x128xbf16, #tpu.memory_space<hbm>>
      %dma_start3A_448 = arith.constant 0 : i32
      %dma_start3A_449 = tpu.memref_slice %dma_start3A_447[%mul3A_443, %dma_start3A_448] : memref<10240x128xbf16, #tpu.memory_space<hbm>> -> memref<640x128xbf16, #tpu.memory_space<hbm>>
      %dma_start3A_450 = arith.constant 0 : i32
      %dma_start3A_451 = tpu.memref_slice %arg10[%mul3A_441, %dma_start3A_450] : memref<10240x128xbf16, #tpu.memory_space<vmem_shared>> -> memref<640x128xbf16, #tpu.memory_space<vmem_shared>>
      tpu.enqueue_dma source(%dma_start3A_451 : memref<640x128xbf16, #tpu.memory_space<vmem_shared>>) target(%dma_start3A_449 : memref<640x128xbf16, #tpu.memory_space<hbm>>) target_semaphore(%run_scoped3A : memref<!tpu.dma_semaphore, #tpu.memory_space<semaphore_mem>>)
      %dma_wait3A_452 = arith.constant 0 : i32
      %dma_wait3A_453 = arith.constant 0 : i32
      %dma_wait3A_454 = tpu.memref_slice %arg6[%add3A_220, %dma_wait3A_452, %dma_wait3A_453] : memref<4x10240x128xbf16, #tpu.memory_space<hbm>> -> memref<1x10240x128xbf16, #tpu.memory_space<hbm>>
      %dma_wait3A_455 = tpu.memref_squeeze %dma_wait3A_454 : memref<1x10240x128xbf16, #tpu.memory_space<hbm>> -> memref<10240x128xbf16, #tpu.memory_space<hbm>>
      %dma_wait3A_456 = arith.constant 0 : i32
      %dma_wait3A_457 = tpu.memref_slice %dma_wait3A_455[%mul3A_443, %dma_wait3A_456] : memref<10240x128xbf16, #tpu.memory_space<hbm>> -> memref<640x128xbf16, #tpu.memory_space<hbm>>
      %dma_wait3A_458 = arith.constant 0 : i32
      %dma_wait3A_459 = tpu.memref_slice %arg10[%mul3A_441, %dma_wait3A_458] : memref<10240x128xbf16, #tpu.memory_space<vmem_shared>> -> memref<640x128xbf16, #tpu.memory_space<vmem_shared>>
      tpu.wait_dma2 semaphore(%run_scoped3A : memref<!tpu.dma_semaphore, #tpu.memory_space<semaphore_mem>>) src(%dma_wait3A_459 : memref<640x128xbf16, #tpu.memory_space<vmem_shared>>) dst(%dma_wait3A_457 : memref<640x128xbf16, #tpu.memory_space<hbm>>)
      tpu.yield
    }) : () -> ()
    return
  }
}

#map = affine_map<(d0, d1) -> (0, 0, 0)>
#map1 = affine_map<(d0, d1) -> (0, 0)>
module attributes {stable_mosaic.version = 14 : i64} {
  func.func @_deg_body(%arg0: i32, %arg1: i32, %arg2: memref<32x80x125xi32, #tpu.memory_space<hbm>>, %arg3: memref<125x8xf32, #tpu.memory_space<hbm>>, %arg4: memref<640x8xf32, #tpu.memory_space<hbm>>, %arg5: memref<20480x8xf32, #tpu.memory_space<hbm>>, %arg6: memref<80x125xi32, #tpu.memory_space<vmem>>, %arg7: memref<125x8xf32, #tpu.memory_space<vmem>>, %arg8: memref<640x8xf32, #tpu.memory_space<vmem>>, %arg9: memref<10240x8xf32, #tpu.memory_space<vmem_shared>>) attributes {dimension_semantics = [#tpu.dimension_semantics<core_parallel>, #tpu.dimension_semantics<subcore_parallel>], iteration_bounds = array<i64: 2, 16>, scalar_prefetch = 0 : i64, scratch_operands = 4 : i64, tpu.core_type = #tpu.core_type<sc_vector_subcore>, window_params = [{transform_indices = #map}, {transform_indices = #map1}, {transform_indices = #map1}, {transform_indices = #map1}]} {
    "tpu.region"() ({
      %run_scoped3A = tpu.sem_alloc : memref<!tpu.dma_semaphore, #tpu.memory_space<semaphore_mem>>
      tpu.enqueue_dma source(%arg3 : memref<125x8xf32, #tpu.memory_space<hbm>>) target(%arg7 : memref<125x8xf32, #tpu.memory_space<vmem>>) target_semaphore(%run_scoped3A : memref<!tpu.dma_semaphore, #tpu.memory_space<semaphore_mem>>)
      tpu.wait_dma2 semaphore(%run_scoped3A : memref<!tpu.dma_semaphore, #tpu.memory_space<semaphore_mem>>) src(%arg3 : memref<125x8xf32, #tpu.memory_space<hbm>>) dst(%arg7 : memref<125x8xf32, #tpu.memory_space<vmem>>)
      tpu.yield
    }) : () -> ()
    %mul3A = arith.constant 16 : i32
    %mul3A_0 = arith.muli %arg0, %mul3A : i32
    %add3A = arith.addi %mul3A_0, %arg1 : i32
    "tpu.region"() ({
      %run_scoped3A = tpu.sem_alloc : memref<!tpu.dma_semaphore, #tpu.memory_space<semaphore_mem>>
      %dma_start3A = arith.constant 0 : i32
      %dma_start3A_17 = arith.constant 0 : i32
      %dma_start3A_18 = tpu.memref_slice %arg2[%add3A, %dma_start3A, %dma_start3A_17] : memref<32x80x125xi32, #tpu.memory_space<hbm>> -> memref<1x80x125xi32, #tpu.memory_space<hbm>>
      %dma_start3A_19 = tpu.memref_squeeze %dma_start3A_18 : memref<1x80x125xi32, #tpu.memory_space<hbm>> -> memref<80x125xi32, #tpu.memory_space<hbm>>
      %dma_start3A_20 = arith.constant 0 : i32
      %dma_start3A_21 = arith.constant 0 : i32
      %dma_start3A_22 = tpu.memref_slice %arg2[%add3A, %dma_start3A_20, %dma_start3A_21] : memref<32x80x125xi32, #tpu.memory_space<hbm>> -> memref<1x80x125xi32, #tpu.memory_space<hbm>>
      %dma_start3A_23 = tpu.memref_squeeze %dma_start3A_22 : memref<1x80x125xi32, #tpu.memory_space<hbm>> -> memref<80x125xi32, #tpu.memory_space<hbm>>
      tpu.enqueue_dma source(%dma_start3A_23 : memref<80x125xi32, #tpu.memory_space<hbm>>) target(%arg6 : memref<80x125xi32, #tpu.memory_space<vmem>>) target_semaphore(%run_scoped3A : memref<!tpu.dma_semaphore, #tpu.memory_space<semaphore_mem>>)
      %dma_wait3A = arith.constant 0 : i32
      %dma_wait3A_24 = arith.constant 0 : i32
      %dma_wait3A_25 = tpu.memref_slice %arg2[%add3A, %dma_wait3A, %dma_wait3A_24] : memref<32x80x125xi32, #tpu.memory_space<hbm>> -> memref<1x80x125xi32, #tpu.memory_space<hbm>>
      %dma_wait3A_26 = tpu.memref_squeeze %dma_wait3A_25 : memref<1x80x125xi32, #tpu.memory_space<hbm>> -> memref<80x125xi32, #tpu.memory_space<hbm>>
      %dma_wait3A_27 = arith.constant 0 : i32
      %dma_wait3A_28 = arith.constant 0 : i32
      %dma_wait3A_29 = tpu.memref_slice %arg2[%add3A, %dma_wait3A_27, %dma_wait3A_28] : memref<32x80x125xi32, #tpu.memory_space<hbm>> -> memref<1x80x125xi32, #tpu.memory_space<hbm>>
      %dma_wait3A_30 = tpu.memref_squeeze %dma_wait3A_29 : memref<1x80x125xi32, #tpu.memory_space<hbm>> -> memref<80x125xi32, #tpu.memory_space<hbm>>
      tpu.wait_dma2 semaphore(%run_scoped3A : memref<!tpu.dma_semaphore, #tpu.memory_space<semaphore_mem>>) src(%dma_wait3A_30 : memref<80x125xi32, #tpu.memory_space<hbm>>) dst(%arg6 : memref<80x125xi32, #tpu.memory_space<vmem>>)
      tpu.yield
    }) : () -> ()
    "tpu.region"() ({
      %run_scoped3A = tpu.sem_alloc : memref<!tpu.dma_semaphore, #tpu.memory_space<semaphore_mem>>
      tpu.enqueue_dma source(%arg4 : memref<640x8xf32, #tpu.memory_space<hbm>>) target(%arg8 : memref<640x8xf32, #tpu.memory_space<vmem>>) target_semaphore(%run_scoped3A : memref<!tpu.dma_semaphore, #tpu.memory_space<semaphore_mem>>)
      tpu.wait_dma2 semaphore(%run_scoped3A : memref<!tpu.dma_semaphore, #tpu.memory_space<semaphore_mem>>) src(%arg4 : memref<640x8xf32, #tpu.memory_space<hbm>>) dst(%arg8 : memref<640x8xf32, #tpu.memory_space<vmem>>)
      tpu.yield
    }) : () -> ()
    %mul3A_1 = arith.constant 640 : i32
    %mul3A_2 = arith.muli %arg1, %mul3A_1 : i32
    "tpu.region"() ({
      %run_scoped3A = tpu.sem_alloc : memref<!tpu.dma_semaphore, #tpu.memory_space<semaphore_mem>>
      %dma_start3A = arith.constant 0 : i32
      %dma_start3A_17 = tpu.memref_slice %arg9[%mul3A_2, %dma_start3A] : memref<10240x8xf32, #tpu.memory_space<vmem_shared>> -> memref<640x8xf32, #tpu.memory_space<vmem_shared>>
      %dma_start3A_18 = arith.constant 0 : i32
      %dma_start3A_19 = tpu.memref_slice %arg9[%mul3A_2, %dma_start3A_18] : memref<10240x8xf32, #tpu.memory_space<vmem_shared>> -> memref<640x8xf32, #tpu.memory_space<vmem_shared>>
      tpu.enqueue_dma source(%arg8 : memref<640x8xf32, #tpu.memory_space<vmem>>) target(%dma_start3A_19 : memref<640x8xf32, #tpu.memory_space<vmem_shared>>) target_semaphore(%run_scoped3A : memref<!tpu.dma_semaphore, #tpu.memory_space<semaphore_mem>>)
      %dma_wait3A = arith.constant 0 : i32
      %dma_wait3A_20 = tpu.memref_slice %arg9[%mul3A_2, %dma_wait3A] : memref<10240x8xf32, #tpu.memory_space<vmem_shared>> -> memref<640x8xf32, #tpu.memory_space<vmem_shared>>
      %dma_wait3A_21 = arith.constant 0 : i32
      %dma_wait3A_22 = tpu.memref_slice %arg9[%mul3A_2, %dma_wait3A_21] : memref<10240x8xf32, #tpu.memory_space<vmem_shared>> -> memref<640x8xf32, #tpu.memory_space<vmem_shared>>
      tpu.wait_dma2 semaphore(%run_scoped3A : memref<!tpu.dma_semaphore, #tpu.memory_space<semaphore_mem>>) src(%arg8 : memref<640x8xf32, #tpu.memory_space<vmem>>) dst(%dma_wait3A_22 : memref<640x8xf32, #tpu.memory_space<vmem_shared>>)
      tpu.yield
    }) : () -> ()
    %barrier3A = arith.constant 0 : index
    tpu.barrier barrier_id(%barrier3A)
    %scan3A = arith.constant 0 : i32
    %scan3A_3 = arith.constant 0 : i32
    %scan3A_4 = arith.constant 80 : i32
    %scan3A_5 = arith.addi %scan3A_3, %scan3A_4 : i32
    %scan3A_6 = arith.constant 1 : i32
    %scan3A_7 = scf.for %scan3A_17 = %scan3A_3 to %scan3A_5 step %scan3A_6 iter_args(%scan3A_18 = %scan3A) -> (i32)  : i32 {
      "tpu.region"() ({
        %run_scoped3A = tpu.sem_alloc : memref<!tpu.dma_semaphore, #tpu.memory_space<semaphore_mem>>
        %dma_start3A = arith.constant 0 : i32
        %dma_start3A_20 = tpu.memref_slice %arg6[%scan3A_17, %dma_start3A] : memref<80x125xi32, #tpu.memory_space<vmem>> -> memref<1x125xi32, #tpu.memory_space<vmem>>
        %dma_start3A_21 = tpu.memref_squeeze %dma_start3A_20 : memref<1x125xi32, #tpu.memory_space<vmem>> -> memref<125xi32, #tpu.memory_space<vmem>>
        %dma_start3A_22 = arith.constant 0 : i32
        %dma_start3A_23 = arith.constant 0 : i32
        %dma_start3A_24 = tpu.memref_slice %arg9[%dma_start3A_22, %dma_start3A_23] : memref<10240x8xf32, #tpu.memory_space<vmem_shared>> -> memref<10240x8xf32, #tpu.memory_space<vmem_shared>>
        tpu.enqueue_indirect_dma source(%arg7 : memref<125x8xf32, #tpu.memory_space<vmem>>) target(%dma_start3A_24 : memref<10240x8xf32, #tpu.memory_space<vmem_shared>>) offsets(%dma_start3A_21 : memref<125xi32, #tpu.memory_space<vmem>>) semaphore(%run_scoped3A : memref<!tpu.dma_semaphore, #tpu.memory_space<semaphore_mem>>) {add = true}
        %dma_wait3A = arith.constant 0 : i32
        %dma_wait3A_25 = tpu.memref_slice %arg6[%scan3A_17, %dma_wait3A] : memref<80x125xi32, #tpu.memory_space<vmem>> -> memref<1x125xi32, #tpu.memory_space<vmem>>
        %dma_wait3A_26 = tpu.memref_squeeze %dma_wait3A_25 : memref<1x125xi32, #tpu.memory_space<vmem>> -> memref<125xi32, #tpu.memory_space<vmem>>
        %dma_wait3A_27 = arith.constant 0 : i32
        %dma_wait3A_28 = arith.constant 0 : i32
        %dma_wait3A_29 = tpu.memref_slice %arg9[%dma_wait3A_27, %dma_wait3A_28] : memref<10240x8xf32, #tpu.memory_space<vmem_shared>> -> memref<10240x8xf32, #tpu.memory_space<vmem_shared>>
        tpu.wait_indirect_dma semaphore(%run_scoped3A : memref<!tpu.dma_semaphore, #tpu.memory_space<semaphore_mem>>) src(%arg7 : memref<125x8xf32, #tpu.memory_space<vmem>>) dst(%dma_wait3A_29 : memref<10240x8xf32, #tpu.memory_space<vmem_shared>>)
        tpu.yield
      }) : () -> ()
      %scan3A_19 = arith.constant 0 : i32
      scf.yield %scan3A_19 : i32
    }
    %scan3A_8 = arith.constant 80 : i32
    %barrier3A_9 = arith.constant 0 : index
    tpu.barrier barrier_id(%barrier3A_9)
    %mul3A_10 = arith.constant 640 : i32
    %mul3A_11 = arith.muli %arg1, %mul3A_10 : i32
    "tpu.region"() ({
      %run_scoped3A = tpu.sem_alloc : memref<!tpu.dma_semaphore, #tpu.memory_space<semaphore_mem>>
      %dma_start3A = arith.constant 0 : i32
      %dma_start3A_17 = tpu.memref_slice %arg9[%mul3A_11, %dma_start3A] : memref<10240x8xf32, #tpu.memory_space<vmem_shared>> -> memref<640x8xf32, #tpu.memory_space<vmem_shared>>
      %dma_start3A_18 = arith.constant 0 : i32
      %dma_start3A_19 = tpu.memref_slice %arg9[%mul3A_11, %dma_start3A_18] : memref<10240x8xf32, #tpu.memory_space<vmem_shared>> -> memref<640x8xf32, #tpu.memory_space<vmem_shared>>
      tpu.enqueue_dma source(%dma_start3A_19 : memref<640x8xf32, #tpu.memory_space<vmem_shared>>) target(%arg8 : memref<640x8xf32, #tpu.memory_space<vmem>>) target_semaphore(%run_scoped3A : memref<!tpu.dma_semaphore, #tpu.memory_space<semaphore_mem>>)
      %dma_wait3A = arith.constant 0 : i32
      %dma_wait3A_20 = tpu.memref_slice %arg9[%mul3A_11, %dma_wait3A] : memref<10240x8xf32, #tpu.memory_space<vmem_shared>> -> memref<640x8xf32, #tpu.memory_space<vmem_shared>>
      %dma_wait3A_21 = arith.constant 0 : i32
      %dma_wait3A_22 = tpu.memref_slice %arg9[%mul3A_11, %dma_wait3A_21] : memref<10240x8xf32, #tpu.memory_space<vmem_shared>> -> memref<640x8xf32, #tpu.memory_space<vmem_shared>>
      tpu.wait_dma2 semaphore(%run_scoped3A : memref<!tpu.dma_semaphore, #tpu.memory_space<semaphore_mem>>) src(%dma_wait3A_22 : memref<640x8xf32, #tpu.memory_space<vmem_shared>>) dst(%arg8 : memref<640x8xf32, #tpu.memory_space<vmem>>)
      tpu.yield
    }) : () -> ()
    %mul3A_12 = arith.constant 10240 : i32
    %mul3A_13 = arith.muli %arg0, %mul3A_12 : i32
    %mul3A_14 = arith.constant 640 : i32
    %mul3A_15 = arith.muli %arg1, %mul3A_14 : i32
    %add3A_16 = arith.addi %mul3A_13, %mul3A_15 : i32
    "tpu.region"() ({
      %run_scoped3A = tpu.sem_alloc : memref<!tpu.dma_semaphore, #tpu.memory_space<semaphore_mem>>
      %dma_start3A = arith.constant 0 : i32
      %dma_start3A_17 = tpu.memref_slice %arg5[%add3A_16, %dma_start3A] : memref<20480x8xf32, #tpu.memory_space<hbm>> -> memref<640x8xf32, #tpu.memory_space<hbm>>
      %dma_start3A_18 = arith.constant 0 : i32
      %dma_start3A_19 = tpu.memref_slice %arg5[%add3A_16, %dma_start3A_18] : memref<20480x8xf32, #tpu.memory_space<hbm>> -> memref<640x8xf32, #tpu.memory_space<hbm>>
      tpu.enqueue_dma source(%arg8 : memref<640x8xf32, #tpu.memory_space<vmem>>) target(%dma_start3A_19 : memref<640x8xf32, #tpu.memory_space<hbm>>) target_semaphore(%run_scoped3A : memref<!tpu.dma_semaphore, #tpu.memory_space<semaphore_mem>>)
      %dma_wait3A = arith.constant 0 : i32
      %dma_wait3A_20 = tpu.memref_slice %arg5[%add3A_16, %dma_wait3A] : memref<20480x8xf32, #tpu.memory_space<hbm>> -> memref<640x8xf32, #tpu.memory_space<hbm>>
      %dma_wait3A_21 = arith.constant 0 : i32
      %dma_wait3A_22 = tpu.memref_slice %arg5[%add3A_16, %dma_wait3A_21] : memref<20480x8xf32, #tpu.memory_space<hbm>> -> memref<640x8xf32, #tpu.memory_space<hbm>>
      tpu.wait_dma2 semaphore(%run_scoped3A : memref<!tpu.dma_semaphore, #tpu.memory_space<semaphore_mem>>) src(%arg8 : memref<640x8xf32, #tpu.memory_space<vmem>>) dst(%dma_wait3A_22 : memref<640x8xf32, #tpu.memory_space<hbm>>)
      tpu.yield
    }) : () -> ()
    return
  }
}

#map = affine_map<(d0, d1) -> (0, 0, 0)>
#map1 = affine_map<(d0, d1) -> (0, 0)>
module attributes {stable_mosaic.version = 14 : i64} {
  func.func @body(%arg0: i32, %arg1: i32, %arg2: memref<2x10240x128xbf16, #tpu.memory_space<hbm>>, %arg3: memref<16x80x125xi32, #tpu.memory_space<hbm>>, %arg4: memref<16x80x125xi32, #tpu.memory_space<hbm>>, %arg5: memref<640x128xbf16, #tpu.memory_space<hbm>>, %arg6: memref<2x10240x128xbf16, #tpu.memory_space<hbm>>, %arg7: memref<80x125xi32, #tpu.memory_space<vmem>>, %arg8: memref<80x125xi32, #tpu.memory_space<vmem>>, %arg9: memref<8x125x128xbf16, #tpu.memory_space<vmem>>, %arg10: memref<10240x128xbf16, #tpu.memory_space<vmem_shared>>, %arg11: memref<!tpu.dma_semaphore, #tpu.memory_space<semaphore_mem>>, %arg12: memref<!tpu.dma_semaphore, #tpu.memory_space<semaphore_mem>>, %arg13: memref<!tpu.dma_semaphore, #tpu.memory_space<semaphore_mem>>, %arg14: memref<!tpu.dma_semaphore, #tpu.memory_space<semaphore_mem>>, %arg15: memref<!tpu.dma_semaphore, #tpu.memory_space<semaphore_mem>>, %arg16: memref<!tpu.dma_semaphore, #tpu.memory_space<semaphore_mem>>, %arg17: memref<!tpu.dma_semaphore, #tpu.memory_space<semaphore_mem>>, %arg18: memref<!tpu.dma_semaphore, #tpu.memory_space<semaphore_mem>>, %arg19: memref<!tpu.dma_semaphore, #tpu.memory_space<semaphore_mem>>, %arg20: memref<!tpu.dma_semaphore, #tpu.memory_space<semaphore_mem>>, %arg21: memref<!tpu.dma_semaphore, #tpu.memory_space<semaphore_mem>>, %arg22: memref<!tpu.dma_semaphore, #tpu.memory_space<semaphore_mem>>, %arg23: memref<!tpu.dma_semaphore, #tpu.memory_space<semaphore_mem>>, %arg24: memref<!tpu.dma_semaphore, #tpu.memory_space<semaphore_mem>>, %arg25: memref<!tpu.dma_semaphore, #tpu.memory_space<semaphore_mem>>, %arg26: memref<!tpu.dma_semaphore, #tpu.memory_space<semaphore_mem>>) attributes {dimension_semantics = [#tpu.dimension_semantics<core_parallel>, #tpu.dimension_semantics<subcore_parallel>], iteration_bounds = array<i64: 2, 16>, scalar_prefetch = 0 : i64, scratch_operands = 20 : i64, tpu.core_type = #tpu.core_type<sc_vector_subcore>, window_params = [{transform_indices = #map}, {transform_indices = #map}, {transform_indices = #map}, {transform_indices = #map1}, {transform_indices = #map}]} {
    "tpu.region"() ({
      %run_scoped3A = tpu.sem_alloc : memref<!tpu.dma_semaphore, #tpu.memory_space<semaphore_mem>>
      %dma_start3A_219 = arith.constant 0 : i32
      %dma_start3A_220 = arith.constant 0 : i32
      %dma_start3A_221 = tpu.memref_slice %arg4[%arg1, %dma_start3A_219, %dma_start3A_220] : memref<16x80x125xi32, #tpu.memory_space<hbm>> -> memref<1x80x125xi32, #tpu.memory_space<hbm>>
      %dma_start3A_222 = tpu.memref_squeeze %dma_start3A_221 : memref<1x80x125xi32, #tpu.memory_space<hbm>> -> memref<80x125xi32, #tpu.memory_space<hbm>>
      %dma_start3A_223 = arith.constant 0 : i32
      %dma_start3A_224 = arith.constant 0 : i32
      %dma_start3A_225 = tpu.memref_slice %arg4[%arg1, %dma_start3A_223, %dma_start3A_224] : memref<16x80x125xi32, #tpu.memory_space<hbm>> -> memref<1x80x125xi32, #tpu.memory_space<hbm>>
      %dma_start3A_226 = tpu.memref_squeeze %dma_start3A_225 : memref<1x80x125xi32, #tpu.memory_space<hbm>> -> memref<80x125xi32, #tpu.memory_space<hbm>>
      tpu.enqueue_dma source(%dma_start3A_226 : memref<80x125xi32, #tpu.memory_space<hbm>>) target(%arg8 : memref<80x125xi32, #tpu.memory_space<vmem>>) target_semaphore(%run_scoped3A : memref<!tpu.dma_semaphore, #tpu.memory_space<semaphore_mem>>)
      %dma_wait3A_227 = arith.constant 0 : i32
      %dma_wait3A_228 = arith.constant 0 : i32
      %dma_wait3A_229 = tpu.memref_slice %arg4[%arg1, %dma_wait3A_227, %dma_wait3A_228] : memref<16x80x125xi32, #tpu.memory_space<hbm>> -> memref<1x80x125xi32, #tpu.memory_space<hbm>>
      %dma_wait3A_230 = tpu.memref_squeeze %dma_wait3A_229 : memref<1x80x125xi32, #tpu.memory_space<hbm>> -> memref<80x125xi32, #tpu.memory_space<hbm>>
      %dma_wait3A_231 = arith.constant 0 : i32
      %dma_wait3A_232 = arith.constant 0 : i32
      %dma_wait3A_233 = tpu.memref_slice %arg4[%arg1, %dma_wait3A_231, %dma_wait3A_232] : memref<16x80x125xi32, #tpu.memory_space<hbm>> -> memref<1x80x125xi32, #tpu.memory_space<hbm>>
      %dma_wait3A_234 = tpu.memref_squeeze %dma_wait3A_233 : memref<1x80x125xi32, #tpu.memory_space<hbm>> -> memref<80x125xi32, #tpu.memory_space<hbm>>
      tpu.wait_dma2 semaphore(%run_scoped3A : memref<!tpu.dma_semaphore, #tpu.memory_space<semaphore_mem>>) src(%dma_wait3A_234 : memref<80x125xi32, #tpu.memory_space<hbm>>) dst(%arg8 : memref<80x125xi32, #tpu.memory_space<vmem>>)
      tpu.yield
    }) : () -> ()
    "tpu.region"() ({
      %run_scoped3A = tpu.sem_alloc : memref<!tpu.dma_semaphore, #tpu.memory_space<semaphore_mem>>
      %dma_start3A_219 = arith.constant 0 : i32
      %dma_start3A_220 = arith.constant 0 : i32
      %dma_start3A_221 = tpu.memref_slice %arg3[%arg1, %dma_start3A_219, %dma_start3A_220] : memref<16x80x125xi32, #tpu.memory_space<hbm>> -> memref<1x80x125xi32, #tpu.memory_space<hbm>>
      %dma_start3A_222 = tpu.memref_squeeze %dma_start3A_221 : memref<1x80x125xi32, #tpu.memory_space<hbm>> -> memref<80x125xi32, #tpu.memory_space<hbm>>
      %dma_start3A_223 = arith.constant 0 : i32
      %dma_start3A_224 = arith.constant 0 : i32
      %dma_start3A_225 = tpu.memref_slice %arg3[%arg1, %dma_start3A_223, %dma_start3A_224] : memref<16x80x125xi32, #tpu.memory_space<hbm>> -> memref<1x80x125xi32, #tpu.memory_space<hbm>>
      %dma_start3A_226 = tpu.memref_squeeze %dma_start3A_225 : memref<1x80x125xi32, #tpu.memory_space<hbm>> -> memref<80x125xi32, #tpu.memory_space<hbm>>
      tpu.enqueue_dma source(%dma_start3A_226 : memref<80x125xi32, #tpu.memory_space<hbm>>) target(%arg7 : memref<80x125xi32, #tpu.memory_space<vmem>>) target_semaphore(%run_scoped3A : memref<!tpu.dma_semaphore, #tpu.memory_space<semaphore_mem>>)
      %dma_wait3A_227 = arith.constant 0 : i32
      %dma_wait3A_228 = arith.constant 0 : i32
      %dma_wait3A_229 = tpu.memref_slice %arg3[%arg1, %dma_wait3A_227, %dma_wait3A_228] : memref<16x80x125xi32, #tpu.memory_space<hbm>> -> memref<1x80x125xi32, #tpu.memory_space<hbm>>
      %dma_wait3A_230 = tpu.memref_squeeze %dma_wait3A_229 : memref<1x80x125xi32, #tpu.memory_space<hbm>> -> memref<80x125xi32, #tpu.memory_space<hbm>>
      %dma_wait3A_231 = arith.constant 0 : i32
      %dma_wait3A_232 = arith.constant 0 : i32
      %dma_wait3A_233 = tpu.memref_slice %arg3[%arg1, %dma_wait3A_231, %dma_wait3A_232] : memref<16x80x125xi32, #tpu.memory_space<hbm>> -> memref<1x80x125xi32, #tpu.memory_space<hbm>>
      %dma_wait3A_234 = tpu.memref_squeeze %dma_wait3A_233 : memref<1x80x125xi32, #tpu.memory_space<hbm>> -> memref<80x125xi32, #tpu.memory_space<hbm>>
      tpu.wait_dma2 semaphore(%run_scoped3A : memref<!tpu.dma_semaphore, #tpu.memory_space<semaphore_mem>>) src(%dma_wait3A_234 : memref<80x125xi32, #tpu.memory_space<hbm>>) dst(%arg7 : memref<80x125xi32, #tpu.memory_space<vmem>>)
      tpu.yield
    }) : () -> ()
    %add3A = arith.constant 0 : i32
    %add3A_0 = arith.addi %add3A, %arg0 : i32
    %mul3A = arith.constant 640 : i32
    %mul3A_1 = arith.muli %arg1, %mul3A : i32
    "tpu.region"() ({
      %run_scoped3A = tpu.sem_alloc : memref<!tpu.dma_semaphore, #tpu.memory_space<semaphore_mem>>
      %dma_start3A_219 = arith.constant 0 : i32
      %dma_start3A_220 = tpu.memref_slice %arg10[%mul3A_1, %dma_start3A_219] : memref<10240x128xbf16, #tpu.memory_space<vmem_shared>> -> memref<640x128xbf16, #tpu.memory_space<vmem_shared>>
      tpu.enqueue_dma source(%arg5 : memref<640x128xbf16, #tpu.memory_space<hbm>>) target(%dma_start3A_220 : memref<640x128xbf16, #tpu.memory_space<vmem_shared>>) target_semaphore(%run_scoped3A : memref<!tpu.dma_semaphore, #tpu.memory_space<semaphore_mem>>)
      %dma_wait3A_221 = arith.constant 0 : i32
      %dma_wait3A_222 = tpu.memref_slice %arg10[%mul3A_1, %dma_wait3A_221] : memref<10240x128xbf16, #tpu.memory_space<vmem_shared>> -> memref<640x128xbf16, #tpu.memory_space<vmem_shared>>
      tpu.wait_dma2 semaphore(%run_scoped3A : memref<!tpu.dma_semaphore, #tpu.memory_space<semaphore_mem>>) src(%arg5 : memref<640x128xbf16, #tpu.memory_space<hbm>>) dst(%dma_wait3A_222 : memref<640x128xbf16, #tpu.memory_space<vmem_shared>>)
      tpu.yield
    }) : () -> ()
    %barrier3A = arith.constant 0 : index
    tpu.barrier barrier_id(%barrier3A)
    %dma_start3A = arith.constant 0 : i32
    %dma_start3A_2 = arith.constant 0 : i32
    %dma_start3A_3 = arith.constant 0 : i32
    %dma_start3A_4 = arith.constant 0 : i32
    %dma_start3A_5 = tpu.memref_slice %arg9[%dma_start3A_2, %dma_start3A_3, %dma_start3A_4] : memref<8x125x128xbf16, #tpu.memory_space<vmem>> -> memref<1x125x128xbf16, #tpu.memory_space<vmem>>
    %dma_start3A_6 = tpu.memref_squeeze %dma_start3A_5 : memref<1x125x128xbf16, #tpu.memory_space<vmem>> -> memref<125x128xbf16, #tpu.memory_space<vmem>>
    %dma_start3A_7 = arith.constant 0 : i32
    %dma_start3A_8 = tpu.memref_slice %arg7[%dma_start3A, %dma_start3A_7] : memref<80x125xi32, #tpu.memory_space<vmem>> -> memref<1x125xi32, #tpu.memory_space<vmem>>
    %dma_start3A_9 = tpu.memref_squeeze %dma_start3A_8 : memref<1x125xi32, #tpu.memory_space<vmem>> -> memref<125xi32, #tpu.memory_space<vmem>>
    %dma_start3A_10 = arith.constant 0 : i32
    %dma_start3A_11 = arith.constant 0 : i32
    %dma_start3A_12 = tpu.memref_slice %arg2[%add3A_0, %dma_start3A_10, %dma_start3A_11] : memref<2x10240x128xbf16, #tpu.memory_space<hbm>> -> memref<1x10240x128xbf16, #tpu.memory_space<hbm>>
    %dma_start3A_13 = tpu.memref_squeeze %dma_start3A_12 : memref<1x10240x128xbf16, #tpu.memory_space<hbm>> -> memref<10240x128xbf16, #tpu.memory_space<hbm>>
    %dma_start3A_14 = arith.constant 0 : i32
    %dma_start3A_15 = arith.constant 0 : i32
    %dma_start3A_16 = tpu.memref_slice %dma_start3A_13[%dma_start3A_14, %dma_start3A_15] : memref<10240x128xbf16, #tpu.memory_space<hbm>> -> memref<10240x128xbf16, #tpu.memory_space<hbm>>
    tpu.enqueue_indirect_dma source(%dma_start3A_16 : memref<10240x128xbf16, #tpu.memory_space<hbm>>) target(%dma_start3A_6 : memref<125x128xbf16, #tpu.memory_space<vmem>>) offsets(%dma_start3A_9 : memref<125xi32, #tpu.memory_space<vmem>>) semaphore(%arg11 : memref<!tpu.dma_semaphore, #tpu.memory_space<semaphore_mem>>)
    %dma_start3A_17 = arith.constant 1 : i32
    %dma_start3A_18 = arith.constant 1 : i32
    %dma_start3A_19 = arith.constant 0 : i32
    %dma_start3A_20 = arith.constant 0 : i32
    %dma_start3A_21 = tpu.memref_slice %arg9[%dma_start3A_18, %dma_start3A_19, %dma_start3A_20] : memref<8x125x128xbf16, #tpu.memory_space<vmem>> -> memref<1x125x128xbf16, #tpu.memory_space<vmem>>
    %dma_start3A_22 = tpu.memref_squeeze %dma_start3A_21 : memref<1x125x128xbf16, #tpu.memory_space<vmem>> -> memref<125x128xbf16, #tpu.memory_space<vmem>>
    %dma_start3A_23 = arith.constant 0 : i32
    %dma_start3A_24 = tpu.memref_slice %arg7[%dma_start3A_17, %dma_start3A_23] : memref<80x125xi32, #tpu.memory_space<vmem>> -> memref<1x125xi32, #tpu.memory_space<vmem>>
    %dma_start3A_25 = tpu.memref_squeeze %dma_start3A_24 : memref<1x125xi32, #tpu.memory_space<vmem>> -> memref<125xi32, #tpu.memory_space<vmem>>
    %dma_start3A_26 = arith.constant 0 : i32
    %dma_start3A_27 = arith.constant 0 : i32
    %dma_start3A_28 = tpu.memref_slice %arg2[%add3A_0, %dma_start3A_26, %dma_start3A_27] : memref<2x10240x128xbf16, #tpu.memory_space<hbm>> -> memref<1x10240x128xbf16, #tpu.memory_space<hbm>>
    %dma_start3A_29 = tpu.memref_squeeze %dma_start3A_28 : memref<1x10240x128xbf16, #tpu.memory_space<hbm>> -> memref<10240x128xbf16, #tpu.memory_space<hbm>>
    %dma_start3A_30 = arith.constant 0 : i32
    %dma_start3A_31 = arith.constant 0 : i32
    %dma_start3A_32 = tpu.memref_slice %dma_start3A_29[%dma_start3A_30, %dma_start3A_31] : memref<10240x128xbf16, #tpu.memory_space<hbm>> -> memref<10240x128xbf16, #tpu.memory_space<hbm>>
    tpu.enqueue_indirect_dma source(%dma_start3A_32 : memref<10240x128xbf16, #tpu.memory_space<hbm>>) target(%dma_start3A_22 : memref<125x128xbf16, #tpu.memory_space<vmem>>) offsets(%dma_start3A_25 : memref<125xi32, #tpu.memory_space<vmem>>) semaphore(%arg12 : memref<!tpu.dma_semaphore, #tpu.memory_space<semaphore_mem>>)
    %dma_start3A_33 = arith.constant 2 : i32
    %dma_start3A_34 = arith.constant 2 : i32
    %dma_start3A_35 = arith.constant 0 : i32
    %dma_start3A_36 = arith.constant 0 : i32
    %dma_start3A_37 = tpu.memref_slice %arg9[%dma_start3A_34, %dma_start3A_35, %dma_start3A_36] : memref<8x125x128xbf16, #tpu.memory_space<vmem>> -> memref<1x125x128xbf16, #tpu.memory_space<vmem>>
    %dma_start3A_38 = tpu.memref_squeeze %dma_start3A_37 : memref<1x125x128xbf16, #tpu.memory_space<vmem>> -> memref<125x128xbf16, #tpu.memory_space<vmem>>
    %dma_start3A_39 = arith.constant 0 : i32
    %dma_start3A_40 = tpu.memref_slice %arg7[%dma_start3A_33, %dma_start3A_39] : memref<80x125xi32, #tpu.memory_space<vmem>> -> memref<1x125xi32, #tpu.memory_space<vmem>>
    %dma_start3A_41 = tpu.memref_squeeze %dma_start3A_40 : memref<1x125xi32, #tpu.memory_space<vmem>> -> memref<125xi32, #tpu.memory_space<vmem>>
    %dma_start3A_42 = arith.constant 0 : i32
    %dma_start3A_43 = arith.constant 0 : i32
    %dma_start3A_44 = tpu.memref_slice %arg2[%add3A_0, %dma_start3A_42, %dma_start3A_43] : memref<2x10240x128xbf16, #tpu.memory_space<hbm>> -> memref<1x10240x128xbf16, #tpu.memory_space<hbm>>
    %dma_start3A_45 = tpu.memref_squeeze %dma_start3A_44 : memref<1x10240x128xbf16, #tpu.memory_space<hbm>> -> memref<10240x128xbf16, #tpu.memory_space<hbm>>
    %dma_start3A_46 = arith.constant 0 : i32
    %dma_start3A_47 = arith.constant 0 : i32
    %dma_start3A_48 = tpu.memref_slice %dma_start3A_45[%dma_start3A_46, %dma_start3A_47] : memref<10240x128xbf16, #tpu.memory_space<hbm>> -> memref<10240x128xbf16, #tpu.memory_space<hbm>>
    tpu.enqueue_indirect_dma source(%dma_start3A_48 : memref<10240x128xbf16, #tpu.memory_space<hbm>>) target(%dma_start3A_38 : memref<125x128xbf16, #tpu.memory_space<vmem>>) offsets(%dma_start3A_41 : memref<125xi32, #tpu.memory_space<vmem>>) semaphore(%arg13 : memref<!tpu.dma_semaphore, #tpu.memory_space<semaphore_mem>>)
    %dma_start3A_49 = arith.constant 3 : i32
    %dma_start3A_50 = arith.constant 3 : i32
    %dma_start3A_51 = arith.constant 0 : i32
    %dma_start3A_52 = arith.constant 0 : i32
    %dma_start3A_53 = tpu.memref_slice %arg9[%dma_start3A_50, %dma_start3A_51, %dma_start3A_52] : memref<8x125x128xbf16, #tpu.memory_space<vmem>> -> memref<1x125x128xbf16, #tpu.memory_space<vmem>>
    %dma_start3A_54 = tpu.memref_squeeze %dma_start3A_53 : memref<1x125x128xbf16, #tpu.memory_space<vmem>> -> memref<125x128xbf16, #tpu.memory_space<vmem>>
    %dma_start3A_55 = arith.constant 0 : i32
    %dma_start3A_56 = tpu.memref_slice %arg7[%dma_start3A_49, %dma_start3A_55] : memref<80x125xi32, #tpu.memory_space<vmem>> -> memref<1x125xi32, #tpu.memory_space<vmem>>
    %dma_start3A_57 = tpu.memref_squeeze %dma_start3A_56 : memref<1x125xi32, #tpu.memory_space<vmem>> -> memref<125xi32, #tpu.memory_space<vmem>>
    %dma_start3A_58 = arith.constant 0 : i32
    %dma_start3A_59 = arith.constant 0 : i32
    %dma_start3A_60 = tpu.memref_slice %arg2[%add3A_0, %dma_start3A_58, %dma_start3A_59] : memref<2x10240x128xbf16, #tpu.memory_space<hbm>> -> memref<1x10240x128xbf16, #tpu.memory_space<hbm>>
    %dma_start3A_61 = tpu.memref_squeeze %dma_start3A_60 : memref<1x10240x128xbf16, #tpu.memory_space<hbm>> -> memref<10240x128xbf16, #tpu.memory_space<hbm>>
    %dma_start3A_62 = arith.constant 0 : i32
    %dma_start3A_63 = arith.constant 0 : i32
    %dma_start3A_64 = tpu.memref_slice %dma_start3A_61[%dma_start3A_62, %dma_start3A_63] : memref<10240x128xbf16, #tpu.memory_space<hbm>> -> memref<10240x128xbf16, #tpu.memory_space<hbm>>
    tpu.enqueue_indirect_dma source(%dma_start3A_64 : memref<10240x128xbf16, #tpu.memory_space<hbm>>) target(%dma_start3A_54 : memref<125x128xbf16, #tpu.memory_space<vmem>>) offsets(%dma_start3A_57 : memref<125xi32, #tpu.memory_space<vmem>>) semaphore(%arg14 : memref<!tpu.dma_semaphore, #tpu.memory_space<semaphore_mem>>)
    %dma_start3A_65 = arith.constant 4 : i32
    %dma_start3A_66 = arith.constant 4 : i32
    %dma_start3A_67 = arith.constant 0 : i32
    %dma_start3A_68 = arith.constant 0 : i32
    %dma_start3A_69 = tpu.memref_slice %arg9[%dma_start3A_66, %dma_start3A_67, %dma_start3A_68] : memref<8x125x128xbf16, #tpu.memory_space<vmem>> -> memref<1x125x128xbf16, #tpu.memory_space<vmem>>
    %dma_start3A_70 = tpu.memref_squeeze %dma_start3A_69 : memref<1x125x128xbf16, #tpu.memory_space<vmem>> -> memref<125x128xbf16, #tpu.memory_space<vmem>>
    %dma_start3A_71 = arith.constant 0 : i32
    %dma_start3A_72 = tpu.memref_slice %arg7[%dma_start3A_65, %dma_start3A_71] : memref<80x125xi32, #tpu.memory_space<vmem>> -> memref<1x125xi32, #tpu.memory_space<vmem>>
    %dma_start3A_73 = tpu.memref_squeeze %dma_start3A_72 : memref<1x125xi32, #tpu.memory_space<vmem>> -> memref<125xi32, #tpu.memory_space<vmem>>
    %dma_start3A_74 = arith.constant 0 : i32
    %dma_start3A_75 = arith.constant 0 : i32
    %dma_start3A_76 = tpu.memref_slice %arg2[%add3A_0, %dma_start3A_74, %dma_start3A_75] : memref<2x10240x128xbf16, #tpu.memory_space<hbm>> -> memref<1x10240x128xbf16, #tpu.memory_space<hbm>>
    %dma_start3A_77 = tpu.memref_squeeze %dma_start3A_76 : memref<1x10240x128xbf16, #tpu.memory_space<hbm>> -> memref<10240x128xbf16, #tpu.memory_space<hbm>>
    %dma_start3A_78 = arith.constant 0 : i32
    %dma_start3A_79 = arith.constant 0 : i32
    %dma_start3A_80 = tpu.memref_slice %dma_start3A_77[%dma_start3A_78, %dma_start3A_79] : memref<10240x128xbf16, #tpu.memory_space<hbm>> -> memref<10240x128xbf16, #tpu.memory_space<hbm>>
    tpu.enqueue_indirect_dma source(%dma_start3A_80 : memref<10240x128xbf16, #tpu.memory_space<hbm>>) target(%dma_start3A_70 : memref<125x128xbf16, #tpu.memory_space<vmem>>) offsets(%dma_start3A_73 : memref<125xi32, #tpu.memory_space<vmem>>) semaphore(%arg15 : memref<!tpu.dma_semaphore, #tpu.memory_space<semaphore_mem>>)
    %dma_start3A_81 = arith.constant 5 : i32
    %dma_start3A_82 = arith.constant 5 : i32
    %dma_start3A_83 = arith.constant 0 : i32
    %dma_start3A_84 = arith.constant 0 : i32
    %dma_start3A_85 = tpu.memref_slice %arg9[%dma_start3A_82, %dma_start3A_83, %dma_start3A_84] : memref<8x125x128xbf16, #tpu.memory_space<vmem>> -> memref<1x125x128xbf16, #tpu.memory_space<vmem>>
    %dma_start3A_86 = tpu.memref_squeeze %dma_start3A_85 : memref<1x125x128xbf16, #tpu.memory_space<vmem>> -> memref<125x128xbf16, #tpu.memory_space<vmem>>
    %dma_start3A_87 = arith.constant 0 : i32
    %dma_start3A_88 = tpu.memref_slice %arg7[%dma_start3A_81, %dma_start3A_87] : memref<80x125xi32, #tpu.memory_space<vmem>> -> memref<1x125xi32, #tpu.memory_space<vmem>>
    %dma_start3A_89 = tpu.memref_squeeze %dma_start3A_88 : memref<1x125xi32, #tpu.memory_space<vmem>> -> memref<125xi32, #tpu.memory_space<vmem>>
    %dma_start3A_90 = arith.constant 0 : i32
    %dma_start3A_91 = arith.constant 0 : i32
    %dma_start3A_92 = tpu.memref_slice %arg2[%add3A_0, %dma_start3A_90, %dma_start3A_91] : memref<2x10240x128xbf16, #tpu.memory_space<hbm>> -> memref<1x10240x128xbf16, #tpu.memory_space<hbm>>
    %dma_start3A_93 = tpu.memref_squeeze %dma_start3A_92 : memref<1x10240x128xbf16, #tpu.memory_space<hbm>> -> memref<10240x128xbf16, #tpu.memory_space<hbm>>
    %dma_start3A_94 = arith.constant 0 : i32
    %dma_start3A_95 = arith.constant 0 : i32
    %dma_start3A_96 = tpu.memref_slice %dma_start3A_93[%dma_start3A_94, %dma_start3A_95] : memref<10240x128xbf16, #tpu.memory_space<hbm>> -> memref<10240x128xbf16, #tpu.memory_space<hbm>>
    tpu.enqueue_indirect_dma source(%dma_start3A_96 : memref<10240x128xbf16, #tpu.memory_space<hbm>>) target(%dma_start3A_86 : memref<125x128xbf16, #tpu.memory_space<vmem>>) offsets(%dma_start3A_89 : memref<125xi32, #tpu.memory_space<vmem>>) semaphore(%arg16 : memref<!tpu.dma_semaphore, #tpu.memory_space<semaphore_mem>>)
    %dma_start3A_97 = arith.constant 6 : i32
    %dma_start3A_98 = arith.constant 6 : i32
    %dma_start3A_99 = arith.constant 0 : i32
    %dma_start3A_100 = arith.constant 0 : i32
    %dma_start3A_101 = tpu.memref_slice %arg9[%dma_start3A_98, %dma_start3A_99, %dma_start3A_100] : memref<8x125x128xbf16, #tpu.memory_space<vmem>> -> memref<1x125x128xbf16, #tpu.memory_space<vmem>>
    %dma_start3A_102 = tpu.memref_squeeze %dma_start3A_101 : memref<1x125x128xbf16, #tpu.memory_space<vmem>> -> memref<125x128xbf16, #tpu.memory_space<vmem>>
    %dma_start3A_103 = arith.constant 0 : i32
    %dma_start3A_104 = tpu.memref_slice %arg7[%dma_start3A_97, %dma_start3A_103] : memref<80x125xi32, #tpu.memory_space<vmem>> -> memref<1x125xi32, #tpu.memory_space<vmem>>
    %dma_start3A_105 = tpu.memref_squeeze %dma_start3A_104 : memref<1x125xi32, #tpu.memory_space<vmem>> -> memref<125xi32, #tpu.memory_space<vmem>>
    %dma_start3A_106 = arith.constant 0 : i32
    %dma_start3A_107 = arith.constant 0 : i32
    %dma_start3A_108 = tpu.memref_slice %arg2[%add3A_0, %dma_start3A_106, %dma_start3A_107] : memref<2x10240x128xbf16, #tpu.memory_space<hbm>> -> memref<1x10240x128xbf16, #tpu.memory_space<hbm>>
    %dma_start3A_109 = tpu.memref_squeeze %dma_start3A_108 : memref<1x10240x128xbf16, #tpu.memory_space<hbm>> -> memref<10240x128xbf16, #tpu.memory_space<hbm>>
    %dma_start3A_110 = arith.constant 0 : i32
    %dma_start3A_111 = arith.constant 0 : i32
    %dma_start3A_112 = tpu.memref_slice %dma_start3A_109[%dma_start3A_110, %dma_start3A_111] : memref<10240x128xbf16, #tpu.memory_space<hbm>> -> memref<10240x128xbf16, #tpu.memory_space<hbm>>
    tpu.enqueue_indirect_dma source(%dma_start3A_112 : memref<10240x128xbf16, #tpu.memory_space<hbm>>) target(%dma_start3A_102 : memref<125x128xbf16, #tpu.memory_space<vmem>>) offsets(%dma_start3A_105 : memref<125xi32, #tpu.memory_space<vmem>>) semaphore(%arg17 : memref<!tpu.dma_semaphore, #tpu.memory_space<semaphore_mem>>)
    %scan3A = arith.constant 0 : i32
    %scan3A_113 = arith.constant 0 : i32
    %scan3A_114 = arith.constant 10 : i32
    %scan3A_115 = arith.addi %scan3A_113, %scan3A_114 : i32
    %scan3A_116 = arith.constant 1 : i32
    %scan3A_117 = scf.for %scan3A_219 = %scan3A_113 to %scan3A_115 step %scan3A_116 iter_args(%scan3A_220 = %scan3A) -> (i32)  : i32 {
      %mul3A_221 = arith.constant 8 : i32
      %mul3A_222 = arith.muli %scan3A_219, %mul3A_221 : i32
      %add3A_223 = arith.constant 0 : i32
      %add3A_224 = arith.addi %mul3A_222, %add3A_223 : i32
      %dma_wait3A_225 = arith.constant 0 : i32
      %dma_wait3A_226 = arith.constant 0 : i32
      %dma_wait3A_227 = arith.constant 0 : i32
      %dma_wait3A_228 = tpu.memref_slice %arg9[%dma_wait3A_225, %dma_wait3A_226, %dma_wait3A_227] : memref<8x125x128xbf16, #tpu.memory_space<vmem>> -> memref<1x125x128xbf16, #tpu.memory_space<vmem>>
      %dma_wait3A_229 = tpu.memref_squeeze %dma_wait3A_228 : memref<1x125x128xbf16, #tpu.memory_space<vmem>> -> memref<125x128xbf16, #tpu.memory_space<vmem>>
      %dma_wait3A_230 = arith.constant 0 : i32
      %dma_wait3A_231 = tpu.memref_slice %arg7[%add3A_224, %dma_wait3A_230] : memref<80x125xi32, #tpu.memory_space<vmem>> -> memref<1x125xi32, #tpu.memory_space<vmem>>
      %dma_wait3A_232 = tpu.memref_squeeze %dma_wait3A_231 : memref<1x125xi32, #tpu.memory_space<vmem>> -> memref<125xi32, #tpu.memory_space<vmem>>
      %dma_wait3A_233 = arith.constant 0 : i32
      %dma_wait3A_234 = arith.constant 0 : i32
      %dma_wait3A_235 = tpu.memref_slice %arg2[%add3A_0, %dma_wait3A_233, %dma_wait3A_234] : memref<2x10240x128xbf16, #tpu.memory_space<hbm>> -> memref<1x10240x128xbf16, #tpu.memory_space<hbm>>
      %dma_wait3A_236 = tpu.memref_squeeze %dma_wait3A_235 : memref<1x10240x128xbf16, #tpu.memory_space<hbm>> -> memref<10240x128xbf16, #tpu.memory_space<hbm>>
      %dma_wait3A_237 = arith.constant 0 : i32
      %dma_wait3A_238 = arith.constant 0 : i32
      %dma_wait3A_239 = tpu.memref_slice %dma_wait3A_236[%dma_wait3A_237, %dma_wait3A_238] : memref<10240x128xbf16, #tpu.memory_space<hbm>> -> memref<10240x128xbf16, #tpu.memory_space<hbm>>
      tpu.wait_indirect_dma semaphore(%arg11 : memref<!tpu.dma_semaphore, #tpu.memory_space<semaphore_mem>>) src(%dma_wait3A_239 : memref<10240x128xbf16, #tpu.memory_space<hbm>>) dst(%dma_wait3A_229 : memref<125x128xbf16, #tpu.memory_space<vmem>>)
      %dma_start3A_240 = arith.constant 0 : i32
      %dma_start3A_241 = arith.constant 0 : i32
      %dma_start3A_242 = arith.constant 0 : i32
      %dma_start3A_243 = tpu.memref_slice %arg9[%dma_start3A_240, %dma_start3A_241, %dma_start3A_242] : memref<8x125x128xbf16, #tpu.memory_space<vmem>> -> memref<1x125x128xbf16, #tpu.memory_space<vmem>>
      %dma_start3A_244 = tpu.memref_squeeze %dma_start3A_243 : memref<1x125x128xbf16, #tpu.memory_space<vmem>> -> memref<125x128xbf16, #tpu.memory_space<vmem>>
      %dma_start3A_245 = arith.constant 0 : i32
      %dma_start3A_246 = tpu.memref_slice %arg8[%add3A_224, %dma_start3A_245] : memref<80x125xi32, #tpu.memory_space<vmem>> -> memref<1x125xi32, #tpu.memory_space<vmem>>
      %dma_start3A_247 = tpu.memref_squeeze %dma_start3A_246 : memref<1x125xi32, #tpu.memory_space<vmem>> -> memref<125xi32, #tpu.memory_space<vmem>>
      %dma_start3A_248 = arith.constant 0 : i32
      %dma_start3A_249 = arith.constant 0 : i32
      %dma_start3A_250 = tpu.memref_slice %arg10[%dma_start3A_248, %dma_start3A_249] : memref<10240x128xbf16, #tpu.memory_space<vmem_shared>> -> memref<10240x128xbf16, #tpu.memory_space<vmem_shared>>
      tpu.enqueue_indirect_dma source(%dma_start3A_244 : memref<125x128xbf16, #tpu.memory_space<vmem>>) target(%dma_start3A_250 : memref<10240x128xbf16, #tpu.memory_space<vmem_shared>>) offsets(%dma_start3A_247 : memref<125xi32, #tpu.memory_space<vmem>>) semaphore(%arg19 : memref<!tpu.dma_semaphore, #tpu.memory_space<semaphore_mem>>) {add = true}
      %add3A_251 = arith.constant 8 : i32
      %add3A_252 = arith.addi %add3A_224, %add3A_251 : i32
      %sub3A = arith.constant 1 : i32
      %sub3A_253 = arith.subi %add3A_252, %sub3A : i32
      %gt3A = arith.constant 0 : i32
      %gt3A_254 = arith.cmpi sgt, %add3A_224, %gt3A : i32
      %lt3A = arith.constant 80 : i32
      %lt3A_255 = arith.cmpi slt, %sub3A_253, %lt3A : i32
      %and3A = arith.andi %gt3A_254, %lt3A_255 : i1
      %convert_element_type3A = arith.extui %and3A : i1 to i32
      %cond3A = arith.constant 0 : i32
      %cond3A_256 = arith.cmpi ne, %convert_element_type3A, %cond3A : i32
      scf.if %cond3A_256 {
        %sub3A_592 = arith.constant 1 : i32
        %sub3A_593 = arith.subi %add3A_224, %sub3A_592 : i32
        %dma_wait3A_594 = arith.constant 7 : i32
        %dma_wait3A_595 = arith.constant 0 : i32
        %dma_wait3A_596 = arith.constant 0 : i32
        %dma_wait3A_597 = tpu.memref_slice %arg9[%dma_wait3A_594, %dma_wait3A_595, %dma_wait3A_596] : memref<8x125x128xbf16, #tpu.memory_space<vmem>> -> memref<1x125x128xbf16, #tpu.memory_space<vmem>>
        %dma_wait3A_598 = tpu.memref_squeeze %dma_wait3A_597 : memref<1x125x128xbf16, #tpu.memory_space<vmem>> -> memref<125x128xbf16, #tpu.memory_space<vmem>>
        %dma_wait3A_599 = arith.constant 0 : i32
        %dma_wait3A_600 = tpu.memref_slice %arg8[%sub3A_593, %dma_wait3A_599] : memref<80x125xi32, #tpu.memory_space<vmem>> -> memref<1x125xi32, #tpu.memory_space<vmem>>
        %dma_wait3A_601 = tpu.memref_squeeze %dma_wait3A_600 : memref<1x125xi32, #tpu.memory_space<vmem>> -> memref<125xi32, #tpu.memory_space<vmem>>
        %dma_wait3A_602 = arith.constant 0 : i32
        %dma_wait3A_603 = arith.constant 0 : i32
        %dma_wait3A_604 = tpu.memref_slice %arg10[%dma_wait3A_602, %dma_wait3A_603] : memref<10240x128xbf16, #tpu.memory_space<vmem_shared>> -> memref<10240x128xbf16, #tpu.memory_space<vmem_shared>>
        tpu.wait_indirect_dma semaphore(%arg26 : memref<!tpu.dma_semaphore, #tpu.memory_space<semaphore_mem>>) src(%dma_wait3A_598 : memref<125x128xbf16, #tpu.memory_space<vmem>>) dst(%dma_wait3A_604 : memref<10240x128xbf16, #tpu.memory_space<vmem_shared>>)
      } else {
      }
      %lt3A_257 = arith.constant 80 : i32
      %lt3A_258 = arith.cmpi slt, %sub3A_253, %lt3A_257 : i32
      %convert_element_type3A_259 = arith.extui %lt3A_258 : i1 to i32
      %cond3A_260 = arith.constant 0 : i32
      %cond3A_261 = arith.cmpi ne, %convert_element_type3A_259, %cond3A_260 : i32
      scf.if %cond3A_261 {
        %dma_start3A_592 = arith.constant 7 : i32
        %dma_start3A_593 = arith.constant 0 : i32
        %dma_start3A_594 = arith.constant 0 : i32
        %dma_start3A_595 = tpu.memref_slice %arg9[%dma_start3A_592, %dma_start3A_593, %dma_start3A_594] : memref<8x125x128xbf16, #tpu.memory_space<vmem>> -> memref<1x125x128xbf16, #tpu.memory_space<vmem>>
        %dma_start3A_596 = tpu.memref_squeeze %dma_start3A_595 : memref<1x125x128xbf16, #tpu.memory_space<vmem>> -> memref<125x128xbf16, #tpu.memory_space<vmem>>
        %dma_start3A_597 = arith.constant 0 : i32
        %dma_start3A_598 = tpu.memref_slice %arg7[%sub3A_253, %dma_start3A_597] : memref<80x125xi32, #tpu.memory_space<vmem>> -> memref<1x125xi32, #tpu.memory_space<vmem>>
        %dma_start3A_599 = tpu.memref_squeeze %dma_start3A_598 : memref<1x125xi32, #tpu.memory_space<vmem>> -> memref<125xi32, #tpu.memory_space<vmem>>
        %dma_start3A_600 = arith.constant 0 : i32
        %dma_start3A_601 = arith.constant 0 : i32
        %dma_start3A_602 = tpu.memref_slice %arg2[%add3A_0, %dma_start3A_600, %dma_start3A_601] : memref<2x10240x128xbf16, #tpu.memory_space<hbm>> -> memref<1x10240x128xbf16, #tpu.memory_space<hbm>>
        %dma_start3A_603 = tpu.memref_squeeze %dma_start3A_602 : memref<1x10240x128xbf16, #tpu.memory_space<hbm>> -> memref<10240x128xbf16, #tpu.memory_space<hbm>>
        %dma_start3A_604 = arith.constant 0 : i32
        %dma_start3A_605 = arith.constant 0 : i32
        %dma_start3A_606 = tpu.memref_slice %dma_start3A_603[%dma_start3A_604, %dma_start3A_605] : memref<10240x128xbf16, #tpu.memory_space<hbm>> -> memref<10240x128xbf16, #tpu.memory_space<hbm>>
        tpu.enqueue_indirect_dma source(%dma_start3A_606 : memref<10240x128xbf16, #tpu.memory_space<hbm>>) target(%dma_start3A_596 : memref<125x128xbf16, #tpu.memory_space<vmem>>) offsets(%dma_start3A_599 : memref<125xi32, #tpu.memory_space<vmem>>) semaphore(%arg18 : memref<!tpu.dma_semaphore, #tpu.memory_space<semaphore_mem>>)
      } else {
      }
      %mul3A_262 = arith.constant 8 : i32
      %mul3A_263 = arith.muli %scan3A_219, %mul3A_262 : i32
      %add3A_264 = arith.constant 1 : i32
      %add3A_265 = arith.addi %mul3A_263, %add3A_264 : i32
      %dma_wait3A_266 = arith.constant 1 : i32
      %dma_wait3A_267 = arith.constant 0 : i32
      %dma_wait3A_268 = arith.constant 0 : i32
      %dma_wait3A_269 = tpu.memref_slice %arg9[%dma_wait3A_266, %dma_wait3A_267, %dma_wait3A_268] : memref<8x125x128xbf16, #tpu.memory_space<vmem>> -> memref<1x125x128xbf16, #tpu.memory_space<vmem>>
      %dma_wait3A_270 = tpu.memref_squeeze %dma_wait3A_269 : memref<1x125x128xbf16, #tpu.memory_space<vmem>> -> memref<125x128xbf16, #tpu.memory_space<vmem>>
      %dma_wait3A_271 = arith.constant 0 : i32
      %dma_wait3A_272 = tpu.memref_slice %arg7[%add3A_265, %dma_wait3A_271] : memref<80x125xi32, #tpu.memory_space<vmem>> -> memref<1x125xi32, #tpu.memory_space<vmem>>
      %dma_wait3A_273 = tpu.memref_squeeze %dma_wait3A_272 : memref<1x125xi32, #tpu.memory_space<vmem>> -> memref<125xi32, #tpu.memory_space<vmem>>
      %dma_wait3A_274 = arith.constant 0 : i32
      %dma_wait3A_275 = arith.constant 0 : i32
      %dma_wait3A_276 = tpu.memref_slice %arg2[%add3A_0, %dma_wait3A_274, %dma_wait3A_275] : memref<2x10240x128xbf16, #tpu.memory_space<hbm>> -> memref<1x10240x128xbf16, #tpu.memory_space<hbm>>
      %dma_wait3A_277 = tpu.memref_squeeze %dma_wait3A_276 : memref<1x10240x128xbf16, #tpu.memory_space<hbm>> -> memref<10240x128xbf16, #tpu.memory_space<hbm>>
      %dma_wait3A_278 = arith.constant 0 : i32
      %dma_wait3A_279 = arith.constant 0 : i32
      %dma_wait3A_280 = tpu.memref_slice %dma_wait3A_277[%dma_wait3A_278, %dma_wait3A_279] : memref<10240x128xbf16, #tpu.memory_space<hbm>> -> memref<10240x128xbf16, #tpu.memory_space<hbm>>
      tpu.wait_indirect_dma semaphore(%arg12 : memref<!tpu.dma_semaphore, #tpu.memory_space<semaphore_mem>>) src(%dma_wait3A_280 : memref<10240x128xbf16, #tpu.memory_space<hbm>>) dst(%dma_wait3A_270 : memref<125x128xbf16, #tpu.memory_space<vmem>>)
      %dma_start3A_281 = arith.constant 1 : i32
      %dma_start3A_282 = arith.constant 0 : i32
      %dma_start3A_283 = arith.constant 0 : i32
      %dma_start3A_284 = tpu.memref_slice %arg9[%dma_start3A_281, %dma_start3A_282, %dma_start3A_283] : memref<8x125x128xbf16, #tpu.memory_space<vmem>> -> memref<1x125x128xbf16, #tpu.memory_space<vmem>>
      %dma_start3A_285 = tpu.memref_squeeze %dma_start3A_284 : memref<1x125x128xbf16, #tpu.memory_space<vmem>> -> memref<125x128xbf16, #tpu.memory_space<vmem>>
      %dma_start3A_286 = arith.constant 0 : i32
      %dma_start3A_287 = tpu.memref_slice %arg8[%add3A_265, %dma_start3A_286] : memref<80x125xi32, #tpu.memory_space<vmem>> -> memref<1x125xi32, #tpu.memory_space<vmem>>
      %dma_start3A_288 = tpu.memref_squeeze %dma_start3A_287 : memref<1x125xi32, #tpu.memory_space<vmem>> -> memref<125xi32, #tpu.memory_space<vmem>>
      %dma_start3A_289 = arith.constant 0 : i32
      %dma_start3A_290 = arith.constant 0 : i32
      %dma_start3A_291 = tpu.memref_slice %arg10[%dma_start3A_289, %dma_start3A_290] : memref<10240x128xbf16, #tpu.memory_space<vmem_shared>> -> memref<10240x128xbf16, #tpu.memory_space<vmem_shared>>
      tpu.enqueue_indirect_dma source(%dma_start3A_285 : memref<125x128xbf16, #tpu.memory_space<vmem>>) target(%dma_start3A_291 : memref<10240x128xbf16, #tpu.memory_space<vmem_shared>>) offsets(%dma_start3A_288 : memref<125xi32, #tpu.memory_space<vmem>>) semaphore(%arg20 : memref<!tpu.dma_semaphore, #tpu.memory_space<semaphore_mem>>) {add = true}
      %add3A_292 = arith.constant 8 : i32
      %add3A_293 = arith.addi %add3A_265, %add3A_292 : i32
      %sub3A_294 = arith.constant 1 : i32
      %sub3A_295 = arith.subi %add3A_293, %sub3A_294 : i32
      %gt3A_296 = arith.constant 0 : i32
      %gt3A_297 = arith.cmpi sgt, %add3A_265, %gt3A_296 : i32
      %lt3A_298 = arith.constant 80 : i32
      %lt3A_299 = arith.cmpi slt, %sub3A_295, %lt3A_298 : i32
      %and3A_300 = arith.andi %gt3A_297, %lt3A_299 : i1
      %convert_element_type3A_301 = arith.extui %and3A_300 : i1 to i32
      %cond3A_302 = arith.constant 0 : i32
      %cond3A_303 = arith.cmpi ne, %convert_element_type3A_301, %cond3A_302 : i32
      scf.if %cond3A_303 {
        %sub3A_592 = arith.constant 1 : i32
        %sub3A_593 = arith.subi %add3A_265, %sub3A_592 : i32
        %dma_wait3A_594 = arith.constant 0 : i32
        %dma_wait3A_595 = arith.constant 0 : i32
        %dma_wait3A_596 = arith.constant 0 : i32
        %dma_wait3A_597 = tpu.memref_slice %arg9[%dma_wait3A_594, %dma_wait3A_595, %dma_wait3A_596] : memref<8x125x128xbf16, #tpu.memory_space<vmem>> -> memref<1x125x128xbf16, #tpu.memory_space<vmem>>
        %dma_wait3A_598 = tpu.memref_squeeze %dma_wait3A_597 : memref<1x125x128xbf16, #tpu.memory_space<vmem>> -> memref<125x128xbf16, #tpu.memory_space<vmem>>
        %dma_wait3A_599 = arith.constant 0 : i32
        %dma_wait3A_600 = tpu.memref_slice %arg8[%sub3A_593, %dma_wait3A_599] : memref<80x125xi32, #tpu.memory_space<vmem>> -> memref<1x125xi32, #tpu.memory_space<vmem>>
        %dma_wait3A_601 = tpu.memref_squeeze %dma_wait3A_600 : memref<1x125xi32, #tpu.memory_space<vmem>> -> memref<125xi32, #tpu.memory_space<vmem>>
        %dma_wait3A_602 = arith.constant 0 : i32
        %dma_wait3A_603 = arith.constant 0 : i32
        %dma_wait3A_604 = tpu.memref_slice %arg10[%dma_wait3A_602, %dma_wait3A_603] : memref<10240x128xbf16, #tpu.memory_space<vmem_shared>> -> memref<10240x128xbf16, #tpu.memory_space<vmem_shared>>
        tpu.wait_indirect_dma semaphore(%arg19 : memref<!tpu.dma_semaphore, #tpu.memory_space<semaphore_mem>>) src(%dma_wait3A_598 : memref<125x128xbf16, #tpu.memory_space<vmem>>) dst(%dma_wait3A_604 : memref<10240x128xbf16, #tpu.memory_space<vmem_shared>>)
      } else {
      }
      %lt3A_304 = arith.constant 80 : i32
      %lt3A_305 = arith.cmpi slt, %sub3A_295, %lt3A_304 : i32
      %convert_element_type3A_306 = arith.extui %lt3A_305 : i1 to i32
      %cond3A_307 = arith.constant 0 : i32
      %cond3A_308 = arith.cmpi ne, %convert_element_type3A_306, %cond3A_307 : i32
      scf.if %cond3A_308 {
        %dma_start3A_592 = arith.constant 0 : i32
        %dma_start3A_593 = arith.constant 0 : i32
        %dma_start3A_594 = arith.constant 0 : i32
        %dma_start3A_595 = tpu.memref_slice %arg9[%dma_start3A_592, %dma_start3A_593, %dma_start3A_594] : memref<8x125x128xbf16, #tpu.memory_space<vmem>> -> memref<1x125x128xbf16, #tpu.memory_space<vmem>>
        %dma_start3A_596 = tpu.memref_squeeze %dma_start3A_595 : memref<1x125x128xbf16, #tpu.memory_space<vmem>> -> memref<125x128xbf16, #tpu.memory_space<vmem>>
        %dma_start3A_597 = arith.constant 0 : i32
        %dma_start3A_598 = tpu.memref_slice %arg7[%sub3A_295, %dma_start3A_597] : memref<80x125xi32, #tpu.memory_space<vmem>> -> memref<1x125xi32, #tpu.memory_space<vmem>>
        %dma_start3A_599 = tpu.memref_squeeze %dma_start3A_598 : memref<1x125xi32, #tpu.memory_space<vmem>> -> memref<125xi32, #tpu.memory_space<vmem>>
        %dma_start3A_600 = arith.constant 0 : i32
        %dma_start3A_601 = arith.constant 0 : i32
        %dma_start3A_602 = tpu.memref_slice %arg2[%add3A_0, %dma_start3A_600, %dma_start3A_601] : memref<2x10240x128xbf16, #tpu.memory_space<hbm>> -> memref<1x10240x128xbf16, #tpu.memory_space<hbm>>
        %dma_start3A_603 = tpu.memref_squeeze %dma_start3A_602 : memref<1x10240x128xbf16, #tpu.memory_space<hbm>> -> memref<10240x128xbf16, #tpu.memory_space<hbm>>
        %dma_start3A_604 = arith.constant 0 : i32
        %dma_start3A_605 = arith.constant 0 : i32
        %dma_start3A_606 = tpu.memref_slice %dma_start3A_603[%dma_start3A_604, %dma_start3A_605] : memref<10240x128xbf16, #tpu.memory_space<hbm>> -> memref<10240x128xbf16, #tpu.memory_space<hbm>>
        tpu.enqueue_indirect_dma source(%dma_start3A_606 : memref<10240x128xbf16, #tpu.memory_space<hbm>>) target(%dma_start3A_596 : memref<125x128xbf16, #tpu.memory_space<vmem>>) offsets(%dma_start3A_599 : memref<125xi32, #tpu.memory_space<vmem>>) semaphore(%arg11 : memref<!tpu.dma_semaphore, #tpu.memory_space<semaphore_mem>>)
      } else {
      }
      %mul3A_309 = arith.constant 8 : i32
      %mul3A_310 = arith.muli %scan3A_219, %mul3A_309 : i32
      %add3A_311 = arith.constant 2 : i32
      %add3A_312 = arith.addi %mul3A_310, %add3A_311 : i32
      %dma_wait3A_313 = arith.constant 2 : i32
      %dma_wait3A_314 = arith.constant 0 : i32
      %dma_wait3A_315 = arith.constant 0 : i32
      %dma_wait3A_316 = tpu.memref_slice %arg9[%dma_wait3A_313, %dma_wait3A_314, %dma_wait3A_315] : memref<8x125x128xbf16, #tpu.memory_space<vmem>> -> memref<1x125x128xbf16, #tpu.memory_space<vmem>>
      %dma_wait3A_317 = tpu.memref_squeeze %dma_wait3A_316 : memref<1x125x128xbf16, #tpu.memory_space<vmem>> -> memref<125x128xbf16, #tpu.memory_space<vmem>>
      %dma_wait3A_318 = arith.constant 0 : i32
      %dma_wait3A_319 = tpu.memref_slice %arg7[%add3A_312, %dma_wait3A_318] : memref<80x125xi32, #tpu.memory_space<vmem>> -> memref<1x125xi32, #tpu.memory_space<vmem>>
      %dma_wait3A_320 = tpu.memref_squeeze %dma_wait3A_319 : memref<1x125xi32, #tpu.memory_space<vmem>> -> memref<125xi32, #tpu.memory_space<vmem>>
      %dma_wait3A_321 = arith.constant 0 : i32
      %dma_wait3A_322 = arith.constant 0 : i32
      %dma_wait3A_323 = tpu.memref_slice %arg2[%add3A_0, %dma_wait3A_321, %dma_wait3A_322] : memref<2x10240x128xbf16, #tpu.memory_space<hbm>> -> memref<1x10240x128xbf16, #tpu.memory_space<hbm>>
      %dma_wait3A_324 = tpu.memref_squeeze %dma_wait3A_323 : memref<1x10240x128xbf16, #tpu.memory_space<hbm>> -> memref<10240x128xbf16, #tpu.memory_space<hbm>>
      %dma_wait3A_325 = arith.constant 0 : i32
      %dma_wait3A_326 = arith.constant 0 : i32
      %dma_wait3A_327 = tpu.memref_slice %dma_wait3A_324[%dma_wait3A_325, %dma_wait3A_326] : memref<10240x128xbf16, #tpu.memory_space<hbm>> -> memref<10240x128xbf16, #tpu.memory_space<hbm>>
      tpu.wait_indirect_dma semaphore(%arg13 : memref<!tpu.dma_semaphore, #tpu.memory_space<semaphore_mem>>) src(%dma_wait3A_327 : memref<10240x128xbf16, #tpu.memory_space<hbm>>) dst(%dma_wait3A_317 : memref<125x128xbf16, #tpu.memory_space<vmem>>)
      %dma_start3A_328 = arith.constant 2 : i32
      %dma_start3A_329 = arith.constant 0 : i32
      %dma_start3A_330 = arith.constant 0 : i32
      %dma_start3A_331 = tpu.memref_slice %arg9[%dma_start3A_328, %dma_start3A_329, %dma_start3A_330] : memref<8x125x128xbf16, #tpu.memory_space<vmem>> -> memref<1x125x128xbf16, #tpu.memory_space<vmem>>
      %dma_start3A_332 = tpu.memref_squeeze %dma_start3A_331 : memref<1x125x128xbf16, #tpu.memory_space<vmem>> -> memref<125x128xbf16, #tpu.memory_space<vmem>>
      %dma_start3A_333 = arith.constant 0 : i32
      %dma_start3A_334 = tpu.memref_slice %arg8[%add3A_312, %dma_start3A_333] : memref<80x125xi32, #tpu.memory_space<vmem>> -> memref<1x125xi32, #tpu.memory_space<vmem>>
      %dma_start3A_335 = tpu.memref_squeeze %dma_start3A_334 : memref<1x125xi32, #tpu.memory_space<vmem>> -> memref<125xi32, #tpu.memory_space<vmem>>
      %dma_start3A_336 = arith.constant 0 : i32
      %dma_start3A_337 = arith.constant 0 : i32
      %dma_start3A_338 = tpu.memref_slice %arg10[%dma_start3A_336, %dma_start3A_337] : memref<10240x128xbf16, #tpu.memory_space<vmem_shared>> -> memref<10240x128xbf16, #tpu.memory_space<vmem_shared>>
      tpu.enqueue_indirect_dma source(%dma_start3A_332 : memref<125x128xbf16, #tpu.memory_space<vmem>>) target(%dma_start3A_338 : memref<10240x128xbf16, #tpu.memory_space<vmem_shared>>) offsets(%dma_start3A_335 : memref<125xi32, #tpu.memory_space<vmem>>) semaphore(%arg21 : memref<!tpu.dma_semaphore, #tpu.memory_space<semaphore_mem>>) {add = true}
      %add3A_339 = arith.constant 8 : i32
      %add3A_340 = arith.addi %add3A_312, %add3A_339 : i32
      %sub3A_341 = arith.constant 1 : i32
      %sub3A_342 = arith.subi %add3A_340, %sub3A_341 : i32
      %gt3A_343 = arith.constant 0 : i32
      %gt3A_344 = arith.cmpi sgt, %add3A_312, %gt3A_343 : i32
      %lt3A_345 = arith.constant 80 : i32
      %lt3A_346 = arith.cmpi slt, %sub3A_342, %lt3A_345 : i32
      %and3A_347 = arith.andi %gt3A_344, %lt3A_346 : i1
      %convert_element_type3A_348 = arith.extui %and3A_347 : i1 to i32
      %cond3A_349 = arith.constant 0 : i32
      %cond3A_350 = arith.cmpi ne, %convert_element_type3A_348, %cond3A_349 : i32
      scf.if %cond3A_350 {
        %sub3A_592 = arith.constant 1 : i32
        %sub3A_593 = arith.subi %add3A_312, %sub3A_592 : i32
        %dma_wait3A_594 = arith.constant 1 : i32
        %dma_wait3A_595 = arith.constant 0 : i32
        %dma_wait3A_596 = arith.constant 0 : i32
        %dma_wait3A_597 = tpu.memref_slice %arg9[%dma_wait3A_594, %dma_wait3A_595, %dma_wait3A_596] : memref<8x125x128xbf16, #tpu.memory_space<vmem>> -> memref<1x125x128xbf16, #tpu.memory_space<vmem>>
        %dma_wait3A_598 = tpu.memref_squeeze %dma_wait3A_597 : memref<1x125x128xbf16, #tpu.memory_space<vmem>> -> memref<125x128xbf16, #tpu.memory_space<vmem>>
        %dma_wait3A_599 = arith.constant 0 : i32
        %dma_wait3A_600 = tpu.memref_slice %arg8[%sub3A_593, %dma_wait3A_599] : memref<80x125xi32, #tpu.memory_space<vmem>> -> memref<1x125xi32, #tpu.memory_space<vmem>>
        %dma_wait3A_601 = tpu.memref_squeeze %dma_wait3A_600 : memref<1x125xi32, #tpu.memory_space<vmem>> -> memref<125xi32, #tpu.memory_space<vmem>>
        %dma_wait3A_602 = arith.constant 0 : i32
        %dma_wait3A_603 = arith.constant 0 : i32
        %dma_wait3A_604 = tpu.memref_slice %arg10[%dma_wait3A_602, %dma_wait3A_603] : memref<10240x128xbf16, #tpu.memory_space<vmem_shared>> -> memref<10240x128xbf16, #tpu.memory_space<vmem_shared>>
        tpu.wait_indirect_dma semaphore(%arg20 : memref<!tpu.dma_semaphore, #tpu.memory_space<semaphore_mem>>) src(%dma_wait3A_598 : memref<125x128xbf16, #tpu.memory_space<vmem>>) dst(%dma_wait3A_604 : memref<10240x128xbf16, #tpu.memory_space<vmem_shared>>)
      } else {
      }
      %lt3A_351 = arith.constant 80 : i32
      %lt3A_352 = arith.cmpi slt, %sub3A_342, %lt3A_351 : i32
      %convert_element_type3A_353 = arith.extui %lt3A_352 : i1 to i32
      %cond3A_354 = arith.constant 0 : i32
      %cond3A_355 = arith.cmpi ne, %convert_element_type3A_353, %cond3A_354 : i32
      scf.if %cond3A_355 {
        %dma_start3A_592 = arith.constant 1 : i32
        %dma_start3A_593 = arith.constant 0 : i32
        %dma_start3A_594 = arith.constant 0 : i32
        %dma_start3A_595 = tpu.memref_slice %arg9[%dma_start3A_592, %dma_start3A_593, %dma_start3A_594] : memref<8x125x128xbf16, #tpu.memory_space<vmem>> -> memref<1x125x128xbf16, #tpu.memory_space<vmem>>
        %dma_start3A_596 = tpu.memref_squeeze %dma_start3A_595 : memref<1x125x128xbf16, #tpu.memory_space<vmem>> -> memref<125x128xbf16, #tpu.memory_space<vmem>>
        %dma_start3A_597 = arith.constant 0 : i32
        %dma_start3A_598 = tpu.memref_slice %arg7[%sub3A_342, %dma_start3A_597] : memref<80x125xi32, #tpu.memory_space<vmem>> -> memref<1x125xi32, #tpu.memory_space<vmem>>
        %dma_start3A_599 = tpu.memref_squeeze %dma_start3A_598 : memref<1x125xi32, #tpu.memory_space<vmem>> -> memref<125xi32, #tpu.memory_space<vmem>>
        %dma_start3A_600 = arith.constant 0 : i32
        %dma_start3A_601 = arith.constant 0 : i32
        %dma_start3A_602 = tpu.memref_slice %arg2[%add3A_0, %dma_start3A_600, %dma_start3A_601] : memref<2x10240x128xbf16, #tpu.memory_space<hbm>> -> memref<1x10240x128xbf16, #tpu.memory_space<hbm>>
        %dma_start3A_603 = tpu.memref_squeeze %dma_start3A_602 : memref<1x10240x128xbf16, #tpu.memory_space<hbm>> -> memref<10240x128xbf16, #tpu.memory_space<hbm>>
        %dma_start3A_604 = arith.constant 0 : i32
        %dma_start3A_605 = arith.constant 0 : i32
        %dma_start3A_606 = tpu.memref_slice %dma_start3A_603[%dma_start3A_604, %dma_start3A_605] : memref<10240x128xbf16, #tpu.memory_space<hbm>> -> memref<10240x128xbf16, #tpu.memory_space<hbm>>
        tpu.enqueue_indirect_dma source(%dma_start3A_606 : memref<10240x128xbf16, #tpu.memory_space<hbm>>) target(%dma_start3A_596 : memref<125x128xbf16, #tpu.memory_space<vmem>>) offsets(%dma_start3A_599 : memref<125xi32, #tpu.memory_space<vmem>>) semaphore(%arg12 : memref<!tpu.dma_semaphore, #tpu.memory_space<semaphore_mem>>)
      } else {
      }
      %mul3A_356 = arith.constant 8 : i32
      %mul3A_357 = arith.muli %scan3A_219, %mul3A_356 : i32
      %add3A_358 = arith.constant 3 : i32
      %add3A_359 = arith.addi %mul3A_357, %add3A_358 : i32
      %dma_wait3A_360 = arith.constant 3 : i32
      %dma_wait3A_361 = arith.constant 0 : i32
      %dma_wait3A_362 = arith.constant 0 : i32
      %dma_wait3A_363 = tpu.memref_slice %arg9[%dma_wait3A_360, %dma_wait3A_361, %dma_wait3A_362] : memref<8x125x128xbf16, #tpu.memory_space<vmem>> -> memref<1x125x128xbf16, #tpu.memory_space<vmem>>
      %dma_wait3A_364 = tpu.memref_squeeze %dma_wait3A_363 : memref<1x125x128xbf16, #tpu.memory_space<vmem>> -> memref<125x128xbf16, #tpu.memory_space<vmem>>
      %dma_wait3A_365 = arith.constant 0 : i32
      %dma_wait3A_366 = tpu.memref_slice %arg7[%add3A_359, %dma_wait3A_365] : memref<80x125xi32, #tpu.memory_space<vmem>> -> memref<1x125xi32, #tpu.memory_space<vmem>>
      %dma_wait3A_367 = tpu.memref_squeeze %dma_wait3A_366 : memref<1x125xi32, #tpu.memory_space<vmem>> -> memref<125xi32, #tpu.memory_space<vmem>>
      %dma_wait3A_368 = arith.constant 0 : i32
      %dma_wait3A_369 = arith.constant 0 : i32
      %dma_wait3A_370 = tpu.memref_slice %arg2[%add3A_0, %dma_wait3A_368, %dma_wait3A_369] : memref<2x10240x128xbf16, #tpu.memory_space<hbm>> -> memref<1x10240x128xbf16, #tpu.memory_space<hbm>>
      %dma_wait3A_371 = tpu.memref_squeeze %dma_wait3A_370 : memref<1x10240x128xbf16, #tpu.memory_space<hbm>> -> memref<10240x128xbf16, #tpu.memory_space<hbm>>
      %dma_wait3A_372 = arith.constant 0 : i32
      %dma_wait3A_373 = arith.constant 0 : i32
      %dma_wait3A_374 = tpu.memref_slice %dma_wait3A_371[%dma_wait3A_372, %dma_wait3A_373] : memref<10240x128xbf16, #tpu.memory_space<hbm>> -> memref<10240x128xbf16, #tpu.memory_space<hbm>>
      tpu.wait_indirect_dma semaphore(%arg14 : memref<!tpu.dma_semaphore, #tpu.memory_space<semaphore_mem>>) src(%dma_wait3A_374 : memref<10240x128xbf16, #tpu.memory_space<hbm>>) dst(%dma_wait3A_364 : memref<125x128xbf16, #tpu.memory_space<vmem>>)
      %dma_start3A_375 = arith.constant 3 : i32
      %dma_start3A_376 = arith.constant 0 : i32
      %dma_start3A_377 = arith.constant 0 : i32
      %dma_start3A_378 = tpu.memref_slice %arg9[%dma_start3A_375, %dma_start3A_376, %dma_start3A_377] : memref<8x125x128xbf16, #tpu.memory_space<vmem>> -> memref<1x125x128xbf16, #tpu.memory_space<vmem>>
      %dma_start3A_379 = tpu.memref_squeeze %dma_start3A_378 : memref<1x125x128xbf16, #tpu.memory_space<vmem>> -> memref<125x128xbf16, #tpu.memory_space<vmem>>
      %dma_start3A_380 = arith.constant 0 : i32
      %dma_start3A_381 = tpu.memref_slice %arg8[%add3A_359, %dma_start3A_380] : memref<80x125xi32, #tpu.memory_space<vmem>> -> memref<1x125xi32, #tpu.memory_space<vmem>>
      %dma_start3A_382 = tpu.memref_squeeze %dma_start3A_381 : memref<1x125xi32, #tpu.memory_space<vmem>> -> memref<125xi32, #tpu.memory_space<vmem>>
      %dma_start3A_383 = arith.constant 0 : i32
      %dma_start3A_384 = arith.constant 0 : i32
      %dma_start3A_385 = tpu.memref_slice %arg10[%dma_start3A_383, %dma_start3A_384] : memref<10240x128xbf16, #tpu.memory_space<vmem_shared>> -> memref<10240x128xbf16, #tpu.memory_space<vmem_shared>>
      tpu.enqueue_indirect_dma source(%dma_start3A_379 : memref<125x128xbf16, #tpu.memory_space<vmem>>) target(%dma_start3A_385 : memref<10240x128xbf16, #tpu.memory_space<vmem_shared>>) offsets(%dma_start3A_382 : memref<125xi32, #tpu.memory_space<vmem>>) semaphore(%arg22 : memref<!tpu.dma_semaphore, #tpu.memory_space<semaphore_mem>>) {add = true}
      %add3A_386 = arith.constant 8 : i32
      %add3A_387 = arith.addi %add3A_359, %add3A_386 : i32
      %sub3A_388 = arith.constant 1 : i32
      %sub3A_389 = arith.subi %add3A_387, %sub3A_388 : i32
      %gt3A_390 = arith.constant 0 : i32
      %gt3A_391 = arith.cmpi sgt, %add3A_359, %gt3A_390 : i32
      %lt3A_392 = arith.constant 80 : i32
      %lt3A_393 = arith.cmpi slt, %sub3A_389, %lt3A_392 : i32
      %and3A_394 = arith.andi %gt3A_391, %lt3A_393 : i1
      %convert_element_type3A_395 = arith.extui %and3A_394 : i1 to i32
      %cond3A_396 = arith.constant 0 : i32
      %cond3A_397 = arith.cmpi ne, %convert_element_type3A_395, %cond3A_396 : i32
      scf.if %cond3A_397 {
        %sub3A_592 = arith.constant 1 : i32
        %sub3A_593 = arith.subi %add3A_359, %sub3A_592 : i32
        %dma_wait3A_594 = arith.constant 2 : i32
        %dma_wait3A_595 = arith.constant 0 : i32
        %dma_wait3A_596 = arith.constant 0 : i32
        %dma_wait3A_597 = tpu.memref_slice %arg9[%dma_wait3A_594, %dma_wait3A_595, %dma_wait3A_596] : memref<8x125x128xbf16, #tpu.memory_space<vmem>> -> memref<1x125x128xbf16, #tpu.memory_space<vmem>>
        %dma_wait3A_598 = tpu.memref_squeeze %dma_wait3A_597 : memref<1x125x128xbf16, #tpu.memory_space<vmem>> -> memref<125x128xbf16, #tpu.memory_space<vmem>>
        %dma_wait3A_599 = arith.constant 0 : i32
        %dma_wait3A_600 = tpu.memref_slice %arg8[%sub3A_593, %dma_wait3A_599] : memref<80x125xi32, #tpu.memory_space<vmem>> -> memref<1x125xi32, #tpu.memory_space<vmem>>
        %dma_wait3A_601 = tpu.memref_squeeze %dma_wait3A_600 : memref<1x125xi32, #tpu.memory_space<vmem>> -> memref<125xi32, #tpu.memory_space<vmem>>
        %dma_wait3A_602 = arith.constant 0 : i32
        %dma_wait3A_603 = arith.constant 0 : i32
        %dma_wait3A_604 = tpu.memref_slice %arg10[%dma_wait3A_602, %dma_wait3A_603] : memref<10240x128xbf16, #tpu.memory_space<vmem_shared>> -> memref<10240x128xbf16, #tpu.memory_space<vmem_shared>>
        tpu.wait_indirect_dma semaphore(%arg21 : memref<!tpu.dma_semaphore, #tpu.memory_space<semaphore_mem>>) src(%dma_wait3A_598 : memref<125x128xbf16, #tpu.memory_space<vmem>>) dst(%dma_wait3A_604 : memref<10240x128xbf16, #tpu.memory_space<vmem_shared>>)
      } else {
      }
      %lt3A_398 = arith.constant 80 : i32
      %lt3A_399 = arith.cmpi slt, %sub3A_389, %lt3A_398 : i32
      %convert_element_type3A_400 = arith.extui %lt3A_399 : i1 to i32
      %cond3A_401 = arith.constant 0 : i32
      %cond3A_402 = arith.cmpi ne, %convert_element_type3A_400, %cond3A_401 : i32
      scf.if %cond3A_402 {
        %dma_start3A_592 = arith.constant 2 : i32
        %dma_start3A_593 = arith.constant 0 : i32
        %dma_start3A_594 = arith.constant 0 : i32
        %dma_start3A_595 = tpu.memref_slice %arg9[%dma_start3A_592, %dma_start3A_593, %dma_start3A_594] : memref<8x125x128xbf16, #tpu.memory_space<vmem>> -> memref<1x125x128xbf16, #tpu.memory_space<vmem>>
        %dma_start3A_596 = tpu.memref_squeeze %dma_start3A_595 : memref<1x125x128xbf16, #tpu.memory_space<vmem>> -> memref<125x128xbf16, #tpu.memory_space<vmem>>
        %dma_start3A_597 = arith.constant 0 : i32
        %dma_start3A_598 = tpu.memref_slice %arg7[%sub3A_389, %dma_start3A_597] : memref<80x125xi32, #tpu.memory_space<vmem>> -> memref<1x125xi32, #tpu.memory_space<vmem>>
        %dma_start3A_599 = tpu.memref_squeeze %dma_start3A_598 : memref<1x125xi32, #tpu.memory_space<vmem>> -> memref<125xi32, #tpu.memory_space<vmem>>
        %dma_start3A_600 = arith.constant 0 : i32
        %dma_start3A_601 = arith.constant 0 : i32
        %dma_start3A_602 = tpu.memref_slice %arg2[%add3A_0, %dma_start3A_600, %dma_start3A_601] : memref<2x10240x128xbf16, #tpu.memory_space<hbm>> -> memref<1x10240x128xbf16, #tpu.memory_space<hbm>>
        %dma_start3A_603 = tpu.memref_squeeze %dma_start3A_602 : memref<1x10240x128xbf16, #tpu.memory_space<hbm>> -> memref<10240x128xbf16, #tpu.memory_space<hbm>>
        %dma_start3A_604 = arith.constant 0 : i32
        %dma_start3A_605 = arith.constant 0 : i32
        %dma_start3A_606 = tpu.memref_slice %dma_start3A_603[%dma_start3A_604, %dma_start3A_605] : memref<10240x128xbf16, #tpu.memory_space<hbm>> -> memref<10240x128xbf16, #tpu.memory_space<hbm>>
        tpu.enqueue_indirect_dma source(%dma_start3A_606 : memref<10240x128xbf16, #tpu.memory_space<hbm>>) target(%dma_start3A_596 : memref<125x128xbf16, #tpu.memory_space<vmem>>) offsets(%dma_start3A_599 : memref<125xi32, #tpu.memory_space<vmem>>) semaphore(%arg13 : memref<!tpu.dma_semaphore, #tpu.memory_space<semaphore_mem>>)
      } else {
      }
      %mul3A_403 = arith.constant 8 : i32
      %mul3A_404 = arith.muli %scan3A_219, %mul3A_403 : i32
      %add3A_405 = arith.constant 4 : i32
      %add3A_406 = arith.addi %mul3A_404, %add3A_405 : i32
      %dma_wait3A_407 = arith.constant 4 : i32
      %dma_wait3A_408 = arith.constant 0 : i32
      %dma_wait3A_409 = arith.constant 0 : i32
      %dma_wait3A_410 = tpu.memref_slice %arg9[%dma_wait3A_407, %dma_wait3A_408, %dma_wait3A_409] : memref<8x125x128xbf16, #tpu.memory_space<vmem>> -> memref<1x125x128xbf16, #tpu.memory_space<vmem>>
      %dma_wait3A_411 = tpu.memref_squeeze %dma_wait3A_410 : memref<1x125x128xbf16, #tpu.memory_space<vmem>> -> memref<125x128xbf16, #tpu.memory_space<vmem>>
      %dma_wait3A_412 = arith.constant 0 : i32
      %dma_wait3A_413 = tpu.memref_slice %arg7[%add3A_406, %dma_wait3A_412] : memref<80x125xi32, #tpu.memory_space<vmem>> -> memref<1x125xi32, #tpu.memory_space<vmem>>
      %dma_wait3A_414 = tpu.memref_squeeze %dma_wait3A_413 : memref<1x125xi32, #tpu.memory_space<vmem>> -> memref<125xi32, #tpu.memory_space<vmem>>
      %dma_wait3A_415 = arith.constant 0 : i32
      %dma_wait3A_416 = arith.constant 0 : i32
      %dma_wait3A_417 = tpu.memref_slice %arg2[%add3A_0, %dma_wait3A_415, %dma_wait3A_416] : memref<2x10240x128xbf16, #tpu.memory_space<hbm>> -> memref<1x10240x128xbf16, #tpu.memory_space<hbm>>
      %dma_wait3A_418 = tpu.memref_squeeze %dma_wait3A_417 : memref<1x10240x128xbf16, #tpu.memory_space<hbm>> -> memref<10240x128xbf16, #tpu.memory_space<hbm>>
      %dma_wait3A_419 = arith.constant 0 : i32
      %dma_wait3A_420 = arith.constant 0 : i32
      %dma_wait3A_421 = tpu.memref_slice %dma_wait3A_418[%dma_wait3A_419, %dma_wait3A_420] : memref<10240x128xbf16, #tpu.memory_space<hbm>> -> memref<10240x128xbf16, #tpu.memory_space<hbm>>
      tpu.wait_indirect_dma semaphore(%arg15 : memref<!tpu.dma_semaphore, #tpu.memory_space<semaphore_mem>>) src(%dma_wait3A_421 : memref<10240x128xbf16, #tpu.memory_space<hbm>>) dst(%dma_wait3A_411 : memref<125x128xbf16, #tpu.memory_space<vmem>>)
      %dma_start3A_422 = arith.constant 4 : i32
      %dma_start3A_423 = arith.constant 0 : i32
      %dma_start3A_424 = arith.constant 0 : i32
      %dma_start3A_425 = tpu.memref_slice %arg9[%dma_start3A_422, %dma_start3A_423, %dma_start3A_424] : memref<8x125x128xbf16, #tpu.memory_space<vmem>> -> memref<1x125x128xbf16, #tpu.memory_space<vmem>>
      %dma_start3A_426 = tpu.memref_squeeze %dma_start3A_425 : memref<1x125x128xbf16, #tpu.memory_space<vmem>> -> memref<125x128xbf16, #tpu.memory_space<vmem>>
      %dma_start3A_427 = arith.constant 0 : i32
      %dma_start3A_428 = tpu.memref_slice %arg8[%add3A_406, %dma_start3A_427] : memref<80x125xi32, #tpu.memory_space<vmem>> -> memref<1x125xi32, #tpu.memory_space<vmem>>
      %dma_start3A_429 = tpu.memref_squeeze %dma_start3A_428 : memref<1x125xi32, #tpu.memory_space<vmem>> -> memref<125xi32, #tpu.memory_space<vmem>>
      %dma_start3A_430 = arith.constant 0 : i32
      %dma_start3A_431 = arith.constant 0 : i32
      %dma_start3A_432 = tpu.memref_slice %arg10[%dma_start3A_430, %dma_start3A_431] : memref<10240x128xbf16, #tpu.memory_space<vmem_shared>> -> memref<10240x128xbf16, #tpu.memory_space<vmem_shared>>
      tpu.enqueue_indirect_dma source(%dma_start3A_426 : memref<125x128xbf16, #tpu.memory_space<vmem>>) target(%dma_start3A_432 : memref<10240x128xbf16, #tpu.memory_space<vmem_shared>>) offsets(%dma_start3A_429 : memref<125xi32, #tpu.memory_space<vmem>>) semaphore(%arg23 : memref<!tpu.dma_semaphore, #tpu.memory_space<semaphore_mem>>) {add = true}
      %add3A_433 = arith.constant 8 : i32
      %add3A_434 = arith.addi %add3A_406, %add3A_433 : i32
      %sub3A_435 = arith.constant 1 : i32
      %sub3A_436 = arith.subi %add3A_434, %sub3A_435 : i32
      %gt3A_437 = arith.constant 0 : i32
      %gt3A_438 = arith.cmpi sgt, %add3A_406, %gt3A_437 : i32
      %lt3A_439 = arith.constant 80 : i32
      %lt3A_440 = arith.cmpi slt, %sub3A_436, %lt3A_439 : i32
      %and3A_441 = arith.andi %gt3A_438, %lt3A_440 : i1
      %convert_element_type3A_442 = arith.extui %and3A_441 : i1 to i32
      %cond3A_443 = arith.constant 0 : i32
      %cond3A_444 = arith.cmpi ne, %convert_element_type3A_442, %cond3A_443 : i32
      scf.if %cond3A_444 {
        %sub3A_592 = arith.constant 1 : i32
        %sub3A_593 = arith.subi %add3A_406, %sub3A_592 : i32
        %dma_wait3A_594 = arith.constant 3 : i32
        %dma_wait3A_595 = arith.constant 0 : i32
        %dma_wait3A_596 = arith.constant 0 : i32
        %dma_wait3A_597 = tpu.memref_slice %arg9[%dma_wait3A_594, %dma_wait3A_595, %dma_wait3A_596] : memref<8x125x128xbf16, #tpu.memory_space<vmem>> -> memref<1x125x128xbf16, #tpu.memory_space<vmem>>
        %dma_wait3A_598 = tpu.memref_squeeze %dma_wait3A_597 : memref<1x125x128xbf16, #tpu.memory_space<vmem>> -> memref<125x128xbf16, #tpu.memory_space<vmem>>
        %dma_wait3A_599 = arith.constant 0 : i32
        %dma_wait3A_600 = tpu.memref_slice %arg8[%sub3A_593, %dma_wait3A_599] : memref<80x125xi32, #tpu.memory_space<vmem>> -> memref<1x125xi32, #tpu.memory_space<vmem>>
        %dma_wait3A_601 = tpu.memref_squeeze %dma_wait3A_600 : memref<1x125xi32, #tpu.memory_space<vmem>> -> memref<125xi32, #tpu.memory_space<vmem>>
        %dma_wait3A_602 = arith.constant 0 : i32
        %dma_wait3A_603 = arith.constant 0 : i32
        %dma_wait3A_604 = tpu.memref_slice %arg10[%dma_wait3A_602, %dma_wait3A_603] : memref<10240x128xbf16, #tpu.memory_space<vmem_shared>> -> memref<10240x128xbf16, #tpu.memory_space<vmem_shared>>
        tpu.wait_indirect_dma semaphore(%arg22 : memref<!tpu.dma_semaphore, #tpu.memory_space<semaphore_mem>>) src(%dma_wait3A_598 : memref<125x128xbf16, #tpu.memory_space<vmem>>) dst(%dma_wait3A_604 : memref<10240x128xbf16, #tpu.memory_space<vmem_shared>>)
      } else {
      }
      %lt3A_445 = arith.constant 80 : i32
      %lt3A_446 = arith.cmpi slt, %sub3A_436, %lt3A_445 : i32
      %convert_element_type3A_447 = arith.extui %lt3A_446 : i1 to i32
      %cond3A_448 = arith.constant 0 : i32
      %cond3A_449 = arith.cmpi ne, %convert_element_type3A_447, %cond3A_448 : i32
      scf.if %cond3A_449 {
        %dma_start3A_592 = arith.constant 3 : i32
        %dma_start3A_593 = arith.constant 0 : i32
        %dma_start3A_594 = arith.constant 0 : i32
        %dma_start3A_595 = tpu.memref_slice %arg9[%dma_start3A_592, %dma_start3A_593, %dma_start3A_594] : memref<8x125x128xbf16, #tpu.memory_space<vmem>> -> memref<1x125x128xbf16, #tpu.memory_space<vmem>>
        %dma_start3A_596 = tpu.memref_squeeze %dma_start3A_595 : memref<1x125x128xbf16, #tpu.memory_space<vmem>> -> memref<125x128xbf16, #tpu.memory_space<vmem>>
        %dma_start3A_597 = arith.constant 0 : i32
        %dma_start3A_598 = tpu.memref_slice %arg7[%sub3A_436, %dma_start3A_597] : memref<80x125xi32, #tpu.memory_space<vmem>> -> memref<1x125xi32, #tpu.memory_space<vmem>>
        %dma_start3A_599 = tpu.memref_squeeze %dma_start3A_598 : memref<1x125xi32, #tpu.memory_space<vmem>> -> memref<125xi32, #tpu.memory_space<vmem>>
        %dma_start3A_600 = arith.constant 0 : i32
        %dma_start3A_601 = arith.constant 0 : i32
        %dma_start3A_602 = tpu.memref_slice %arg2[%add3A_0, %dma_start3A_600, %dma_start3A_601] : memref<2x10240x128xbf16, #tpu.memory_space<hbm>> -> memref<1x10240x128xbf16, #tpu.memory_space<hbm>>
        %dma_start3A_603 = tpu.memref_squeeze %dma_start3A_602 : memref<1x10240x128xbf16, #tpu.memory_space<hbm>> -> memref<10240x128xbf16, #tpu.memory_space<hbm>>
        %dma_start3A_604 = arith.constant 0 : i32
        %dma_start3A_605 = arith.constant 0 : i32
        %dma_start3A_606 = tpu.memref_slice %dma_start3A_603[%dma_start3A_604, %dma_start3A_605] : memref<10240x128xbf16, #tpu.memory_space<hbm>> -> memref<10240x128xbf16, #tpu.memory_space<hbm>>
        tpu.enqueue_indirect_dma source(%dma_start3A_606 : memref<10240x128xbf16, #tpu.memory_space<hbm>>) target(%dma_start3A_596 : memref<125x128xbf16, #tpu.memory_space<vmem>>) offsets(%dma_start3A_599 : memref<125xi32, #tpu.memory_space<vmem>>) semaphore(%arg14 : memref<!tpu.dma_semaphore, #tpu.memory_space<semaphore_mem>>)
      } else {
      }
      %mul3A_450 = arith.constant 8 : i32
      %mul3A_451 = arith.muli %scan3A_219, %mul3A_450 : i32
      %add3A_452 = arith.constant 5 : i32
      %add3A_453 = arith.addi %mul3A_451, %add3A_452 : i32
      %dma_wait3A_454 = arith.constant 5 : i32
      %dma_wait3A_455 = arith.constant 0 : i32
      %dma_wait3A_456 = arith.constant 0 : i32
      %dma_wait3A_457 = tpu.memref_slice %arg9[%dma_wait3A_454, %dma_wait3A_455, %dma_wait3A_456] : memref<8x125x128xbf16, #tpu.memory_space<vmem>> -> memref<1x125x128xbf16, #tpu.memory_space<vmem>>
      %dma_wait3A_458 = tpu.memref_squeeze %dma_wait3A_457 : memref<1x125x128xbf16, #tpu.memory_space<vmem>> -> memref<125x128xbf16, #tpu.memory_space<vmem>>
      %dma_wait3A_459 = arith.constant 0 : i32
      %dma_wait3A_460 = tpu.memref_slice %arg7[%add3A_453, %dma_wait3A_459] : memref<80x125xi32, #tpu.memory_space<vmem>> -> memref<1x125xi32, #tpu.memory_space<vmem>>
      %dma_wait3A_461 = tpu.memref_squeeze %dma_wait3A_460 : memref<1x125xi32, #tpu.memory_space<vmem>> -> memref<125xi32, #tpu.memory_space<vmem>>
      %dma_wait3A_462 = arith.constant 0 : i32
      %dma_wait3A_463 = arith.constant 0 : i32
      %dma_wait3A_464 = tpu.memref_slice %arg2[%add3A_0, %dma_wait3A_462, %dma_wait3A_463] : memref<2x10240x128xbf16, #tpu.memory_space<hbm>> -> memref<1x10240x128xbf16, #tpu.memory_space<hbm>>
      %dma_wait3A_465 = tpu.memref_squeeze %dma_wait3A_464 : memref<1x10240x128xbf16, #tpu.memory_space<hbm>> -> memref<10240x128xbf16, #tpu.memory_space<hbm>>
      %dma_wait3A_466 = arith.constant 0 : i32
      %dma_wait3A_467 = arith.constant 0 : i32
      %dma_wait3A_468 = tpu.memref_slice %dma_wait3A_465[%dma_wait3A_466, %dma_wait3A_467] : memref<10240x128xbf16, #tpu.memory_space<hbm>> -> memref<10240x128xbf16, #tpu.memory_space<hbm>>
      tpu.wait_indirect_dma semaphore(%arg16 : memref<!tpu.dma_semaphore, #tpu.memory_space<semaphore_mem>>) src(%dma_wait3A_468 : memref<10240x128xbf16, #tpu.memory_space<hbm>>) dst(%dma_wait3A_458 : memref<125x128xbf16, #tpu.memory_space<vmem>>)
      %dma_start3A_469 = arith.constant 5 : i32
      %dma_start3A_470 = arith.constant 0 : i32
      %dma_start3A_471 = arith.constant 0 : i32
      %dma_start3A_472 = tpu.memref_slice %arg9[%dma_start3A_469, %dma_start3A_470, %dma_start3A_471] : memref<8x125x128xbf16, #tpu.memory_space<vmem>> -> memref<1x125x128xbf16, #tpu.memory_space<vmem>>
      %dma_start3A_473 = tpu.memref_squeeze %dma_start3A_472 : memref<1x125x128xbf16, #tpu.memory_space<vmem>> -> memref<125x128xbf16, #tpu.memory_space<vmem>>
      %dma_start3A_474 = arith.constant 0 : i32
      %dma_start3A_475 = tpu.memref_slice %arg8[%add3A_453, %dma_start3A_474] : memref<80x125xi32, #tpu.memory_space<vmem>> -> memref<1x125xi32, #tpu.memory_space<vmem>>
      %dma_start3A_476 = tpu.memref_squeeze %dma_start3A_475 : memref<1x125xi32, #tpu.memory_space<vmem>> -> memref<125xi32, #tpu.memory_space<vmem>>
      %dma_start3A_477 = arith.constant 0 : i32
      %dma_start3A_478 = arith.constant 0 : i32
      %dma_start3A_479 = tpu.memref_slice %arg10[%dma_start3A_477, %dma_start3A_478] : memref<10240x128xbf16, #tpu.memory_space<vmem_shared>> -> memref<10240x128xbf16, #tpu.memory_space<vmem_shared>>
      tpu.enqueue_indirect_dma source(%dma_start3A_473 : memref<125x128xbf16, #tpu.memory_space<vmem>>) target(%dma_start3A_479 : memref<10240x128xbf16, #tpu.memory_space<vmem_shared>>) offsets(%dma_start3A_476 : memref<125xi32, #tpu.memory_space<vmem>>) semaphore(%arg24 : memref<!tpu.dma_semaphore, #tpu.memory_space<semaphore_mem>>) {add = true}
      %add3A_480 = arith.constant 8 : i32
      %add3A_481 = arith.addi %add3A_453, %add3A_480 : i32
      %sub3A_482 = arith.constant 1 : i32
      %sub3A_483 = arith.subi %add3A_481, %sub3A_482 : i32
      %gt3A_484 = arith.constant 0 : i32
      %gt3A_485 = arith.cmpi sgt, %add3A_453, %gt3A_484 : i32
      %lt3A_486 = arith.constant 80 : i32
      %lt3A_487 = arith.cmpi slt, %sub3A_483, %lt3A_486 : i32
      %and3A_488 = arith.andi %gt3A_485, %lt3A_487 : i1
      %convert_element_type3A_489 = arith.extui %and3A_488 : i1 to i32
      %cond3A_490 = arith.constant 0 : i32
      %cond3A_491 = arith.cmpi ne, %convert_element_type3A_489, %cond3A_490 : i32
      scf.if %cond3A_491 {
        %sub3A_592 = arith.constant 1 : i32
        %sub3A_593 = arith.subi %add3A_453, %sub3A_592 : i32
        %dma_wait3A_594 = arith.constant 4 : i32
        %dma_wait3A_595 = arith.constant 0 : i32
        %dma_wait3A_596 = arith.constant 0 : i32
        %dma_wait3A_597 = tpu.memref_slice %arg9[%dma_wait3A_594, %dma_wait3A_595, %dma_wait3A_596] : memref<8x125x128xbf16, #tpu.memory_space<vmem>> -> memref<1x125x128xbf16, #tpu.memory_space<vmem>>
        %dma_wait3A_598 = tpu.memref_squeeze %dma_wait3A_597 : memref<1x125x128xbf16, #tpu.memory_space<vmem>> -> memref<125x128xbf16, #tpu.memory_space<vmem>>
        %dma_wait3A_599 = arith.constant 0 : i32
        %dma_wait3A_600 = tpu.memref_slice %arg8[%sub3A_593, %dma_wait3A_599] : memref<80x125xi32, #tpu.memory_space<vmem>> -> memref<1x125xi32, #tpu.memory_space<vmem>>
        %dma_wait3A_601 = tpu.memref_squeeze %dma_wait3A_600 : memref<1x125xi32, #tpu.memory_space<vmem>> -> memref<125xi32, #tpu.memory_space<vmem>>
        %dma_wait3A_602 = arith.constant 0 : i32
        %dma_wait3A_603 = arith.constant 0 : i32
        %dma_wait3A_604 = tpu.memref_slice %arg10[%dma_wait3A_602, %dma_wait3A_603] : memref<10240x128xbf16, #tpu.memory_space<vmem_shared>> -> memref<10240x128xbf16, #tpu.memory_space<vmem_shared>>
        tpu.wait_indirect_dma semaphore(%arg23 : memref<!tpu.dma_semaphore, #tpu.memory_space<semaphore_mem>>) src(%dma_wait3A_598 : memref<125x128xbf16, #tpu.memory_space<vmem>>) dst(%dma_wait3A_604 : memref<10240x128xbf16, #tpu.memory_space<vmem_shared>>)
      } else {
      }
      %lt3A_492 = arith.constant 80 : i32
      %lt3A_493 = arith.cmpi slt, %sub3A_483, %lt3A_492 : i32
      %convert_element_type3A_494 = arith.extui %lt3A_493 : i1 to i32
      %cond3A_495 = arith.constant 0 : i32
      %cond3A_496 = arith.cmpi ne, %convert_element_type3A_494, %cond3A_495 : i32
      scf.if %cond3A_496 {
        %dma_start3A_592 = arith.constant 4 : i32
        %dma_start3A_593 = arith.constant 0 : i32
        %dma_start3A_594 = arith.constant 0 : i32
        %dma_start3A_595 = tpu.memref_slice %arg9[%dma_start3A_592, %dma_start3A_593, %dma_start3A_594] : memref<8x125x128xbf16, #tpu.memory_space<vmem>> -> memref<1x125x128xbf16, #tpu.memory_space<vmem>>
        %dma_start3A_596 = tpu.memref_squeeze %dma_start3A_595 : memref<1x125x128xbf16, #tpu.memory_space<vmem>> -> memref<125x128xbf16, #tpu.memory_space<vmem>>
        %dma_start3A_597 = arith.constant 0 : i32
        %dma_start3A_598 = tpu.memref_slice %arg7[%sub3A_483, %dma_start3A_597] : memref<80x125xi32, #tpu.memory_space<vmem>> -> memref<1x125xi32, #tpu.memory_space<vmem>>
        %dma_start3A_599 = tpu.memref_squeeze %dma_start3A_598 : memref<1x125xi32, #tpu.memory_space<vmem>> -> memref<125xi32, #tpu.memory_space<vmem>>
        %dma_start3A_600 = arith.constant 0 : i32
        %dma_start3A_601 = arith.constant 0 : i32
        %dma_start3A_602 = tpu.memref_slice %arg2[%add3A_0, %dma_start3A_600, %dma_start3A_601] : memref<2x10240x128xbf16, #tpu.memory_space<hbm>> -> memref<1x10240x128xbf16, #tpu.memory_space<hbm>>
        %dma_start3A_603 = tpu.memref_squeeze %dma_start3A_602 : memref<1x10240x128xbf16, #tpu.memory_space<hbm>> -> memref<10240x128xbf16, #tpu.memory_space<hbm>>
        %dma_start3A_604 = arith.constant 0 : i32
        %dma_start3A_605 = arith.constant 0 : i32
        %dma_start3A_606 = tpu.memref_slice %dma_start3A_603[%dma_start3A_604, %dma_start3A_605] : memref<10240x128xbf16, #tpu.memory_space<hbm>> -> memref<10240x128xbf16, #tpu.memory_space<hbm>>
        tpu.enqueue_indirect_dma source(%dma_start3A_606 : memref<10240x128xbf16, #tpu.memory_space<hbm>>) target(%dma_start3A_596 : memref<125x128xbf16, #tpu.memory_space<vmem>>) offsets(%dma_start3A_599 : memref<125xi32, #tpu.memory_space<vmem>>) semaphore(%arg15 : memref<!tpu.dma_semaphore, #tpu.memory_space<semaphore_mem>>)
      } else {
      }
      %mul3A_497 = arith.constant 8 : i32
      %mul3A_498 = arith.muli %scan3A_219, %mul3A_497 : i32
      %add3A_499 = arith.constant 6 : i32
      %add3A_500 = arith.addi %mul3A_498, %add3A_499 : i32
      %dma_wait3A_501 = arith.constant 6 : i32
      %dma_wait3A_502 = arith.constant 0 : i32
      %dma_wait3A_503 = arith.constant 0 : i32
      %dma_wait3A_504 = tpu.memref_slice %arg9[%dma_wait3A_501, %dma_wait3A_502, %dma_wait3A_503] : memref<8x125x128xbf16, #tpu.memory_space<vmem>> -> memref<1x125x128xbf16, #tpu.memory_space<vmem>>
      %dma_wait3A_505 = tpu.memref_squeeze %dma_wait3A_504 : memref<1x125x128xbf16, #tpu.memory_space<vmem>> -> memref<125x128xbf16, #tpu.memory_space<vmem>>
      %dma_wait3A_506 = arith.constant 0 : i32
      %dma_wait3A_507 = tpu.memref_slice %arg7[%add3A_500, %dma_wait3A_506] : memref<80x125xi32, #tpu.memory_space<vmem>> -> memref<1x125xi32, #tpu.memory_space<vmem>>
      %dma_wait3A_508 = tpu.memref_squeeze %dma_wait3A_507 : memref<1x125xi32, #tpu.memory_space<vmem>> -> memref<125xi32, #tpu.memory_space<vmem>>
      %dma_wait3A_509 = arith.constant 0 : i32
      %dma_wait3A_510 = arith.constant 0 : i32
      %dma_wait3A_511 = tpu.memref_slice %arg2[%add3A_0, %dma_wait3A_509, %dma_wait3A_510] : memref<2x10240x128xbf16, #tpu.memory_space<hbm>> -> memref<1x10240x128xbf16, #tpu.memory_space<hbm>>
      %dma_wait3A_512 = tpu.memref_squeeze %dma_wait3A_511 : memref<1x10240x128xbf16, #tpu.memory_space<hbm>> -> memref<10240x128xbf16, #tpu.memory_space<hbm>>
      %dma_wait3A_513 = arith.constant 0 : i32
      %dma_wait3A_514 = arith.constant 0 : i32
      %dma_wait3A_515 = tpu.memref_slice %dma_wait3A_512[%dma_wait3A_513, %dma_wait3A_514] : memref<10240x128xbf16, #tpu.memory_space<hbm>> -> memref<10240x128xbf16, #tpu.memory_space<hbm>>
      tpu.wait_indirect_dma semaphore(%arg17 : memref<!tpu.dma_semaphore, #tpu.memory_space<semaphore_mem>>) src(%dma_wait3A_515 : memref<10240x128xbf16, #tpu.memory_space<hbm>>) dst(%dma_wait3A_505 : memref<125x128xbf16, #tpu.memory_space<vmem>>)
      %dma_start3A_516 = arith.constant 6 : i32
      %dma_start3A_517 = arith.constant 0 : i32
      %dma_start3A_518 = arith.constant 0 : i32
      %dma_start3A_519 = tpu.memref_slice %arg9[%dma_start3A_516, %dma_start3A_517, %dma_start3A_518] : memref<8x125x128xbf16, #tpu.memory_space<vmem>> -> memref<1x125x128xbf16, #tpu.memory_space<vmem>>
      %dma_start3A_520 = tpu.memref_squeeze %dma_start3A_519 : memref<1x125x128xbf16, #tpu.memory_space<vmem>> -> memref<125x128xbf16, #tpu.memory_space<vmem>>
      %dma_start3A_521 = arith.constant 0 : i32
      %dma_start3A_522 = tpu.memref_slice %arg8[%add3A_500, %dma_start3A_521] : memref<80x125xi32, #tpu.memory_space<vmem>> -> memref<1x125xi32, #tpu.memory_space<vmem>>
      %dma_start3A_523 = tpu.memref_squeeze %dma_start3A_522 : memref<1x125xi32, #tpu.memory_space<vmem>> -> memref<125xi32, #tpu.memory_space<vmem>>
      %dma_start3A_524 = arith.constant 0 : i32
      %dma_start3A_525 = arith.constant 0 : i32
      %dma_start3A_526 = tpu.memref_slice %arg10[%dma_start3A_524, %dma_start3A_525] : memref<10240x128xbf16, #tpu.memory_space<vmem_shared>> -> memref<10240x128xbf16, #tpu.memory_space<vmem_shared>>
      tpu.enqueue_indirect_dma source(%dma_start3A_520 : memref<125x128xbf16, #tpu.memory_space<vmem>>) target(%dma_start3A_526 : memref<10240x128xbf16, #tpu.memory_space<vmem_shared>>) offsets(%dma_start3A_523 : memref<125xi32, #tpu.memory_space<vmem>>) semaphore(%arg25 : memref<!tpu.dma_semaphore, #tpu.memory_space<semaphore_mem>>) {add = true}
      %add3A_527 = arith.constant 8 : i32
      %add3A_528 = arith.addi %add3A_500, %add3A_527 : i32
      %sub3A_529 = arith.constant 1 : i32
      %sub3A_530 = arith.subi %add3A_528, %sub3A_529 : i32
      %gt3A_531 = arith.constant 0 : i32
      %gt3A_532 = arith.cmpi sgt, %add3A_500, %gt3A_531 : i32
      %lt3A_533 = arith.constant 80 : i32
      %lt3A_534 = arith.cmpi slt, %sub3A_530, %lt3A_533 : i32
      %and3A_535 = arith.andi %gt3A_532, %lt3A_534 : i1
      %convert_element_type3A_536 = arith.extui %and3A_535 : i1 to i32
      %cond3A_537 = arith.constant 0 : i32
      %cond3A_538 = arith.cmpi ne, %convert_element_type3A_536, %cond3A_537 : i32
      scf.if %cond3A_538 {
        %sub3A_592 = arith.constant 1 : i32
        %sub3A_593 = arith.subi %add3A_500, %sub3A_592 : i32
        %dma_wait3A_594 = arith.constant 5 : i32
        %dma_wait3A_595 = arith.constant 0 : i32
        %dma_wait3A_596 = arith.constant 0 : i32
        %dma_wait3A_597 = tpu.memref_slice %arg9[%dma_wait3A_594, %dma_wait3A_595, %dma_wait3A_596] : memref<8x125x128xbf16, #tpu.memory_space<vmem>> -> memref<1x125x128xbf16, #tpu.memory_space<vmem>>
        %dma_wait3A_598 = tpu.memref_squeeze %dma_wait3A_597 : memref<1x125x128xbf16, #tpu.memory_space<vmem>> -> memref<125x128xbf16, #tpu.memory_space<vmem>>
        %dma_wait3A_599 = arith.constant 0 : i32
        %dma_wait3A_600 = tpu.memref_slice %arg8[%sub3A_593, %dma_wait3A_599] : memref<80x125xi32, #tpu.memory_space<vmem>> -> memref<1x125xi32, #tpu.memory_space<vmem>>
        %dma_wait3A_601 = tpu.memref_squeeze %dma_wait3A_600 : memref<1x125xi32, #tpu.memory_space<vmem>> -> memref<125xi32, #tpu.memory_space<vmem>>
        %dma_wait3A_602 = arith.constant 0 : i32
        %dma_wait3A_603 = arith.constant 0 : i32
        %dma_wait3A_604 = tpu.memref_slice %arg10[%dma_wait3A_602, %dma_wait3A_603] : memref<10240x128xbf16, #tpu.memory_space<vmem_shared>> -> memref<10240x128xbf16, #tpu.memory_space<vmem_shared>>
        tpu.wait_indirect_dma semaphore(%arg24 : memref<!tpu.dma_semaphore, #tpu.memory_space<semaphore_mem>>) src(%dma_wait3A_598 : memref<125x128xbf16, #tpu.memory_space<vmem>>) dst(%dma_wait3A_604 : memref<10240x128xbf16, #tpu.memory_space<vmem_shared>>)
      } else {
      }
      %lt3A_539 = arith.constant 80 : i32
      %lt3A_540 = arith.cmpi slt, %sub3A_530, %lt3A_539 : i32
      %convert_element_type3A_541 = arith.extui %lt3A_540 : i1 to i32
      %cond3A_542 = arith.constant 0 : i32
      %cond3A_543 = arith.cmpi ne, %convert_element_type3A_541, %cond3A_542 : i32
      scf.if %cond3A_543 {
        %dma_start3A_592 = arith.constant 5 : i32
        %dma_start3A_593 = arith.constant 0 : i32
        %dma_start3A_594 = arith.constant 0 : i32
        %dma_start3A_595 = tpu.memref_slice %arg9[%dma_start3A_592, %dma_start3A_593, %dma_start3A_594] : memref<8x125x128xbf16, #tpu.memory_space<vmem>> -> memref<1x125x128xbf16, #tpu.memory_space<vmem>>
        %dma_start3A_596 = tpu.memref_squeeze %dma_start3A_595 : memref<1x125x128xbf16, #tpu.memory_space<vmem>> -> memref<125x128xbf16, #tpu.memory_space<vmem>>
        %dma_start3A_597 = arith.constant 0 : i32
        %dma_start3A_598 = tpu.memref_slice %arg7[%sub3A_530, %dma_start3A_597] : memref<80x125xi32, #tpu.memory_space<vmem>> -> memref<1x125xi32, #tpu.memory_space<vmem>>
        %dma_start3A_599 = tpu.memref_squeeze %dma_start3A_598 : memref<1x125xi32, #tpu.memory_space<vmem>> -> memref<125xi32, #tpu.memory_space<vmem>>
        %dma_start3A_600 = arith.constant 0 : i32
        %dma_start3A_601 = arith.constant 0 : i32
        %dma_start3A_602 = tpu.memref_slice %arg2[%add3A_0, %dma_start3A_600, %dma_start3A_601] : memref<2x10240x128xbf16, #tpu.memory_space<hbm>> -> memref<1x10240x128xbf16, #tpu.memory_space<hbm>>
        %dma_start3A_603 = tpu.memref_squeeze %dma_start3A_602 : memref<1x10240x128xbf16, #tpu.memory_space<hbm>> -> memref<10240x128xbf16, #tpu.memory_space<hbm>>
        %dma_start3A_604 = arith.constant 0 : i32
        %dma_start3A_605 = arith.constant 0 : i32
        %dma_start3A_606 = tpu.memref_slice %dma_start3A_603[%dma_start3A_604, %dma_start3A_605] : memref<10240x128xbf16, #tpu.memory_space<hbm>> -> memref<10240x128xbf16, #tpu.memory_space<hbm>>
        tpu.enqueue_indirect_dma source(%dma_start3A_606 : memref<10240x128xbf16, #tpu.memory_space<hbm>>) target(%dma_start3A_596 : memref<125x128xbf16, #tpu.memory_space<vmem>>) offsets(%dma_start3A_599 : memref<125xi32, #tpu.memory_space<vmem>>) semaphore(%arg16 : memref<!tpu.dma_semaphore, #tpu.memory_space<semaphore_mem>>)
      } else {
      }
      %mul3A_544 = arith.constant 8 : i32
      %mul3A_545 = arith.muli %scan3A_219, %mul3A_544 : i32
      %add3A_546 = arith.constant 7 : i32
      %add3A_547 = arith.addi %mul3A_545, %add3A_546 : i32
      %dma_wait3A_548 = arith.constant 7 : i32
      %dma_wait3A_549 = arith.constant 0 : i32
      %dma_wait3A_550 = arith.constant 0 : i32
      %dma_wait3A_551 = tpu.memref_slice %arg9[%dma_wait3A_548, %dma_wait3A_549, %dma_wait3A_550] : memref<8x125x128xbf16, #tpu.memory_space<vmem>> -> memref<1x125x128xbf16, #tpu.memory_space<vmem>>
      %dma_wait3A_552 = tpu.memref_squeeze %dma_wait3A_551 : memref<1x125x128xbf16, #tpu.memory_space<vmem>> -> memref<125x128xbf16, #tpu.memory_space<vmem>>
      %dma_wait3A_553 = arith.constant 0 : i32
      %dma_wait3A_554 = tpu.memref_slice %arg7[%add3A_547, %dma_wait3A_553] : memref<80x125xi32, #tpu.memory_space<vmem>> -> memref<1x125xi32, #tpu.memory_space<vmem>>
      %dma_wait3A_555 = tpu.memref_squeeze %dma_wait3A_554 : memref<1x125xi32, #tpu.memory_space<vmem>> -> memref<125xi32, #tpu.memory_space<vmem>>
      %dma_wait3A_556 = arith.constant 0 : i32
      %dma_wait3A_557 = arith.constant 0 : i32
      %dma_wait3A_558 = tpu.memref_slice %arg2[%add3A_0, %dma_wait3A_556, %dma_wait3A_557] : memref<2x10240x128xbf16, #tpu.memory_space<hbm>> -> memref<1x10240x128xbf16, #tpu.memory_space<hbm>>
      %dma_wait3A_559 = tpu.memref_squeeze %dma_wait3A_558 : memref<1x10240x128xbf16, #tpu.memory_space<hbm>> -> memref<10240x128xbf16, #tpu.memory_space<hbm>>
      %dma_wait3A_560 = arith.constant 0 : i32
      %dma_wait3A_561 = arith.constant 0 : i32
      %dma_wait3A_562 = tpu.memref_slice %dma_wait3A_559[%dma_wait3A_560, %dma_wait3A_561] : memref<10240x128xbf16, #tpu.memory_space<hbm>> -> memref<10240x128xbf16, #tpu.memory_space<hbm>>
      tpu.wait_indirect_dma semaphore(%arg18 : memref<!tpu.dma_semaphore, #tpu.memory_space<semaphore_mem>>) src(%dma_wait3A_562 : memref<10240x128xbf16, #tpu.memory_space<hbm>>) dst(%dma_wait3A_552 : memref<125x128xbf16, #tpu.memory_space<vmem>>)
      %dma_start3A_563 = arith.constant 7 : i32
      %dma_start3A_564 = arith.constant 0 : i32
      %dma_start3A_565 = arith.constant 0 : i32
      %dma_start3A_566 = tpu.memref_slice %arg9[%dma_start3A_563, %dma_start3A_564, %dma_start3A_565] : memref<8x125x128xbf16, #tpu.memory_space<vmem>> -> memref<1x125x128xbf16, #tpu.memory_space<vmem>>
      %dma_start3A_567 = tpu.memref_squeeze %dma_start3A_566 : memref<1x125x128xbf16, #tpu.memory_space<vmem>> -> memref<125x128xbf16, #tpu.memory_space<vmem>>
      %dma_start3A_568 = arith.constant 0 : i32
      %dma_start3A_569 = tpu.memref_slice %arg8[%add3A_547, %dma_start3A_568] : memref<80x125xi32, #tpu.memory_space<vmem>> -> memref<1x125xi32, #tpu.memory_space<vmem>>
      %dma_start3A_570 = tpu.memref_squeeze %dma_start3A_569 : memref<1x125xi32, #tpu.memory_space<vmem>> -> memref<125xi32, #tpu.memory_space<vmem>>
      %dma_start3A_571 = arith.constant 0 : i32
      %dma_start3A_572 = arith.constant 0 : i32
      %dma_start3A_573 = tpu.memref_slice %arg10[%dma_start3A_571, %dma_start3A_572] : memref<10240x128xbf16, #tpu.memory_space<vmem_shared>> -> memref<10240x128xbf16, #tpu.memory_space<vmem_shared>>
      tpu.enqueue_indirect_dma source(%dma_start3A_567 : memref<125x128xbf16, #tpu.memory_space<vmem>>) target(%dma_start3A_573 : memref<10240x128xbf16, #tpu.memory_space<vmem_shared>>) offsets(%dma_start3A_570 : memref<125xi32, #tpu.memory_space<vmem>>) semaphore(%arg26 : memref<!tpu.dma_semaphore, #tpu.memory_space<semaphore_mem>>) {add = true}
      %add3A_574 = arith.constant 8 : i32
      %add3A_575 = arith.addi %add3A_547, %add3A_574 : i32
      %sub3A_576 = arith.constant 1 : i32
      %sub3A_577 = arith.subi %add3A_575, %sub3A_576 : i32
      %gt3A_578 = arith.constant 0 : i32
      %gt3A_579 = arith.cmpi sgt, %add3A_547, %gt3A_578 : i32
      %lt3A_580 = arith.constant 80 : i32
      %lt3A_581 = arith.cmpi slt, %sub3A_577, %lt3A_580 : i32
      %and3A_582 = arith.andi %gt3A_579, %lt3A_581 : i1
      %convert_element_type3A_583 = arith.extui %and3A_582 : i1 to i32
      %cond3A_584 = arith.constant 0 : i32
      %cond3A_585 = arith.cmpi ne, %convert_element_type3A_583, %cond3A_584 : i32
      scf.if %cond3A_585 {
        %sub3A_592 = arith.constant 1 : i32
        %sub3A_593 = arith.subi %add3A_547, %sub3A_592 : i32
        %dma_wait3A_594 = arith.constant 6 : i32
        %dma_wait3A_595 = arith.constant 0 : i32
        %dma_wait3A_596 = arith.constant 0 : i32
        %dma_wait3A_597 = tpu.memref_slice %arg9[%dma_wait3A_594, %dma_wait3A_595, %dma_wait3A_596] : memref<8x125x128xbf16, #tpu.memory_space<vmem>> -> memref<1x125x128xbf16, #tpu.memory_space<vmem>>
        %dma_wait3A_598 = tpu.memref_squeeze %dma_wait3A_597 : memref<1x125x128xbf16, #tpu.memory_space<vmem>> -> memref<125x128xbf16, #tpu.memory_space<vmem>>
        %dma_wait3A_599 = arith.constant 0 : i32
        %dma_wait3A_600 = tpu.memref_slice %arg8[%sub3A_593, %dma_wait3A_599] : memref<80x125xi32, #tpu.memory_space<vmem>> -> memref<1x125xi32, #tpu.memory_space<vmem>>
        %dma_wait3A_601 = tpu.memref_squeeze %dma_wait3A_600 : memref<1x125xi32, #tpu.memory_space<vmem>> -> memref<125xi32, #tpu.memory_space<vmem>>
        %dma_wait3A_602 = arith.constant 0 : i32
        %dma_wait3A_603 = arith.constant 0 : i32
        %dma_wait3A_604 = tpu.memref_slice %arg10[%dma_wait3A_602, %dma_wait3A_603] : memref<10240x128xbf16, #tpu.memory_space<vmem_shared>> -> memref<10240x128xbf16, #tpu.memory_space<vmem_shared>>
        tpu.wait_indirect_dma semaphore(%arg25 : memref<!tpu.dma_semaphore, #tpu.memory_space<semaphore_mem>>) src(%dma_wait3A_598 : memref<125x128xbf16, #tpu.memory_space<vmem>>) dst(%dma_wait3A_604 : memref<10240x128xbf16, #tpu.memory_space<vmem_shared>>)
      } else {
      }
      %lt3A_586 = arith.constant 80 : i32
      %lt3A_587 = arith.cmpi slt, %sub3A_577, %lt3A_586 : i32
      %convert_element_type3A_588 = arith.extui %lt3A_587 : i1 to i32
      %cond3A_589 = arith.constant 0 : i32
      %cond3A_590 = arith.cmpi ne, %convert_element_type3A_588, %cond3A_589 : i32
      scf.if %cond3A_590 {
        %dma_start3A_592 = arith.constant 6 : i32
        %dma_start3A_593 = arith.constant 0 : i32
        %dma_start3A_594 = arith.constant 0 : i32
        %dma_start3A_595 = tpu.memref_slice %arg9[%dma_start3A_592, %dma_start3A_593, %dma_start3A_594] : memref<8x125x128xbf16, #tpu.memory_space<vmem>> -> memref<1x125x128xbf16, #tpu.memory_space<vmem>>
        %dma_start3A_596 = tpu.memref_squeeze %dma_start3A_595 : memref<1x125x128xbf16, #tpu.memory_space<vmem>> -> memref<125x128xbf16, #tpu.memory_space<vmem>>
        %dma_start3A_597 = arith.constant 0 : i32
        %dma_start3A_598 = tpu.memref_slice %arg7[%sub3A_577, %dma_start3A_597] : memref<80x125xi32, #tpu.memory_space<vmem>> -> memref<1x125xi32, #tpu.memory_space<vmem>>
        %dma_start3A_599 = tpu.memref_squeeze %dma_start3A_598 : memref<1x125xi32, #tpu.memory_space<vmem>> -> memref<125xi32, #tpu.memory_space<vmem>>
        %dma_start3A_600 = arith.constant 0 : i32
        %dma_start3A_601 = arith.constant 0 : i32
        %dma_start3A_602 = tpu.memref_slice %arg2[%add3A_0, %dma_start3A_600, %dma_start3A_601] : memref<2x10240x128xbf16, #tpu.memory_space<hbm>> -> memref<1x10240x128xbf16, #tpu.memory_space<hbm>>
        %dma_start3A_603 = tpu.memref_squeeze %dma_start3A_602 : memref<1x10240x128xbf16, #tpu.memory_space<hbm>> -> memref<10240x128xbf16, #tpu.memory_space<hbm>>
        %dma_start3A_604 = arith.constant 0 : i32
        %dma_start3A_605 = arith.constant 0 : i32
        %dma_start3A_606 = tpu.memref_slice %dma_start3A_603[%dma_start3A_604, %dma_start3A_605] : memref<10240x128xbf16, #tpu.memory_space<hbm>> -> memref<10240x128xbf16, #tpu.memory_space<hbm>>
        tpu.enqueue_indirect_dma source(%dma_start3A_606 : memref<10240x128xbf16, #tpu.memory_space<hbm>>) target(%dma_start3A_596 : memref<125x128xbf16, #tpu.memory_space<vmem>>) offsets(%dma_start3A_599 : memref<125xi32, #tpu.memory_space<vmem>>) semaphore(%arg17 : memref<!tpu.dma_semaphore, #tpu.memory_space<semaphore_mem>>)
      } else {
      }
      %scan3A_591 = arith.constant 0 : i32
      scf.yield %scan3A_591 : i32
    }
    %scan3A_118 = arith.constant 10 : i32
    %dma_wait3A = arith.constant 0 : i32
    %dma_wait3A_119 = arith.constant 72 : i32
    %dma_wait3A_120 = arith.constant 0 : i32
    %dma_wait3A_121 = arith.constant 0 : i32
    %dma_wait3A_122 = tpu.memref_slice %arg9[%dma_wait3A, %dma_wait3A_120, %dma_wait3A_121] : memref<8x125x128xbf16, #tpu.memory_space<vmem>> -> memref<1x125x128xbf16, #tpu.memory_space<vmem>>
    %dma_wait3A_123 = tpu.memref_squeeze %dma_wait3A_122 : memref<1x125x128xbf16, #tpu.memory_space<vmem>> -> memref<125x128xbf16, #tpu.memory_space<vmem>>
    %dma_wait3A_124 = arith.constant 0 : i32
    %dma_wait3A_125 = tpu.memref_slice %arg8[%dma_wait3A_119, %dma_wait3A_124] : memref<80x125xi32, #tpu.memory_space<vmem>> -> memref<1x125xi32, #tpu.memory_space<vmem>>
    %dma_wait3A_126 = tpu.memref_squeeze %dma_wait3A_125 : memref<1x125xi32, #tpu.memory_space<vmem>> -> memref<125xi32, #tpu.memory_space<vmem>>
    %dma_wait3A_127 = arith.constant 0 : i32
    %dma_wait3A_128 = arith.constant 0 : i32
    %dma_wait3A_129 = tpu.memref_slice %arg10[%dma_wait3A_127, %dma_wait3A_128] : memref<10240x128xbf16, #tpu.memory_space<vmem_shared>> -> memref<10240x128xbf16, #tpu.memory_space<vmem_shared>>
    tpu.wait_indirect_dma semaphore(%arg19 : memref<!tpu.dma_semaphore, #tpu.memory_space<semaphore_mem>>) src(%dma_wait3A_123 : memref<125x128xbf16, #tpu.memory_space<vmem>>) dst(%dma_wait3A_129 : memref<10240x128xbf16, #tpu.memory_space<vmem_shared>>)
    %dma_wait3A_130 = arith.constant 1 : i32
    %dma_wait3A_131 = arith.constant 73 : i32
    %dma_wait3A_132 = arith.constant 0 : i32
    %dma_wait3A_133 = arith.constant 0 : i32
    %dma_wait3A_134 = tpu.memref_slice %arg9[%dma_wait3A_130, %dma_wait3A_132, %dma_wait3A_133] : memref<8x125x128xbf16, #tpu.memory_space<vmem>> -> memref<1x125x128xbf16, #tpu.memory_space<vmem>>
    %dma_wait3A_135 = tpu.memref_squeeze %dma_wait3A_134 : memref<1x125x128xbf16, #tpu.memory_space<vmem>> -> memref<125x128xbf16, #tpu.memory_space<vmem>>
    %dma_wait3A_136 = arith.constant 0 : i32
    %dma_wait3A_137 = tpu.memref_slice %arg8[%dma_wait3A_131, %dma_wait3A_136] : memref<80x125xi32, #tpu.memory_space<vmem>> -> memref<1x125xi32, #tpu.memory_space<vmem>>
    %dma_wait3A_138 = tpu.memref_squeeze %dma_wait3A_137 : memref<1x125xi32, #tpu.memory_space<vmem>> -> memref<125xi32, #tpu.memory_space<vmem>>
    %dma_wait3A_139 = arith.constant 0 : i32
    %dma_wait3A_140 = arith.constant 0 : i32
    %dma_wait3A_141 = tpu.memref_slice %arg10[%dma_wait3A_139, %dma_wait3A_140] : memref<10240x128xbf16, #tpu.memory_space<vmem_shared>> -> memref<10240x128xbf16, #tpu.memory_space<vmem_shared>>
    tpu.wait_indirect_dma semaphore(%arg20 : memref<!tpu.dma_semaphore, #tpu.memory_space<semaphore_mem>>) src(%dma_wait3A_135 : memref<125x128xbf16, #tpu.memory_space<vmem>>) dst(%dma_wait3A_141 : memref<10240x128xbf16, #tpu.memory_space<vmem_shared>>)
    %dma_wait3A_142 = arith.constant 2 : i32
    %dma_wait3A_143 = arith.constant 74 : i32
    %dma_wait3A_144 = arith.constant 0 : i32
    %dma_wait3A_145 = arith.constant 0 : i32
    %dma_wait3A_146 = tpu.memref_slice %arg9[%dma_wait3A_142, %dma_wait3A_144, %dma_wait3A_145] : memref<8x125x128xbf16, #tpu.memory_space<vmem>> -> memref<1x125x128xbf16, #tpu.memory_space<vmem>>
    %dma_wait3A_147 = tpu.memref_squeeze %dma_wait3A_146 : memref<1x125x128xbf16, #tpu.memory_space<vmem>> -> memref<125x128xbf16, #tpu.memory_space<vmem>>
    %dma_wait3A_148 = arith.constant 0 : i32
    %dma_wait3A_149 = tpu.memref_slice %arg8[%dma_wait3A_143, %dma_wait3A_148] : memref<80x125xi32, #tpu.memory_space<vmem>> -> memref<1x125xi32, #tpu.memory_space<vmem>>
    %dma_wait3A_150 = tpu.memref_squeeze %dma_wait3A_149 : memref<1x125xi32, #tpu.memory_space<vmem>> -> memref<125xi32, #tpu.memory_space<vmem>>
    %dma_wait3A_151 = arith.constant 0 : i32
    %dma_wait3A_152 = arith.constant 0 : i32
    %dma_wait3A_153 = tpu.memref_slice %arg10[%dma_wait3A_151, %dma_wait3A_152] : memref<10240x128xbf16, #tpu.memory_space<vmem_shared>> -> memref<10240x128xbf16, #tpu.memory_space<vmem_shared>>
    tpu.wait_indirect_dma semaphore(%arg21 : memref<!tpu.dma_semaphore, #tpu.memory_space<semaphore_mem>>) src(%dma_wait3A_147 : memref<125x128xbf16, #tpu.memory_space<vmem>>) dst(%dma_wait3A_153 : memref<10240x128xbf16, #tpu.memory_space<vmem_shared>>)
    %dma_wait3A_154 = arith.constant 3 : i32
    %dma_wait3A_155 = arith.constant 75 : i32
    %dma_wait3A_156 = arith.constant 0 : i32
    %dma_wait3A_157 = arith.constant 0 : i32
    %dma_wait3A_158 = tpu.memref_slice %arg9[%dma_wait3A_154, %dma_wait3A_156, %dma_wait3A_157] : memref<8x125x128xbf16, #tpu.memory_space<vmem>> -> memref<1x125x128xbf16, #tpu.memory_space<vmem>>
    %dma_wait3A_159 = tpu.memref_squeeze %dma_wait3A_158 : memref<1x125x128xbf16, #tpu.memory_space<vmem>> -> memref<125x128xbf16, #tpu.memory_space<vmem>>
    %dma_wait3A_160 = arith.constant 0 : i32
    %dma_wait3A_161 = tpu.memref_slice %arg8[%dma_wait3A_155, %dma_wait3A_160] : memref<80x125xi32, #tpu.memory_space<vmem>> -> memref<1x125xi32, #tpu.memory_space<vmem>>
    %dma_wait3A_162 = tpu.memref_squeeze %dma_wait3A_161 : memref<1x125xi32, #tpu.memory_space<vmem>> -> memref<125xi32, #tpu.memory_space<vmem>>
    %dma_wait3A_163 = arith.constant 0 : i32
    %dma_wait3A_164 = arith.constant 0 : i32
    %dma_wait3A_165 = tpu.memref_slice %arg10[%dma_wait3A_163, %dma_wait3A_164] : memref<10240x128xbf16, #tpu.memory_space<vmem_shared>> -> memref<10240x128xbf16, #tpu.memory_space<vmem_shared>>
    tpu.wait_indirect_dma semaphore(%arg22 : memref<!tpu.dma_semaphore, #tpu.memory_space<semaphore_mem>>) src(%dma_wait3A_159 : memref<125x128xbf16, #tpu.memory_space<vmem>>) dst(%dma_wait3A_165 : memref<10240x128xbf16, #tpu.memory_space<vmem_shared>>)
    %dma_wait3A_166 = arith.constant 4 : i32
    %dma_wait3A_167 = arith.constant 76 : i32
    %dma_wait3A_168 = arith.constant 0 : i32
    %dma_wait3A_169 = arith.constant 0 : i32
    %dma_wait3A_170 = tpu.memref_slice %arg9[%dma_wait3A_166, %dma_wait3A_168, %dma_wait3A_169] : memref<8x125x128xbf16, #tpu.memory_space<vmem>> -> memref<1x125x128xbf16, #tpu.memory_space<vmem>>
    %dma_wait3A_171 = tpu.memref_squeeze %dma_wait3A_170 : memref<1x125x128xbf16, #tpu.memory_space<vmem>> -> memref<125x128xbf16, #tpu.memory_space<vmem>>
    %dma_wait3A_172 = arith.constant 0 : i32
    %dma_wait3A_173 = tpu.memref_slice %arg8[%dma_wait3A_167, %dma_wait3A_172] : memref<80x125xi32, #tpu.memory_space<vmem>> -> memref<1x125xi32, #tpu.memory_space<vmem>>
    %dma_wait3A_174 = tpu.memref_squeeze %dma_wait3A_173 : memref<1x125xi32, #tpu.memory_space<vmem>> -> memref<125xi32, #tpu.memory_space<vmem>>
    %dma_wait3A_175 = arith.constant 0 : i32
    %dma_wait3A_176 = arith.constant 0 : i32
    %dma_wait3A_177 = tpu.memref_slice %arg10[%dma_wait3A_175, %dma_wait3A_176] : memref<10240x128xbf16, #tpu.memory_space<vmem_shared>> -> memref<10240x128xbf16, #tpu.memory_space<vmem_shared>>
    tpu.wait_indirect_dma semaphore(%arg23 : memref<!tpu.dma_semaphore, #tpu.memory_space<semaphore_mem>>) src(%dma_wait3A_171 : memref<125x128xbf16, #tpu.memory_space<vmem>>) dst(%dma_wait3A_177 : memref<10240x128xbf16, #tpu.memory_space<vmem_shared>>)
    %dma_wait3A_178 = arith.constant 5 : i32
    %dma_wait3A_179 = arith.constant 77 : i32
    %dma_wait3A_180 = arith.constant 0 : i32
    %dma_wait3A_181 = arith.constant 0 : i32
    %dma_wait3A_182 = tpu.memref_slice %arg9[%dma_wait3A_178, %dma_wait3A_180, %dma_wait3A_181] : memref<8x125x128xbf16, #tpu.memory_space<vmem>> -> memref<1x125x128xbf16, #tpu.memory_space<vmem>>
    %dma_wait3A_183 = tpu.memref_squeeze %dma_wait3A_182 : memref<1x125x128xbf16, #tpu.memory_space<vmem>> -> memref<125x128xbf16, #tpu.memory_space<vmem>>
    %dma_wait3A_184 = arith.constant 0 : i32
    %dma_wait3A_185 = tpu.memref_slice %arg8[%dma_wait3A_179, %dma_wait3A_184] : memref<80x125xi32, #tpu.memory_space<vmem>> -> memref<1x125xi32, #tpu.memory_space<vmem>>
    %dma_wait3A_186 = tpu.memref_squeeze %dma_wait3A_185 : memref<1x125xi32, #tpu.memory_space<vmem>> -> memref<125xi32, #tpu.memory_space<vmem>>
    %dma_wait3A_187 = arith.constant 0 : i32
    %dma_wait3A_188 = arith.constant 0 : i32
    %dma_wait3A_189 = tpu.memref_slice %arg10[%dma_wait3A_187, %dma_wait3A_188] : memref<10240x128xbf16, #tpu.memory_space<vmem_shared>> -> memref<10240x128xbf16, #tpu.memory_space<vmem_shared>>
    tpu.wait_indirect_dma semaphore(%arg24 : memref<!tpu.dma_semaphore, #tpu.memory_space<semaphore_mem>>) src(%dma_wait3A_183 : memref<125x128xbf16, #tpu.memory_space<vmem>>) dst(%dma_wait3A_189 : memref<10240x128xbf16, #tpu.memory_space<vmem_shared>>)
    %dma_wait3A_190 = arith.constant 6 : i32
    %dma_wait3A_191 = arith.constant 78 : i32
    %dma_wait3A_192 = arith.constant 0 : i32
    %dma_wait3A_193 = arith.constant 0 : i32
    %dma_wait3A_194 = tpu.memref_slice %arg9[%dma_wait3A_190, %dma_wait3A_192, %dma_wait3A_193] : memref<8x125x128xbf16, #tpu.memory_space<vmem>> -> memref<1x125x128xbf16, #tpu.memory_space<vmem>>
    %dma_wait3A_195 = tpu.memref_squeeze %dma_wait3A_194 : memref<1x125x128xbf16, #tpu.memory_space<vmem>> -> memref<125x128xbf16, #tpu.memory_space<vmem>>
    %dma_wait3A_196 = arith.constant 0 : i32
    %dma_wait3A_197 = tpu.memref_slice %arg8[%dma_wait3A_191, %dma_wait3A_196] : memref<80x125xi32, #tpu.memory_space<vmem>> -> memref<1x125xi32, #tpu.memory_space<vmem>>
    %dma_wait3A_198 = tpu.memref_squeeze %dma_wait3A_197 : memref<1x125xi32, #tpu.memory_space<vmem>> -> memref<125xi32, #tpu.memory_space<vmem>>
    %dma_wait3A_199 = arith.constant 0 : i32
    %dma_wait3A_200 = arith.constant 0 : i32
    %dma_wait3A_201 = tpu.memref_slice %arg10[%dma_wait3A_199, %dma_wait3A_200] : memref<10240x128xbf16, #tpu.memory_space<vmem_shared>> -> memref<10240x128xbf16, #tpu.memory_space<vmem_shared>>
    tpu.wait_indirect_dma semaphore(%arg25 : memref<!tpu.dma_semaphore, #tpu.memory_space<semaphore_mem>>) src(%dma_wait3A_195 : memref<125x128xbf16, #tpu.memory_space<vmem>>) dst(%dma_wait3A_201 : memref<10240x128xbf16, #tpu.memory_space<vmem_shared>>)
    %dma_wait3A_202 = arith.constant 7 : i32
    %dma_wait3A_203 = arith.constant 79 : i32
    %dma_wait3A_204 = arith.constant 0 : i32
    %dma_wait3A_205 = arith.constant 0 : i32
    %dma_wait3A_206 = tpu.memref_slice %arg9[%dma_wait3A_202, %dma_wait3A_204, %dma_wait3A_205] : memref<8x125x128xbf16, #tpu.memory_space<vmem>> -> memref<1x125x128xbf16, #tpu.memory_space<vmem>>
    %dma_wait3A_207 = tpu.memref_squeeze %dma_wait3A_206 : memref<1x125x128xbf16, #tpu.memory_space<vmem>> -> memref<125x128xbf16, #tpu.memory_space<vmem>>
    %dma_wait3A_208 = arith.constant 0 : i32
    %dma_wait3A_209 = tpu.memref_slice %arg8[%dma_wait3A_203, %dma_wait3A_208] : memref<80x125xi32, #tpu.memory_space<vmem>> -> memref<1x125xi32, #tpu.memory_space<vmem>>
    %dma_wait3A_210 = tpu.memref_squeeze %dma_wait3A_209 : memref<1x125xi32, #tpu.memory_space<vmem>> -> memref<125xi32, #tpu.memory_space<vmem>>
    %dma_wait3A_211 = arith.constant 0 : i32
    %dma_wait3A_212 = arith.constant 0 : i32
    %dma_wait3A_213 = tpu.memref_slice %arg10[%dma_wait3A_211, %dma_wait3A_212] : memref<10240x128xbf16, #tpu.memory_space<vmem_shared>> -> memref<10240x128xbf16, #tpu.memory_space<vmem_shared>>
    tpu.wait_indirect_dma semaphore(%arg26 : memref<!tpu.dma_semaphore, #tpu.memory_space<semaphore_mem>>) src(%dma_wait3A_207 : memref<125x128xbf16, #tpu.memory_space<vmem>>) dst(%dma_wait3A_213 : memref<10240x128xbf16, #tpu.memory_space<vmem_shared>>)
    %barrier3A_214 = arith.constant 0 : index
    tpu.barrier barrier_id(%barrier3A_214)
    %mul3A_215 = arith.constant 640 : i32
    %mul3A_216 = arith.muli %arg1, %mul3A_215 : i32
    %mul3A_217 = arith.constant 640 : i32
    %mul3A_218 = arith.muli %arg1, %mul3A_217 : i32
    "tpu.region"() ({
      %run_scoped3A = tpu.sem_alloc : memref<!tpu.dma_semaphore, #tpu.memory_space<semaphore_mem>>
      %dma_start3A_219 = arith.constant 0 : i32
      %dma_start3A_220 = arith.constant 0 : i32
      %dma_start3A_221 = tpu.memref_slice %arg6[%add3A_0, %dma_start3A_219, %dma_start3A_220] : memref<2x10240x128xbf16, #tpu.memory_space<hbm>> -> memref<1x10240x128xbf16, #tpu.memory_space<hbm>>
      %dma_start3A_222 = tpu.memref_squeeze %dma_start3A_221 : memref<1x10240x128xbf16, #tpu.memory_space<hbm>> -> memref<10240x128xbf16, #tpu.memory_space<hbm>>
      %dma_start3A_223 = arith.constant 0 : i32
      %dma_start3A_224 = tpu.memref_slice %dma_start3A_222[%mul3A_218, %dma_start3A_223] : memref<10240x128xbf16, #tpu.memory_space<hbm>> -> memref<640x128xbf16, #tpu.memory_space<hbm>>
      %dma_start3A_225 = arith.constant 0 : i32
      %dma_start3A_226 = tpu.memref_slice %arg10[%mul3A_216, %dma_start3A_225] : memref<10240x128xbf16, #tpu.memory_space<vmem_shared>> -> memref<640x128xbf16, #tpu.memory_space<vmem_shared>>
      tpu.enqueue_dma source(%dma_start3A_226 : memref<640x128xbf16, #tpu.memory_space<vmem_shared>>) target(%dma_start3A_224 : memref<640x128xbf16, #tpu.memory_space<hbm>>) target_semaphore(%run_scoped3A : memref<!tpu.dma_semaphore, #tpu.memory_space<semaphore_mem>>)
      %dma_wait3A_227 = arith.constant 0 : i32
      %dma_wait3A_228 = arith.constant 0 : i32
      %dma_wait3A_229 = tpu.memref_slice %arg6[%add3A_0, %dma_wait3A_227, %dma_wait3A_228] : memref<2x10240x128xbf16, #tpu.memory_space<hbm>> -> memref<1x10240x128xbf16, #tpu.memory_space<hbm>>
      %dma_wait3A_230 = tpu.memref_squeeze %dma_wait3A_229 : memref<1x10240x128xbf16, #tpu.memory_space<hbm>> -> memref<10240x128xbf16, #tpu.memory_space<hbm>>
      %dma_wait3A_231 = arith.constant 0 : i32
      %dma_wait3A_232 = tpu.memref_slice %dma_wait3A_230[%mul3A_218, %dma_wait3A_231] : memref<10240x128xbf16, #tpu.memory_space<hbm>> -> memref<640x128xbf16, #tpu.memory_space<hbm>>
      %dma_wait3A_233 = arith.constant 0 : i32
      %dma_wait3A_234 = tpu.memref_slice %arg10[%mul3A_216, %dma_wait3A_233] : memref<10240x128xbf16, #tpu.memory_space<vmem_shared>> -> memref<640x128xbf16, #tpu.memory_space<vmem_shared>>
      tpu.wait_dma2 semaphore(%run_scoped3A : memref<!tpu.dma_semaphore, #tpu.memory_space<semaphore_mem>>) src(%dma_wait3A_234 : memref<640x128xbf16, #tpu.memory_space<vmem_shared>>) dst(%dma_wait3A_232 : memref<640x128xbf16, #tpu.memory_space<hbm>>)
      tpu.yield
    }) : () -> ()
    return
  }
}

module attributes {stable_mosaic.version = 14 : i64} {
  func.func @_scale_body(%arg0: i32, %arg1: memref<2000x256xf32, #tpu.memory_space<vmem>>, %arg2: memref<2000x8xf32, #tpu.memory_space<vmem>>, %arg3: memref<2x2000x128xbf16, #tpu.memory_space<vmem>>) attributes {dimension_semantics = [#tpu.dimension_semantics<arbitrary>], iteration_bounds = array<i64: 5>, scalar_prefetch = 0 : i64, scratch_operands = 0 : i64, tpu.core_type = #tpu.core_type<tc>, window_params = [{transform_indices = @transform_0, window_bounds = array<i64: 2000, 256>}, {transform_indices = @transform_1, window_bounds = array<i64: 2000, 8>}, {transform_indices = @transform_2, window_bounds = array<i64: 2, 2000, 128>}]} {
    %get3A = arith.constant 0 : index
    %get3A_0 = arith.constant 0 : index
    %get3A_1 = vector.load %arg2[%get3A, %get3A_0] : memref<2000x8xf32, #tpu.memory_space<vmem>>, vector<2000x1xf32>
    %max3A = arith.constant 1.000000e+00 : f32
    %max3A_2 = vector.broadcast %max3A : f32 to vector<2000x1xf32>
    %max3A_3 = arith.maximumf %get3A_1, %max3A_2 : vector<2000x1xf32>
    %rsqrt3A = math.rsqrt %max3A_3 : vector<2000x1xf32>
    %get3A_4 = arith.constant 0 : index
    %get3A_5 = arith.constant 0 : index
    %get3A_6 = vector.load %arg1[%get3A_4, %get3A_5] : memref<2000x256xf32, #tpu.memory_space<vmem>>, vector<2000x256xf32>
    %mul3A = vector.broadcast %rsqrt3A : vector<2000x1xf32> to vector<2000x256xf32>
    %mul3A_7 = arith.mulf %get3A_6, %mul3A : vector<2000x256xf32>
    %convert_element_type3A = arith.truncf %mul3A_7 : vector<2000x256xf32> to vector<2000x256xbf16>
    %slice3A = vector.extract_strided_slice %convert_element_type3A {offsets = [0, 0], sizes = [2000, 128], strides = [1, 1]} : vector<2000x256xbf16> to vector<2000x128xbf16>
    %swap3A = arith.constant 0 : index
    %swap3A_8 = arith.constant 0 : index
    %swap3A_9 = arith.constant 0 : index
    %swap3A_10 = vector.load %arg3[%swap3A, %swap3A_8, %swap3A_9] : memref<2x2000x128xbf16, #tpu.memory_space<vmem>>, vector<1x2000x128xbf16>
    %swap3A_11 = vector.shape_cast %swap3A_10 : vector<1x2000x128xbf16> to vector<2000x128xbf16>
    %swap3A_12 = vector.shape_cast %slice3A : vector<2000x128xbf16> to vector<1x2000x128xbf16>
    tpu.vector_store %arg3[%swap3A, %swap3A_8, %swap3A_9], %swap3A_12 {strides = array<i32>} : memref<2x2000x128xbf16, #tpu.memory_space<vmem>>, vector<1x2000x128xbf16>,
    %slice3A_13 = vector.extract_strided_slice %convert_element_type3A {offsets = [0, 128], sizes = [2000, 128], strides = [1, 1]} : vector<2000x256xbf16> to vector<2000x128xbf16>
    %swap3A_14 = arith.constant 1 : index
    %swap3A_15 = arith.constant 0 : index
    %swap3A_16 = arith.constant 0 : index
    %swap3A_17 = vector.load %arg3[%swap3A_14, %swap3A_15, %swap3A_16] : memref<2x2000x128xbf16, #tpu.memory_space<vmem>>, vector<1x2000x128xbf16>
    %swap3A_18 = vector.shape_cast %swap3A_17 : vector<1x2000x128xbf16> to vector<2000x128xbf16>
    %swap3A_19 = vector.shape_cast %slice3A_13 : vector<2000x128xbf16> to vector<1x2000x128xbf16>
    tpu.vector_store %arg3[%swap3A_14, %swap3A_15, %swap3A_16], %swap3A_19 {strides = array<i32>} : memref<2x2000x128xbf16, #tpu.memory_space<vmem>>, vector<1x2000x128xbf16>,
    return
  }
  func.func @transform_0(%arg0: i32) -> (i32, i32) {
    %c0_i32 = arith.constant 0 : i32
    %c0_i32_0 = arith.constant 0 : i32
    return %arg0, %c0_i32 : i32, i32
  }
  func.func @transform_1(%arg0: i32) -> (i32, i32) {
    %c0_i32 = arith.constant 0 : i32
    %c0_i32_0 = arith.constant 0 : i32
    return %arg0, %c0_i32 : i32, i32
  }
  func.func @transform_2(%arg0: i32) -> (i32, i32, i32) {
    %c0_i32 = arith.constant 0 : i32
    %c0_i32_0 = arith.constant 0 : i32
    %c0_i32_1 = arith.constant 0 : i32
    return %c0_i32, %arg0, %c0_i32_0 : i32, i32, i32
  }
}

module attributes {stable_mosaic.version = 14 : i64} {
  func.func @_mm_body(%arg0: i32, %arg1: memref<2x2000x128xbf16, #tpu.memory_space<vmem>>, %arg2: memref<2x128x512xf32, #tpu.memory_space<vmem>>, %arg3: memref<1x512xf32, #tpu.memory_space<vmem>>, %arg4: memref<2000x8xf32, #tpu.memory_space<vmem>>, %arg5: memref<2000x8xf32, #tpu.memory_space<vmem>>, %arg6: memref<4x2000x128xbf16, #tpu.memory_space<vmem>>) attributes {dimension_semantics = [#tpu.dimension_semantics<arbitrary>], iteration_bounds = array<i64: 5>, scalar_prefetch = 0 : i64, scratch_operands = 0 : i64, tpu.core_type = #tpu.core_type<tc>, window_params = [{transform_indices = @transform_0, window_bounds = array<i64: 2, 2000, 128>}, {pipeline_mode = #tpu.pipeline_mode<synchronous>, transform_indices = @transform_1, window_bounds = array<i64: 2, 128, 512>}, {pipeline_mode = #tpu.pipeline_mode<synchronous>, transform_indices = @transform_2, window_bounds = array<i64: 1, 512>}, {transform_indices = @transform_3, window_bounds = array<i64: 2000, 8>}, {transform_indices = @transform_4, window_bounds = array<i64: 2000, 8>}, {transform_indices = @transform_5, window_bounds = array<i64: 4, 2000, 128>}]} {
    %get3A = arith.constant 0 : index
    %get3A_0 = arith.constant 0 : index
    %get3A_1 = arith.constant 0 : index
    %get3A_2 = vector.load %arg1[%get3A, %get3A_0, %get3A_1] : memref<2x2000x128xbf16, #tpu.memory_space<vmem>>, vector<1x2000x128xbf16>
    %get3A_3 = vector.shape_cast %get3A_2 : vector<1x2000x128xbf16> to vector<2000x128xbf16>
    %get3A_4 = arith.constant 0 : index
    %get3A_5 = arith.constant 0 : index
    %get3A_6 = arith.constant 0 : index
    %get3A_7 = vector.load %arg2[%get3A_4, %get3A_5, %get3A_6] : memref<2x128x512xf32, #tpu.memory_space<vmem>>, vector<1x128x512xf32>
    %get3A_8 = vector.shape_cast %get3A_7 : vector<1x128x512xf32> to vector<128x512xf32>
    %dot_general3A = arith.constant dense<0.000000e+00> : vector<2000x512xf32>
    %dot_general3A_9 = tpu.matmul %get3A_3, %get3A_8, %dot_general3A {dimension_numbers = #tpu.dot_dimension_numbers<[1], [0], [0], [1], [0, 0, 1, 1], [], []>, transpose_lhs_hint = false} : vector<2000x128xbf16>, vector<128x512xf32>, vector<2000x512xf32> -> vector<2000x512xf32>
    %get3A_10 = arith.constant 1 : index
    %get3A_11 = arith.constant 0 : index
    %get3A_12 = arith.constant 0 : index
    %get3A_13 = vector.load %arg1[%get3A_10, %get3A_11, %get3A_12] : memref<2x2000x128xbf16, #tpu.memory_space<vmem>>, vector<1x2000x128xbf16>
    %get3A_14 = vector.shape_cast %get3A_13 : vector<1x2000x128xbf16> to vector<2000x128xbf16>
    %get3A_15 = arith.constant 1 : index
    %get3A_16 = arith.constant 0 : index
    %get3A_17 = arith.constant 0 : index
    %get3A_18 = vector.load %arg2[%get3A_15, %get3A_16, %get3A_17] : memref<2x128x512xf32, #tpu.memory_space<vmem>>, vector<1x128x512xf32>
    %get3A_19 = vector.shape_cast %get3A_18 : vector<1x128x512xf32> to vector<128x512xf32>
    %dot_general3A_20 = arith.constant dense<0.000000e+00> : vector<2000x512xf32>
    %dot_general3A_21 = tpu.matmul %get3A_14, %get3A_19, %dot_general3A_20 {dimension_numbers = #tpu.dot_dimension_numbers<[1], [0], [0], [1], [0, 0, 1, 1], [], []>, transpose_lhs_hint = false} : vector<2000x128xbf16>, vector<128x512xf32>, vector<2000x512xf32> -> vector<2000x512xf32>
    %add3A = arith.addf %dot_general3A_9, %dot_general3A_21 : vector<2000x512xf32>
    %get3A_22 = arith.constant 0 : index
    %get3A_23 = arith.constant 0 : index
    %get3A_24 = vector.load %arg4[%get3A_22, %get3A_23] : memref<2000x8xf32, #tpu.memory_space<vmem>>, vector<2000x1xf32>
    %max3A = arith.constant 1.000000e+00 : f32
    %max3A_25 = vector.broadcast %max3A : f32 to vector<2000x1xf32>
    %max3A_26 = arith.maximumf %get3A_24, %max3A_25 : vector<2000x1xf32>
    %rsqrt3A = math.rsqrt %max3A_26 : vector<2000x1xf32>
    %mul3A = vector.broadcast %rsqrt3A : vector<2000x1xf32> to vector<2000x512xf32>
    %mul3A_27 = arith.mulf %add3A, %mul3A : vector<2000x512xf32>
    %get3A_28 = arith.constant 0 : index
    %get3A_29 = arith.constant 0 : index
    %get3A_30 = vector.load %arg3[%get3A_28, %get3A_29] : memref<1x512xf32, #tpu.memory_space<vmem>>, vector<1x512xf32>
    %get3A_31 = vector.shape_cast %get3A_30 : vector<1x512xf32> to vector<512xf32>
    %broadcast_in_dim3A = vector.shape_cast %get3A_31 : vector<512xf32> to vector<1x512xf32>
    %add3A_32 = vector.broadcast %broadcast_in_dim3A : vector<1x512xf32> to vector<2000x512xf32>
    %add3A_33 = arith.addf %mul3A_27, %add3A_32 : vector<2000x512xf32>
    %max3A_34 = arith.constant 0.000000e+00 : f32
    %max3A_35 = vector.broadcast %max3A_34 : f32 to vector<2000x512xf32>
    %max3A_36 = arith.maximumf %add3A_33, %max3A_35 : vector<2000x512xf32>
    %get3A_37 = arith.constant 0 : index
    %get3A_38 = arith.constant 0 : index
    %get3A_39 = vector.load %arg5[%get3A_37, %get3A_38] : memref<2000x8xf32, #tpu.memory_space<vmem>>, vector<2000x1xf32>
    %max3A_40 = arith.constant 1.000000e+00 : f32
    %max3A_41 = vector.broadcast %max3A_40 : f32 to vector<2000x1xf32>
    %max3A_42 = arith.maximumf %get3A_39, %max3A_41 : vector<2000x1xf32>
    %rsqrt3A_43 = math.rsqrt %max3A_42 : vector<2000x1xf32>
    %mul3A_44 = vector.broadcast %rsqrt3A_43 : vector<2000x1xf32> to vector<2000x512xf32>
    %mul3A_45 = arith.mulf %max3A_36, %mul3A_44 : vector<2000x512xf32>
    %convert_element_type3A = arith.truncf %mul3A_45 : vector<2000x512xf32> to vector<2000x512xbf16>
    %slice3A = vector.extract_strided_slice %convert_element_type3A {offsets = [0, 0], sizes = [2000, 128], strides = [1, 1]} : vector<2000x512xbf16> to vector<2000x128xbf16>
    %swap3A = arith.constant 0 : index
    %swap3A_46 = arith.constant 0 : index
    %swap3A_47 = arith.constant 0 : index
    %swap3A_48 = vector.load %arg6[%swap3A, %swap3A_46, %swap3A_47] : memref<4x2000x128xbf16, #tpu.memory_space<vmem>>, vector<1x2000x128xbf16>
    %swap3A_49 = vector.shape_cast %swap3A_48 : vector<1x2000x128xbf16> to vector<2000x128xbf16>
    %swap3A_50 = vector.shape_cast %slice3A : vector<2000x128xbf16> to vector<1x2000x128xbf16>
    tpu.vector_store %arg6[%swap3A, %swap3A_46, %swap3A_47], %swap3A_50 {strides = array<i32>} : memref<4x2000x128xbf16, #tpu.memory_space<vmem>>, vector<1x2000x128xbf16>,
    %slice3A_51 = vector.extract_strided_slice %convert_element_type3A {offsets = [0, 128], sizes = [2000, 128], strides = [1, 1]} : vector<2000x512xbf16> to vector<2000x128xbf16>
    %swap3A_52 = arith.constant 1 : index
    %swap3A_53 = arith.constant 0 : index
    %swap3A_54 = arith.constant 0 : index
    %swap3A_55 = vector.load %arg6[%swap3A_52, %swap3A_53, %swap3A_54] : memref<4x2000x128xbf16, #tpu.memory_space<vmem>>, vector<1x2000x128xbf16>
    %swap3A_56 = vector.shape_cast %swap3A_55 : vector<1x2000x128xbf16> to vector<2000x128xbf16>
    %swap3A_57 = vector.shape_cast %slice3A_51 : vector<2000x128xbf16> to vector<1x2000x128xbf16>
    tpu.vector_store %arg6[%swap3A_52, %swap3A_53, %swap3A_54], %swap3A_57 {strides = array<i32>} : memref<4x2000x128xbf16, #tpu.memory_space<vmem>>, vector<1x2000x128xbf16>,
    %slice3A_58 = vector.extract_strided_slice %convert_element_type3A {offsets = [0, 256], sizes = [2000, 128], strides = [1, 1]} : vector<2000x512xbf16> to vector<2000x128xbf16>
    %swap3A_59 = arith.constant 2 : index
    %swap3A_60 = arith.constant 0 : index
    %swap3A_61 = arith.constant 0 : index
    %swap3A_62 = vector.load %arg6[%swap3A_59, %swap3A_60, %swap3A_61] : memref<4x2000x128xbf16, #tpu.memory_space<vmem>>, vector<1x2000x128xbf16>
    %swap3A_63 = vector.shape_cast %swap3A_62 : vector<1x2000x128xbf16> to vector<2000x128xbf16>
    %swap3A_64 = vector.shape_cast %slice3A_58 : vector<2000x128xbf16> to vector<1x2000x128xbf16>
    tpu.vector_store %arg6[%swap3A_59, %swap3A_60, %swap3A_61], %swap3A_64 {strides = array<i32>} : memref<4x2000x128xbf16, #tpu.memory_space<vmem>>, vector<1x2000x128xbf16>,
    %slice3A_65 = vector.extract_strided_slice %convert_element_type3A {offsets = [0, 384], sizes = [2000, 128], strides = [1, 1]} : vector<2000x512xbf16> to vector<2000x128xbf16>
    %swap3A_66 = arith.constant 3 : index
    %swap3A_67 = arith.constant 0 : index
    %swap3A_68 = arith.constant 0 : index
    %swap3A_69 = vector.load %arg6[%swap3A_66, %swap3A_67, %swap3A_68] : memref<4x2000x128xbf16, #tpu.memory_space<vmem>>, vector<1x2000x128xbf16>
    %swap3A_70 = vector.shape_cast %swap3A_69 : vector<1x2000x128xbf16> to vector<2000x128xbf16>
    %swap3A_71 = vector.shape_cast %slice3A_65 : vector<2000x128xbf16> to vector<1x2000x128xbf16>
    tpu.vector_store %arg6[%swap3A_66, %swap3A_67, %swap3A_68], %swap3A_71 {strides = array<i32>} : memref<4x2000x128xbf16, #tpu.memory_space<vmem>>, vector<1x2000x128xbf16>,
    return
  }
  func.func @transform_0(%arg0: i32) -> (i32, i32, i32) {
    %c0_i32 = arith.constant 0 : i32
    %c0_i32_0 = arith.constant 0 : i32
    %c0_i32_1 = arith.constant 0 : i32
    return %c0_i32, %arg0, %c0_i32_0 : i32, i32, i32
  }
  func.func @transform_1(%arg0: i32) -> (i32, i32, i32) {
    %c0_i32 = arith.constant 0 : i32
    %c0_i32_0 = arith.constant 0 : i32
    %c0_i32_1 = arith.constant 0 : i32
    %c0_i32_2 = arith.constant 0 : i32
    return %c0_i32, %c0_i32_0, %c0_i32_1 : i32, i32, i32
  }
  func.func @transform_2(%arg0: i32) -> (i32, i32) {
    %c0_i32 = arith.constant 0 : i32
    %c0_i32_0 = arith.constant 0 : i32
    %c0_i32_1 = arith.constant 0 : i32
    return %c0_i32, %c0_i32_0 : i32, i32
  }
  func.func @transform_3(%arg0: i32) -> (i32, i32) {
    %c0_i32 = arith.constant 0 : i32
    %c0_i32_0 = arith.constant 0 : i32
    return %arg0, %c0_i32 : i32, i32
  }
  func.func @transform_4(%arg0: i32) -> (i32, i32) {
    %c0_i32 = arith.constant 0 : i32
    %c0_i32_0 = arith.constant 0 : i32
    return %arg0, %c0_i32 : i32, i32
  }
  func.func @transform_5(%arg0: i32) -> (i32, i32, i32) {
    %c0_i32 = arith.constant 0 : i32
    %c0_i32_0 = arith.constant 0 : i32
    %c0_i32_1 = arith.constant 0 : i32
    return %c0_i32, %arg0, %c0_i32_0 : i32, i32, i32
  }
}

module attributes {stable_mosaic.version = 14 : i64} {
  func.func @_mm_body(%arg0: i32, %arg1: memref<4x2000x128xbf16, #tpu.memory_space<vmem>>, %arg2: memref<4x128x512xf32, #tpu.memory_space<vmem>>, %arg3: memref<1x512xf32, #tpu.memory_space<vmem>>, %arg4: memref<2000x8xf32, #tpu.memory_space<vmem>>, %arg5: memref<2000x8xf32, #tpu.memory_space<vmem>>, %arg6: memref<2000x512xf32, #tpu.memory_space<vmem>>) attributes {dimension_semantics = [#tpu.dimension_semantics<arbitrary>], iteration_bounds = array<i64: 5>, scalar_prefetch = 0 : i64, scratch_operands = 0 : i64, tpu.core_type = #tpu.core_type<tc>, window_params = [{transform_indices = @transform_0, window_bounds = array<i64: 4, 2000, 128>}, {pipeline_mode = #tpu.pipeline_mode<synchronous>, transform_indices = @transform_1, window_bounds = array<i64: 4, 128, 512>}, {pipeline_mode = #tpu.pipeline_mode<synchronous>, transform_indices = @transform_2, window_bounds = array<i64: 1, 512>}, {transform_indices = @transform_3, window_bounds = array<i64: 2000, 8>}, {transform_indices = @transform_4, window_bounds = array<i64: 2000, 8>}, {transform_indices = @transform_5, window_bounds = array<i64: 2000, 512>}]} {
    %get3A = arith.constant 0 : index
    %get3A_0 = arith.constant 0 : index
    %get3A_1 = arith.constant 0 : index
    %get3A_2 = vector.load %arg1[%get3A, %get3A_0, %get3A_1] : memref<4x2000x128xbf16, #tpu.memory_space<vmem>>, vector<1x2000x128xbf16>
    %get3A_3 = vector.shape_cast %get3A_2 : vector<1x2000x128xbf16> to vector<2000x128xbf16>
    %get3A_4 = arith.constant 0 : index
    %get3A_5 = arith.constant 0 : index
    %get3A_6 = arith.constant 0 : index
    %get3A_7 = vector.load %arg2[%get3A_4, %get3A_5, %get3A_6] : memref<4x128x512xf32, #tpu.memory_space<vmem>>, vector<1x128x512xf32>
    %get3A_8 = vector.shape_cast %get3A_7 : vector<1x128x512xf32> to vector<128x512xf32>
    %dot_general3A = arith.constant dense<0.000000e+00> : vector<2000x512xf32>
    %dot_general3A_9 = tpu.matmul %get3A_3, %get3A_8, %dot_general3A {dimension_numbers = #tpu.dot_dimension_numbers<[1], [0], [0], [1], [0, 0, 1, 1], [], []>, transpose_lhs_hint = false} : vector<2000x128xbf16>, vector<128x512xf32>, vector<2000x512xf32> -> vector<2000x512xf32>
    %get3A_10 = arith.constant 1 : index
    %get3A_11 = arith.constant 0 : index
    %get3A_12 = arith.constant 0 : index
    %get3A_13 = vector.load %arg1[%get3A_10, %get3A_11, %get3A_12] : memref<4x2000x128xbf16, #tpu.memory_space<vmem>>, vector<1x2000x128xbf16>
    %get3A_14 = vector.shape_cast %get3A_13 : vector<1x2000x128xbf16> to vector<2000x128xbf16>
    %get3A_15 = arith.constant 1 : index
    %get3A_16 = arith.constant 0 : index
    %get3A_17 = arith.constant 0 : index
    %get3A_18 = vector.load %arg2[%get3A_15, %get3A_16, %get3A_17] : memref<4x128x512xf32, #tpu.memory_space<vmem>>, vector<1x128x512xf32>
    %get3A_19 = vector.shape_cast %get3A_18 : vector<1x128x512xf32> to vector<128x512xf32>
    %dot_general3A_20 = arith.constant dense<0.000000e+00> : vector<2000x512xf32>
    %dot_general3A_21 = tpu.matmul %get3A_14, %get3A_19, %dot_general3A_20 {dimension_numbers = #tpu.dot_dimension_numbers<[1], [0], [0], [1], [0, 0, 1, 1], [], []>, transpose_lhs_hint = false} : vector<2000x128xbf16>, vector<128x512xf32>, vector<2000x512xf32> -> vector<2000x512xf32>
    %add3A = arith.addf %dot_general3A_9, %dot_general3A_21 : vector<2000x512xf32>
    %get3A_22 = arith.constant 2 : index
    %get3A_23 = arith.constant 0 : index
    %get3A_24 = arith.constant 0 : index
    %get3A_25 = vector.load %arg1[%get3A_22, %get3A_23, %get3A_24] : memref<4x2000x128xbf16, #tpu.memory_space<vmem>>, vector<1x2000x128xbf16>
    %get3A_26 = vector.shape_cast %get3A_25 : vector<1x2000x128xbf16> to vector<2000x128xbf16>
    %get3A_27 = arith.constant 2 : index
    %get3A_28 = arith.constant 0 : index
    %get3A_29 = arith.constant 0 : index
    %get3A_30 = vector.load %arg2[%get3A_27, %get3A_28, %get3A_29] : memref<4x128x512xf32, #tpu.memory_space<vmem>>, vector<1x128x512xf32>
    %get3A_31 = vector.shape_cast %get3A_30 : vector<1x128x512xf32> to vector<128x512xf32>
    %dot_general3A_32 = arith.constant dense<0.000000e+00> : vector<2000x512xf32>
    %dot_general3A_33 = tpu.matmul %get3A_26, %get3A_31, %dot_general3A_32 {dimension_numbers = #tpu.dot_dimension_numbers<[1], [0], [0], [1], [0, 0, 1, 1], [], []>, transpose_lhs_hint = false} : vector<2000x128xbf16>, vector<128x512xf32>, vector<2000x512xf32> -> vector<2000x512xf32>
    %add3A_34 = arith.addf %add3A, %dot_general3A_33 : vector<2000x512xf32>
    %get3A_35 = arith.constant 3 : index
    %get3A_36 = arith.constant 0 : index
    %get3A_37 = arith.constant 0 : index
    %get3A_38 = vector.load %arg1[%get3A_35, %get3A_36, %get3A_37] : memref<4x2000x128xbf16, #tpu.memory_space<vmem>>, vector<1x2000x128xbf16>
    %get3A_39 = vector.shape_cast %get3A_38 : vector<1x2000x128xbf16> to vector<2000x128xbf16>
    %get3A_40 = arith.constant 3 : index
    %get3A_41 = arith.constant 0 : index
    %get3A_42 = arith.constant 0 : index
    %get3A_43 = vector.load %arg2[%get3A_40, %get3A_41, %get3A_42] : memref<4x128x512xf32, #tpu.memory_space<vmem>>, vector<1x128x512xf32>
    %get3A_44 = vector.shape_cast %get3A_43 : vector<1x128x512xf32> to vector<128x512xf32>
    %dot_general3A_45 = arith.constant dense<0.000000e+00> : vector<2000x512xf32>
    %dot_general3A_46 = tpu.matmul %get3A_39, %get3A_44, %dot_general3A_45 {dimension_numbers = #tpu.dot_dimension_numbers<[1], [0], [0], [1], [0, 0, 1, 1], [], []>, transpose_lhs_hint = false} : vector<2000x128xbf16>, vector<128x512xf32>, vector<2000x512xf32> -> vector<2000x512xf32>
    %add3A_47 = arith.addf %add3A_34, %dot_general3A_46 : vector<2000x512xf32>
    %get3A_48 = arith.constant 0 : index
    %get3A_49 = arith.constant 0 : index
    %get3A_50 = vector.load %arg4[%get3A_48, %get3A_49] : memref<2000x8xf32, #tpu.memory_space<vmem>>, vector<2000x1xf32>
    %max3A = arith.constant 1.000000e+00 : f32
    %max3A_51 = vector.broadcast %max3A : f32 to vector<2000x1xf32>
    %max3A_52 = arith.maximumf %get3A_50, %max3A_51 : vector<2000x1xf32>
    %rsqrt3A = math.rsqrt %max3A_52 : vector<2000x1xf32>
    %mul3A = vector.broadcast %rsqrt3A : vector<2000x1xf32> to vector<2000x512xf32>
    %mul3A_53 = arith.mulf %add3A_47, %mul3A : vector<2000x512xf32>
    %get3A_54 = arith.constant 0 : index
    %get3A_55 = arith.constant 0 : index
    %get3A_56 = vector.load %arg3[%get3A_54, %get3A_55] : memref<1x512xf32, #tpu.memory_space<vmem>>, vector<1x512xf32>
    %get3A_57 = vector.shape_cast %get3A_56 : vector<1x512xf32> to vector<512xf32>
    %broadcast_in_dim3A = vector.shape_cast %get3A_57 : vector<512xf32> to vector<1x512xf32>
    %add3A_58 = vector.broadcast %broadcast_in_dim3A : vector<1x512xf32> to vector<2000x512xf32>
    %add3A_59 = arith.addf %mul3A_53, %add3A_58 : vector<2000x512xf32>
    %max3A_60 = arith.constant 0.000000e+00 : f32
    %max3A_61 = vector.broadcast %max3A_60 : f32 to vector<2000x512xf32>
    %max3A_62 = arith.maximumf %add3A_59, %max3A_61 : vector<2000x512xf32>
    %swap3A = arith.constant 0 : index
    %swap3A_63 = arith.constant 0 : index
    %swap3A_64 = vector.load %arg6[%swap3A, %swap3A_63] : memref<2000x512xf32, #tpu.memory_space<vmem>>, vector<2000x512xf32>
    tpu.vector_store %arg6[%swap3A, %swap3A_63], %max3A_62 {strides = array<i32>} : memref<2000x512xf32, #tpu.memory_space<vmem>>, vector<2000x512xf32>,
    return
  }
  func.func @transform_0(%arg0: i32) -> (i32, i32, i32) {
    %c0_i32 = arith.constant 0 : i32
    %c0_i32_0 = arith.constant 0 : i32
    %c0_i32_1 = arith.constant 0 : i32
    return %c0_i32, %arg0, %c0_i32_0 : i32, i32, i32
  }
  func.func @transform_1(%arg0: i32) -> (i32, i32, i32) {
    %c0_i32 = arith.constant 0 : i32
    %c0_i32_0 = arith.constant 0 : i32
    %c0_i32_1 = arith.constant 0 : i32
    %c0_i32_2 = arith.constant 0 : i32
    return %c0_i32, %c0_i32_0, %c0_i32_1 : i32, i32, i32
  }
  func.func @transform_2(%arg0: i32) -> (i32, i32) {
    %c0_i32 = arith.constant 0 : i32
    %c0_i32_0 = arith.constant 0 : i32
    %c0_i32_1 = arith.constant 0 : i32
    return %c0_i32, %c0_i32_0 : i32, i32
  }
  func.func @transform_3(%arg0: i32) -> (i32, i32) {
    %c0_i32 = arith.constant 0 : i32
    %c0_i32_0 = arith.constant 0 : i32
    return %arg0, %c0_i32 : i32, i32
  }
  func.func @transform_4(%arg0: i32) -> (i32, i32) {
    %c0_i32 = arith.constant 0 : i32
    %c0_i32_0 = arith.constant 0 : i32
    return %arg0, %c0_i32 : i32, i32
  }
  func.func @transform_5(%arg0: i32) -> (i32, i32) {
    %c0_i32 = arith.constant 0 : i32
    %c0_i32_0 = arith.constant 0 : i32
    return %arg0, %c0_i32 : i32, i32
  }
}

</mosaic_0001>

<sc_bundles>
// kernel: kernel.11.cloned.1.call-start
scs
__scs_entry_jumppad:
0x0: {  	(pc) =	sbr.rel $0x88, $3  }
0x1: {  	(tag) =	ssettag $0x0;
	lr =	simm.s32 $0x1  }
0x2: {  	[smem:$0x3F9B] =	sst lr;
	_ =	strace $0xD0000000  }
0x3: {  	_ = 	snop  }
0x4: {  	_ = 	snop  }
0x5: {  	_ = 	snop  }
0x6: {  	_ = 	snop  }
0x7: {  	_ = 	snop  }
__scs_overlays_trampoline_lowered:
0x8: {  	[smem:$0x3FAA] =	sst s0  }
0x9: {  	[smem:$0x3FAB] =	sst s1  }
0xa: {  	[smem:$0x3FAC] =	sst s2  }
0xb: {  	[smem:$0x3FAD] =	sst s3  }
0xc: {  	[smem:$0x3FAE] =	sst s4  }
0xd: {  	[smem:$0x3FAF] =	sst s5  }
0xe: {  	[smem:$0x3FB0] =	sst s6  }
0xf: {  	[smem:$0x3FB1] =	sst s7  }
0x10: {  	[smem:$0x3FB2] =	sst s8  }
0x11: {  	[smem:$0x3FB3] =	sst s9;
	s0 =	simm.s32 @!p0 $0x0  }
0x12: {  	s1 =	sld [smem:$0x3F99];
	s0 =	simm.s32 @p0 $0x1  }
0x13: {  	[smem:$0x3FB4] =	sst s0;
	s0 =	simm.s32 @!p1 $0x0  }
0x14: {  	s2 =	sld [smem:$0x3F98];
	s0 =	simm.s32 @p1 $0x1  }
0x15: {  	[smem:$0x3FB5] =	sst s0;
	s0 =	simm.s32 @!p2 $0x0  }
0x16: {  	s3 =	sld [smem:$0x3FDB];
	s0 =	simm.s32 @p2 $0x1  }
0x17: {  	s4 =	simm.s32 $0x1BF5;
	[smem:$0x3FB7] =	sst s0  }
0x18: {  	s0 =	sld [smem:$0x3F9A];
	_ =	swait.ge [sflag:s4], $0x0  }
0x19: {  	s7 =	sld [smem:$0x3F9B]  }
0x1a: {  	s8 =	sadd.s32 $0xFFFFE003, lr  }
0x1b: {  	s9 =	sadd.s32 $0xFFFFFEF7, lr;
	s5 =	simm.s32 $0xFFFFFFFF;
	p2 =	slt.u32 s8, $0xFFFFF086  }
0x1c: {  	p1 =	slt.u32 s9, $0xF7A;
	s5 =	simm.s32 @!p2 $0x0  }
0x1d: {  	s5 =	simm.s32 @p1 $0x1;
	p0 =	seq.s32 s7, s2  }
0x1e: {  	s7 =	smul.u32 @!p0 $0xF7A, s2;
	p2 =	seq.s32 @!p0 s5, $0x0  }
0x1f: {  	s9 =	smul.u32 $0xF7A, s1;
	s8 =	simm.s32 @!p0 $0x1BF5;
	p2 =	por !p2, p0  }
0x20: {  	[sflag:s8] =	ssyncset.s32 @!p0 $0xFFFFF086;
	s6 =	sadd.s32 @!p0 s3, s7;
	s7 =	simm.s32 @!p0 $0x108  }
0x21: {  	s3 =	sadd.s32 s3, s9;
	s6 =	sadd.s32 @!p0 $0x88, s6;
	s7 =	simm.s32 @p2 $0x1082  }
0x22: {  	[simem:s7], [sflag:s8] =	dma.local @!p0 [hbm:s6], $0xF7A  }
0x23: {  	s9 =	sor.u32 $0xD0000000, s2;
	s6 =	simm.s32 $0x108;
	_ =	swait.ge @!p0 [sflag:s8], $0x0  }
0x24: {  	s3 =	sadd.s32 $0x88, s3;
	s6 =	simm.s32 @!p1 $0x1082;
	[sflag:s4] =	ssyncset.s32 $0xFFFFF086  }
0x25: {  	[simem:s6], [sflag:s4] =	dma.local [hbm:s3], $0xF7A  }
0x26: {  	[smem:$0x3F9B] =	sst s1;
	(tag) =	ssettag s2;
	_ =	strace s9  }
0x27: {  	s1 =	sld [smem:$0x3FAB]  }
0x28: {  	s2 =	sld [smem:$0x3FAC]  }
0x29: {  	s4 =	sld [smem:$0x3FAE]  }
0x2a: {  	p0 =	seq.s32 s5, $0x0;
	s5 =	sld [smem:$0x3FAF]  }
0x2b: {  	s6 =	sld [smem:$0x3FB0]  }
0x2c: {  	s7 =	sld [smem:$0x3FB1]  }
0x2d: {  	s3 =	simm.s32 $0x108;
	s8 =	sld [smem:$0x3FB2]  }
0x2e: {  	s3 =	simm.s32 @!p0 $0x1082;
	s9 =	sld [smem:$0x3FB3]  }
0x2f: {  	lr =	sadd.s32 s0, s3;
	s0 =	sld [smem:$0x3FAA]  }
0x30: {  	s3 =	sld [smem:$0x3FAD]  }
0x31: {  	[smem:$0x3FB6] =	sst s10  }
0x32: {  	s10 =	sld [smem:$0x3FB4];
	_ =	sdelay $0x3  }
0x33: {  	p0 =	seq.s32 s10, $0x1;
	s10 =	sld [smem:$0x3FB6];
	_ =	sdelay $0x3  }
0x34: {  	[smem:$0x3FB6] =	sst s10  }
0x35: {  	s10 =	sld [smem:$0x3FB5];
	_ =	sdelay $0x3  }
0x36: {  	p1 =	seq.s32 s10, $0x1;
	s10 =	sld [smem:$0x3FB6];
	_ =	sdelay $0x3  }
0x37: {  	[smem:$0x3FB6] =	sst s10  }
0x38: {  	s10 =	sld [smem:$0x3FB7]  }
0x39: {  	_ = 	snop;
	(pc) =	sbr.ind lr, $3  }
0x3a: {  	_ = 	snop  }
0x3b: {  	_ = 	snop  }
0x3c: {  	p2 =	seq.s32 s10, $0x1;
	s10 =	sld [smem:$0x3FB6]  }
0x3d: {  	_ =	shalt  }
0x3e: {  	_ =	shalt  }
0x3f: {  	_ =	shalt  }
0x40: {  	_ =	shalt  }
0x41: {  	_ =	shalt  }
0x42: {  	_ =	shalt  }
0x43: {  	_ =	shalt  }
0x44: {  	_ =	shalt  }
0x45: {  	_ =	shalt  }
0x46: {  	_ =	shalt  }
0x47: {  	_ =	shalt  }
0x48: {  	_ =	shalt  }
0x49: {  	_ =	shalt  }
0x4a: {  	_ =	shalt  }
0x4b: {  	_ =	shalt  }
0x4c: {  	_ =	shalt  }
0x4d: {  	_ =	shalt  }
0x4e: {  	_ =	shalt  }
0x4f: {  	_ =	shalt  }
0x50: {  	_ =	shalt  }
0x51: {  	_ =	shalt  }
0x52: {  	_ =	shalt  }
0x53: {  	_ =	shalt  }
0x54: {  	_ =	shalt  }
0x55: {  	_ =	shalt  }
0x56: {  	_ =	shalt  }
0x57: {  	_ =	shalt  }
0x58: {  	_ =	shalt  }
0x59: {  	_ =	shalt  }
0x5a: {  	_ =	shalt  }
0x5b: {  	_ =	shalt  }
0x5c: {  	_ =	shalt  }
0x5d: {  	_ =	shalt  }
0x5e: {  	_ =	shalt  }
0x5f: {  	_ =	shalt  }
0x60: {  	_ =	shalt  }
0x61: {  	_ =	shalt  }
0x62: {  	_ =	shalt  }
0x63: {  	_ =	shalt  }
0x64: {  	_ =	shalt  }
0x65: {  	_ =	shalt  }
0x66: {  	_ =	shalt  }
0x67: {  	_ =	shalt  }
0x68: {  	_ =	shalt  }
0x69: {  	_ =	shalt  }
0x6a: {  	_ =	shalt  }
0x6b: {  	_ =	shalt  }
0x6c: {  	_ =	shalt  }
0x6d: {  	_ =	shalt  }
0x6e: {  	_ =	shalt  }
0x6f: {  	_ =	shalt  }
0x70: {  	_ =	shalt  }
0x71: {  	_ =	shalt  }
0x72: {  	_ =	shalt  }
0x73: {  	_ =	shalt  }
0x74: {  	_ =	shalt  }
0x75: {  	_ =	shalt  }
0x76: {  	_ =	shalt  }
0x77: {  	_ =	shalt  }
0x78: {  	_ =	shalt  }
0x79: {  	_ =	shalt  }
0x7a: {  	_ =	shalt  }
0x7b: {  	_ =	shalt  }
0x7c: {  	_ =	shalt  }
0x7d: {  	_ =	shalt  }
0x7e: {  	_ =	shalt  }
0x7f: {  	_ =	shalt  }
0x80: {  	_ =	shalt  }
0x81: {  	_ =	shalt  }
0x82: {  	_ =	shalt  }
0x83: {  	_ =	shalt  }
0x84: {  	_ =	shalt  }
0x85: {  	_ =	shalt  }
0x86: {  	_ =	shalt  }
0x87: {  	_ =	shalt  }
.Lfunc_end0:
.L_simem_size_0:
called_computation.1_lowered:
.L_overlay_start_0:
0x88: {  	s2 =	sld [smem:$0x3FD9]  }
0x89: {  	s3 =	sld [smem:$0x3FFE];
	_ =	sdelay $0x1  }
0x8a: {  	s1 =	srdreg.scid  }
0x8b: {  	s0 =	sand.u32 $0x1, s1  }
0x8c: {  	s17 =	sshll.u32 s0, $0xA;
	s2 =	sadd.s32 s3, s2  }
0x8d: {  	s2 =	sadd.s32 s2, s17  }
0x8e: {  	[smem:$0x3FC2] =	sst s2  }
0x8f: {  	_ = 	snop  }
0x90: {  	s2 =	sld [smem:$0x3FD0];
	(tm) =	ssettm $0x1  }
0x91: {  	s18 =	sld [smem:$0x3FFB];
	_ =	sdelay $0x3  }
0x92: {  	_ =	strace s18  }
0x93: {  	s3 =	sld [smem:$0x3FFC];
	_ =	sdelay $0x3  }
0x94: {  	_ =	strace s3  }
0x95: {  	s3 =	sld [smem:$0x3FFD];
	_ =	sdelay $0x3  }
0x96: {  	_ =	strace s3  }
0x97: {  	_ =	strace $0x8FFFFFFF  }
0x98: {  	s19 =	sld [smem:$0x3FDB];
	_ =	sdelay $0x1  }
0x99: {  	s4 =	simm.s32 $_scs_section_size  }
0x9a: {  	s5 =	simm.s32 $_size__tile_overlayer_lowered;
	s6 =	simm.s32 $_tile_overlayer_lowered  }
0x9b: {  	s22 =	simm.s32 $0x1BFF;
	s21 =	sshll.u32 s6, $0x1;
	s3 =	sadd.s32 s4, s19  }
0x9c: {  	s7 =	simm.s32 $0x0;
	s20 =	sshll.u32 s5, $0x1;
	s5 =	sadd.s32 s21, s3  }
0x9d: {  	[timem:s7], [sflag:s22] =	dma.local [hbm:s5], s20  }
0x9e: {  	_ =	swait.ge [sflag:s22], s20  }
0x9f: {  	s4 =	ssub.s32 $0x0, s20;
	[sflag:s22] =	ssyncset.done $0x0  }
0xa0: {  	[sflag:s22] =	ssyncadd.s32 s4;
	_ =	sdelay $0x1  }
0xa1: {  	s23 =	simm.s32 $0x1B8B  }
0xa2: {  	_ =	swait.ge [sflag:s23], $0x1  }
0xa3: {  	[sflag:s23] =	ssyncset.done $0x0  }
0xa4: {  	s25 =	simm.s32 $0x1B8E;
	s24 =	sld [smem:$0x3FFE];
	[sflag:s23] =	ssyncadd.s32 $0xFFFFFFFF  }
0xa5: {  	s26 =	simm.s32 $execute0_lowered;
	[smem:$0x3FD2] =	sst s25  }
0xa6: {  	s5 =	sshll.u32 s26, $0x1;
	_ =	strace $0x80000049;
	[dreg:$0x1] =	wrdreg $0xFFFFFFFF  }
0xa7: {  	s28 =	simm.s32 $_size_execute0_lowered;
	s3 =	sadd.s32 s3, s5;
	[dreg:$0x0] =	wrdreg $0x0  }
0xa8: {  	s5 =	sshll.u32 s28, $0x1;
	[dreg:$0x2] =	wrdreg s3  }
0xa9: {  	[dreg:$0x3] =	wrdreg s5  }
0xaa: {  	[dreg:$0x4] =	wrdreg $0xC0  }
0xab: {  	_ =	task [dreg:s7], $0x5FFFF  }
0xac: {  	[dreg:$0x1] =	wrdreg $0xFFFFFFFF  }
0xad: {  	[dreg:$0x0] =	wrdreg $0x60  }
0xae: {  	[dreg:$0x2] =	wrdreg s2  }
0xaf: {  	[dreg:$0x3] =	wrdreg s24  }
0xb0: {  	[dreg:$0x4] =	wrdreg $0x14A000  }
0xb1: {  	[dreg:$0x5] =	wrdreg $0x9  }
0xb2: {  	_ =	task.clear_ibuf [dreg:s7], $0x6FFFF;
	_ =	strace $0x90000049  }
0xb3: {  	s29 =	simm.s32 $0x9;
	_ =	strace $0x8000004B  }
0xb4: {  	_ =	swait.ge [sflag:s29], $0x1  }
0xb5: {  	[sflag:s29] =	ssyncadd.s32 $0xFFFFFFFF  }
0xb6: {  	_ =	strace $0x9000004B  }
0xb7: {  	_ =	sfence  }
0xb8: {  	s30 =	sld [smem:$0x0];
	_ =	sdelay $0x2  }
0xb9: {  	s31 =	sshll.u32 s1, $0xD;
	s1 =	sshrl.u32 s1, $0x2  }
0xba: {  	s3 =	sand.u32 $0x4000, s31;
	s1 =	sadd.s32 s1, s30  }
0xbb: {  	s0 =	sor.u32 s3, s0;
	s1 =	sshll.u32 s1, $0x11  }
0xbc: {  	s0 =	sor.u32 s1, s0  }
0xbd: {  	s0 =	sadd.s32 $0x8F2B, s0  }
0xbe: {  	[sflag:s0] =	ssyncadd.remote.s32 $0x1  }
0xbf: {  	_ =	sfence.sel $0xFFFF  }
0xc0: {  	[dreg:$0x0] =	wrdreg $0xFFFFFFFF;
	(pc) =	sbr.abs _section_cstart, $3  }
0xc1: {  	[dreg:$0x1] =	wrdreg $0xFFFFFFFF  }
0xc2: {  	_ =	task.clear_ibuf [dreg:s7], $0x2FFFF;
	_ =	strace $0x9FFFFFFF  }
0xc3: {  	(tm) =	ssettm $0x7FFFFFFF  }
tec
execute0_lowered:
.L_overlay_start_1:
0x0: {  	(tag) =	ssettag $0x1  }
0x1: {  	s0 =	rddreg [dreg:$0x0]  }
0x2: {  	s1 =	rddreg [dreg:$0x1]  }
0x3: {  	s2 =	rddreg [dreg:$0x2]  }
0x4: {  	s8 =	stileid.u32;
	s3 =	srdreg.scid;
	s5 =	simm.s32 $0x0  }
0x5: {  	s10 =	simm.s32 $0x11;
	s13 =	simm.s32 $0x7D;
	s14 =	simm.s32 $0x5000  }
0x6: {  	s16 =	simm.s32 $0x6F40;
	s28 =	simm.s32 $0x10B80;
	s29 =	simm.s32 $0x1  }
0x7: {  	s30 =	simm.s32 $0x12AC0;
	s31 =	simm.s32 $0x2;
	s4 =	smul.u32 $0x500, s8  }
0x8: {  	s3 =	sand.u32 $0x1, s3;
	[smem:$0x7FF] =	sst s5;
	s6 =	smul.u32 $0x14000, s8  }
0x9: {  	s7 =	sadd.s32 $0x7200, s1;
	s26 =	sshll.u32 s8, $0x6;
	s20 =	smul.u32 $0x14000, s3  }
0xa: {  	_ =	strace $0x8000004A;
	s3 =	ssub.s32 $0x2, s3;
	[dreg:$0x4] =	wrdreg s7  }
0xb: {  	s11 =	sor.u32 $0x1C11, s26;
	s26 =	simm.s32 $0x10;
	s4 =	sadd.s32 s4, s1  }
0xc: {  	s21 =	sshrl.u32 s3, $0x1;
	s22 =	sshrl.u32 s6, $0x1;
	s25 =	sshrl.u32 s6, $0x4  }
0xd: {  	s1 =	sadd.s32 s20, s1;
	s3 =	ssub.s32 s3, s21;
	s9 =	sadd.s32 $0x8600, s4  }
0xe: {  	s4 =	sadd.s32 $0xD600, s4;
	s23 =	sadd.s32 s22, s2;
	s7 =	sadd.s32 s0, s20  }
0xf: {  	s20 =	simm.s32 $0xADC0;
	s21 =	simm.s32 $0xD;
	[dreg:$0x5] =	wrdreg s9  }
.Ltmp0:
0x10: {  	s22 =	simm.s32 $0xE;
	[dreg:$0x6] =	wrdreg s4;
	(pc) =	sbr.rel .LBB2_1-.Ltmp0, $4  }
0x11: {  	s24 =	sadd.s32 $0x12600, s1;
	s3 =	smax.u32 s3, $0x1;
	s12 =	sshrl.u32 s23, $0x3  }
0x12: {  	s1 =	simm.s32 $0x6;
	s9 =	simm.s32 $0x8;
	s23 =	simm.s32 $0xF  }
0x13: {  	s4 =	simm.s32 $0x0;
	[dreg:$0x7] =	wrdreg s3;
	s0 =	sadd.s32 s25, s24  }
0x14: {  	s25 =	simm.s32 $0xEC40;
	[dreg:$0x8] =	wrdreg s0;
	s0 =	simm.s32 $0x4  }
.LBB2_4:
0x15: {  	s3 =	simm.s32 $0x9  }
0x16: {  	_ =	swait.ge [sflag:s3], $0x1F40  }
0x17: {  	[sflag:s3] =	ssyncset.done $0x0  }
0x18: {  	s15 =	simm.s32 $0xA;
	[sflag:s3] =	ssyncadd.s32 $0xFFFFE0C0  }
0x19: {  	_ =	swait.ge [sflag:s15], $0x1F40  }
0x1a: {  	[sflag:s15] =	ssyncset.done $0x0  }
0x1b: {  	s17 =	simm.s32 $0xB;
	[sflag:s15] =	ssyncadd.s32 $0xFFFFE0C0  }
0x1c: {  	_ =	swait.ge [sflag:s17], $0x1F40  }
0x1d: {  	[sflag:s17] =	ssyncset.done $0x0  }
0x1e: {  	s18 =	simm.s32 $0xC;
	[sflag:s17] =	ssyncadd.s32 $0xFFFFE0C0  }
0x1f: {  	_ =	swait.ge [sflag:s18], $0x1F40  }
0x20: {  	[sflag:s18] =	ssyncset.done $0x0  }
0x21: {  	[sflag:s18] =	ssyncadd.s32 $0xFFFFE0C0  }
0x22: {  	_ =	swait.ge [sflag:s21], $0x1F40  }
0x23: {  	[sflag:s21] =	ssyncset.done $0x0  }
0x24: {  	[sflag:s21] =	ssyncadd.s32 $0xFFFFE0C0  }
0x25: {  	_ =	swait.ge [sflag:s22], $0x1F40  }
0x26: {  	[sflag:s22] =	ssyncset.done $0x0  }
0x27: {  	[sflag:s22] =	ssyncadd.s32 $0xFFFFE0C0  }
0x28: {  	_ =	swait.ge [sflag:s23], $0x1F40  }
0x29: {  	[sflag:s23] =	ssyncset.done $0x0  }
0x2a: {  	[sflag:s23] =	ssyncadd.s32 $0xFFFFE0C0  }
0x2b: {  	_ =	swait.ge [sflag:s26], $0x1F40  }
0x2c: {  	[sflag:s26] =	ssyncset.done $0x0  }
0x2d: {  	[sflag:s26] =	ssyncadd.s32 $0xFFFFE0C0  }
0x2e: {  	[bflag:$0x0] =	sbarrier.arrive $0xFFFF  }
0x2f: {  	s19 =	rddreg [dreg:$0x8]  }
0x30: {  	[hbm:s19], [sflag:s11] =	dma.local [spmem:s12], $0x1400  }
0x31: {  	_ =	swait.ge [sflag:s10], $0x1400  }
0x32: {  	s4 =	sadd.s32 $0x1, s4;
	s24 =	rddreg [dreg:$0x7]  }
0x33: {  	p0 =	sne.s32 s4, s24  }
.Ltmp1:
0x34: {  	_ = 	snop;
	(pc) =	sbr.rel @!p0 .LBB2_5-.Ltmp1, $3  }
0x35: {  	_ =	sdelay $0x1  }
0x36: {  	[sflag:s10] =	ssyncset.done $0x0  }
0x37: {  	[sflag:s10] =	ssyncadd.s32 $0xFFFFEC00  }
.LBB2_1:
0x38: {  	s3 =	simm.s32 $0x0;
	s5 =	rddreg [dreg:$0x5];
	s6 =	simm.s32 $0x2800  }
0x39: {  	[tilespmem:s6], [sflag:$0x11] =	stream.linear.gather [hbm4b:s5+s3], $0x2800, $0x38;
	[tilespmem:$0x1EA00] =	vst v63  }
0x3a: {  	_ =	swait.ge [sflag:s10], $0x2800  }
0x3b: {  	[sflag:s10] =	ssyncset.done $0x0  }
0x3c: {  	s19 =	rddreg [dreg:$0x6];
	[sflag:s10] =	ssyncadd.s32 $0xFFFFD800  }
0x3d: {  	[tilespmem:s3], [sflag:$0x11] =	stream.linear.gather [hbm4b:s19+s3], $0x2800, $0x38;
	[tilespmem:$0x1EA00] =	vst v63  }
0x3e: {  	_ =	swait.ge [sflag:s10], $0x2800  }
0x3f: {  	[sflag:s10] =	ssyncset.done $0x0  }
0x40: {  	s24 =	rddreg [dreg:$0x4];
	[sflag:s10] =	ssyncadd.s32 $0xFFFFD800  }
0x41: {  	[spmem:s12], [sflag:s11] =	dma.local [hbm:s24], $0x1400  }
0x42: {  	_ =	swait.ge [sflag:s10], $0x1400  }
0x43: {  	[sflag:s10] =	ssyncset.done $0x0  }
0x44: {  	[sflag:s10] =	ssyncadd.s32 $0xFFFFEC00  }
0x45: {  	[bflag:$0x0] =	sbarrier.arrive $0xFFFF  }
0x46: {  	[tilespmem:s14], [sflag:$0x1] =	stream.indirect.gather [hbm4b:s7+s13], $0x40, s3, s13, $0xb8;
	[tilespmem:$0x1EA00] =	vst v63  }
0x47: {  	s5 =	simm.s32 $0x80  }
0x48: {  	[tilespmem:s16], [sflag:$0x2] =	stream.indirect.gather [hbm4b:s7+s13], $0x40, s5, s13, $0xb8;
	[tilespmem:$0x1EA00] =	vst v63  }
0x49: {  	s8 =	simm.s32 $0x8E80;
	s6 =	simm.s32 $0x100  }
0x4a: {  	[tilespmem:s8], [sflag:$0x3] =	stream.indirect.gather [hbm4b:s7+s13], $0x40, s6, s13, $0xb8;
	[tilespmem:$0x1EA00] =	vst v63  }
0x4b: {  	s15 =	simm.s32 $0x180  }
0x4c: {  	[tilespmem:s20], [sflag:$0x4] =	stream.indirect.gather [hbm4b:s7+s13], $0x40, s15, s13, $0xb8;
	[tilespmem:$0x1EA00] =	vst v63  }
0x4d: {  	s17 =	simm.s32 $0x200;
	s18 =	simm.s32 $0xCD00  }
0x4e: {  	[tilespmem:s18], [sflag:$0x5] =	stream.indirect.gather [hbm4b:s7+s13], $0x40, s17, s13, $0xb8;
	[tilespmem:$0x1EA00] =	vst v63  }
0x4f: {  	s19 =	simm.s32 $0x280  }
0x50: {  	[tilespmem:s25], [sflag:$0x6] =	stream.indirect.gather [hbm4b:s7+s13], $0x40, s19, s13, $0xb8;
	[tilespmem:$0x1EA00] =	vst v63  }
0x51: {  	s24 =	simm.s32 $0x300;
	s5 =	simm.s32 $0x0  }
0x52: {  	[tilespmem:s28], [sflag:$0x7] =	stream.indirect.gather [hbm4b:s7+s13], $0x40, s24, s13, $0xb8;
	[tilespmem:$0x1EA00] =	vst v63  }
.LBB2_2:
0x53: {  	_ =	swait.ge [sflag:s29], $0x1F40  }
0x54: {  	s6 =	sshra.s32 s5, $0x2;
	[sflag:s29] =	ssyncset.done $0x0  }
0x55: {  	p0 =	seq.s32 s5, $0x0;
	s3 =	sadd.s32 $0x2800, s6;
	[sflag:s29] =	ssyncadd.s32 $0xFFFFE0C0  }
0x56: {  	[spmem:s2] =	stream.indirect.scatter.add.bf16 [tilespmem:s14], [sflag:$0x9], $0x40, s3, s13, $0xb8;
	[tilespmem:$0x1EA00] =	vst v63  }
0x57: {  	s3 =	simm.s32 @!p0 $0x10  }
0x58: {  	_ =	swait.ge @!p0 [sflag:s3], $0x1F40  }
0x59: {  	[sflag:s3] =	ssyncset.done @!p0 $0x0  }
0x5a: {  	s17 =	sadd.s32 $0x380, s6;
	[sflag:s3] =	ssyncadd.s32 @!p0 $0xFFFFE0C0  }
0x5b: {  	[tilespmem:s30], [sflag:$0x8] =	stream.indirect.gather [hbm4b:s7+s13], $0x40, s17, s13, $0xb8;
	[tilespmem:$0x1EA00] =	vst v63  }
0x5c: {  	_ =	swait.ge [sflag:s31], $0x1F40  }
0x5d: {  	p0 =	seq.s32 s5, $0x9000;
	[sflag:s31] =	ssyncset.done $0x0  }
0x5e: {  	s18 =	sadd.s32 $0x2880, s6;
	s3 =	simm.s32 @p0 $0x3;
	[sflag:s31] =	ssyncadd.s32 $0xFFFFE0C0  }
0x5f: {  	[spmem:s2] =	stream.indirect.scatter.add.bf16 [tilespmem:s16], [sflag:$0xA], $0x40, s18, s13, $0xb8;
	[tilespmem:$0x1EA00] =	vst v63  }
0x60: {  	_ =	swait.ge @p0 [sflag:s3], $0x1F40  }
0x61: {  	[sflag:s3] =	ssyncset.done @p0 $0x0  }
0x62: {  	[sflag:s3] =	ssyncadd.s32 @p0 $0xFFFFE0C0;
	s3 =	sshra.s32 @p0 s5, $0x2  }
0x63: {  	s15 =	simm.s32 @p0 $0x7D;
	s24 =	simm.s32 @p0 $0x8E80;
	s8 =	sadd.s32 @p0 $0x2900, s3  }
0x64: {  	[spmem:s2] =	stream.indirect.scatter.add.bf16 @p0 [tilespmem:s24], [sflag:$0xB], $0x40, s8, s15, $0xb8;
	[tilespmem:$0x1EA00] =	vst v63  }
0x65: {  	s8 =	simm.s32 @!p0 $0x9  }
0x66: {  	_ =	swait.ge @!p0 [sflag:s8], $0x1F40  }
0x67: {  	[sflag:s8] =	ssyncset.done @!p0 $0x0  }
0x68: {  	[sflag:s8] =	ssyncadd.s32 @!p0 $0xFFFFE0C0;
	s8 =	sshra.s32 @!p0 s5, $0x2  }
0x69: {  	s18 =	simm.s32 @!p0 $0x5000;
	s24 =	simm.s32 @!p0 $0x7D;
	s17 =	sadd.s32 @!p0 $0x400, s8  }
0x6a: {  	[tilespmem:s18], [sflag:$0x1] =	stream.indirect.gather @!p0 [hbm4b:s7+s24], $0x40, s17, s24, $0xb8;
	[tilespmem:$0x1EA00] =	vst v63  }
0x6b: {  	s17 =	simm.s32 @!p0 $0x3  }
0x6c: {  	_ =	swait.ge @!p0 [sflag:s17], $0x1F40  }
0x6d: {  	[sflag:s17] =	ssyncset.done @!p0 $0x0  }
0x6e: {  	s18 =	simm.s32 @!p0 $0x8E80;
	[sflag:s17] =	ssyncadd.s32 @!p0 $0xFFFFE0C0;
	s17 =	sadd.s32 @!p0 $0x2900, s8  }
0x6f: {  	[spmem:s2] =	stream.indirect.scatter.add.bf16 @!p0 [tilespmem:s18], [sflag:$0xB], $0x40, s17, s24, $0xb8;
	[tilespmem:$0x1EA00] =	vst v63  }
0x70: {  	s17 =	simm.s32 @!p0 $0xA  }
0x71: {  	_ =	swait.ge @!p0 [sflag:s17], $0x1F40  }
0x72: {  	[sflag:s17] =	ssyncset.done @!p0 $0x0  }
0x73: {  	s19 =	simm.s32 @!p0 $0x6F40;
	[sflag:s17] =	ssyncadd.s32 @!p0 $0xFFFFE0C0;
	s17 =	sadd.s32 @!p0 $0x480, s8  }
0x74: {  	[tilespmem:s19], [sflag:$0x2] =	stream.indirect.gather @!p0 [hbm4b:s7+s24], $0x40, s17, s24, $0xb8;
	[tilespmem:$0x1EA00] =	vst v63  }
0x75: {  	_ =	swait.ge [sflag:s0], $0x1F40  }
0x76: {  	[sflag:s0] =	ssyncset.done $0x0  }
0x77: {  	s19 =	sadd.s32 $0x2980, s6;
	s17 =	simm.s32 @p0 $0x5;
	[sflag:s0] =	ssyncadd.s32 $0xFFFFE0C0  }
0x78: {  	[spmem:s2] =	stream.indirect.scatter.add.bf16 [tilespmem:s20], [sflag:$0xC], $0x40, s19, s13, $0xb8;
	[tilespmem:$0x1EA00] =	vst v63  }
0x79: {  	_ =	swait.ge @p0 [sflag:s17], $0x1F40  }
0x7a: {  	[sflag:s17] =	ssyncset.done @p0 $0x0  }
0x7b: {  	s19 =	simm.s32 @p0 $0xCD00;
	[sflag:s17] =	ssyncadd.s32 @p0 $0xFFFFE0C0;
	s17 =	sadd.s32 @p0 $0x2A00, s3  }
0x7c: {  	[spmem:s2] =	stream.indirect.scatter.add.bf16 @p0 [tilespmem:s19], [sflag:$0xD], $0x40, s17, s15, $0xb8;
	[tilespmem:$0x1EA00] =	vst v63  }
0x7d: {  	s17 =	simm.s32 @!p0 $0xB  }
0x7e: {  	_ =	swait.ge @!p0 [sflag:s17], $0x1F40  }
0x7f: {  	[sflag:s17] =	ssyncset.done @!p0 $0x0  }
0x80: {  	[sflag:s17] =	ssyncadd.s32 @!p0 $0xFFFFE0C0;
	s17 =	sadd.s32 @!p0 $0x500, s8  }
0x81: {  	[tilespmem:s18], [sflag:$0x3] =	stream.indirect.gather @!p0 [hbm4b:s7+s24], $0x40, s17, s24, $0xb8;
	[tilespmem:$0x1EA00] =	vst v63  }
0x82: {  	s17 =	simm.s32 @!p0 $0x5  }
0x83: {  	_ =	swait.ge @!p0 [sflag:s17], $0x1F40  }
0x84: {  	[sflag:s17] =	ssyncset.done @!p0 $0x0  }
0x85: {  	s18 =	simm.s32 @!p0 $0xCD00;
	[sflag:s17] =	ssyncadd.s32 @!p0 $0xFFFFE0C0;
	s17 =	sadd.s32 @!p0 $0x2A00, s8  }
0x86: {  	[spmem:s2] =	stream.indirect.scatter.add.bf16 @!p0 [tilespmem:s18], [sflag:$0xD], $0x40, s17, s24, $0xb8;
	[tilespmem:$0x1EA00] =	vst v63  }
0x87: {  	s17 =	simm.s32 @!p0 $0xC  }
0x88: {  	_ =	swait.ge @!p0 [sflag:s17], $0x1F40  }
0x89: {  	[sflag:s17] =	ssyncset.done @!p0 $0x0  }
0x8a: {  	s19 =	simm.s32 @!p0 $0xADC0;
	[sflag:s17] =	ssyncadd.s32 @!p0 $0xFFFFE0C0;
	s17 =	sadd.s32 @!p0 $0x580, s8  }
0x8b: {  	[tilespmem:s19], [sflag:$0x4] =	stream.indirect.gather @!p0 [hbm4b:s7+s24], $0x40, s17, s24, $0xb8;
	[tilespmem:$0x1EA00] =	vst v63  }
0x8c: {  	_ =	swait.ge [sflag:s1], $0x1F40  }
0x8d: {  	[sflag:s1] =	ssyncset.done $0x0  }
0x8e: {  	s19 =	sadd.s32 $0x2A80, s6;
	s17 =	simm.s32 @p0 $0x7;
	[sflag:s1] =	ssyncadd.s32 $0xFFFFE0C0  }
0x8f: {  	[spmem:s2] =	stream.indirect.scatter.add.bf16 [tilespmem:s25], [sflag:$0xE], $0x40, s19, s13, $0xb8;
	[tilespmem:$0x1EA00] =	vst v63  }
0x90: {  	_ =	swait.ge @p0 [sflag:s17], $0x1F40  }
0x91: {  	[sflag:s17] =	ssyncset.done @p0 $0x0  }
0x92: {  	s3 =	sadd.s32 @p0 $0x2B00, s3;
	[sflag:s17] =	ssyncadd.s32 @p0 $0xFFFFE0C0;
	s17 =	simm.s32 @p0 $0x10B80  }
0x93: {  	[spmem:s2] =	stream.indirect.scatter.add.bf16 @p0 [tilespmem:s17], [sflag:$0xF], $0x40, s3, s15, $0xb8;
	[tilespmem:$0x1EA00] =	vst v63  }
0x94: {  	s3 =	simm.s32 @!p0 $0xD  }
0x95: {  	_ =	swait.ge @!p0 [sflag:s3], $0x1F40  }
0x96: {  	[sflag:s3] =	ssyncset.done @!p0 $0x0  }
0x97: {  	[sflag:s3] =	ssyncadd.s32 @!p0 $0xFFFFE0C0;
	s3 =	sadd.s32 @!p0 $0x600, s8  }
0x98: {  	[tilespmem:s18], [sflag:$0x5] =	stream.indirect.gather @!p0 [hbm4b:s7+s24], $0x40, s3, s24, $0xb8;
	[tilespmem:$0x1EA00] =	vst v63  }
0x99: {  	s3 =	simm.s32 @!p0 $0x7  }
0x9a: {  	_ =	swait.ge @!p0 [sflag:s3], $0x1F40  }
0x9b: {  	[sflag:s3] =	ssyncset.done @!p0 $0x0  }
0x9c: {  	s15 =	simm.s32 @!p0 $0x10B80;
	[sflag:s3] =	ssyncadd.s32 @!p0 $0xFFFFE0C0;
	s3 =	sadd.s32 @!p0 $0x2B00, s8  }
0x9d: {  	[spmem:s2] =	stream.indirect.scatter.add.bf16 @!p0 [tilespmem:s15], [sflag:$0xF], $0x40, s3, s24, $0xb8;
	[tilespmem:$0x1EA00] =	vst v63  }
0x9e: {  	s3 =	simm.s32 @!p0 $0xE  }
0x9f: {  	_ =	swait.ge @!p0 [sflag:s3], $0x1F40  }
0xa0: {  	[sflag:s3] =	ssyncset.done @!p0 $0x0  }
0xa1: {  	[sflag:s3] =	ssyncadd.s32 @!p0 $0xFFFFE0C0;
	s3 =	sadd.s32 @!p0 $0x680, s8;
	s8 =	simm.s32 @!p0 $0xEC40  }
0xa2: {  	[tilespmem:s8], [sflag:$0x6] =	stream.indirect.gather @!p0 [hbm4b:s7+s24], $0x40, s3, s24, $0xb8;
	[tilespmem:$0x1EA00] =	vst v63  }
.Ltmp2:
0xa3: {  	_ = 	snop;
	(pc) =	sbr.rel @p0 .LBB2_4-.Ltmp2, $4  }
0xa4: {  	_ =	swait.ge [sflag:s9], $0x1F40  }
0xa5: {  	[sflag:s9] =	ssyncset.done $0x0  }
0xa6: {  	s24 =	sadd.s32 $0x2B80, s6;
	[sflag:s9] =	ssyncadd.s32 $0xFFFFE0C0  }
0xa7: {  	[spmem:s2] =	stream.indirect.scatter.add.bf16 [tilespmem:s30], [sflag:$0x10], $0x40, s24, s13, $0xb8;
	[tilespmem:$0x1EA00] =	vst v63  }
.Ltmp3:
0xa8: {  	(pc) =	sbr.rel .LBB2_2-.Ltmp3, $4  }
0xa9: {  	_ =	swait.ge [sflag:s23], $0x1F40  }
0xaa: {  	[sflag:s23] =	ssyncset.done $0x0  }
0xab: {  	s3 =	sadd.s32 $0x700, s6;
	s5 =	sadd.s32 $0x1000, s5;
	[sflag:s23] =	ssyncadd.s32 $0xFFFFE0C0  }
0xac: {  	[tilespmem:s28], [sflag:$0x7] =	stream.indirect.gather [hbm4b:s7+s13], $0x40, s3, s13, $0xb8;
	[tilespmem:$0x1EA00] =	vst v63  }
.LBB2_5:
0xad: {  	_ =	sfence.sel $0x180000  }
0xae: {  	[bflag:$0x0] =	sbarrier.arrive $0xFFFF  }
0xaf: {  	_ =	strace $0x9000004A  }
0xb0: {  	s0 =	stileid.u32;
	[bflag:$0x2] =	sbarrier.arrive $0xFFFF  }
0xb1: {  	p0 =	sne.s32 s0, $0x0;
	s0 =	rddreg [dreg:$0x3]  }
0xb2: {  	s0 =	sadd.s32 @!p0 $0x100000, s0  }
0xb3: {  	[sflag:s0] =	ssyncadd.tile.s32 @!p0 $0x1;
	_ =	shalt  }
.Lfunc_end2:
_tile_overlayer_lowered:
.L_overlay_start_2:
0xb4: {  	(tag) =	ssettag $0x2  }
0xb5: {  	s0 =	rddreg [dreg:$0x0];
	s2 =	stileid.u32  }
0xb6: {  	s1 =	rddreg [dreg:$0x1];
	p0 =	sne.s32 s2, $0x0  }
0xb7: {  	s3 =	rddreg [dreg:$0x2];
	[bflag:$0x3] =	sbarrier.arrive $0xFFFF;
	s2 =	simm.s32 @!p0 $0x1C11  }
0xb8: {  	[timem:s3], [sflag:s2] =	dma.local @!p0 [hbm:s0], s1  }
0xb9: {  	s0 =	simm.s32 @!p0 $0x11  }
0xba: {  	_ =	swait.ge @!p0 [sflag:s0], s1  }
0xbb: {  	s1 =	ssub.s32 @!p0 $0x0, s1;
	[sflag:s0] =	ssyncset.done @!p0 $0x0  }
0xbc: {  	[sflag:s0] =	ssyncadd.s32 @!p0 s1  }
0xbd: {  	[bflag:$0x3] =	sbarrier.arrive $0xFFFF  }
0xbe: {  	_ =	shalt  }

// kernel: kernel.14.cloned.1.call-start
scs
__scs_entry_jumppad:
0x0: {  	(pc) =	sbr.rel $0x88, $3  }
0x1: {  	(tag) =	ssettag $0x0;
	lr =	simm.s32 $0x1  }
0x2: {  	[smem:$0x3F9B] =	sst lr;
	_ =	strace $0xD0000000  }
0x3: {  	_ = 	snop  }
0x4: {  	_ = 	snop  }
0x5: {  	_ = 	snop  }
0x6: {  	_ = 	snop  }
0x7: {  	_ = 	snop  }
__scs_overlays_trampoline_lowered:
0x8: {  	[smem:$0x3FAA] =	sst s0  }
0x9: {  	[smem:$0x3FAB] =	sst s1  }
0xa: {  	[smem:$0x3FAC] =	sst s2  }
0xb: {  	[smem:$0x3FAD] =	sst s3  }
0xc: {  	[smem:$0x3FAE] =	sst s4  }
0xd: {  	[smem:$0x3FAF] =	sst s5  }
0xe: {  	[smem:$0x3FB0] =	sst s6  }
0xf: {  	[smem:$0x3FB1] =	sst s7  }
0x10: {  	[smem:$0x3FB2] =	sst s8  }
0x11: {  	[smem:$0x3FB3] =	sst s9;
	s0 =	simm.s32 @!p0 $0x0  }
0x12: {  	s1 =	sld [smem:$0x3F99];
	s0 =	simm.s32 @p0 $0x1  }
0x13: {  	[smem:$0x3FB4] =	sst s0;
	s0 =	simm.s32 @!p1 $0x0  }
0x14: {  	s2 =	sld [smem:$0x3F98];
	s0 =	simm.s32 @p1 $0x1  }
0x15: {  	[smem:$0x3FB5] =	sst s0;
	s0 =	simm.s32 @!p2 $0x0  }
0x16: {  	s3 =	sld [smem:$0x3FDB];
	s0 =	simm.s32 @p2 $0x1  }
0x17: {  	s4 =	simm.s32 $0x1BF5;
	[smem:$0x3FB7] =	sst s0  }
0x18: {  	s0 =	sld [smem:$0x3F9A];
	_ =	swait.ge [sflag:s4], $0x0  }
0x19: {  	s7 =	sld [smem:$0x3F9B]  }
0x1a: {  	s8 =	sadd.s32 $0xFFFFE003, lr  }
0x1b: {  	s9 =	sadd.s32 $0xFFFFFEF7, lr;
	s5 =	simm.s32 $0xFFFFFFFF;
	p2 =	slt.u32 s8, $0xFFFFF086  }
0x1c: {  	p1 =	slt.u32 s9, $0xF7A;
	s5 =	simm.s32 @!p2 $0x0  }
0x1d: {  	s5 =	simm.s32 @p1 $0x1;
	p0 =	seq.s32 s7, s2  }
0x1e: {  	s7 =	smul.u32 @!p0 $0xF7A, s2;
	p2 =	seq.s32 @!p0 s5, $0x0  }
0x1f: {  	s9 =	smul.u32 $0xF7A, s1;
	s8 =	simm.s32 @!p0 $0x1BF5;
	p2 =	por !p2, p0  }
0x20: {  	[sflag:s8] =	ssyncset.s32 @!p0 $0xFFFFF086;
	s6 =	sadd.s32 @!p0 s3, s7;
	s7 =	simm.s32 @!p0 $0x108  }
0x21: {  	s3 =	sadd.s32 s3, s9;
	s6 =	sadd.s32 @!p0 $0x88, s6;
	s7 =	simm.s32 @p2 $0x1082  }
0x22: {  	[simem:s7], [sflag:s8] =	dma.local @!p0 [hbm:s6], $0xF7A  }
0x23: {  	s9 =	sor.u32 $0xD0000000, s2;
	s6 =	simm.s32 $0x108;
	_ =	swait.ge @!p0 [sflag:s8], $0x0  }
0x24: {  	s3 =	sadd.s32 $0x88, s3;
	s6 =	simm.s32 @!p1 $0x1082;
	[sflag:s4] =	ssyncset.s32 $0xFFFFF086  }
0x25: {  	[simem:s6], [sflag:s4] =	dma.local [hbm:s3], $0xF7A  }
0x26: {  	[smem:$0x3F9B] =	sst s1;
	(tag) =	ssettag s2;
	_ =	strace s9  }
0x27: {  	s1 =	sld [smem:$0x3FAB]  }
0x28: {  	s2 =	sld [smem:$0x3FAC]  }
0x29: {  	s4 =	sld [smem:$0x3FAE]  }
0x2a: {  	p0 =	seq.s32 s5, $0x0;
	s5 =	sld [smem:$0x3FAF]  }
0x2b: {  	s6 =	sld [smem:$0x3FB0]  }
0x2c: {  	s7 =	sld [smem:$0x3FB1]  }
0x2d: {  	s3 =	simm.s32 $0x108;
	s8 =	sld [smem:$0x3FB2]  }
0x2e: {  	s3 =	simm.s32 @!p0 $0x1082;
	s9 =	sld [smem:$0x3FB3]  }
0x2f: {  	lr =	sadd.s32 s0, s3;
	s0 =	sld [smem:$0x3FAA]  }
0x30: {  	s3 =	sld [smem:$0x3FAD]  }
0x31: {  	[smem:$0x3FB6] =	sst s10  }
0x32: {  	s10 =	sld [smem:$0x3FB4];
	_ =	sdelay $0x3  }
0x33: {  	p0 =	seq.s32 s10, $0x1;
	s10 =	sld [smem:$0x3FB6];
	_ =	sdelay $0x3  }
0x34: {  	[smem:$0x3FB6] =	sst s10  }
0x35: {  	s10 =	sld [smem:$0x3FB5];
	_ =	sdelay $0x3  }
0x36: {  	p1 =	seq.s32 s10, $0x1;
	s10 =	sld [smem:$0x3FB6];
	_ =	sdelay $0x3  }
0x37: {  	[smem:$0x3FB6] =	sst s10  }
0x38: {  	s10 =	sld [smem:$0x3FB7]  }
0x39: {  	_ = 	snop;
	(pc) =	sbr.ind lr, $3  }
0x3a: {  	_ = 	snop  }
0x3b: {  	_ = 	snop  }
0x3c: {  	p2 =	seq.s32 s10, $0x1;
	s10 =	sld [smem:$0x3FB6]  }
0x3d: {  	_ =	shalt  }
0x3e: {  	_ =	shalt  }
0x3f: {  	_ =	shalt  }
0x40: {  	_ =	shalt  }
0x41: {  	_ =	shalt  }
0x42: {  	_ =	shalt  }
0x43: {  	_ =	shalt  }
0x44: {  	_ =	shalt  }
0x45: {  	_ =	shalt  }
0x46: {  	_ =	shalt  }
0x47: {  	_ =	shalt  }
0x48: {  	_ =	shalt  }
0x49: {  	_ =	shalt  }
0x4a: {  	_ =	shalt  }
0x4b: {  	_ =	shalt  }
0x4c: {  	_ =	shalt  }
0x4d: {  	_ =	shalt  }
0x4e: {  	_ =	shalt  }
0x4f: {  	_ =	shalt  }
0x50: {  	_ =	shalt  }
0x51: {  	_ =	shalt  }
0x52: {  	_ =	shalt  }
0x53: {  	_ =	shalt  }
0x54: {  	_ =	shalt  }
0x55: {  	_ =	shalt  }
0x56: {  	_ =	shalt  }
0x57: {  	_ =	shalt  }
0x58: {  	_ =	shalt  }
0x59: {  	_ =	shalt  }
0x5a: {  	_ =	shalt  }
0x5b: {  	_ =	shalt  }
0x5c: {  	_ =	shalt  }
0x5d: {  	_ =	shalt  }
0x5e: {  	_ =	shalt  }
0x5f: {  	_ =	shalt  }
0x60: {  	_ =	shalt  }
0x61: {  	_ =	shalt  }
0x62: {  	_ =	shalt  }
0x63: {  	_ =	shalt  }
0x64: {  	_ =	shalt  }
0x65: {  	_ =	shalt  }
0x66: {  	_ =	shalt  }
0x67: {  	_ =	shalt  }
0x68: {  	_ =	shalt  }
0x69: {  	_ =	shalt  }
0x6a: {  	_ =	shalt  }
0x6b: {  	_ =	shalt  }
0x6c: {  	_ =	shalt  }
0x6d: {  	_ =	shalt  }
0x6e: {  	_ =	shalt  }
0x6f: {  	_ =	shalt  }
0x70: {  	_ =	shalt  }
0x71: {  	_ =	shalt  }
0x72: {  	_ =	shalt  }
0x73: {  	_ =	shalt  }
0x74: {  	_ =	shalt  }
0x75: {  	_ =	shalt  }
0x76: {  	_ =	shalt  }
0x77: {  	_ =	shalt  }
0x78: {  	_ =	shalt  }
0x79: {  	_ =	shalt  }
0x7a: {  	_ =	shalt  }
0x7b: {  	_ =	shalt  }
0x7c: {  	_ =	shalt  }
0x7d: {  	_ =	shalt  }
0x7e: {  	_ =	shalt  }
0x7f: {  	_ =	shalt  }
0x80: {  	_ =	shalt  }
0x81: {  	_ =	shalt  }
0x82: {  	_ =	shalt  }
0x83: {  	_ =	shalt  }
0x84: {  	_ =	shalt  }
0x85: {  	_ =	shalt  }
0x86: {  	_ =	shalt  }
0x87: {  	_ =	shalt  }
.Lfunc_end0:
.L_simem_size_0:
called_computation.2_lowered:
.L_overlay_start_0:
0x88: {  	s2 =	sld [smem:$0x3FD9]  }
0x89: {  	s3 =	sld [smem:$0x3FFE];
	_ =	sdelay $0x1  }
0x8a: {  	s1 =	srdreg.scid  }
0x8b: {  	s0 =	sand.u32 $0x1, s1  }
0x8c: {  	s17 =	sshll.u32 s0, $0xA;
	s2 =	sadd.s32 s3, s2  }
0x8d: {  	s2 =	sadd.s32 s2, s17  }
0x8e: {  	[smem:$0x3FC2] =	sst s2  }
0x8f: {  	_ = 	snop  }
0x90: {  	s2 =	sld [smem:$0x3FD0];
	(tm) =	ssettm $0x1  }
0x91: {  	s18 =	sld [smem:$0x3FFB];
	_ =	sdelay $0x3  }
0x92: {  	_ =	strace s18  }
0x93: {  	s3 =	sld [smem:$0x3FFC];
	_ =	sdelay $0x3  }
0x94: {  	_ =	strace s3  }
0x95: {  	s3 =	sld [smem:$0x3FFD];
	_ =	sdelay $0x3  }
0x96: {  	_ =	strace s3  }
0x97: {  	_ =	strace $0x8FFFFFFF  }
0x98: {  	s19 =	sld [smem:$0x3FDB];
	_ =	sdelay $0x1  }
0x99: {  	s4 =	simm.s32 $_scs_section_size  }
0x9a: {  	s5 =	simm.s32 $_size__tile_overlayer_lowered;
	s6 =	simm.s32 $_tile_overlayer_lowered  }
0x9b: {  	s22 =	simm.s32 $0x1BFF;
	s21 =	sshll.u32 s6, $0x1;
	s3 =	sadd.s32 s4, s19  }
0x9c: {  	s7 =	simm.s32 $0x0;
	s20 =	sshll.u32 s5, $0x1;
	s5 =	sadd.s32 s21, s3  }
0x9d: {  	[timem:s7], [sflag:s22] =	dma.local [hbm:s5], s20  }
0x9e: {  	_ =	swait.ge [sflag:s22], s20  }
0x9f: {  	s4 =	ssub.s32 $0x0, s20;
	[sflag:s22] =	ssyncset.done $0x0  }
0xa0: {  	[sflag:s22] =	ssyncadd.s32 s4;
	_ =	sdelay $0x1  }
0xa1: {  	s23 =	simm.s32 $0x1B8B  }
0xa2: {  	_ =	swait.ge [sflag:s23], $0x1  }
0xa3: {  	[sflag:s23] =	ssyncset.done $0x0  }
0xa4: {  	s25 =	simm.s32 $0x1B8E;
	s24 =	sld [smem:$0x3FFE];
	[sflag:s23] =	ssyncadd.s32 $0xFFFFFFFF  }
0xa5: {  	s26 =	simm.s32 $execute0_lowered;
	[smem:$0x3FD2] =	sst s25  }
0xa6: {  	s5 =	sshll.u32 s26, $0x1;
	_ =	strace $0x8000004C;
	[dreg:$0x1] =	wrdreg $0xFFFFFFFF  }
0xa7: {  	s28 =	simm.s32 $_size_execute0_lowered;
	s3 =	sadd.s32 s3, s5;
	[dreg:$0x0] =	wrdreg $0x0  }
0xa8: {  	s5 =	sshll.u32 s28, $0x1;
	[dreg:$0x2] =	wrdreg s3  }
0xa9: {  	[dreg:$0x3] =	wrdreg s5  }
0xaa: {  	[dreg:$0x4] =	wrdreg $0xC0  }
0xab: {  	_ =	task [dreg:s7], $0x5FFFF  }
0xac: {  	[dreg:$0x1] =	wrdreg $0xFFFFFFFF  }
0xad: {  	[dreg:$0x0] =	wrdreg $0x60  }
0xae: {  	[dreg:$0x2] =	wrdreg s2  }
0xaf: {  	[dreg:$0x3] =	wrdreg s24  }
0xb0: {  	[dreg:$0x4] =	wrdreg $0x14A000  }
0xb1: {  	[dreg:$0x5] =	wrdreg $0x9  }
0xb2: {  	_ =	task.clear_ibuf [dreg:s7], $0x6FFFF;
	_ =	strace $0x9000004C  }
0xb3: {  	s29 =	simm.s32 $0x9;
	_ =	strace $0x8000004E  }
0xb4: {  	_ =	swait.ge [sflag:s29], $0x1  }
0xb5: {  	[sflag:s29] =	ssyncadd.s32 $0xFFFFFFFF  }
0xb6: {  	_ =	strace $0x9000004E  }
0xb7: {  	_ =	sfence  }
0xb8: {  	s30 =	sld [smem:$0x0];
	_ =	sdelay $0x2  }
0xb9: {  	s31 =	sshll.u32 s1, $0xD;
	s1 =	sshrl.u32 s1, $0x2  }
0xba: {  	s3 =	sand.u32 $0x4000, s31;
	s1 =	sadd.s32 s1, s30  }
0xbb: {  	s0 =	sor.u32 s3, s0;
	s1 =	sshll.u32 s1, $0x11  }
0xbc: {  	s0 =	sor.u32 s1, s0  }
0xbd: {  	s0 =	sadd.s32 $0x8F2B, s0  }
0xbe: {  	[sflag:s0] =	ssyncadd.remote.s32 $0x1  }
0xbf: {  	_ =	sfence.sel $0xFFFF  }
0xc0: {  	[dreg:$0x0] =	wrdreg $0xFFFFFFFF;
	(pc) =	sbr.abs _section_cstart, $3  }
0xc1: {  	[dreg:$0x1] =	wrdreg $0xFFFFFFFF  }
0xc2: {  	_ =	task.clear_ibuf [dreg:s7], $0x2FFFF;
	_ =	strace $0x9FFFFFFF  }
0xc3: {  	(tm) =	ssettm $0x7FFFFFFF  }
tec
execute0_lowered:
.L_overlay_start_1:
0x0: {  	(tag) =	ssettag $0x1  }
0x1: {  	s0 =	rddreg [dreg:$0x0]  }
0x2: {  	s1 =	rddreg [dreg:$0x1]  }
0x3: {  	s2 =	rddreg [dreg:$0x2]  }
0x4: {  	s3 =	simm.s32 $0x0;
	s10 =	stileid.u32;
	s4 =	srdreg.scid  }
0x5: {  	s11 =	simm.s32 $0x11;
	s14 =	simm.s32 $0x7D;
	s15 =	simm.s32 $0x5000  }
0x6: {  	s17 =	simm.s32 $0x6F40;
	s28 =	simm.s32 $0xEC40;
	s30 =	simm.s32 $0x10B80  }
0x7: {  	s31 =	simm.s32 $0x1;
	s29 =	simm.s32 $0x0;
	s19 =	smul.u32 $0x500, s10  }
0x8: {  	[smem:$0x7FF] =	sst s3;
	s4 =	sand.u32 $0x1, s4;
	s6 =	smul.u32 $0x14000, s10  }
0x9: {  	s7 =	sadd.s32 $0x7200, s1;
	s25 =	sshll.u32 s10, $0x6;
	s10 =	simm.s32 $0x4  }
0xa: {  	_ =	strace $0x8000004D;
	s5 =	ssub.s32 $0x2, s4;
	s8 =	smul.u32 $0x14000, s4  }
0xb: {  	[dreg:$0x4] =	wrdreg s7;
	s4 =	smul.u32 $0x140000, s4;
	s12 =	sor.u32 $0x1C11, s25  }
0xc: {  	s25 =	simm.s32 $0xF;
	s3 =	sadd.s32 s19, s1;
	s20 =	sshrl.u32 s5, $0x1  }
0xd: {  	s1 =	sadd.s32 $0x12600, s1;
	s22 =	sshrl.u32 s6, $0x1;
	s6 =	sshrl.u32 s6, $0x4  }
0xe: {  	s5 =	ssub.s32 s5, s20;
	s21 =	sadd.s32 $0x8600, s3;
	s3 =	sadd.s32 $0xD600, s3  }
0xf: {  	s7 =	sadd.s32 s0, s8;
	s4 =	sshrl.u32 s4, $0x4;
	[dreg:$0x5] =	wrdreg s21  }
0x10: {  	s9 =	sadd.s32 s1, s8;
	[dreg:$0x6] =	wrdreg s3;
	s3 =	sadd.s32 s22, s2  }
0x11: {  	s4 =	sadd.s32 $0x28000, s4;
	s24 =	smax.u32 s5, $0x1;
	s21 =	simm.s32 $0xADC0  }
.Ltmp0:
0x12: {  	s26 =	sadd.s32 s6, s9;
	s5 =	simm.s32 $0x6;
	(pc) =	sbr.rel .LBB2_1-.Ltmp0, $4  }
0x13: {  	s22 =	simm.s32 $0xE;
	s8 =	sadd.s32 s0, s4;
	[dreg:$0x7] =	wrdreg s24  }
0x14: {  	s23 =	sadd.s32 s1, s4;
	s13 =	sshrl.u32 s3, $0x3;
	[dreg:$0x8] =	wrdreg s26  }
0x15: {  	s1 =	simm.s32 $0x2;
	s26 =	simm.s32 $0x10;
	s0 =	sadd.s32 s6, s23  }
0x16: {  	s6 =	simm.s32 $0x8;
	[dreg:$0x9] =	wrdreg s0;
	s0 =	simm.s32 $0x12AC0  }
.LBB2_7:
0x17: {  	s3 =	simm.s32 $0x9  }
0x18: {  	_ =	swait.ge [sflag:s3], $0x1F40  }
0x19: {  	[sflag:s3] =	ssyncset.done $0x0  }
0x1a: {  	s16 =	simm.s32 $0xA;
	[sflag:s3] =	ssyncadd.s32 $0xFFFFE0C0  }
0x1b: {  	_ =	swait.ge [sflag:s16], $0x1F40  }
0x1c: {  	[sflag:s16] =	ssyncset.done $0x0  }
0x1d: {  	s18 =	simm.s32 $0xB;
	[sflag:s16] =	ssyncadd.s32 $0xFFFFE0C0  }
0x1e: {  	_ =	swait.ge [sflag:s18], $0x1F40  }
0x1f: {  	[sflag:s18] =	ssyncset.done $0x0  }
0x20: {  	s19 =	simm.s32 $0xC;
	[sflag:s18] =	ssyncadd.s32 $0xFFFFE0C0  }
0x21: {  	_ =	swait.ge [sflag:s19], $0x1F40  }
0x22: {  	[sflag:s19] =	ssyncset.done $0x0  }
0x23: {  	s20 =	simm.s32 $0xD;
	[sflag:s19] =	ssyncadd.s32 $0xFFFFE0C0  }
0x24: {  	_ =	swait.ge [sflag:s20], $0x1F40  }
0x25: {  	[sflag:s20] =	ssyncset.done $0x0  }
0x26: {  	[sflag:s20] =	ssyncadd.s32 $0xFFFFE0C0  }
0x27: {  	_ =	swait.ge [sflag:s22], $0x1F40  }
0x28: {  	[sflag:s22] =	ssyncset.done $0x0  }
0x29: {  	[sflag:s22] =	ssyncadd.s32 $0xFFFFE0C0  }
0x2a: {  	_ =	swait.ge [sflag:s25], $0x1F40  }
0x2b: {  	[sflag:s25] =	ssyncset.done $0x0  }
0x2c: {  	[sflag:s25] =	ssyncadd.s32 $0xFFFFE0C0  }
0x2d: {  	_ =	swait.ge [sflag:s26], $0x1F40  }
0x2e: {  	[sflag:s26] =	ssyncset.done $0x0  }
0x2f: {  	[sflag:s26] =	ssyncadd.s32 $0xFFFFE0C0  }
0x30: {  	[bflag:$0x0] =	sbarrier.arrive $0xFFFF  }
0x31: {  	s23 =	rddreg [dreg:$0x9]  }
0x32: {  	[hbm:s23], [sflag:s12] =	dma.local [spmem:s13], $0x1400  }
0x33: {  	_ =	swait.ge [sflag:s11], $0x1400  }
0x34: {  	s29 =	sadd.s32 $0x1, s29;
	s24 =	rddreg [dreg:$0x7]  }
0x35: {  	p0 =	sne.s32 s29, s24  }
.Ltmp1:
0x36: {  	_ = 	snop;
	(pc) =	sbr.rel @!p0 .LBB2_8-.Ltmp1, $3  }
0x37: {  	_ =	sdelay $0x1  }
0x38: {  	[sflag:s11] =	ssyncset.done $0x0  }
0x39: {  	[sflag:s11] =	ssyncadd.s32 $0xFFFFEC00  }
.LBB2_1:
0x3a: {  	s3 =	simm.s32 $0x0;
	s4 =	rddreg [dreg:$0x5];
	s9 =	simm.s32 $0x2800  }
0x3b: {  	[tilespmem:s9], [sflag:$0x11] =	stream.linear.gather [hbm4b:s4+s3], $0x2800, $0x38;
	[tilespmem:$0x1EA00] =	vst v63  }
0x3c: {  	_ =	swait.ge [sflag:s11], $0x2800  }
0x3d: {  	[sflag:s11] =	ssyncset.done $0x0  }
0x3e: {  	s23 =	rddreg [dreg:$0x6];
	[sflag:s11] =	ssyncadd.s32 $0xFFFFD800  }
0x3f: {  	[tilespmem:s3], [sflag:$0x11] =	stream.linear.gather [hbm4b:s23+s3], $0x2800, $0x38;
	[tilespmem:$0x1EA00] =	vst v63  }
0x40: {  	_ =	swait.ge [sflag:s11], $0x2800  }
0x41: {  	[sflag:s11] =	ssyncset.done $0x0  }
0x42: {  	s24 =	rddreg [dreg:$0x4];
	[sflag:s11] =	ssyncadd.s32 $0xFFFFD800  }
0x43: {  	[spmem:s13], [sflag:s12] =	dma.local [hbm:s24], $0x1400  }
0x44: {  	_ =	swait.ge [sflag:s11], $0x1400  }
0x45: {  	[sflag:s11] =	ssyncset.done $0x0  }
0x46: {  	[sflag:s11] =	ssyncadd.s32 $0xFFFFEC00  }
0x47: {  	[bflag:$0x0] =	sbarrier.arrive $0xFFFF  }
0x48: {  	[tilespmem:s15], [sflag:$0x1] =	stream.indirect.gather [hbm4b:s7+s14], $0x40, s3, s14, $0xb8;
	[tilespmem:$0x1EA00] =	vst v63  }
0x49: {  	s4 =	simm.s32 $0x80  }
0x4a: {  	[tilespmem:s17], [sflag:$0x2] =	stream.indirect.gather [hbm4b:s7+s14], $0x40, s4, s14, $0xb8;
	[tilespmem:$0x1EA00] =	vst v63  }
0x4b: {  	s16 =	simm.s32 $0x8E80;
	s9 =	simm.s32 $0x100  }
0x4c: {  	[tilespmem:s16], [sflag:$0x3] =	stream.indirect.gather [hbm4b:s7+s14], $0x40, s9, s14, $0xb8;
	[tilespmem:$0x1EA00] =	vst v63  }
0x4d: {  	s18 =	simm.s32 $0x180  }
0x4e: {  	[tilespmem:s21], [sflag:$0x4] =	stream.indirect.gather [hbm4b:s7+s14], $0x40, s18, s14, $0xb8;
	[tilespmem:$0x1EA00] =	vst v63  }
0x4f: {  	s19 =	simm.s32 $0x200;
	s20 =	simm.s32 $0xCD00  }
0x50: {  	[tilespmem:s20], [sflag:$0x5] =	stream.indirect.gather [hbm4b:s7+s14], $0x40, s19, s14, $0xb8;
	[tilespmem:$0x1EA00] =	vst v63  }
0x51: {  	s23 =	simm.s32 $0x280  }
0x52: {  	[tilespmem:s28], [sflag:$0x6] =	stream.indirect.gather [hbm4b:s7+s14], $0x40, s23, s14, $0xb8;
	[tilespmem:$0x1EA00] =	vst v63  }
0x53: {  	s24 =	simm.s32 $0x300;
	s23 =	simm.s32 $0x0  }
0x54: {  	[tilespmem:s30], [sflag:$0x7] =	stream.indirect.gather [hbm4b:s7+s14], $0x40, s24, s14, $0xb8;
	[tilespmem:$0x1EA00] =	vst v63  }
.LBB2_2:
0x55: {  	_ =	swait.ge [sflag:s31], $0x1F40  }
0x56: {  	s24 =	sshra.s32 s23, $0x2;
	[sflag:s31] =	ssyncset.done $0x0  }
0x57: {  	p0 =	seq.s32 s23, $0x0;
	s3 =	sadd.s32 $0x2800, s24;
	[sflag:s31] =	ssyncadd.s32 $0xFFFFE0C0  }
0x58: {  	[spmem:s2] =	stream.indirect.scatter.add.bf16 [tilespmem:s15], [sflag:$0x9], $0x40, s3, s14, $0xb8;
	[tilespmem:$0x1EA00] =	vst v63  }
0x59: {  	s3 =	simm.s32 @!p0 $0x10  }
0x5a: {  	_ =	swait.ge @!p0 [sflag:s3], $0x1F40  }
0x5b: {  	[sflag:s3] =	ssyncset.done @!p0 $0x0  }
0x5c: {  	s18 =	sadd.s32 $0x380, s24;
	[sflag:s3] =	ssyncadd.s32 @!p0 $0xFFFFE0C0  }
0x5d: {  	[tilespmem:s0], [sflag:$0x8] =	stream.indirect.gather [hbm4b:s7+s14], $0x40, s18, s14, $0xb8;
	[tilespmem:$0x1EA00] =	vst v63  }
0x5e: {  	_ =	swait.ge [sflag:s1], $0x1F40  }
0x5f: {  	p0 =	seq.s32 s23, $0x9000;
	[sflag:s1] =	ssyncset.done $0x0  }
0x60: {  	s19 =	sadd.s32 $0x2880, s24;
	s3 =	simm.s32 @p0 $0x3;
	[sflag:s1] =	ssyncadd.s32 $0xFFFFE0C0  }
0x61: {  	[spmem:s2] =	stream.indirect.scatter.add.bf16 [tilespmem:s17], [sflag:$0xA], $0x40, s19, s14, $0xb8;
	[tilespmem:$0x1EA00] =	vst v63  }
0x62: {  	_ =	swait.ge @p0 [sflag:s3], $0x1F40  }
0x63: {  	s9 =	sshra.s32 @p0 s23, $0x2;
	s16 =	simm.s32 @p0 $0x7D;
	[sflag:s3] =	ssyncset.done @p0 $0x0  }
0x64: {  	s4 =	simm.s32 @p0 $0x8E80;
	[sflag:s3] =	ssyncadd.s32 @p0 $0xFFFFE0C0;
	s3 =	sadd.s32 @p0 $0x2900, s9  }
0x65: {  	[spmem:s2] =	stream.indirect.scatter.add.bf16 @p0 [tilespmem:s4], [sflag:$0xB], $0x40, s3, s16, $0xb8;
	[tilespmem:$0x1EA00] =	vst v63  }
0x66: {  	s3 =	simm.s32 @!p0 $0x9  }
0x67: {  	_ =	swait.ge @!p0 [sflag:s3], $0x1F40  }
0x68: {  	[sflag:s3] =	ssyncset.done @!p0 $0x0  }
0x69: {  	[sflag:s3] =	ssyncadd.s32 @!p0 $0xFFFFE0C0;
	s3 =	sshra.s32 @!p0 s23, $0x2  }
0x6a: {  	s19 =	simm.s32 @!p0 $0x5000;
	s4 =	simm.s32 @!p0 $0x7D;
	s18 =	sadd.s32 @!p0 $0x400, s3  }
0x6b: {  	[tilespmem:s19], [sflag:$0x1] =	stream.indirect.gather @!p0 [hbm4b:s7+s4], $0x40, s18, s4, $0xb8;
	[tilespmem:$0x1EA00] =	vst v63  }
0x6c: {  	s18 =	simm.s32 @!p0 $0x3  }
0x6d: {  	_ =	swait.ge @!p0 [sflag:s18], $0x1F40  }
0x6e: {  	[sflag:s18] =	ssyncset.done @!p0 $0x0  }
0x6f: {  	s19 =	simm.s32 @!p0 $0x8E80;
	[sflag:s18] =	ssyncadd.s32 @!p0 $0xFFFFE0C0;
	s18 =	sadd.s32 @!p0 $0x2900, s3  }
0x70: {  	[spmem:s2] =	stream.indirect.scatter.add.bf16 @!p0 [tilespmem:s19], [sflag:$0xB], $0x40, s18, s4, $0xb8;
	[tilespmem:$0x1EA00] =	vst v63  }
0x71: {  	s18 =	simm.s32 @!p0 $0xA  }
0x72: {  	_ =	swait.ge @!p0 [sflag:s18], $0x1F40  }
0x73: {  	[sflag:s18] =	ssyncset.done @!p0 $0x0  }
0x74: {  	s20 =	simm.s32 @!p0 $0x6F40;
	[sflag:s18] =	ssyncadd.s32 @!p0 $0xFFFFE0C0;
	s18 =	sadd.s32 @!p0 $0x480, s3  }
0x75: {  	[tilespmem:s20], [sflag:$0x2] =	stream.indirect.gather @!p0 [hbm4b:s7+s4], $0x40, s18, s4, $0xb8;
	[tilespmem:$0x1EA00] =	vst v63  }
0x76: {  	_ =	swait.ge [sflag:s10], $0x1F40  }
0x77: {  	[sflag:s10] =	ssyncset.done $0x0  }
0x78: {  	s20 =	sadd.s32 $0x2980, s24;
	s18 =	simm.s32 @p0 $0x5;
	[sflag:s10] =	ssyncadd.s32 $0xFFFFE0C0  }
0x79: {  	[spmem:s2] =	stream.indirect.scatter.add.bf16 [tilespmem:s21], [sflag:$0xC], $0x40, s20, s14, $0xb8;
	[tilespmem:$0x1EA00] =	vst v63  }
0x7a: {  	_ =	swait.ge @p0 [sflag:s18], $0x1F40  }
0x7b: {  	[sflag:s18] =	ssyncset.done @p0 $0x0  }
0x7c: {  	s20 =	simm.s32 @p0 $0xCD00;
	[sflag:s18] =	ssyncadd.s32 @p0 $0xFFFFE0C0;
	s18 =	sadd.s32 @p0 $0x2A00, s9  }
0x7d: {  	[spmem:s2] =	stream.indirect.scatter.add.bf16 @p0 [tilespmem:s20], [sflag:$0xD], $0x40, s18, s16, $0xb8;
	[tilespmem:$0x1EA00] =	vst v63  }
0x7e: {  	s18 =	simm.s32 @!p0 $0xB  }
0x7f: {  	_ =	swait.ge @!p0 [sflag:s18], $0x1F40  }
0x80: {  	[sflag:s18] =	ssyncset.done @!p0 $0x0  }
0x81: {  	[sflag:s18] =	ssyncadd.s32 @!p0 $0xFFFFE0C0;
	s18 =	sadd.s32 @!p0 $0x500, s3  }
0x82: {  	[tilespmem:s19], [sflag:$0x3] =	stream.indirect.gather @!p0 [hbm4b:s7+s4], $0x40, s18, s4, $0xb8;
	[tilespmem:$0x1EA00] =	vst v63  }
0x83: {  	s18 =	simm.s32 @!p0 $0x5  }
0x84: {  	_ =	swait.ge @!p0 [sflag:s18], $0x1F40  }
0x85: {  	[sflag:s18] =	ssyncset.done @!p0 $0x0  }
0x86: {  	s19 =	simm.s32 @!p0 $0xCD00;
	[sflag:s18] =	ssyncadd.s32 @!p0 $0xFFFFE0C0;
	s18 =	sadd.s32 @!p0 $0x2A00, s3  }
0x87: {  	[spmem:s2] =	stream.indirect.scatter.add.bf16 @!p0 [tilespmem:s19], [sflag:$0xD], $0x40, s18, s4, $0xb8;
	[tilespmem:$0x1EA00] =	vst v63  }
0x88: {  	s18 =	simm.s32 @!p0 $0xC  }
0x89: {  	_ =	swait.ge @!p0 [sflag:s18], $0x1F40  }
0x8a: {  	[sflag:s18] =	ssyncset.done @!p0 $0x0  }
0x8b: {  	s20 =	simm.s32 @!p0 $0xADC0;
	[sflag:s18] =	ssyncadd.s32 @!p0 $0xFFFFE0C0;
	s18 =	sadd.s32 @!p0 $0x580, s3  }
0x8c: {  	[tilespmem:s20], [sflag:$0x4] =	stream.indirect.gather @!p0 [hbm4b:s7+s4], $0x40, s18, s4, $0xb8;
	[tilespmem:$0x1EA00] =	vst v63  }
0x8d: {  	_ =	swait.ge [sflag:s5], $0x1F40  }
0x8e: {  	[sflag:s5] =	ssyncset.done $0x0  }
0x8f: {  	s20 =	sadd.s32 $0x2A80, s24;
	s18 =	simm.s32 @p0 $0x7;
	[sflag:s5] =	ssyncadd.s32 $0xFFFFE0C0  }
0x90: {  	[spmem:s2] =	stream.indirect.scatter.add.bf16 [tilespmem:s28], [sflag:$0xE], $0x40, s20, s14, $0xb8;
	[tilespmem:$0x1EA00] =	vst v63  }
0x91: {  	_ =	swait.ge @p0 [sflag:s18], $0x1F40  }
0x92: {  	[sflag:s18] =	ssyncset.done @p0 $0x0  }
0x93: {  	s9 =	sadd.s32 @p0 $0x2B00, s9;
	[sflag:s18] =	ssyncadd.s32 @p0 $0xFFFFE0C0;
	s18 =	simm.s32 @p0 $0x10B80  }
0x94: {  	[spmem:s2] =	stream.indirect.scatter.add.bf16 @p0 [tilespmem:s18], [sflag:$0xF], $0x40, s9, s16, $0xb8;
	[tilespmem:$0x1EA00] =	vst v63  }
0x95: {  	s9 =	simm.s32 @!p0 $0xD  }
0x96: {  	_ =	swait.ge @!p0 [sflag:s9], $0x1F40  }
0x97: {  	[sflag:s9] =	ssyncset.done @!p0 $0x0  }
0x98: {  	[sflag:s9] =	ssyncadd.s32 @!p0 $0xFFFFE0C0;
	s9 =	sadd.s32 @!p0 $0x600, s3  }
0x99: {  	[tilespmem:s19], [sflag:$0x5] =	stream.indirect.gather @!p0 [hbm4b:s7+s4], $0x40, s9, s4, $0xb8;
	[tilespmem:$0x1EA00] =	vst v63  }
0x9a: {  	s9 =	simm.s32 @!p0 $0x7  }
0x9b: {  	_ =	swait.ge @!p0 [sflag:s9], $0x1F40  }
0x9c: {  	[sflag:s9] =	ssyncset.done @!p0 $0x0  }
0x9d: {  	s16 =	simm.s32 @!p0 $0x10B80;
	[sflag:s9] =	ssyncadd.s32 @!p0 $0xFFFFE0C0;
	s9 =	sadd.s32 @!p0 $0x2B00, s3  }
0x9e: {  	[spmem:s2] =	stream.indirect.scatter.add.bf16 @!p0 [tilespmem:s16], [sflag:$0xF], $0x40, s9, s4, $0xb8;
	[tilespmem:$0x1EA00] =	vst v63  }
0x9f: {  	s9 =	simm.s32 @!p0 $0xE  }
0xa0: {  	_ =	swait.ge @!p0 [sflag:s9], $0x1F40  }
0xa1: {  	[sflag:s9] =	ssyncset.done @!p0 $0x0  }
0xa2: {  	s3 =	sadd.s32 @!p0 $0x680, s3;
	[sflag:s9] =	ssyncadd.s32 @!p0 $0xFFFFE0C0;
	s9 =	simm.s32 @!p0 $0xEC40  }
0xa3: {  	[tilespmem:s9], [sflag:$0x6] =	stream.indirect.gather @!p0 [hbm4b:s7+s4], $0x40, s3, s4, $0xb8;
	[tilespmem:$0x1EA00] =	vst v63  }
.Ltmp2:
0xa4: {  	_ = 	snop;
	(pc) =	sbr.rel @p0 .LBB2_4-.Ltmp2, $4  }
0xa5: {  	_ =	swait.ge [sflag:s6], $0x1F40  }
0xa6: {  	[sflag:s6] =	ssyncset.done $0x0  }
0xa7: {  	s20 =	sadd.s32 $0x2B80, s24;
	[sflag:s6] =	ssyncadd.s32 $0xFFFFE0C0  }
0xa8: {  	[spmem:s2] =	stream.indirect.scatter.add.bf16 [tilespmem:s0], [sflag:$0x10], $0x40, s20, s14, $0xb8;
	[tilespmem:$0x1EA00] =	vst v63  }
.Ltmp3:
0xa9: {  	(pc) =	sbr.rel .LBB2_2-.Ltmp3, $4  }
0xaa: {  	_ =	swait.ge [sflag:s25], $0x1F40  }
0xab: {  	[sflag:s25] =	ssyncset.done $0x0  }
0xac: {  	s3 =	sadd.s32 $0x700, s24;
	s23 =	sadd.s32 $0x1000, s23;
	[sflag:s25] =	ssyncadd.s32 $0xFFFFE0C0  }
0xad: {  	[tilespmem:s30], [sflag:$0x7] =	stream.indirect.gather [hbm4b:s7+s14], $0x40, s3, s14, $0xb8;
	[tilespmem:$0x1EA00] =	vst v63  }
.LBB2_4:
0xae: {  	s3 =	simm.s32 $0x9  }
0xaf: {  	_ =	swait.ge [sflag:s3], $0x1F40  }
0xb0: {  	[sflag:s3] =	ssyncset.done $0x0  }
0xb1: {  	s16 =	simm.s32 $0xA;
	[sflag:s3] =	ssyncadd.s32 $0xFFFFE0C0  }
0xb2: {  	_ =	swait.ge [sflag:s16], $0x1F40  }
0xb3: {  	[sflag:s16] =	ssyncset.done $0x0  }
0xb4: {  	s18 =	simm.s32 $0xB;
	[sflag:s16] =	ssyncadd.s32 $0xFFFFE0C0  }
0xb5: {  	_ =	swait.ge [sflag:s18], $0x1F40  }
0xb6: {  	[sflag:s18] =	ssyncset.done $0x0  }
0xb7: {  	s19 =	simm.s32 $0xC;
	[sflag:s18] =	ssyncadd.s32 $0xFFFFE0C0  }
0xb8: {  	_ =	swait.ge [sflag:s19], $0x1F40  }
0xb9: {  	[sflag:s19] =	ssyncset.done $0x0  }
0xba: {  	s20 =	simm.s32 $0xD;
	[sflag:s19] =	ssyncadd.s32 $0xFFFFE0C0  }
0xbb: {  	_ =	swait.ge [sflag:s20], $0x1F40  }
0xbc: {  	[sflag:s20] =	ssyncset.done $0x0  }
0xbd: {  	[sflag:s20] =	ssyncadd.s32 $0xFFFFE0C0  }
0xbe: {  	_ =	swait.ge [sflag:s22], $0x1F40  }
0xbf: {  	[sflag:s22] =	ssyncset.done $0x0  }
0xc0: {  	[sflag:s22] =	ssyncadd.s32 $0xFFFFE0C0  }
0xc1: {  	_ =	swait.ge [sflag:s25], $0x1F40  }
0xc2: {  	[sflag:s25] =	ssyncset.done $0x0  }
0xc3: {  	[sflag:s25] =	ssyncadd.s32 $0xFFFFE0C0  }
0xc4: {  	_ =	swait.ge [sflag:s26], $0x1F40  }
0xc5: {  	[sflag:s26] =	ssyncset.done $0x0  }
0xc6: {  	[sflag:s26] =	ssyncadd.s32 $0xFFFFE0C0  }
0xc7: {  	[bflag:$0x0] =	sbarrier.arrive $0xFFFF  }
0xc8: {  	s23 =	rddreg [dreg:$0x8]  }
0xc9: {  	[hbm:s23], [sflag:s12] =	dma.local [spmem:s13], $0x1400  }
0xca: {  	_ =	swait.ge [sflag:s11], $0x1400  }
0xcb: {  	[sflag:s11] =	ssyncset.done $0x0  }
0xcc: {  	s24 =	rddreg [dreg:$0x4];
	[sflag:s11] =	ssyncadd.s32 $0xFFFFEC00  }
0xcd: {  	[spmem:s13], [sflag:s12] =	dma.local [hbm:s24], $0x1400  }
0xce: {  	_ =	swait.ge [sflag:s11], $0x1400  }
0xcf: {  	[sflag:s11] =	ssyncset.done $0x0  }
0xd0: {  	[sflag:s11] =	ssyncadd.s32 $0xFFFFEC00  }
0xd1: {  	s23 =	simm.s32 $0x0;
	[bflag:$0x0] =	sbarrier.arrive $0xFFFF  }
0xd2: {  	[tilespmem:s15], [sflag:$0x1] =	stream.indirect.gather [hbm4b:s8+s14], $0x40, s23, s14, $0xb8;
	[tilespmem:$0x1EA00] =	vst v63  }
0xd3: {  	s4 =	simm.s32 $0x80  }
0xd4: {  	[tilespmem:s17], [sflag:$0x2] =	stream.indirect.gather [hbm4b:s8+s14], $0x40, s4, s14, $0xb8;
	[tilespmem:$0x1EA00] =	vst v63  }
0xd5: {  	s9 =	simm.s32 $0x100;
	s4 =	simm.s32 $0x8E80  }
0xd6: {  	[tilespmem:s4], [sflag:$0x3] =	stream.indirect.gather [hbm4b:s8+s14], $0x40, s9, s14, $0xb8;
	[tilespmem:$0x1EA00] =	vst v63  }
0xd7: {  	s16 =	simm.s32 $0x180  }
0xd8: {  	[tilespmem:s21], [sflag:$0x4] =	stream.indirect.gather [hbm4b:s8+s14], $0x40, s16, s14, $0xb8;
	[tilespmem:$0x1EA00] =	vst v63  }
0xd9: {  	s18 =	simm.s32 $0x200;
	s19 =	simm.s32 $0xCD00  }
0xda: {  	[tilespmem:s19], [sflag:$0x5] =	stream.indirect.gather [hbm4b:s8+s14], $0x40, s18, s14, $0xb8;
	[tilespmem:$0x1EA00] =	vst v63  }
0xdb: {  	s20 =	simm.s32 $0x280  }
0xdc: {  	[tilespmem:s28], [sflag:$0x6] =	stream.indirect.gather [hbm4b:s8+s14], $0x40, s20, s14, $0xb8;
	[tilespmem:$0x1EA00] =	vst v63  }
0xdd: {  	s24 =	simm.s32 $0x300  }
0xde: {  	[tilespmem:s30], [sflag:$0x7] =	stream.indirect.gather [hbm4b:s8+s14], $0x40, s24, s14, $0xb8;
	[tilespmem:$0x1EA00] =	vst v63  }
.LBB2_5:
0xdf: {  	_ =	swait.ge [sflag:s31], $0x1F40  }
0xe0: {  	s24 =	sshra.s32 s23, $0x2;
	[sflag:s31] =	ssyncset.done $0x0  }
0xe1: {  	p0 =	seq.s32 s23, $0x0;
	s3 =	sadd.s32 $0x2800, s24;
	[sflag:s31] =	ssyncadd.s32 $0xFFFFE0C0  }
0xe2: {  	[spmem:s2] =	stream.indirect.scatter.add.bf16 [tilespmem:s15], [sflag:$0x9], $0x40, s3, s14, $0xb8;
	[tilespmem:$0x1EA00] =	vst v63  }
0xe3: {  	s3 =	simm.s32 @!p0 $0x10  }
0xe4: {  	_ =	swait.ge @!p0 [sflag:s3], $0x1F40  }
0xe5: {  	[sflag:s3] =	ssyncset.done @!p0 $0x0  }
0xe6: {  	s18 =	sadd.s32 $0x380, s24;
	[sflag:s3] =	ssyncadd.s32 @!p0 $0xFFFFE0C0  }
0xe7: {  	[tilespmem:s0], [sflag:$0x8] =	stream.indirect.gather [hbm4b:s8+s14], $0x40, s18, s14, $0xb8;
	[tilespmem:$0x1EA00] =	vst v63  }
0xe8: {  	_ =	swait.ge [sflag:s1], $0x1F40  }
0xe9: {  	p0 =	seq.s32 s23, $0x9000;
	[sflag:s1] =	ssyncset.done $0x0  }
0xea: {  	s19 =	sadd.s32 $0x2880, s24;
	s3 =	simm.s32 @p0 $0x3;
	[sflag:s1] =	ssyncadd.s32 $0xFFFFE0C0  }
0xeb: {  	[spmem:s2] =	stream.indirect.scatter.add.bf16 [tilespmem:s17], [sflag:$0xA], $0x40, s19, s14, $0xb8;
	[tilespmem:$0x1EA00] =	vst v63  }
0xec: {  	_ =	swait.ge @p0 [sflag:s3], $0x1F40  }
0xed: {  	s9 =	sshra.s32 @p0 s23, $0x2;
	s16 =	simm.s32 @p0 $0x7D;
	[sflag:s3] =	ssyncset.done @p0 $0x0  }
0xee: {  	s4 =	simm.s32 @p0 $0x8E80;
	[sflag:s3] =	ssyncadd.s32 @p0 $0xFFFFE0C0;
	s3 =	sadd.s32 @p0 $0x2900, s9  }
0xef: {  	[spmem:s2] =	stream.indirect.scatter.add.bf16 @p0 [tilespmem:s4], [sflag:$0xB], $0x40, s3, s16, $0xb8;
	[tilespmem:$0x1EA00] =	vst v63  }
0xf0: {  	s3 =	simm.s32 @!p0 $0x9  }
0xf1: {  	_ =	swait.ge @!p0 [sflag:s3], $0x1F40  }
0xf2: {  	[sflag:s3] =	ssyncset.done @!p0 $0x0  }
0xf3: {  	[sflag:s3] =	ssyncadd.s32 @!p0 $0xFFFFE0C0;
	s3 =	sshra.s32 @!p0 s23, $0x2  }
0xf4: {  	s19 =	simm.s32 @!p0 $0x5000;
	s4 =	simm.s32 @!p0 $0x7D;
	s18 =	sadd.s32 @!p0 $0x400, s3  }
0xf5: {  	[tilespmem:s19], [sflag:$0x1] =	stream.indirect.gather @!p0 [hbm4b:s8+s4], $0x40, s18, s4, $0xb8;
	[tilespmem:$0x1EA00] =	vst v63  }
0xf6: {  	s18 =	simm.s32 @!p0 $0x3  }
0xf7: {  	_ =	swait.ge @!p0 [sflag:s18], $0x1F40  }
0xf8: {  	[sflag:s18] =	ssyncset.done @!p0 $0x0  }
0xf9: {  	s19 =	simm.s32 @!p0 $0x8E80;
	[sflag:s18] =	ssyncadd.s32 @!p0 $0xFFFFE0C0;
	s18 =	sadd.s32 @!p0 $0x2900, s3  }
0xfa: {  	[spmem:s2] =	stream.indirect.scatter.add.bf16 @!p0 [tilespmem:s19], [sflag:$0xB], $0x40, s18, s4, $0xb8;
	[tilespmem:$0x1EA00] =	vst v63  }
0xfb: {  	s18 =	simm.s32 @!p0 $0xA  }
0xfc: {  	_ =	swait.ge @!p0 [sflag:s18], $0x1F40  }
0xfd: {  	[sflag:s18] =	ssyncset.done @!p0 $0x0  }
0xfe: {  	s20 =	simm.s32 @!p0 $0x6F40;
	[sflag:s18] =	ssyncadd.s32 @!p0 $0xFFFFE0C0;
	s18 =	sadd.s32 @!p0 $0x480, s3  }
0xff: {  	[tilespmem:s20], [sflag:$0x2] =	stream.indirect.gather @!p0 [hbm4b:s8+s4], $0x40, s18, s4, $0xb8;
	[tilespmem:$0x1EA00] =	vst v63  }
0x100: {  	_ =	swait.ge [sflag:s10], $0x1F40  }
0x101: {  	[sflag:s10] =	ssyncset.done $0x0  }
0x102: {  	s20 =	sadd.s32 $0x2980, s24;
	s18 =	simm.s32 @p0 $0x5;
	[sflag:s10] =	ssyncadd.s32 $0xFFFFE0C0  }
0x103: {  	[spmem:s2] =	stream.indirect.scatter.add.bf16 [tilespmem:s21], [sflag:$0xC], $0x40, s20, s14, $0xb8;
	[tilespmem:$0x1EA00] =	vst v63  }
0x104: {  	_ =	swait.ge @p0 [sflag:s18], $0x1F40  }
0x105: {  	[sflag:s18] =	ssyncset.done @p0 $0x0  }
0x106: {  	s20 =	simm.s32 @p0 $0xCD00;
	[sflag:s18] =	ssyncadd.s32 @p0 $0xFFFFE0C0;
	s18 =	sadd.s32 @p0 $0x2A00, s9  }
0x107: {  	[spmem:s2] =	stream.indirect.scatter.add.bf16 @p0 [tilespmem:s20], [sflag:$0xD], $0x40, s18, s16, $0xb8;
	[tilespmem:$0x1EA00] =	vst v63  }
0x108: {  	s18 =	simm.s32 @!p0 $0xB  }
0x109: {  	_ =	swait.ge @!p0 [sflag:s18], $0x1F40  }
0x10a: {  	[sflag:s18] =	ssyncset.done @!p0 $0x0  }
0x10b: {  	[sflag:s18] =	ssyncadd.s32 @!p0 $0xFFFFE0C0;
	s18 =	sadd.s32 @!p0 $0x500, s3  }
0x10c: {  	[tilespmem:s19], [sflag:$0x3] =	stream.indirect.gather @!p0 [hbm4b:s8+s4], $0x40, s18, s4, $0xb8;
	[tilespmem:$0x1EA00] =	vst v63  }
0x10d: {  	s18 =	simm.s32 @!p0 $0x5  }
0x10e: {  	_ =	swait.ge @!p0 [sflag:s18], $0x1F40  }
0x10f: {  	[sflag:s18] =	ssyncset.done @!p0 $0x0  }
0x110: {  	s19 =	simm.s32 @!p0 $0xCD00;
	[sflag:s18] =	ssyncadd.s32 @!p0 $0xFFFFE0C0;
	s18 =	sadd.s32 @!p0 $0x2A00, s3  }
0x111: {  	[spmem:s2] =	stream.indirect.scatter.add.bf16 @!p0 [tilespmem:s19], [sflag:$0xD], $0x40, s18, s4, $0xb8;
	[tilespmem:$0x1EA00] =	vst v63  }
0x112: {  	s18 =	simm.s32 @!p0 $0xC  }
0x113: {  	_ =	swait.ge @!p0 [sflag:s18], $0x1F40  }
0x114: {  	[sflag:s18] =	ssyncset.done @!p0 $0x0  }
0x115: {  	s20 =	simm.s32 @!p0 $0xADC0;
	[sflag:s18] =	ssyncadd.s32 @!p0 $0xFFFFE0C0;
	s18 =	sadd.s32 @!p0 $0x580, s3  }
0x116: {  	[tilespmem:s20], [sflag:$0x4] =	stream.indirect.gather @!p0 [hbm4b:s8+s4], $0x40, s18, s4, $0xb8;
	[tilespmem:$0x1EA00] =	vst v63  }
0x117: {  	_ =	swait.ge [sflag:s5], $0x1F40  }
0x118: {  	[sflag:s5] =	ssyncset.done $0x0  }
0x119: {  	s20 =	sadd.s32 $0x2A80, s24;
	s18 =	simm.s32 @p0 $0x7;
	[sflag:s5] =	ssyncadd.s32 $0xFFFFE0C0  }
0x11a: {  	[spmem:s2] =	stream.indirect.scatter.add.bf16 [tilespmem:s28], [sflag:$0xE], $0x40, s20, s14, $0xb8;
	[tilespmem:$0x1EA00] =	vst v63  }
0x11b: {  	_ =	swait.ge @p0 [sflag:s18], $0x1F40  }
0x11c: {  	[sflag:s18] =	ssyncset.done @p0 $0x0  }
0x11d: {  	s9 =	sadd.s32 @p0 $0x2B00, s9;
	[sflag:s18] =	ssyncadd.s32 @p0 $0xFFFFE0C0;
	s18 =	simm.s32 @p0 $0x10B80  }
0x11e: {  	[spmem:s2] =	stream.indirect.scatter.add.bf16 @p0 [tilespmem:s18], [sflag:$0xF], $0x40, s9, s16, $0xb8;
	[tilespmem:$0x1EA00] =	vst v63  }
0x11f: {  	s9 =	simm.s32 @!p0 $0xD  }
0x120: {  	_ =	swait.ge @!p0 [sflag:s9], $0x1F40  }
0x121: {  	[sflag:s9] =	ssyncset.done @!p0 $0x0  }
0x122: {  	[sflag:s9] =	ssyncadd.s32 @!p0 $0xFFFFE0C0;
	s9 =	sadd.s32 @!p0 $0x600, s3  }
0x123: {  	[tilespmem:s19], [sflag:$0x5] =	stream.indirect.gather @!p0 [hbm4b:s8+s4], $0x40, s9, s4, $0xb8;
	[tilespmem:$0x1EA00] =	vst v63  }
0x124: {  	s9 =	simm.s32 @!p0 $0x7  }
0x125: {  	_ =	swait.ge @!p0 [sflag:s9], $0x1F40  }
0x126: {  	[sflag:s9] =	ssyncset.done @!p0 $0x0  }
0x127: {  	s16 =	simm.s32 @!p0 $0x10B80;
	[sflag:s9] =	ssyncadd.s32 @!p0 $0xFFFFE0C0;
	s9 =	sadd.s32 @!p0 $0x2B00, s3  }
0x128: {  	[spmem:s2] =	stream.indirect.scatter.add.bf16 @!p0 [tilespmem:s16], [sflag:$0xF], $0x40, s9, s4, $0xb8;
	[tilespmem:$0x1EA00] =	vst v63  }
0x129: {  	s9 =	simm.s32 @!p0 $0xE  }
0x12a: {  	_ =	swait.ge @!p0 [sflag:s9], $0x1F40  }
0x12b: {  	[sflag:s9] =	ssyncset.done @!p0 $0x0  }
0x12c: {  	s3 =	sadd.s32 @!p0 $0x680, s3;
	[sflag:s9] =	ssyncadd.s32 @!p0 $0xFFFFE0C0;
	s9 =	simm.s32 @!p0 $0xEC40  }
0x12d: {  	[tilespmem:s9], [sflag:$0x6] =	stream.indirect.gather @!p0 [hbm4b:s8+s4], $0x40, s3, s4, $0xb8;
	[tilespmem:$0x1EA00] =	vst v63  }
.Ltmp4:
0x12e: {  	_ = 	snop;
	(pc) =	sbr.rel @p0 .LBB2_7-.Ltmp4, $4  }
0x12f: {  	_ =	swait.ge [sflag:s6], $0x1F40  }
0x130: {  	[sflag:s6] =	ssyncset.done $0x0  }
0x131: {  	s20 =	sadd.s32 $0x2B80, s24;
	[sflag:s6] =	ssyncadd.s32 $0xFFFFE0C0  }
0x132: {  	[spmem:s2] =	stream.indirect.scatter.add.bf16 [tilespmem:s0], [sflag:$0x10], $0x40, s20, s14, $0xb8;
	[tilespmem:$0x1EA00] =	vst v63  }
.Ltmp5:
0x133: {  	(pc) =	sbr.rel .LBB2_5-.Ltmp5, $4  }
0x134: {  	_ =	swait.ge [sflag:s25], $0x1F40  }
0x135: {  	[sflag:s25] =	ssyncset.done $0x0  }
0x136: {  	s3 =	sadd.s32 $0x700, s24;
	s23 =	sadd.s32 $0x1000, s23;
	[sflag:s25] =	ssyncadd.s32 $0xFFFFE0C0  }
0x137: {  	[tilespmem:s30], [sflag:$0x7] =	stream.indirect.gather [hbm4b:s8+s14], $0x40, s3, s14, $0xb8;
	[tilespmem:$0x1EA00] =	vst v63  }
.LBB2_8:
0x138: {  	_ =	sfence.sel $0x180000  }
0x139: {  	[bflag:$0x0] =	sbarrier.arrive $0xFFFF  }
0x13a: {  	_ =	strace $0x9000004D  }
0x13b: {  	s0 =	stileid.u32;
	[bflag:$0x2] =	sbarrier.arrive $0xFFFF  }
0x13c: {  	p0 =	sne.s32 s0, $0x0;
	s0 =	rddreg [dreg:$0x3]  }
0x13d: {  	s0 =	sadd.s32 @!p0 $0x100000, s0  }
0x13e: {  	[sflag:s0] =	ssyncadd.tile.s32 @!p0 $0x1;
	_ =	shalt  }
.Lfunc_end2:
_tile_overlayer_lowered:
.L_overlay_start_2:
0x13f: {  	(tag) =	ssettag $0x2  }
0x140: {  	s0 =	rddreg [dreg:$0x0];
	s2 =	stileid.u32  }
0x141: {  	s1 =	rddreg [dreg:$0x1];
	p0 =	sne.s32 s2, $0x0  }
0x142: {  	s3 =	rddreg [dreg:$0x2];
	[bflag:$0x3] =	sbarrier.arrive $0xFFFF;
	s2 =	simm.s32 @!p0 $0x1C11  }
0x143: {  	[timem:s3], [sflag:s2] =	dma.local @!p0 [hbm:s0], s1  }
0x144: {  	s0 =	simm.s32 @!p0 $0x11  }
0x145: {  	_ =	swait.ge @!p0 [sflag:s0], s1  }
0x146: {  	s1 =	ssub.s32 @!p0 $0x0, s1;
	[sflag:s0] =	ssyncset.done @!p0 $0x0  }
0x147: {  	[sflag:s0] =	ssyncadd.s32 @!p0 s1  }
0x148: {  	[bflag:$0x3] =	sbarrier.arrive $0xFFFF  }
0x149: {  	_ =	shalt  }

// kernel: kernel.8.cloned.1.call-start
scs
__scs_entry_jumppad:
0x0: {  	(pc) =	sbr.rel $0x88, $3  }
0x1: {  	(tag) =	ssettag $0x0;
	lr =	simm.s32 $0x1  }
0x2: {  	[smem:$0x3F9B] =	sst lr;
	_ =	strace $0xD0000000  }
0x3: {  	_ = 	snop  }
0x4: {  	_ = 	snop  }
0x5: {  	_ = 	snop  }
0x6: {  	_ = 	snop  }
0x7: {  	_ = 	snop  }
__scs_overlays_trampoline_lowered:
0x8: {  	[smem:$0x3FAA] =	sst s0  }
0x9: {  	[smem:$0x3FAB] =	sst s1  }
0xa: {  	[smem:$0x3FAC] =	sst s2  }
0xb: {  	[smem:$0x3FAD] =	sst s3  }
0xc: {  	[smem:$0x3FAE] =	sst s4  }
0xd: {  	[smem:$0x3FAF] =	sst s5  }
0xe: {  	[smem:$0x3FB0] =	sst s6  }
0xf: {  	[smem:$0x3FB1] =	sst s7  }
0x10: {  	[smem:$0x3FB2] =	sst s8  }
0x11: {  	[smem:$0x3FB3] =	sst s9;
	s0 =	simm.s32 @!p0 $0x0  }
0x12: {  	s1 =	sld [smem:$0x3F99];
	s0 =	simm.s32 @p0 $0x1  }
0x13: {  	[smem:$0x3FB4] =	sst s0;
	s0 =	simm.s32 @!p1 $0x0  }
0x14: {  	s2 =	sld [smem:$0x3F98];
	s0 =	simm.s32 @p1 $0x1  }
0x15: {  	[smem:$0x3FB5] =	sst s0;
	s0 =	simm.s32 @!p2 $0x0  }
0x16: {  	s3 =	sld [smem:$0x3FDB];
	s0 =	simm.s32 @p2 $0x1  }
0x17: {  	s4 =	simm.s32 $0x1BF5;
	[smem:$0x3FB7] =	sst s0  }
0x18: {  	s0 =	sld [smem:$0x3F9A];
	_ =	swait.ge [sflag:s4], $0x0  }
0x19: {  	s7 =	sld [smem:$0x3F9B]  }
0x1a: {  	s8 =	sadd.s32 $0xFFFFE003, lr  }
0x1b: {  	s9 =	sadd.s32 $0xFFFFFEF7, lr;
	s5 =	simm.s32 $0xFFFFFFFF;
	p2 =	slt.u32 s8, $0xFFFFF086  }
0x1c: {  	p1 =	slt.u32 s9, $0xF7A;
	s5 =	simm.s32 @!p2 $0x0  }
0x1d: {  	s5 =	simm.s32 @p1 $0x1;
	p0 =	seq.s32 s7, s2  }
0x1e: {  	s7 =	smul.u32 @!p0 $0xF7A, s2;
	p2 =	seq.s32 @!p0 s5, $0x0  }
0x1f: {  	s9 =	smul.u32 $0xF7A, s1;
	s8 =	simm.s32 @!p0 $0x1BF5;
	p2 =	por !p2, p0  }
0x20: {  	[sflag:s8] =	ssyncset.s32 @!p0 $0xFFFFF086;
	s6 =	sadd.s32 @!p0 s3, s7;
	s7 =	simm.s32 @!p0 $0x108  }
0x21: {  	s3 =	sadd.s32 s3, s9;
	s6 =	sadd.s32 @!p0 $0x88, s6;
	s7 =	simm.s32 @p2 $0x1082  }
0x22: {  	[simem:s7], [sflag:s8] =	dma.local @!p0 [hbm:s6], $0xF7A  }
0x23: {  	s9 =	sor.u32 $0xD0000000, s2;
	s6 =	simm.s32 $0x108;
	_ =	swait.ge @!p0 [sflag:s8], $0x0  }
0x24: {  	s3 =	sadd.s32 $0x88, s3;
	s6 =	simm.s32 @!p1 $0x1082;
	[sflag:s4] =	ssyncset.s32 $0xFFFFF086  }
0x25: {  	[simem:s6], [sflag:s4] =	dma.local [hbm:s3], $0xF7A  }
0x26: {  	[smem:$0x3F9B] =	sst s1;
	(tag) =	ssettag s2;
	_ =	strace s9  }
0x27: {  	s1 =	sld [smem:$0x3FAB]  }
0x28: {  	s2 =	sld [smem:$0x3FAC]  }
0x29: {  	s4 =	sld [smem:$0x3FAE]  }
0x2a: {  	p0 =	seq.s32 s5, $0x0;
	s5 =	sld [smem:$0x3FAF]  }
0x2b: {  	s6 =	sld [smem:$0x3FB0]  }
0x2c: {  	s7 =	sld [smem:$0x3FB1]  }
0x2d: {  	s3 =	simm.s32 $0x108;
	s8 =	sld [smem:$0x3FB2]  }
0x2e: {  	s3 =	simm.s32 @!p0 $0x1082;
	s9 =	sld [smem:$0x3FB3]  }
0x2f: {  	lr =	sadd.s32 s0, s3;
	s0 =	sld [smem:$0x3FAA]  }
0x30: {  	s3 =	sld [smem:$0x3FAD]  }
0x31: {  	[smem:$0x3FB6] =	sst s10  }
0x32: {  	s10 =	sld [smem:$0x3FB4];
	_ =	sdelay $0x3  }
0x33: {  	p0 =	seq.s32 s10, $0x1;
	s10 =	sld [smem:$0x3FB6];
	_ =	sdelay $0x3  }
0x34: {  	[smem:$0x3FB6] =	sst s10  }
0x35: {  	s10 =	sld [smem:$0x3FB5];
	_ =	sdelay $0x3  }
0x36: {  	p1 =	seq.s32 s10, $0x1;
	s10 =	sld [smem:$0x3FB6];
	_ =	sdelay $0x3  }
0x37: {  	[smem:$0x3FB6] =	sst s10  }
0x38: {  	s10 =	sld [smem:$0x3FB7]  }
0x39: {  	_ = 	snop;
	(pc) =	sbr.ind lr, $3  }
0x3a: {  	_ = 	snop  }
0x3b: {  	_ = 	snop  }
0x3c: {  	p2 =	seq.s32 s10, $0x1;
	s10 =	sld [smem:$0x3FB6]  }
0x3d: {  	_ =	shalt  }
0x3e: {  	_ =	shalt  }
0x3f: {  	_ =	shalt  }
0x40: {  	_ =	shalt  }
0x41: {  	_ =	shalt  }
0x42: {  	_ =	shalt  }
0x43: {  	_ =	shalt  }
0x44: {  	_ =	shalt  }
0x45: {  	_ =	shalt  }
0x46: {  	_ =	shalt  }
0x47: {  	_ =	shalt  }
0x48: {  	_ =	shalt  }
0x49: {  	_ =	shalt  }
0x4a: {  	_ =	shalt  }
0x4b: {  	_ =	shalt  }
0x4c: {  	_ =	shalt  }
0x4d: {  	_ =	shalt  }
0x4e: {  	_ =	shalt  }
0x4f: {  	_ =	shalt  }
0x50: {  	_ =	shalt  }
0x51: {  	_ =	shalt  }
0x52: {  	_ =	shalt  }
0x53: {  	_ =	shalt  }
0x54: {  	_ =	shalt  }
0x55: {  	_ =	shalt  }
0x56: {  	_ =	shalt  }
0x57: {  	_ =	shalt  }
0x58: {  	_ =	shalt  }
0x59: {  	_ =	shalt  }
0x5a: {  	_ =	shalt  }
0x5b: {  	_ =	shalt  }
0x5c: {  	_ =	shalt  }
0x5d: {  	_ =	shalt  }
0x5e: {  	_ =	shalt  }
0x5f: {  	_ =	shalt  }
0x60: {  	_ =	shalt  }
0x61: {  	_ =	shalt  }
0x62: {  	_ =	shalt  }
0x63: {  	_ =	shalt  }
0x64: {  	_ =	shalt  }
0x65: {  	_ =	shalt  }
0x66: {  	_ =	shalt  }
0x67: {  	_ =	shalt  }
0x68: {  	_ =	shalt  }
0x69: {  	_ =	shalt  }
0x6a: {  	_ =	shalt  }
0x6b: {  	_ =	shalt  }
0x6c: {  	_ =	shalt  }
0x6d: {  	_ =	shalt  }
0x6e: {  	_ =	shalt  }
0x6f: {  	_ =	shalt  }
0x70: {  	_ =	shalt  }
0x71: {  	_ =	shalt  }
0x72: {  	_ =	shalt  }
0x73: {  	_ =	shalt  }
0x74: {  	_ =	shalt  }
0x75: {  	_ =	shalt  }
0x76: {  	_ =	shalt  }
0x77: {  	_ =	shalt  }
0x78: {  	_ =	shalt  }
0x79: {  	_ =	shalt  }
0x7a: {  	_ =	shalt  }
0x7b: {  	_ =	shalt  }
0x7c: {  	_ =	shalt  }
0x7d: {  	_ =	shalt  }
0x7e: {  	_ =	shalt  }
0x7f: {  	_ =	shalt  }
0x80: {  	_ =	shalt  }
0x81: {  	_ =	shalt  }
0x82: {  	_ =	shalt  }
0x83: {  	_ =	shalt  }
0x84: {  	_ =	shalt  }
0x85: {  	_ =	shalt  }
0x86: {  	_ =	shalt  }
0x87: {  	_ =	shalt  }
.Lfunc_end0:
.L_simem_size_0:
called_computation_lowered:
.L_overlay_start_0:
0x88: {  	s2 =	sld [smem:$0x3FD9]  }
0x89: {  	s3 =	sld [smem:$0x3FFE];
	_ =	sdelay $0x1  }
0x8a: {  	s1 =	srdreg.scid  }
0x8b: {  	s0 =	sand.u32 $0x1, s1  }
0x8c: {  	s17 =	sshll.u32 s0, $0xA;
	s2 =	sadd.s32 s3, s2  }
0x8d: {  	s2 =	sadd.s32 s2, s17  }
0x8e: {  	[smem:$0x3FC2] =	sst s2  }
0x8f: {  	_ = 	snop  }
0x90: {  	s2 =	sld [smem:$0x3FD0];
	(tm) =	ssettm $0x1  }
0x91: {  	s18 =	sld [smem:$0x3FFB];
	_ =	sdelay $0x3  }
0x92: {  	_ =	strace s18  }
0x93: {  	s3 =	sld [smem:$0x3FFC];
	_ =	sdelay $0x3  }
0x94: {  	_ =	strace s3  }
0x95: {  	s3 =	sld [smem:$0x3FFD];
	_ =	sdelay $0x3  }
0x96: {  	_ =	strace s3  }
0x97: {  	_ =	strace $0x8FFFFFFF  }
0x98: {  	s19 =	sld [smem:$0x3FDB];
	_ =	sdelay $0x1  }
0x99: {  	s4 =	simm.s32 $_scs_section_size  }
0x9a: {  	s5 =	simm.s32 $_size__tile_overlayer_lowered;
	s6 =	simm.s32 $_tile_overlayer_lowered  }
0x9b: {  	s22 =	simm.s32 $0x1BFF;
	s21 =	sshll.u32 s6, $0x1;
	s3 =	sadd.s32 s4, s19  }
0x9c: {  	s7 =	simm.s32 $0x0;
	s20 =	sshll.u32 s5, $0x1;
	s5 =	sadd.s32 s21, s3  }
0x9d: {  	[timem:s7], [sflag:s22] =	dma.local [hbm:s5], s20  }
0x9e: {  	_ =	swait.ge [sflag:s22], s20  }
0x9f: {  	s4 =	ssub.s32 $0x0, s20;
	[sflag:s22] =	ssyncset.done $0x0  }
0xa0: {  	[sflag:s22] =	ssyncadd.s32 s4;
	_ =	sdelay $0x1  }
0xa1: {  	s23 =	simm.s32 $0x1B8B  }
0xa2: {  	_ =	swait.ge [sflag:s23], $0x1  }
0xa3: {  	[sflag:s23] =	ssyncset.done $0x0  }
0xa4: {  	s25 =	simm.s32 $0x1B8E;
	s24 =	sld [smem:$0x3FFE];
	[sflag:s23] =	ssyncadd.s32 $0xFFFFFFFF  }
0xa5: {  	s26 =	simm.s32 $execute0_lowered;
	[smem:$0x3FD2] =	sst s25  }
0xa6: {  	s5 =	sshll.u32 s26, $0x1;
	_ =	strace $0x80000046;
	[dreg:$0x1] =	wrdreg $0xFFFFFFFF  }
0xa7: {  	s28 =	simm.s32 $_size_execute0_lowered;
	s3 =	sadd.s32 s3, s5;
	[dreg:$0x0] =	wrdreg $0x0  }
0xa8: {  	s5 =	sshll.u32 s28, $0x1;
	[dreg:$0x2] =	wrdreg s3  }
0xa9: {  	[dreg:$0x3] =	wrdreg s5  }
0xaa: {  	[dreg:$0x4] =	wrdreg $0xC0  }
0xab: {  	_ =	task [dreg:s7], $0x5FFFF  }
0xac: {  	[dreg:$0x1] =	wrdreg $0xFFFFFFFF  }
0xad: {  	[dreg:$0x0] =	wrdreg $0x60  }
0xae: {  	[dreg:$0x2] =	wrdreg s2  }
0xaf: {  	[dreg:$0x3] =	wrdreg s24  }
0xb0: {  	[dreg:$0x4] =	wrdreg $0x3FE80  }
0xb1: {  	[dreg:$0x5] =	wrdreg $0x9  }
0xb2: {  	_ =	task.clear_ibuf [dreg:s7], $0x6FFFF;
	_ =	strace $0x90000046  }
0xb3: {  	s29 =	simm.s32 $0x9;
	_ =	strace $0x80000048  }
0xb4: {  	_ =	swait.ge [sflag:s29], $0x1  }
0xb5: {  	[sflag:s29] =	ssyncadd.s32 $0xFFFFFFFF  }
0xb6: {  	_ =	strace $0x90000048  }
0xb7: {  	_ =	sfence  }
0xb8: {  	s30 =	sld [smem:$0x0];
	_ =	sdelay $0x2  }
0xb9: {  	s31 =	sshll.u32 s1, $0xD;
	s1 =	sshrl.u32 s1, $0x2  }
0xba: {  	s3 =	sand.u32 $0x4000, s31;
	s1 =	sadd.s32 s1, s30  }
0xbb: {  	s0 =	sor.u32 s3, s0;
	s1 =	sshll.u32 s1, $0x11  }
0xbc: {  	s0 =	sor.u32 s1, s0  }
0xbd: {  	s0 =	sadd.s32 $0x8F2B, s0  }
0xbe: {  	[sflag:s0] =	ssyncadd.remote.s32 $0x1  }
0xbf: {  	_ =	sfence.sel $0xFFFF  }
0xc0: {  	[dreg:$0x0] =	wrdreg $0xFFFFFFFF;
	(pc) =	sbr.abs _section_cstart, $3  }
0xc1: {  	[dreg:$0x1] =	wrdreg $0xFFFFFFFF  }
0xc2: {  	_ =	task.clear_ibuf [dreg:s7], $0x2FFFF;
	_ =	strace $0x9FFFFFFF  }
0xc3: {  	(tm) =	ssettm $0x7FFFFFFF  }
tec
execute0_lowered:
.L_overlay_start_1:
0x0: {  	(tag) =	ssettag $0x1  }
0x1: {  	s6 =	rddreg [dreg:$0x0]  }
0x2: {  	s7 =	rddreg [dreg:$0x1]  }
0x3: {  	s1 =	rddreg [dreg:$0x2]  }
0x4: {  	s0 =	rddreg [dreg:$0x3];
	s3 =	simm.s32 $0x0;
	s2 =	stileid.u32  }
0x5: {  	s5 =	srdreg.scid;
	s13 =	simm.s32 $0x7D;
	s14 =	simm.s32 $0x0  }
0x6: {  	[smem:$0x7FF] =	sst s3;
	s4 =	sadd.s32 $0x1C00, s7;
	s8 =	smul.u32 $0x280, s2  }
0x7: {  	s9 =	sand.u32 $0x1, s5;
	s5 =	sadd.s32 $0x1E00, s7;
	s11 =	smul.u32 $0x5000, s2  }
0x8: {  	_ =	strace $0x80000047;
	s10 =	sshll.u32 s9, $0x4;
	s12 =	ssub.s32 $0x2, s9  }
0x9: {  	s9 =	smul.u32 $0x2800, s9;
	s10 =	sor.u32 s2, s10;
	s7 =	sadd.s32 s8, s7  }
0xa: {  	s30 =	sshrl.u32 s12, $0x1;
	s31 =	sshrl.u32 s11, $0x2;
	s11 =	simm.s32 $0x1  }
0xb: {  	s10 =	smul.u32 $0x500, s10;
	s12 =	ssub.s32 s12, s30;
	s9 =	sadd.s32 s9, s7  }
0xc: {  	s7 =	sadd.s32 s31, s1;
	s8 =	sadd.s32 $0x2200, s9;
	s9 =	smax.u32 s12, $0x1  }
0xd: {  	s12 =	simm.s32 $0x2BE8;
	s6 =	sadd.s32 s6, s10;
	s10 =	simm.s32 $0x2800  }
.LBB2_1:
0xe: {  	[tilespmem:s10], [sflag:$0x1] =	stream.linear.gather [hbm4b:s4+s3], $0x3E8, $0x38;
	[tilespmem:$0x53E8] =	vst v63  }
0xf: {  	_ =	swait.ge [sflag:s11], $0x3E8  }
0x10: {  	[sflag:s11] =	ssyncset.done $0x0  }
0x11: {  	[sflag:s11] =	ssyncadd.s32 $0xFFFFFC18  }
0x12: {  	[tilespmem:s3], [sflag:$0x1] =	stream.linear.gather [hbm4b:s6+s3], $0x2800, $0x38;
	[tilespmem:$0x53E8] =	vst v63  }
0x13: {  	_ =	swait.ge [sflag:s11], $0x2800  }
0x14: {  	[sflag:s11] =	ssyncset.done $0x0  }
0x15: {  	[sflag:s11] =	ssyncadd.s32 $0xFFFFD800  }
0x16: {  	[tilespmem:s12], [sflag:$0x1] =	stream.linear.gather [hbm4b:s5+s3], $0x1400, $0x38;
	[tilespmem:$0x53E8] =	vst v63  }
0x17: {  	_ =	swait.ge [sflag:s11], $0x1400  }
0x18: {  	[sflag:s11] =	ssyncset.done $0x0  }
0x19: {  	[sflag:s11] =	ssyncadd.s32 $0xFFFFEC00  }
0x1a: {  	[spmem:s7] =	stream.linear.scatter [tilespmem:s12], [sflag:$0x1], $0x1400, $0x38;
	[tilespmem:$0x53E8] =	vst v63  }
0x1b: {  	_ =	swait.ge [sflag:s11], $0x1400  }
0x1c: {  	[sflag:s11] =	ssyncset.done $0x0  }
0x1d: {  	[sflag:s11] =	ssyncadd.s32 $0xFFFFEC00  }
0x1e: {  	s15 =	simm.s32 $0x0;
	[bflag:$0x0] =	sbarrier.arrive $0xFFFF  }
0x1f: {  	[spmem:s1] =	stream.indirect.scatter.add.f32 [tilespmem:s10], [sflag:$0x1], $0x8, s15, s13, $0xb8;
	[tilespmem:$0x53E8] =	vst v63  }
0x20: {  	_ =	swait.ge [sflag:s11], $0x3E8  }
0x21: {  	s15 =	simm.s32 $0x200;
	[sflag:s11] =	ssyncset.done $0x0  }
.LBB2_2:
0x22: {  	s16 =	sshra.s32 s15, $0x2;
	[sflag:s11] =	ssyncadd.s32 $0xFFFFFC18;
	p0 =	sne.s32 s15, $0x9E00  }
0x23: {  	[spmem:s1] =	stream.indirect.scatter.add.f32 [tilespmem:s10], [sflag:$0x1], $0x8, s16, s13, $0xb8;
	[tilespmem:$0x53E8] =	vst v63  }
.Ltmp0:
0x24: {  	_ = 	snop;
	(pc) =	sbr.rel @p0 .LBB2_2-.Ltmp0, $4  }
0x25: {  	_ = 	snop  }
0x26: {  	s15 =	sadd.s32 $0x200, s15  }
0x27: {  	_ =	swait.ge [sflag:s11], $0x3E8  }
0x28: {  	[sflag:s11] =	ssyncset.done $0x0  }
0x29: {  	[sflag:s11] =	ssyncadd.s32 $0xFFFFFC18  }
0x2a: {  	[bflag:$0x0] =	sbarrier.arrive $0xFFFF  }
0x2b: {  	[tilespmem:s12], [sflag:$0x1] =	stream.linear.gather [spmem:s7], $0x1400, $0x38;
	[tilespmem:$0x53E8] =	vst v63  }
0x2c: {  	s14 =	sadd.s32 $0x1, s14;
	_ =	swait.ge [sflag:s11], $0x1400  }
0x2d: {  	p0 =	sne.s32 s14, s9;
	[sflag:s11] =	ssyncset.done $0x0  }
.Ltmp1:
0x2e: {  	[sflag:s11] =	ssyncadd.s32 $0xFFFFEC00;
	(pc) =	sbr.rel @p0 .LBB2_1-.Ltmp1, $4  }
0x2f: {  	[hbm4b:s8+s3] =	stream.linear.scatter [tilespmem:s12], [sflag:$0x1], $0x1400, $0x38;
	[tilespmem:$0x53E8] =	vst v63  }
0x30: {  	_ =	swait.ge [sflag:s11], $0x1400  }
0x31: {  	[sflag:s11] =	ssyncset.done $0x0  }
0x32: {  	[sflag:s11] =	ssyncadd.s32 $0xFFFFEC00  }
0x33: {  	_ =	sfence.sel $0x180000  }
0x34: {  	[bflag:$0x0] =	sbarrier.arrive $0xFFFF  }
0x35: {  	p0 =	sne.s32 s2, $0x0;
	_ =	strace $0x90000047  }
0x36: {  	s0 =	sadd.s32 @!p0 $0x100000, s0;
	[bflag:$0x2] =	sbarrier.arrive $0xFFFF  }
0x37: {  	[sflag:s0] =	ssyncadd.tile.s32 @!p0 $0x1;
	_ =	shalt  }
.Lfunc_end2:
_tile_overlayer_lowered:
.L_overlay_start_2:
0x38: {  	(tag) =	ssettag $0x2  }
0x39: {  	s0 =	rddreg [dreg:$0x0];
	s2 =	stileid.u32  }
0x3a: {  	s1 =	rddreg [dreg:$0x1];
	p0 =	sne.s32 s2, $0x0  }
0x3b: {  	s3 =	rddreg [dreg:$0x2];
	[bflag:$0x3] =	sbarrier.arrive $0xFFFF;
	s2 =	simm.s32 @!p0 $0x1C01  }
0x3c: {  	[timem:s3], [sflag:s2] =	dma.local @!p0 [hbm:s0], s1  }
0x3d: {  	s0 =	simm.s32 @!p0 $0x1  }
0x3e: {  	_ =	swait.ge @!p0 [sflag:s0], s1  }
0x3f: {  	s1 =	ssub.s32 @!p0 $0x0, s1;
	[sflag:s0] =	ssyncset.done @!p0 $0x0  }
0x40: {  	[sflag:s0] =	ssyncadd.s32 @!p0 s1  }
0x41: {  	[bflag:$0x3] =	sbarrier.arrive $0xFFFF  }
0x42: {  	_ =	shalt  }

</sc_bundles>
